<compile_context>
chip_gen: v7x
topology: tpu7x:2x2x1
jax: 0.10.2.dev20260603
libtpu: 0.0.44.dev20260713+nightly
codegen_flags: <defaults>
</compile_context>

<pallas_src>
import functools

import jax
import jax.numpy as jnp
from jax import lax
from jax.experimental import pallas as pl
from jax.experimental.pallas import tpu as pltpu
from jax.experimental.pallas import tpu_sc as plsc

_NC = 2
_NS = 16
_L = 16
_NW = _NC * _NS

_CHUNK = 80
_DW = 16


def _sc_aggregate(src, dst, e_id, edge_weight, x, znd, zdeg):
    e_total = src.shape[0]
    n, d = x.shape
    ew_per_worker = e_total // _NW
    n_chunks = ew_per_worker // _CHUNK
    rows_per_tile = n // _NS
    mesh = plsc.VectorSubcoreMesh(core_axis_name="c", subcore_axis_name="s")

    @functools.partial(
        pl.kernel,
        out_type=(
            jax.ShapeDtypeStruct((_NC, n, d), jnp.float32),
            jax.ShapeDtypeStruct((_NC, n, _DW), jnp.float32),
        ),
        mesh=mesh,
        compiler_params=pltpu.CompilerParams(use_tc_tiling_on_sc=False),
        scratch_types=[
            [pltpu.VMEM((_CHUNK,), jnp.int32)] * 2,
            [pltpu.VMEM((_CHUNK,), jnp.int32)] * 2,
            [pltpu.VMEM((_CHUNK,), jnp.int32)] * 2,
            [pltpu.VMEM((_CHUNK,), jnp.int32)] * 2,
            [pltpu.VMEM((_CHUNK,), jnp.float32)] * 2,
            [pltpu.VMEM((_CHUNK, d), jnp.float32)] * 2,
            pltpu.VMEM((_CHUNK, _DW), jnp.float32),
            pltpu.VMEM_SHARED((n, d), jnp.float32),
            pltpu.VMEM_SHARED((n, _DW), jnp.float32),
            [pltpu.SemaphoreType.DMA] * 2,
            [pltpu.SemaphoreType.DMA] * 2,
            [pltpu.SemaphoreType.DMA] * 2,
            [pltpu.SemaphoreType.DMA] * 2,
            [pltpu.SemaphoreType.DMA] * 2,
        ],
    )
    def sc_kernel(src_h, dst_h, eid_h, w_h, x_h, znd_h, zdeg_h,
                  acc_out_h, deg_out_h,
                  srcb, dstb, eidb, dsts, wb, rowsb, ones_v,
                  acc_s, deg_s, si, sw, sx, ss, so):
        cid = lax.axis_index("c")
        sid = lax.axis_index("s")
        wid = sid * _NC + cid
        base = wid * ew_per_worker
        row0 = sid * rows_per_tile
        one_row = jnp.full((_L,), 1.0, dtype=jnp.float32)
        rsl = pl.ds(pl.multiple_of(row0, 8), rows_per_tile)

        def _off(t):
            return pl.multiple_of(base + t * _CHUNK, 8)

        def issue_idx(t, k):
            off = _off(t)
            pltpu.async_copy(src_h.at[pl.ds(off, _CHUNK)], srcb[k], si[k])
            pltpu.async_copy(dst_h.at[pl.ds(off, _CHUNK)], dstb[k], si[k])
            pltpu.async_copy(eid_h.at[pl.ds(off, _CHUNK)], eidb[k], si[k])

        def wait_idx(t, k):
            off = _off(t)
            pltpu.make_async_copy(src_h.at[pl.ds(off, _CHUNK)], srcb[k], si[k]).wait()
            pltpu.make_async_copy(dst_h.at[pl.ds(off, _CHUNK)], dstb[k], si[k]).wait()
            pltpu.make_async_copy(eid_h.at[pl.ds(off, _CHUNK)], eidb[k], si[k]).wait()

        def issue_gathers(k):
            pltpu.async_copy(w_h.at[eidb[k]], wb[k], sw[k])
            pltpu.async_copy(x_h.at[srcb[k]], rowsb[k], sx[k])

        def wait_gathers(k):
            pltpu.make_async_copy(w_h.at[eidb[k]], wb[k], sw[k]).wait()
            pltpu.make_async_copy(x_h.at[srcb[k]], rowsb[k], sx[k]).wait()

        def copy_dst(k):
            for i in range(_CHUNK // _L):
                sl = pl.ds(i * _L, _L)
                dsts[k][sl] = dstb[k][sl]

        def scale(k):
            def _scale(g, c):
                e0 = g * _L
                wv = wb[k][pl.ds(e0, _L)]
                for q in range(_L):
                    w = wv[q]
                    for j in range(d // _L):
                        sl = pl.ds(j * _L, _L)
                        rowsb[k][e0 + q, sl] = rowsb[k][e0 + q, sl] * w
                return c

            lax.fori_loop(0, _CHUNK // _L, _scale, 0)

        def issue_scatters(k):
            pltpu.async_copy(rowsb[k], acc_s.at[dsts[k]], ss[k], add=True)
            pltpu.async_copy(ones_v, deg_s.at[dsts[k]], so[k], add=True)

        def wait_scatters(k):
            pltpu.make_async_copy(rowsb[k], acc_s.at[dsts[k]], ss[k]).wait()
            pltpu.make_async_copy(ones_v, deg_s.at[dsts[k]], so[k]).wait()

        issue_idx(0, 0)
        issue_idx(1, 1)
        pltpu.sync_copy(znd_h.at[rsl], acc_s.at[rsl])
        pltpu.sync_copy(zdeg_h.at[rsl], deg_s.at[rsl])

        def _fill_ones(i, c):
            ones_v[i, :] = one_row
            return c

        lax.fori_loop(0, _CHUNK, _fill_ones, 0)

        wait_idx(0, 0)
        issue_gathers(0)
        plsc.subcore_barrier()

        def _sub_body(t, k):
            b = 1 - k

            @pl.when(t < n_chunks)
            def _():
                wait_gathers(k)
                copy_dst(k)

                @pl.when(t + 1 < n_chunks)
                def _():
                    wait_idx(t + 1, b)

                @pl.when(t >= 1)
                def _():
                    wait_scatters(b)

                @pl.when(t + 1 < n_chunks)
                def _():
                    issue_gathers(b)

                @pl.when(t + 2 < n_chunks)
                def _():
                    issue_idx(t + 2, k)

                scale(k)
                issue_scatters(k)

        def _pair(g, c):
            _sub_body(2 * g, 0)
            _sub_body(2 * g + 1, 1)
            return c

        lax.fori_loop(0, (n_chunks + 1) // 2, _pair, 0)
        wait_scatters((n_chunks - 1) % 2)
        plsc.subcore_barrier()

        pltpu.sync_copy(acc_s.at[rsl], acc_out_h.at[cid, rsl])
        pltpu.sync_copy(deg_s.at[rsl], deg_out_h.at[cid, rsl])

    return sc_kernel(src, dst, e_id, edge_weight, x, znd, zdeg)


def _tc_body(p_ref, deg_ref, x_ref, wr_ref, br_ref, wo_ref, out_ref, ls_ref):
    p = p_ref[0] + p_ref[1]
    deg = deg_ref[0, :, 0:1] + deg_ref[1, :, 0:1]
    agg = p / jnp.maximum(deg, 1.0)
    out = (
        lax.dot_general(agg, wr_ref[...], (((1,), (1,)), ((), ())),
                        preferred_element_type=jnp.float32)
        + br_ref[...]
        + lax.dot_general(x_ref[...], wo_ref[...], (((1,), (1,)), ((), ())),
                          preferred_element_type=jnp.float32)
    )
    out_ref[...] = out
    m = jnp.max(out, axis=1, keepdims=True)
    s = out - m
    ls_ref[...] = s - jnp.log(jnp.sum(jnp.exp(s), axis=1, keepdims=True))


def _tc_finish(parts, degs, x, w_rel, b_rel, w_root):
    n, d = x.shape
    r = 1000
    grid = (n // r,)
    return pl.pallas_call(
        _tc_body,
        grid=grid,
        in_specs=[
            pl.BlockSpec((_NC, r, d), lambda i: (0, i, 0)),
            pl.BlockSpec((_NC, r, _DW), lambda i: (0, i, 0)),
            pl.BlockSpec((r, d), lambda i: (i, 0)),
            pl.BlockSpec((d, d), lambda i: (0, 0)),
            pl.BlockSpec((1, d), lambda i: (0, 0)),
            pl.BlockSpec((d, d), lambda i: (0, 0)),
        ],
        out_specs=[
            pl.BlockSpec((r, d), lambda i: (i, 0)),
            pl.BlockSpec((r, d), lambda i: (i, 0)),
        ],
        out_shape=[
            jax.ShapeDtypeStruct((n, d), jnp.float32),
            jax.ShapeDtypeStruct((n, d), jnp.float32),
        ],
        compiler_params=pltpu.CompilerParams(
            dimension_semantics=("parallel",),
        ),
    )(parts, degs, x, w_rel, b_rel.reshape(1, d), w_root)


def kernel(x, edge_index, e_id, edge_weight, size_dst, W_rel, b_rel, W_root):
    n, d = x.shape
    src = edge_index[0]
    dst = edge_index[1]
    znd = jnp.zeros((n, d), dtype=jnp.float32)
    zdeg = jnp.zeros((n, _DW), dtype=jnp.float32)
    parts, degs = _sc_aggregate(src, dst, e_id, edge_weight, x, znd, zdeg)
    out, logsm = _tc_finish(parts, degs, x, W_rel, b_rel, W_root)
    return (out, logsm)

# --- scband reference (transcript-rebuilt; emitter-appended) ---
"""Pipeline reference for scband-graph-sage-52999896432994 (READ-ONLY COPY).

The authoritative reference and input builder live on the scoring server;
editing this copy changes nothing except your own understanding.
"""

import jax, jax.numpy as jnp
import numpy as np

N = 10000
E = 320000
D = 128


def setup_inputs(seed: int = 0) -> dict:
    key = jax.random.key(seed)
    ks = jax.random.split(key, 8)
    x = jax.random.normal(ks[0], (N, D), dtype=jnp.float32)
    src = jax.random.randint(ks[1], (E,), 0, N)
    dst = jax.random.randint(ks[2], (E,), 0, N)
    edge_index = jnp.stack([src, dst])
    e_id = jax.random.randint(ks[3], (E,), 0, E)
    edge_weight = jax.random.uniform(ks[4], (E,), dtype=jnp.float32)
    # GraphConv(in=D, out=D, aggr='mean') params: lin_rel has bias, lin_root has no bias
    W_rel = jax.random.normal(ks[5], (D, D), dtype=jnp.float32) * (1.0 / np.sqrt(D))
    b_rel = jnp.zeros((D,), dtype=jnp.float32)
    W_root = jax.random.normal(ks[6], (D, D), dtype=jnp.float32) * (1.0 / np.sqrt(D))
    return {
        "x": x,
        "edge_index": edge_index,
        "e_id": e_id,
        "edge_weight": edge_weight,
        "size_dst": N,
        "W_rel": W_rel,
        "b_rel": b_rel,
        "W_root": W_root,
    }


def reference(x, edge_index, e_id, edge_weight, size_dst, W_rel, b_rel, W_root):
    # Single-layer GraphSAGE forward: adjs = [(edge_index, e_id, (N, size_dst))]
    # GraphConv with aggr='mean': out = lin_rel(mean_j(w_ij * x_j)) + lin_root(x_target)
    src = edge_index[0]
    dst = edge_index[1]
    w = edge_weight[e_id]                       # gather edge weights by e_id
    msg = x[src] * w[:, None]                   # gather source features, scale
    num_segments = x.shape[0]
    agg_sum = jax.ops.segment_sum(msg, dst, num_segments=num_segments)
    deg = jax.ops.segment_sum(jnp.ones((msg.shape[0],), dtype=msg.dtype), dst, num_segments=num_segments)
    agg = agg_sum / jnp.maximum(deg, 1.0)[:, None]
    x_target = jax.lax.dynamic_slice_in_dim(x, x.shape[0] - size_dst, x.shape[0])
    out = agg @ W_rel.T + b_rel + x_target @ W_root.T
    # num_layers == 1, so no relu/dropout (only applied between layers)
    return (out, jax.nn.log_softmax(out, axis=1))

if __name__ == "__main__":
    import jax
    _d = setup_inputs()
    print(jax.jit(kernel)(*tuple(_d.values())))

</pallas_src>

<mosaic_0001>
#map = affine_map<(d0, d1) -> (0)>
#map1 = affine_map<(d0, d1) -> (0, 0)>
#map2 = affine_map<(d0, d1) -> (0, 0, 0)>
module attributes {stable_mosaic.version = 14 : i64} {
  func.func @sc_kernel(%arg0: i32, %arg1: i32, %arg2: memref<320000xi32, #tpu.memory_space<hbm>>, %arg3: memref<320000xi32, #tpu.memory_space<hbm>>, %arg4: memref<320000xi32, #tpu.memory_space<hbm>>, %arg5: memref<320000xf32, #tpu.memory_space<hbm>>, %arg6: memref<10000x128xf32, #tpu.memory_space<hbm>>, %arg7: memref<10000x128xf32, #tpu.memory_space<hbm>>, %arg8: memref<10000x16xf32, #tpu.memory_space<hbm>>, %arg9: memref<2x10000x128xf32, #tpu.memory_space<hbm>>, %arg10: memref<2x10000x16xf32, #tpu.memory_space<hbm>>, %arg11: memref<80xi32, #tpu.memory_space<vmem>>, %arg12: memref<80xi32, #tpu.memory_space<vmem>>, %arg13: memref<80xi32, #tpu.memory_space<vmem>>, %arg14: memref<80xi32, #tpu.memory_space<vmem>>, %arg15: memref<80xi32, #tpu.memory_space<vmem>>, %arg16: memref<80xi32, #tpu.memory_space<vmem>>, %arg17: memref<80xi32, #tpu.memory_space<vmem>>, %arg18: memref<80xi32, #tpu.memory_space<vmem>>, %arg19: memref<80xf32, #tpu.memory_space<vmem>>, %arg20: memref<80xf32, #tpu.memory_space<vmem>>, %arg21: memref<80x128xf32, #tpu.memory_space<vmem>>, %arg22: memref<80x128xf32, #tpu.memory_space<vmem>>, %arg23: memref<80x16xf32, #tpu.memory_space<vmem>>, %arg24: memref<10000x128xf32, #tpu.memory_space<vmem_shared>>, %arg25: memref<10000x16xf32, #tpu.memory_space<vmem_shared>>, %arg26: memref<!tpu.dma_semaphore, #tpu.memory_space<semaphore_mem>>, %arg27: memref<!tpu.dma_semaphore, #tpu.memory_space<semaphore_mem>>, %arg28: memref<!tpu.dma_semaphore, #tpu.memory_space<semaphore_mem>>, %arg29: memref<!tpu.dma_semaphore, #tpu.memory_space<semaphore_mem>>, %arg30: memref<!tpu.dma_semaphore, #tpu.memory_space<semaphore_mem>>, %arg31: memref<!tpu.dma_semaphore, #tpu.memory_space<semaphore_mem>>, %arg32: memref<!tpu.dma_semaphore, #tpu.memory_space<semaphore_mem>>, %arg33: memref<!tpu.dma_semaphore, #tpu.memory_space<semaphore_mem>>, %arg34: memref<!tpu.dma_semaphore, #tpu.memory_space<semaphore_mem>>, %arg35: memref<!tpu.dma_semaphore, #tpu.memory_space<semaphore_mem>>) attributes {dimension_semantics = [#tpu.dimension_semantics<core_parallel>, #tpu.dimension_semantics<subcore_parallel>], iteration_bounds = array<i64: 2, 16>, scalar_prefetch = 0 : i64, scratch_operands = 25 : i64, tpu.core_type = #tpu.core_type<sc_vector_subcore>, window_params = [{transform_indices = #map}, {transform_indices = #map}, {transform_indices = #map}, {transform_indices = #map}, {transform_indices = #map1}, {transform_indices = #map1}, {transform_indices = #map1}, {transform_indices = #map2}, {transform_indices = #map2}]} {
    %mul3A = arith.constant 2 : i32
    %mul3A_0 = arith.muli %arg1, %mul3A : i32
    %add3A = arith.addi %mul3A_0, %arg0 : i32
    %mul3A_1 = arith.constant 10000 : i32
    %mul3A_2 = arith.muli %add3A, %mul3A_1 : i32
    %mul3A_3 = arith.constant 625 : i32
    %mul3A_4 = arith.muli %arg1, %mul3A_3 : i32
    %broadcast_in_dim3A = arith.constant 1.000000e+00 : f32
    %broadcast_in_dim3A_5 = vector.broadcast %broadcast_in_dim3A : f32 to vector<16xf32>
    %multiple_of3A = tpu.assume_multiple %mul3A_4, 8 : i32
    %add3A_6 = arith.constant 0 : i32
    %add3A_7 = arith.addi %mul3A_2, %add3A_6 : i32
    %multiple_of3A_8 = tpu.assume_multiple %add3A_7, 8 : i32
    %dma_start3A = tpu.memref_slice %arg2[%multiple_of3A_8] : memref<320000xi32, #tpu.memory_space<hbm>> -> memref<80xi32, #tpu.memory_space<hbm>>
    %dma_start3A_9 = tpu.memref_slice %arg2[%multiple_of3A_8] : memref<320000xi32, #tpu.memory_space<hbm>> -> memref<80xi32, #tpu.memory_space<hbm>>
    tpu.enqueue_dma source(%dma_start3A_9 : memref<80xi32, #tpu.memory_space<hbm>>) target(%arg11 : memref<80xi32, #tpu.memory_space<vmem>>) target_semaphore(%arg26 : memref<!tpu.dma_semaphore, #tpu.memory_space<semaphore_mem>>)
    %dma_start3A_10 = tpu.memref_slice %arg3[%multiple_of3A_8] : memref<320000xi32, #tpu.memory_space<hbm>> -> memref<80xi32, #tpu.memory_space<hbm>>
    %dma_start3A_11 = tpu.memref_slice %arg3[%multiple_of3A_8] : memref<320000xi32, #tpu.memory_space<hbm>> -> memref<80xi32, #tpu.memory_space<hbm>>
    tpu.enqueue_dma source(%dma_start3A_11 : memref<80xi32, #tpu.memory_space<hbm>>) target(%arg13 : memref<80xi32, #tpu.memory_space<vmem>>) target_semaphore(%arg26 : memref<!tpu.dma_semaphore, #tpu.memory_space<semaphore_mem>>)
    %dma_start3A_12 = tpu.memref_slice %arg4[%multiple_of3A_8] : memref<320000xi32, #tpu.memory_space<hbm>> -> memref<80xi32, #tpu.memory_space<hbm>>
    %dma_start3A_13 = tpu.memref_slice %arg4[%multiple_of3A_8] : memref<320000xi32, #tpu.memory_space<hbm>> -> memref<80xi32, #tpu.memory_space<hbm>>
    tpu.enqueue_dma source(%dma_start3A_13 : memref<80xi32, #tpu.memory_space<hbm>>) target(%arg15 : memref<80xi32, #tpu.memory_space<vmem>>) target_semaphore(%arg26 : memref<!tpu.dma_semaphore, #tpu.memory_space<semaphore_mem>>)
    %add3A_14 = arith.constant 80 : i32
    %add3A_15 = arith.addi %mul3A_2, %add3A_14 : i32
    %multiple_of3A_16 = tpu.assume_multiple %add3A_15, 8 : i32
    %dma_start3A_17 = tpu.memref_slice %arg2[%multiple_of3A_16] : memref<320000xi32, #tpu.memory_space<hbm>> -> memref<80xi32, #tpu.memory_space<hbm>>
    %dma_start3A_18 = tpu.memref_slice %arg2[%multiple_of3A_16] : memref<320000xi32, #tpu.memory_space<hbm>> -> memref<80xi32, #tpu.memory_space<hbm>>
    tpu.enqueue_dma source(%dma_start3A_18 : memref<80xi32, #tpu.memory_space<hbm>>) target(%arg12 : memref<80xi32, #tpu.memory_space<vmem>>) target_semaphore(%arg27 : memref<!tpu.dma_semaphore, #tpu.memory_space<semaphore_mem>>)
    %dma_start3A_19 = tpu.memref_slice %arg3[%multiple_of3A_16] : memref<320000xi32, #tpu.memory_space<hbm>> -> memref<80xi32, #tpu.memory_space<hbm>>
    %dma_start3A_20 = tpu.memref_slice %arg3[%multiple_of3A_16] : memref<320000xi32, #tpu.memory_space<hbm>> -> memref<80xi32, #tpu.memory_space<hbm>>
    tpu.enqueue_dma source(%dma_start3A_20 : memref<80xi32, #tpu.memory_space<hbm>>) target(%arg14 : memref<80xi32, #tpu.memory_space<vmem>>) target_semaphore(%arg27 : memref<!tpu.dma_semaphore, #tpu.memory_space<semaphore_mem>>)
    %dma_start3A_21 = tpu.memref_slice %arg4[%multiple_of3A_16] : memref<320000xi32, #tpu.memory_space<hbm>> -> memref<80xi32, #tpu.memory_space<hbm>>
    %dma_start3A_22 = tpu.memref_slice %arg4[%multiple_of3A_16] : memref<320000xi32, #tpu.memory_space<hbm>> -> memref<80xi32, #tpu.memory_space<hbm>>
    tpu.enqueue_dma source(%dma_start3A_22 : memref<80xi32, #tpu.memory_space<hbm>>) target(%arg16 : memref<80xi32, #tpu.memory_space<vmem>>) target_semaphore(%arg27 : memref<!tpu.dma_semaphore, #tpu.memory_space<semaphore_mem>>)
    "tpu.region"() ({
      %run_scoped3A = tpu.sem_alloc : memref<!tpu.dma_semaphore, #tpu.memory_space<semaphore_mem>>
      %dma_start3A_54 = arith.constant 0 : i32
      %dma_start3A_55 = tpu.memref_slice %arg24[%multiple_of3A, %dma_start3A_54] : memref<10000x128xf32, #tpu.memory_space<vmem_shared>> -> memref<625x128xf32, #tpu.memory_space<vmem_shared>>
      %dma_start3A_56 = arith.constant 0 : i32
      %dma_start3A_57 = tpu.memref_slice %arg7[%multiple_of3A, %dma_start3A_56] : memref<10000x128xf32, #tpu.memory_space<hbm>> -> memref<625x128xf32, #tpu.memory_space<hbm>>
      tpu.enqueue_dma source(%dma_start3A_57 : memref<625x128xf32, #tpu.memory_space<hbm>>) target(%dma_start3A_55 : memref<625x128xf32, #tpu.memory_space<vmem_shared>>) target_semaphore(%run_scoped3A : memref<!tpu.dma_semaphore, #tpu.memory_space<semaphore_mem>>)
      %dma_wait3A_58 = arith.constant 0 : i32
      %dma_wait3A_59 = tpu.memref_slice %arg24[%multiple_of3A, %dma_wait3A_58] : memref<10000x128xf32, #tpu.memory_space<vmem_shared>> -> memref<625x128xf32, #tpu.memory_space<vmem_shared>>
      %dma_wait3A_60 = arith.constant 0 : i32
      %dma_wait3A_61 = tpu.memref_slice %arg7[%multiple_of3A, %dma_wait3A_60] : memref<10000x128xf32, #tpu.memory_space<hbm>> -> memref<625x128xf32, #tpu.memory_space<hbm>>
      tpu.wait_dma2 semaphore(%run_scoped3A : memref<!tpu.dma_semaphore, #tpu.memory_space<semaphore_mem>>) src(%dma_wait3A_61 : memref<625x128xf32, #tpu.memory_space<hbm>>) dst(%dma_wait3A_59 : memref<625x128xf32, #tpu.memory_space<vmem_shared>>)
      tpu.yield
    }) : () -> ()
    "tpu.region"() ({
      %run_scoped3A = tpu.sem_alloc : memref<!tpu.dma_semaphore, #tpu.memory_space<semaphore_mem>>
      %dma_start3A_54 = arith.constant 0 : i32
      %dma_start3A_55 = tpu.memref_slice %arg25[%multiple_of3A, %dma_start3A_54] : memref<10000x16xf32, #tpu.memory_space<vmem_shared>> -> memref<625x16xf32, #tpu.memory_space<vmem_shared>>
      %dma_start3A_56 = arith.constant 0 : i32
      %dma_start3A_57 = tpu.memref_slice %arg8[%multiple_of3A, %dma_start3A_56] : memref<10000x16xf32, #tpu.memory_space<hbm>> -> memref<625x16xf32, #tpu.memory_space<hbm>>
      tpu.enqueue_dma source(%dma_start3A_57 : memref<625x16xf32, #tpu.memory_space<hbm>>) target(%dma_start3A_55 : memref<625x16xf32, #tpu.memory_space<vmem_shared>>) target_semaphore(%run_scoped3A : memref<!tpu.dma_semaphore, #tpu.memory_space<semaphore_mem>>)
      %dma_wait3A_58 = arith.constant 0 : i32
      %dma_wait3A_59 = tpu.memref_slice %arg25[%multiple_of3A, %dma_wait3A_58] : memref<10000x16xf32, #tpu.memory_space<vmem_shared>> -> memref<625x16xf32, #tpu.memory_space<vmem_shared>>
      %dma_wait3A_60 = arith.constant 0 : i32
      %dma_wait3A_61 = tpu.memref_slice %arg8[%multiple_of3A, %dma_wait3A_60] : memref<10000x16xf32, #tpu.memory_space<hbm>> -> memref<625x16xf32, #tpu.memory_space<hbm>>
      tpu.wait_dma2 semaphore(%run_scoped3A : memref<!tpu.dma_semaphore, #tpu.memory_space<semaphore_mem>>) src(%dma_wait3A_61 : memref<625x16xf32, #tpu.memory_space<hbm>>) dst(%dma_wait3A_59 : memref<625x16xf32, #tpu.memory_space<vmem_shared>>)
      tpu.yield
    }) : () -> ()
    %scan3A = arith.constant 0 : i32
    %scan3A_23 = arith.constant 0 : i32
    %scan3A_24 = arith.constant 80 : i32
    %scan3A_25 = arith.addi %scan3A_23, %scan3A_24 : i32
    %scan3A_26 = arith.constant 1 : i32
    scf.for %scan3A_54 = %scan3A_23 to %scan3A_25 step %scan3A_26  : i32 {
      %swap3A = arith.index_cast %scan3A_54 : i32 to index
      %swap3A_55 = arith.constant 0 : index
      %swap3A_56 = tpu.vector_load %arg23[%swap3A, %swap3A_55] {strides = array<i32>} : memref<80x16xf32, #tpu.memory_space<vmem>>, vector<1x16xf32>,
      %swap3A_57 = vector.shape_cast %swap3A_56 : vector<1x16xf32> to vector<16xf32>
      %swap3A_58 = vector.shape_cast %broadcast_in_dim3A_5 : vector<16xf32> to vector<1x16xf32>
      tpu.vector_store %arg23[%swap3A, %swap3A_55], %swap3A_58 {strides = array<i32>} : memref<80x16xf32, #tpu.memory_space<vmem>>, vector<1x16xf32>,
    }
    %scan3A_27 = arith.constant 80 : i32
    %add3A_28 = arith.constant 0 : i32
    %add3A_29 = arith.addi %mul3A_2, %add3A_28 : i32
    %multiple_of3A_30 = tpu.assume_multiple %add3A_29, 8 : i32
    %dma_wait3A = tpu.memref_slice %arg2[%multiple_of3A_30] : memref<320000xi32, #tpu.memory_space<hbm>> -> memref<80xi32, #tpu.memory_space<hbm>>
    %dma_wait3A_31 = tpu.memref_slice %arg2[%multiple_of3A_30] : memref<320000xi32, #tpu.memory_space<hbm>> -> memref<80xi32, #tpu.memory_space<hbm>>
    tpu.wait_dma2 semaphore(%arg26 : memref<!tpu.dma_semaphore, #tpu.memory_space<semaphore_mem>>) src(%dma_wait3A_31 : memref<80xi32, #tpu.memory_space<hbm>>) dst(%arg11 : memref<80xi32, #tpu.memory_space<vmem>>)
    %dma_wait3A_32 = tpu.memref_slice %arg3[%multiple_of3A_30] : memref<320000xi32, #tpu.memory_space<hbm>> -> memref<80xi32, #tpu.memory_space<hbm>>
    %dma_wait3A_33 = tpu.memref_slice %arg3[%multiple_of3A_30] : memref<320000xi32, #tpu.memory_space<hbm>> -> memref<80xi32, #tpu.memory_space<hbm>>
    tpu.wait_dma2 semaphore(%arg26 : memref<!tpu.dma_semaphore, #tpu.memory_space<semaphore_mem>>) src(%dma_wait3A_33 : memref<80xi32, #tpu.memory_space<hbm>>) dst(%arg13 : memref<80xi32, #tpu.memory_space<vmem>>)
    %dma_wait3A_34 = tpu.memref_slice %arg4[%multiple_of3A_30] : memref<320000xi32, #tpu.memory_space<hbm>> -> memref<80xi32, #tpu.memory_space<hbm>>
    %dma_wait3A_35 = tpu.memref_slice %arg4[%multiple_of3A_30] : memref<320000xi32, #tpu.memory_space<hbm>> -> memref<80xi32, #tpu.memory_space<hbm>>
    tpu.wait_dma2 semaphore(%arg26 : memref<!tpu.dma_semaphore, #tpu.memory_space<semaphore_mem>>) src(%dma_wait3A_35 : memref<80xi32, #tpu.memory_space<hbm>>) dst(%arg15 : memref<80xi32, #tpu.memory_space<vmem>>)
    %dma_start3A_36 = arith.constant 0 : i32
    %dma_start3A_37 = tpu.memref_slice %arg5[%dma_start3A_36] : memref<320000xf32, #tpu.memory_space<hbm>> -> memref<320000xf32, #tpu.memory_space<hbm>>
    tpu.enqueue_indirect_dma source(%dma_start3A_37 : memref<320000xf32, #tpu.memory_space<hbm>>) target(%arg19 : memref<80xf32, #tpu.memory_space<vmem>>) offsets(%arg15 : memref<80xi32, #tpu.memory_space<vmem>>) semaphore(%arg28 : memref<!tpu.dma_semaphore, #tpu.memory_space<semaphore_mem>>)
    %dma_start3A_38 = arith.constant 0 : i32
    %dma_start3A_39 = arith.constant 0 : i32
    %dma_start3A_40 = tpu.memref_slice %arg6[%dma_start3A_38, %dma_start3A_39] : memref<10000x128xf32, #tpu.memory_space<hbm>> -> memref<10000x128xf32, #tpu.memory_space<hbm>>
    tpu.enqueue_indirect_dma source(%dma_start3A_40 : memref<10000x128xf32, #tpu.memory_space<hbm>>) target(%arg21 : memref<80x128xf32, #tpu.memory_space<vmem>>) offsets(%arg11 : memref<80xi32, #tpu.memory_space<vmem>>) semaphore(%arg30 : memref<!tpu.dma_semaphore, #tpu.memory_space<semaphore_mem>>)
    %barrier3A = arith.constant 0 : index
    tpu.barrier barrier_id(%barrier3A)
    %scan3A_41 = arith.constant 0 : i32
    %scan3A_42 = arith.constant 0 : i32
    %scan3A_43 = arith.constant 63 : i32
    %scan3A_44 = arith.addi %scan3A_42, %scan3A_43 : i32
    %scan3A_45 = arith.constant 1 : i32
    scf.for %scan3A_54 = %scan3A_42 to %scan3A_44 step %scan3A_45  : i32 {
      %mul3A_55 = arith.constant 2 : i32
      %mul3A_56 = arith.muli %mul3A_55, %scan3A_54 : i32
      %lt3A = arith.constant 125 : i32
      %lt3A_57 = arith.cmpi slt, %mul3A_56, %lt3A : i32
      %convert_element_type3A = arith.extui %lt3A_57 : i1 to i32
      %cond3A = arith.constant 0 : i32
      %cond3A_58 = arith.cmpi ne, %convert_element_type3A, %cond3A : i32
      scf.if %cond3A_58 {
        %dma_wait3A_68 = arith.constant 0 : i32
        %dma_wait3A_69 = tpu.memref_slice %arg5[%dma_wait3A_68] : memref<320000xf32, #tpu.memory_space<hbm>> -> memref<320000xf32, #tpu.memory_space<hbm>>
        tpu.wait_indirect_dma semaphore(%arg28 : memref<!tpu.dma_semaphore, #tpu.memory_space<semaphore_mem>>) src(%dma_wait3A_69 : memref<320000xf32, #tpu.memory_space<hbm>>) dst(%arg19 : memref<80xf32, #tpu.memory_space<vmem>>)
        %dma_wait3A_70 = arith.constant 0 : i32
        %dma_wait3A_71 = arith.constant 0 : i32
        %dma_wait3A_72 = tpu.memref_slice %arg6[%dma_wait3A_70, %dma_wait3A_71] : memref<10000x128xf32, #tpu.memory_space<hbm>> -> memref<10000x128xf32, #tpu.memory_space<hbm>>
        tpu.wait_indirect_dma semaphore(%arg30 : memref<!tpu.dma_semaphore, #tpu.memory_space<semaphore_mem>>) src(%dma_wait3A_72 : memref<10000x128xf32, #tpu.memory_space<hbm>>) dst(%arg21 : memref<80x128xf32, #tpu.memory_space<vmem>>)
        %get3A = arith.constant 0 : index
        %get3A_73 = tpu.vector_load %arg13[%get3A] {strides = array<i32>} : memref<80xi32, #tpu.memory_space<vmem>>, vector<16xi32>,
        %get3A_74 = vector.shape_cast %get3A_73 : vector<16xi32> to vector<16xi32>
        %swap3A = arith.constant 0 : index
        %swap3A_75 = tpu.vector_load %arg17[%swap3A] {strides = array<i32>} : memref<80xi32, #tpu.memory_space<vmem>>, vector<16xi32>,
        %swap3A_76 = vector.shape_cast %swap3A_75 : vector<16xi32> to vector<16xi32>
        %swap3A_77 = vector.shape_cast %get3A_74 : vector<16xi32> to vector<16xi32>
        tpu.vector_store %arg17[%swap3A], %swap3A_77 {strides = array<i32>} : memref<80xi32, #tpu.memory_space<vmem>>, vector<16xi32>,
        %get3A_78 = arith.constant 16 : index
        %get3A_79 = tpu.vector_load %arg13[%get3A_78] {strides = array<i32>} : memref<80xi32, #tpu.memory_space<vmem>>, vector<16xi32>,
        %get3A_80 = vector.shape_cast %get3A_79 : vector<16xi32> to vector<16xi32>
        %swap3A_81 = arith.constant 16 : index
        %swap3A_82 = tpu.vector_load %arg17[%swap3A_81] {strides = array<i32>} : memref<80xi32, #tpu.memory_space<vmem>>, vector<16xi32>,
        %swap3A_83 = vector.shape_cast %swap3A_82 : vector<16xi32> to vector<16xi32>
        %swap3A_84 = vector.shape_cast %get3A_80 : vector<16xi32> to vector<16xi32>
        tpu.vector_store %arg17[%swap3A_81], %swap3A_84 {strides = array<i32>} : memref<80xi32, #tpu.memory_space<vmem>>, vector<16xi32>,
        %get3A_85 = arith.constant 32 : index
        %get3A_86 = tpu.vector_load %arg13[%get3A_85] {strides = array<i32>} : memref<80xi32, #tpu.memory_space<vmem>>, vector<16xi32>,
        %get3A_87 = vector.shape_cast %get3A_86 : vector<16xi32> to vector<16xi32>
        %swap3A_88 = arith.constant 32 : index
        %swap3A_89 = tpu.vector_load %arg17[%swap3A_88] {strides = array<i32>} : memref<80xi32, #tpu.memory_space<vmem>>, vector<16xi32>,
        %swap3A_90 = vector.shape_cast %swap3A_89 : vector<16xi32> to vector<16xi32>
        %swap3A_91 = vector.shape_cast %get3A_87 : vector<16xi32> to vector<16xi32>
        tpu.vector_store %arg17[%swap3A_88], %swap3A_91 {strides = array<i32>} : memref<80xi32, #tpu.memory_space<vmem>>, vector<16xi32>,
        %get3A_92 = arith.constant 48 : index
        %get3A_93 = tpu.vector_load %arg13[%get3A_92] {strides = array<i32>} : memref<80xi32, #tpu.memory_space<vmem>>, vector<16xi32>,
        %get3A_94 = vector.shape_cast %get3A_93 : vector<16xi32> to vector<16xi32>
        %swap3A_95 = arith.constant 48 : index
        %swap3A_96 = tpu.vector_load %arg17[%swap3A_95] {strides = array<i32>} : memref<80xi32, #tpu.memory_space<vmem>>, vector<16xi32>,
        %swap3A_97 = vector.shape_cast %swap3A_96 : vector<16xi32> to vector<16xi32>
        %swap3A_98 = vector.shape_cast %get3A_94 : vector<16xi32> to vector<16xi32>
        tpu.vector_store %arg17[%swap3A_95], %swap3A_98 {strides = array<i32>} : memref<80xi32, #tpu.memory_space<vmem>>, vector<16xi32>,
        %get3A_99 = arith.constant 64 : index
        %get3A_100 = tpu.vector_load %arg13[%get3A_99] {strides = array<i32>} : memref<80xi32, #tpu.memory_space<vmem>>, vector<16xi32>,
        %get3A_101 = vector.shape_cast %get3A_100 : vector<16xi32> to vector<16xi32>
        %swap3A_102 = arith.constant 64 : index
        %swap3A_103 = tpu.vector_load %arg17[%swap3A_102] {strides = array<i32>} : memref<80xi32, #tpu.memory_space<vmem>>, vector<16xi32>,
        %swap3A_104 = vector.shape_cast %swap3A_103 : vector<16xi32> to vector<16xi32>
        %swap3A_105 = vector.shape_cast %get3A_101 : vector<16xi32> to vector<16xi32>
        tpu.vector_store %arg17[%swap3A_102], %swap3A_105 {strides = array<i32>} : memref<80xi32, #tpu.memory_space<vmem>>, vector<16xi32>,
        %add3A_106 = arith.constant 1 : i32
        %add3A_107 = arith.addi %mul3A_56, %add3A_106 : i32
        %lt3A_108 = arith.constant 125 : i32
        %lt3A_109 = arith.cmpi slt, %add3A_107, %lt3A_108 : i32
        %convert_element_type3A_110 = arith.extui %lt3A_109 : i1 to i32
        %cond3A_111 = arith.constant 0 : i32
        %cond3A_112 = arith.cmpi ne, %convert_element_type3A_110, %cond3A_111 : i32
        scf.if %cond3A_112 {
          %add3A_143 = arith.constant 1 : i32
          %add3A_144 = arith.addi %mul3A_56, %add3A_143 : i32
          %mul3A_145 = arith.constant 80 : i32
          %mul3A_146 = arith.muli %add3A_144, %mul3A_145 : i32
          %add3A_147 = arith.addi %mul3A_2, %mul3A_146 : i32
          %multiple_of3A_148 = tpu.assume_multiple %add3A_147, 8 : i32
          %dma_wait3A_149 = tpu.memref_slice %arg2[%multiple_of3A_148] : memref<320000xi32, #tpu.memory_space<hbm>> -> memref<80xi32, #tpu.memory_space<hbm>>
          %dma_wait3A_150 = tpu.memref_slice %arg2[%multiple_of3A_148] : memref<320000xi32, #tpu.memory_space<hbm>> -> memref<80xi32, #tpu.memory_space<hbm>>
          tpu.wait_dma2 semaphore(%arg27 : memref<!tpu.dma_semaphore, #tpu.memory_space<semaphore_mem>>) src(%dma_wait3A_150 : memref<80xi32, #tpu.memory_space<hbm>>) dst(%arg12 : memref<80xi32, #tpu.memory_space<vmem>>)
          %dma_wait3A_151 = tpu.memref_slice %arg3[%multiple_of3A_148] : memref<320000xi32, #tpu.memory_space<hbm>> -> memref<80xi32, #tpu.memory_space<hbm>>
          %dma_wait3A_152 = tpu.memref_slice %arg3[%multiple_of3A_148] : memref<320000xi32, #tpu.memory_space<hbm>> -> memref<80xi32, #tpu.memory_space<hbm>>
          tpu.wait_dma2 semaphore(%arg27 : memref<!tpu.dma_semaphore, #tpu.memory_space<semaphore_mem>>) src(%dma_wait3A_152 : memref<80xi32, #tpu.memory_space<hbm>>) dst(%arg14 : memref<80xi32, #tpu.memory_space<vmem>>)
          %dma_wait3A_153 = tpu.memref_slice %arg4[%multiple_of3A_148] : memref<320000xi32, #tpu.memory_space<hbm>> -> memref<80xi32, #tpu.memory_space<hbm>>
          %dma_wait3A_154 = tpu.memref_slice %arg4[%multiple_of3A_148] : memref<320000xi32, #tpu.memory_space<hbm>> -> memref<80xi32, #tpu.memory_space<hbm>>
          tpu.wait_dma2 semaphore(%arg27 : memref<!tpu.dma_semaphore, #tpu.memory_space<semaphore_mem>>) src(%dma_wait3A_154 : memref<80xi32, #tpu.memory_space<hbm>>) dst(%arg16 : memref<80xi32, #tpu.memory_space<vmem>>)
        } else {
        }
        %ge3A = arith.constant 1 : i32
        %ge3A_113 = arith.cmpi sge, %mul3A_56, %ge3A : i32
        %convert_element_type3A_114 = arith.extui %ge3A_113 : i1 to i32
        %cond3A_115 = arith.constant 0 : i32
        %cond3A_116 = arith.cmpi ne, %convert_element_type3A_114, %cond3A_115 : i32
        scf.if %cond3A_116 {
          %dma_wait3A_143 = arith.constant 0 : i32
          %dma_wait3A_144 = arith.constant 0 : i32
          %dma_wait3A_145 = tpu.memref_slice %arg24[%dma_wait3A_143, %dma_wait3A_144] : memref<10000x128xf32, #tpu.memory_space<vmem_shared>> -> memref<10000x128xf32, #tpu.memory_space<vmem_shared>>
          tpu.wait_indirect_dma semaphore(%arg33 : memref<!tpu.dma_semaphore, #tpu.memory_space<semaphore_mem>>) src(%arg22 : memref<80x128xf32, #tpu.memory_space<vmem>>) dst(%dma_wait3A_145 : memref<10000x128xf32, #tpu.memory_space<vmem_shared>>)
          %dma_wait3A_146 = arith.constant 0 : i32
          %dma_wait3A_147 = arith.constant 0 : i32
          %dma_wait3A_148 = tpu.memref_slice %arg25[%dma_wait3A_146, %dma_wait3A_147] : memref<10000x16xf32, #tpu.memory_space<vmem_shared>> -> memref<10000x16xf32, #tpu.memory_space<vmem_shared>>
          tpu.wait_indirect_dma semaphore(%arg35 : memref<!tpu.dma_semaphore, #tpu.memory_space<semaphore_mem>>) src(%arg23 : memref<80x16xf32, #tpu.memory_space<vmem>>) dst(%dma_wait3A_148 : memref<10000x16xf32, #tpu.memory_space<vmem_shared>>)
        } else {
        }
        %add3A_117 = arith.constant 1 : i32
        %add3A_118 = arith.addi %mul3A_56, %add3A_117 : i32
        %lt3A_119 = arith.constant 125 : i32
        %lt3A_120 = arith.cmpi slt, %add3A_118, %lt3A_119 : i32
        %convert_element_type3A_121 = arith.extui %lt3A_120 : i1 to i32
        %cond3A_122 = arith.constant 0 : i32
        %cond3A_123 = arith.cmpi ne, %convert_element_type3A_121, %cond3A_122 : i32
        scf.if %cond3A_123 {
          %dma_start3A_143 = arith.constant 0 : i32
          %dma_start3A_144 = tpu.memref_slice %arg5[%dma_start3A_143] : memref<320000xf32, #tpu.memory_space<hbm>> -> memref<320000xf32, #tpu.memory_space<hbm>>
          tpu.enqueue_indirect_dma source(%dma_start3A_144 : memref<320000xf32, #tpu.memory_space<hbm>>) target(%arg20 : memref<80xf32, #tpu.memory_space<vmem>>) offsets(%arg16 : memref<80xi32, #tpu.memory_space<vmem>>) semaphore(%arg29 : memref<!tpu.dma_semaphore, #tpu.memory_space<semaphore_mem>>)
          %dma_start3A_145 = arith.constant 0 : i32
          %dma_start3A_146 = arith.constant 0 : i32
          %dma_start3A_147 = tpu.memref_slice %arg6[%dma_start3A_145, %dma_start3A_146] : memref<10000x128xf32, #tpu.memory_space<hbm>> -> memref<10000x128xf32, #tpu.memory_space<hbm>>
          tpu.enqueue_indirect_dma source(%dma_start3A_147 : memref<10000x128xf32, #tpu.memory_space<hbm>>) target(%arg22 : memref<80x128xf32, #tpu.memory_space<vmem>>) offsets(%arg12 : memref<80xi32, #tpu.memory_space<vmem>>) semaphore(%arg31 : memref<!tpu.dma_semaphore, #tpu.memory_space<semaphore_mem>>)
        } else {
        }
        %add3A_124 = arith.constant 2 : i32
        %add3A_125 = arith.addi %mul3A_56, %add3A_124 : i32
        %lt3A_126 = arith.constant 125 : i32
        %lt3A_127 = arith.cmpi slt, %add3A_125, %lt3A_126 : i32
        %convert_element_type3A_128 = arith.extui %lt3A_127 : i1 to i32
        %cond3A_129 = arith.constant 0 : i32
        %cond3A_130 = arith.cmpi ne, %convert_element_type3A_128, %cond3A_129 : i32
        scf.if %cond3A_130 {
          %add3A_143 = arith.constant 2 : i32
          %add3A_144 = arith.addi %mul3A_56, %add3A_143 : i32
          %mul3A_145 = arith.constant 80 : i32
          %mul3A_146 = arith.muli %add3A_144, %mul3A_145 : i32
          %add3A_147 = arith.addi %mul3A_2, %mul3A_146 : i32
          %multiple_of3A_148 = tpu.assume_multiple %add3A_147, 8 : i32
          %dma_start3A_149 = tpu.memref_slice %arg2[%multiple_of3A_148] : memref<320000xi32, #tpu.memory_space<hbm>> -> memref<80xi32, #tpu.memory_space<hbm>>
          %dma_start3A_150 = tpu.memref_slice %arg2[%multiple_of3A_148] : memref<320000xi32, #tpu.memory_space<hbm>> -> memref<80xi32, #tpu.memory_space<hbm>>
          tpu.enqueue_dma source(%dma_start3A_150 : memref<80xi32, #tpu.memory_space<hbm>>) target(%arg11 : memref<80xi32, #tpu.memory_space<vmem>>) target_semaphore(%arg26 : memref<!tpu.dma_semaphore, #tpu.memory_space<semaphore_mem>>)
          %dma_start3A_151 = tpu.memref_slice %arg3[%multiple_of3A_148] : memref<320000xi32, #tpu.memory_space<hbm>> -> memref<80xi32, #tpu.memory_space<hbm>>
          %dma_start3A_152 = tpu.memref_slice %arg3[%multiple_of3A_148] : memref<320000xi32, #tpu.memory_space<hbm>> -> memref<80xi32, #tpu.memory_space<hbm>>
          tpu.enqueue_dma source(%dma_start3A_152 : memref<80xi32, #tpu.memory_space<hbm>>) target(%arg13 : memref<80xi32, #tpu.memory_space<vmem>>) target_semaphore(%arg26 : memref<!tpu.dma_semaphore, #tpu.memory_space<semaphore_mem>>)
          %dma_start3A_153 = tpu.memref_slice %arg4[%multiple_of3A_148] : memref<320000xi32, #tpu.memory_space<hbm>> -> memref<80xi32, #tpu.memory_space<hbm>>
          %dma_start3A_154 = tpu.memref_slice %arg4[%multiple_of3A_148] : memref<320000xi32, #tpu.memory_space<hbm>> -> memref<80xi32, #tpu.memory_space<hbm>>
          tpu.enqueue_dma source(%dma_start3A_154 : memref<80xi32, #tpu.memory_space<hbm>>) target(%arg15 : memref<80xi32, #tpu.memory_space<vmem>>) target_semaphore(%arg26 : memref<!tpu.dma_semaphore, #tpu.memory_space<semaphore_mem>>)
        } else {
        }
        %scan3A_131 = arith.constant 0 : i32
        %scan3A_132 = arith.constant 0 : i32
        %scan3A_133 = arith.constant 5 : i32
        %scan3A_134 = arith.addi %scan3A_132, %scan3A_133 : i32
        %scan3A_135 = arith.constant 1 : i32
        scf.for %scan3A_143 = %scan3A_132 to %scan3A_134 step %scan3A_135  : i32 {
          %mul3A_144 = arith.constant 16 : i32
          %mul3A_145 = arith.muli %scan3A_143, %mul3A_144 : i32
          %get3A_146 = arith.index_cast %mul3A_145 : i32 to index
          %get3A_147 = tpu.vector_load %arg19[%get3A_146] {strides = array<i32>} : memref<80xf32, #tpu.memory_space<vmem>>, vector<16xf32>,
          %get3A_148 = vector.shape_cast %get3A_147 : vector<16xf32> to vector<16xf32>
          %slice3A = vector.extract_strided_slice %get3A_148 {offsets = [0], sizes = [1], strides = [1]} : vector<16xf32> to vector<1xf32>
          %squeeze3A = vector.extract %slice3A[0] : f32 from vector<1xf32>
          %add3A_149 = arith.constant 0 : i32
          %add3A_150 = arith.addi %mul3A_145, %add3A_149 : i32
          %get3A_151 = arith.index_cast %add3A_150 : i32 to index
          %get3A_152 = arith.constant 0 : index
          %get3A_153 = tpu.vector_load %arg21[%get3A_151, %get3A_152] {strides = array<i32>} : memref<80x128xf32, #tpu.memory_space<vmem>>, vector<1x16xf32>,
          %get3A_154 = vector.shape_cast %get3A_153 : vector<1x16xf32> to vector<16xf32>
          %mul3A_155 = vector.broadcast %squeeze3A : f32 to vector<16xf32>
          %mul3A_156 = arith.mulf %get3A_154, %mul3A_155 : vector<16xf32>
          %add3A_157 = arith.constant 0 : i32
          %add3A_158 = arith.addi %mul3A_145, %add3A_157 : i32
          %swap3A_159 = arith.index_cast %add3A_158 : i32 to index
          %swap3A_160 = arith.constant 0 : index
          %swap3A_161 = tpu.vector_load %arg21[%swap3A_159, %swap3A_160] {strides = array<i32>} : memref<80x128xf32, #tpu.memory_space<vmem>>, vector<1x16xf32>,
          %swap3A_162 = vector.shape_cast %swap3A_161 : vector<1x16xf32> to vector<16xf32>
          %swap3A_163 = vector.shape_cast %mul3A_156 : vector<16xf32> to vector<1x16xf32>
          tpu.vector_store %arg21[%swap3A_159, %swap3A_160], %swap3A_163 {strides = array<i32>} : memref<80x128xf32, #tpu.memory_space<vmem>>, vector<1x16xf32>,
          %add3A_164 = arith.constant 0 : i32
          %add3A_165 = arith.addi %mul3A_145, %add3A_164 : i32
          %get3A_166 = arith.index_cast %add3A_165 : i32 to index
          %get3A_167 = arith.constant 16 : index
          %get3A_168 = tpu.vector_load %arg21[%get3A_166, %get3A_167] {strides = array<i32>} : memref<80x128xf32, #tpu.memory_space<vmem>>, vector<1x16xf32>,
          %get3A_169 = vector.shape_cast %get3A_168 : vector<1x16xf32> to vector<16xf32>
          %mul3A_170 = vector.broadcast %squeeze3A : f32 to vector<16xf32>
          %mul3A_171 = arith.mulf %get3A_169, %mul3A_170 : vector<16xf32>
          %add3A_172 = arith.constant 0 : i32
          %add3A_173 = arith.addi %mul3A_145, %add3A_172 : i32
          %swap3A_174 = arith.index_cast %add3A_173 : i32 to index
          %swap3A_175 = arith.constant 16 : index
          %swap3A_176 = tpu.vector_load %arg21[%swap3A_174, %swap3A_175] {strides = array<i32>} : memref<80x128xf32, #tpu.memory_space<vmem>>, vector<1x16xf32>,
          %swap3A_177 = vector.shape_cast %swap3A_176 : vector<1x16xf32> to vector<16xf32>
          %swap3A_178 = vector.shape_cast %mul3A_171 : vector<16xf32> to vector<1x16xf32>
          tpu.vector_store %arg21[%swap3A_174, %swap3A_175], %swap3A_178 {strides = array<i32>} : memref<80x128xf32, #tpu.memory_space<vmem>>, vector<1x16xf32>,
          %add3A_179 = arith.constant 0 : i32
          %add3A_180 = arith.addi %mul3A_145, %add3A_179 : i32
          %get3A_181 = arith.index_cast %add3A_180 : i32 to index
          %get3A_182 = arith.constant 32 : index
          %get3A_183 = tpu.vector_load %arg21[%get3A_181, %get3A_182] {strides = array<i32>} : memref<80x128xf32, #tpu.memory_space<vmem>>, vector<1x16xf32>,
          %get3A_184 = vector.shape_cast %get3A_183 : vector<1x16xf32> to vector<16xf32>
          %mul3A_185 = vector.broadcast %squeeze3A : f32 to vector<16xf32>
          %mul3A_186 = arith.mulf %get3A_184, %mul3A_185 : vector<16xf32>
          %add3A_187 = arith.constant 0 : i32
          %add3A_188 = arith.addi %mul3A_145, %add3A_187 : i32
          %swap3A_189 = arith.index_cast %add3A_188 : i32 to index
          %swap3A_190 = arith.constant 32 : index
          %swap3A_191 = tpu.vector_load %arg21[%swap3A_189, %swap3A_190] {strides = array<i32>} : memref<80x128xf32, #tpu.memory_space<vmem>>, vector<1x16xf32>,
          %swap3A_192 = vector.shape_cast %swap3A_191 : vector<1x16xf32> to vector<16xf32>
          %swap3A_193 = vector.shape_cast %mul3A_186 : vector<16xf32> to vector<1x16xf32>
          tpu.vector_store %arg21[%swap3A_189, %swap3A_190], %swap3A_193 {strides = array<i32>} : memref<80x128xf32, #tpu.memory_space<vmem>>, vector<1x16xf32>,
          %add3A_194 = arith.constant 0 : i32
          %add3A_195 = arith.addi %mul3A_145, %add3A_194 : i32
          %get3A_196 = arith.index_cast %add3A_195 : i32 to index
          %get3A_197 = arith.constant 48 : index
          %get3A_198 = tpu.vector_load %arg21[%get3A_196, %get3A_197] {strides = array<i32>} : memref<80x128xf32, #tpu.memory_space<vmem>>, vector<1x16xf32>,
          %get3A_199 = vector.shape_cast %get3A_198 : vector<1x16xf32> to vector<16xf32>
          %mul3A_200 = vector.broadcast %squeeze3A : f32 to vector<16xf32>
          %mul3A_201 = arith.mulf %get3A_199, %mul3A_200 : vector<16xf32>
          %add3A_202 = arith.constant 0 : i32
          %add3A_203 = arith.addi %mul3A_145, %add3A_202 : i32
          %swap3A_204 = arith.index_cast %add3A_203 : i32 to index
          %swap3A_205 = arith.constant 48 : index
          %swap3A_206 = tpu.vector_load %arg21[%swap3A_204, %swap3A_205] {strides = array<i32>} : memref<80x128xf32, #tpu.memory_space<vmem>>, vector<1x16xf32>,
          %swap3A_207 = vector.shape_cast %swap3A_206 : vector<1x16xf32> to vector<16xf32>
          %swap3A_208 = vector.shape_cast %mul3A_201 : vector<16xf32> to vector<1x16xf32>
          tpu.vector_store %arg21[%swap3A_204, %swap3A_205], %swap3A_208 {strides = array<i32>} : memref<80x128xf32, #tpu.memory_space<vmem>>, vector<1x16xf32>,
          %add3A_209 = arith.constant 0 : i32
          %add3A_210 = arith.addi %mul3A_145, %add3A_209 : i32
          %get3A_211 = arith.index_cast %add3A_210 : i32 to index
          %get3A_212 = arith.constant 64 : index
          %get3A_213 = tpu.vector_load %arg21[%get3A_211, %get3A_212] {strides = array<i32>} : memref<80x128xf32, #tpu.memory_space<vmem>>, vector<1x16xf32>,
          %get3A_214 = vector.shape_cast %get3A_213 : vector<1x16xf32> to vector<16xf32>
          %mul3A_215 = vector.broadcast %squeeze3A : f32 to vector<16xf32>
          %mul3A_216 = arith.mulf %get3A_214, %mul3A_215 : vector<16xf32>
          %add3A_217 = arith.constant 0 : i32
          %add3A_218 = arith.addi %mul3A_145, %add3A_217 : i32
          %swap3A_219 = arith.index_cast %add3A_218 : i32 to index
          %swap3A_220 = arith.constant 64 : index
          %swap3A_221 = tpu.vector_load %arg21[%swap3A_219, %swap3A_220] {strides = array<i32>} : memref<80x128xf32, #tpu.memory_space<vmem>>, vector<1x16xf32>,
          %swap3A_222 = vector.shape_cast %swap3A_221 : vector<1x16xf32> to vector<16xf32>
          %swap3A_223 = vector.shape_cast %mul3A_216 : vector<16xf32> to vector<1x16xf32>
          tpu.vector_store %arg21[%swap3A_219, %swap3A_220], %swap3A_223 {strides = array<i32>} : memref<80x128xf32, #tpu.memory_space<vmem>>, vector<1x16xf32>,
          %add3A_224 = arith.constant 0 : i32
          %add3A_225 = arith.addi %mul3A_145, %add3A_224 : i32
          %get3A_226 = arith.index_cast %add3A_225 : i32 to index
          %get3A_227 = arith.constant 80 : index
          %get3A_228 = tpu.vector_load %arg21[%get3A_226, %get3A_227] {strides = array<i32>} : memref<80x128xf32, #tpu.memory_space<vmem>>, vector<1x16xf32>,
          %get3A_229 = vector.shape_cast %get3A_228 : vector<1x16xf32> to vector<16xf32>
          %mul3A_230 = vector.broadcast %squeeze3A : f32 to vector<16xf32>
          %mul3A_231 = arith.mulf %get3A_229, %mul3A_230 : vector<16xf32>
          %add3A_232 = arith.constant 0 : i32
          %add3A_233 = arith.addi %mul3A_145, %add3A_232 : i32
          %swap3A_234 = arith.index_cast %add3A_233 : i32 to index
          %swap3A_235 = arith.constant 80 : index
          %swap3A_236 = tpu.vector_load %arg21[%swap3A_234, %swap3A_235] {strides = array<i32>} : memref<80x128xf32, #tpu.memory_space<vmem>>, vector<1x16xf32>,
          %swap3A_237 = vector.shape_cast %swap3A_236 : vector<1x16xf32> to vector<16xf32>
          %swap3A_238 = vector.shape_cast %mul3A_231 : vector<16xf32> to vector<1x16xf32>
          tpu.vector_store %arg21[%swap3A_234, %swap3A_235], %swap3A_238 {strides = array<i32>} : memref<80x128xf32, #tpu.memory_space<vmem>>, vector<1x16xf32>,
          %add3A_239 = arith.constant 0 : i32
          %add3A_240 = arith.addi %mul3A_145, %add3A_239 : i32
          %get3A_241 = arith.index_cast %add3A_240 : i32 to index
          %get3A_242 = arith.constant 96 : index
          %get3A_243 = tpu.vector_load %arg21[%get3A_241, %get3A_242] {strides = array<i32>} : memref<80x128xf32, #tpu.memory_space<vmem>>, vector<1x16xf32>,
          %get3A_244 = vector.shape_cast %get3A_243 : vector<1x16xf32> to vector<16xf32>
          %mul3A_245 = vector.broadcast %squeeze3A : f32 to vector<16xf32>
          %mul3A_246 = arith.mulf %get3A_244, %mul3A_245 : vector<16xf32>
          %add3A_247 = arith.constant 0 : i32
          %add3A_248 = arith.addi %mul3A_145, %add3A_247 : i32
          %swap3A_249 = arith.index_cast %add3A_248 : i32 to index
          %swap3A_250 = arith.constant 96 : index
          %swap3A_251 = tpu.vector_load %arg21[%swap3A_249, %swap3A_250] {strides = array<i32>} : memref<80x128xf32, #tpu.memory_space<vmem>>, vector<1x16xf32>,
          %swap3A_252 = vector.shape_cast %swap3A_251 : vector<1x16xf32> to vector<16xf32>
          %swap3A_253 = vector.shape_cast %mul3A_246 : vector<16xf32> to vector<1x16xf32>
          tpu.vector_store %arg21[%swap3A_249, %swap3A_250], %swap3A_253 {strides = array<i32>} : memref<80x128xf32, #tpu.memory_space<vmem>>, vector<1x16xf32>,
          %add3A_254 = arith.constant 0 : i32
          %add3A_255 = arith.addi %mul3A_145, %add3A_254 : i32
          %get3A_256 = arith.index_cast %add3A_255 : i32 to index
          %get3A_257 = arith.constant 112 : index
          %get3A_258 = tpu.vector_load %arg21[%get3A_256, %get3A_257] {strides = array<i32>} : memref<80x128xf32, #tpu.memory_space<vmem>>, vector<1x16xf32>,
          %get3A_259 = vector.shape_cast %get3A_258 : vector<1x16xf32> to vector<16xf32>
          %mul3A_260 = vector.broadcast %squeeze3A : f32 to vector<16xf32>
          %mul3A_261 = arith.mulf %get3A_259, %mul3A_260 : vector<16xf32>
          %add3A_262 = arith.constant 0 : i32
          %add3A_263 = arith.addi %mul3A_145, %add3A_262 : i32
          %swap3A_264 = arith.index_cast %add3A_263 : i32 to index
          %swap3A_265 = arith.constant 112 : index
          %swap3A_266 = tpu.vector_load %arg21[%swap3A_264, %swap3A_265] {strides = array<i32>} : memref<80x128xf32, #tpu.memory_space<vmem>>, vector<1x16xf32>,
          %swap3A_267 = vector.shape_cast %swap3A_266 : vector<1x16xf32> to vector<16xf32>
          %swap3A_268 = vector.shape_cast %mul3A_261 : vector<16xf32> to vector<1x16xf32>
          tpu.vector_store %arg21[%swap3A_264, %swap3A_265], %swap3A_268 {strides = array<i32>} : memref<80x128xf32, #tpu.memory_space<vmem>>, vector<1x16xf32>,
          %slice3A_269 = vector.extract_strided_slice %get3A_148 {offsets = [1], sizes = [1], strides = [1]} : vector<16xf32> to vector<1xf32>
          %squeeze3A_270 = vector.extract %slice3A_269[0] : f32 from vector<1xf32>
          %add3A_271 = arith.constant 1 : i32
          %add3A_272 = arith.addi %mul3A_145, %add3A_271 : i32
          %get3A_273 = arith.index_cast %add3A_272 : i32 to index
          %get3A_274 = arith.constant 0 : index
          %get3A_275 = tpu.vector_load %arg21[%get3A_273, %get3A_274] {strides = array<i32>} : memref<80x128xf32, #tpu.memory_space<vmem>>, vector<1x16xf32>,
          %get3A_276 = vector.shape_cast %get3A_275 : vector<1x16xf32> to vector<16xf32>
          %mul3A_277 = vector.broadcast %squeeze3A_270 : f32 to vector<16xf32>
          %mul3A_278 = arith.mulf %get3A_276, %mul3A_277 : vector<16xf32>
          %add3A_279 = arith.constant 1 : i32
          %add3A_280 = arith.addi %mul3A_145, %add3A_279 : i32
          %swap3A_281 = arith.index_cast %add3A_280 : i32 to index
          %swap3A_282 = arith.constant 0 : index
          %swap3A_283 = tpu.vector_load %arg21[%swap3A_281, %swap3A_282] {strides = array<i32>} : memref<80x128xf32, #tpu.memory_space<vmem>>, vector<1x16xf32>,
          %swap3A_284 = vector.shape_cast %swap3A_283 : vector<1x16xf32> to vector<16xf32>
          %swap3A_285 = vector.shape_cast %mul3A_278 : vector<16xf32> to vector<1x16xf32>
          tpu.vector_store %arg21[%swap3A_281, %swap3A_282], %swap3A_285 {strides = array<i32>} : memref<80x128xf32, #tpu.memory_space<vmem>>, vector<1x16xf32>,
          %add3A_286 = arith.constant 1 : i32
          %add3A_287 = arith.addi %mul3A_145, %add3A_286 : i32
          %get3A_288 = arith.index_cast %add3A_287 : i32 to index
          %get3A_289 = arith.constant 16 : index
          %get3A_290 = tpu.vector_load %arg21[%get3A_288, %get3A_289] {strides = array<i32>} : memref<80x128xf32, #tpu.memory_space<vmem>>, vector<1x16xf32>,
          %get3A_291 = vector.shape_cast %get3A_290 : vector<1x16xf32> to vector<16xf32>
          %mul3A_292 = vector.broadcast %squeeze3A_270 : f32 to vector<16xf32>
          %mul3A_293 = arith.mulf %get3A_291, %mul3A_292 : vector<16xf32>
          %add3A_294 = arith.constant 1 : i32
          %add3A_295 = arith.addi %mul3A_145, %add3A_294 : i32
          %swap3A_296 = arith.index_cast %add3A_295 : i32 to index
          %swap3A_297 = arith.constant 16 : index
          %swap3A_298 = tpu.vector_load %arg21[%swap3A_296, %swap3A_297] {strides = array<i32>} : memref<80x128xf32, #tpu.memory_space<vmem>>, vector<1x16xf32>,
          %swap3A_299 = vector.shape_cast %swap3A_298 : vector<1x16xf32> to vector<16xf32>
          %swap3A_300 = vector.shape_cast %mul3A_293 : vector<16xf32> to vector<1x16xf32>
          tpu.vector_store %arg21[%swap3A_296, %swap3A_297], %swap3A_300 {strides = array<i32>} : memref<80x128xf32, #tpu.memory_space<vmem>>, vector<1x16xf32>,
          %add3A_301 = arith.constant 1 : i32
          %add3A_302 = arith.addi %mul3A_145, %add3A_301 : i32
          %get3A_303 = arith.index_cast %add3A_302 : i32 to index
          %get3A_304 = arith.constant 32 : index
          %get3A_305 = tpu.vector_load %arg21[%get3A_303, %get3A_304] {strides = array<i32>} : memref<80x128xf32, #tpu.memory_space<vmem>>, vector<1x16xf32>,
          %get3A_306 = vector.shape_cast %get3A_305 : vector<1x16xf32> to vector<16xf32>
          %mul3A_307 = vector.broadcast %squeeze3A_270 : f32 to vector<16xf32>
          %mul3A_308 = arith.mulf %get3A_306, %mul3A_307 : vector<16xf32>
          %add3A_309 = arith.constant 1 : i32
          %add3A_310 = arith.addi %mul3A_145, %add3A_309 : i32
          %swap3A_311 = arith.index_cast %add3A_310 : i32 to index
          %swap3A_312 = arith.constant 32 : index
          %swap3A_313 = tpu.vector_load %arg21[%swap3A_311, %swap3A_312] {strides = array<i32>} : memref<80x128xf32, #tpu.memory_space<vmem>>, vector<1x16xf32>,
          %swap3A_314 = vector.shape_cast %swap3A_313 : vector<1x16xf32> to vector<16xf32>
          %swap3A_315 = vector.shape_cast %mul3A_308 : vector<16xf32> to vector<1x16xf32>
          tpu.vector_store %arg21[%swap3A_311, %swap3A_312], %swap3A_315 {strides = array<i32>} : memref<80x128xf32, #tpu.memory_space<vmem>>, vector<1x16xf32>,
          %add3A_316 = arith.constant 1 : i32
          %add3A_317 = arith.addi %mul3A_145, %add3A_316 : i32
          %get3A_318 = arith.index_cast %add3A_317 : i32 to index
          %get3A_319 = arith.constant 48 : index
          %get3A_320 = tpu.vector_load %arg21[%get3A_318, %get3A_319] {strides = array<i32>} : memref<80x128xf32, #tpu.memory_space<vmem>>, vector<1x16xf32>,
          %get3A_321 = vector.shape_cast %get3A_320 : vector<1x16xf32> to vector<16xf32>
          %mul3A_322 = vector.broadcast %squeeze3A_270 : f32 to vector<16xf32>
          %mul3A_323 = arith.mulf %get3A_321, %mul3A_322 : vector<16xf32>
          %add3A_324 = arith.constant 1 : i32
          %add3A_325 = arith.addi %mul3A_145, %add3A_324 : i32
          %swap3A_326 = arith.index_cast %add3A_325 : i32 to index
          %swap3A_327 = arith.constant 48 : index
          %swap3A_328 = tpu.vector_load %arg21[%swap3A_326, %swap3A_327] {strides = array<i32>} : memref<80x128xf32, #tpu.memory_space<vmem>>, vector<1x16xf32>,
          %swap3A_329 = vector.shape_cast %swap3A_328 : vector<1x16xf32> to vector<16xf32>
          %swap3A_330 = vector.shape_cast %mul3A_323 : vector<16xf32> to vector<1x16xf32>
          tpu.vector_store %arg21[%swap3A_326, %swap3A_327], %swap3A_330 {strides = array<i32>} : memref<80x128xf32, #tpu.memory_space<vmem>>, vector<1x16xf32>,
          %add3A_331 = arith.constant 1 : i32
          %add3A_332 = arith.addi %mul3A_145, %add3A_331 : i32
          %get3A_333 = arith.index_cast %add3A_332 : i32 to index
          %get3A_334 = arith.constant 64 : index
          %get3A_335 = tpu.vector_load %arg21[%get3A_333, %get3A_334] {strides = array<i32>} : memref<80x128xf32, #tpu.memory_space<vmem>>, vector<1x16xf32>,
          %get3A_336 = vector.shape_cast %get3A_335 : vector<1x16xf32> to vector<16xf32>
          %mul3A_337 = vector.broadcast %squeeze3A_270 : f32 to vector<16xf32>
          %mul3A_338 = arith.mulf %get3A_336, %mul3A_337 : vector<16xf32>
          %add3A_339 = arith.constant 1 : i32
          %add3A_340 = arith.addi %mul3A_145, %add3A_339 : i32
          %swap3A_341 = arith.index_cast %add3A_340 : i32 to index
          %swap3A_342 = arith.constant 64 : index
          %swap3A_343 = tpu.vector_load %arg21[%swap3A_341, %swap3A_342] {strides = array<i32>} : memref<80x128xf32, #tpu.memory_space<vmem>>, vector<1x16xf32>,
          %swap3A_344 = vector.shape_cast %swap3A_343 : vector<1x16xf32> to vector<16xf32>
          %swap3A_345 = vector.shape_cast %mul3A_338 : vector<16xf32> to vector<1x16xf32>
          tpu.vector_store %arg21[%swap3A_341, %swap3A_342], %swap3A_345 {strides = array<i32>} : memref<80x128xf32, #tpu.memory_space<vmem>>, vector<1x16xf32>,
          %add3A_346 = arith.constant 1 : i32
          %add3A_347 = arith.addi %mul3A_145, %add3A_346 : i32
          %get3A_348 = arith.index_cast %add3A_347 : i32 to index
          %get3A_349 = arith.constant 80 : index
          %get3A_350 = tpu.vector_load %arg21[%get3A_348, %get3A_349] {strides = array<i32>} : memref<80x128xf32, #tpu.memory_space<vmem>>, vector<1x16xf32>,
          %get3A_351 = vector.shape_cast %get3A_350 : vector<1x16xf32> to vector<16xf32>
          %mul3A_352 = vector.broadcast %squeeze3A_270 : f32 to vector<16xf32>
          %mul3A_353 = arith.mulf %get3A_351, %mul3A_352 : vector<16xf32>
          %add3A_354 = arith.constant 1 : i32
          %add3A_355 = arith.addi %mul3A_145, %add3A_354 : i32
          %swap3A_356 = arith.index_cast %add3A_355 : i32 to index
          %swap3A_357 = arith.constant 80 : index
          %swap3A_358 = tpu.vector_load %arg21[%swap3A_356, %swap3A_357] {strides = array<i32>} : memref<80x128xf32, #tpu.memory_space<vmem>>, vector<1x16xf32>,
          %swap3A_359 = vector.shape_cast %swap3A_358 : vector<1x16xf32> to vector<16xf32>
          %swap3A_360 = vector.shape_cast %mul3A_353 : vector<16xf32> to vector<1x16xf32>
          tpu.vector_store %arg21[%swap3A_356, %swap3A_357], %swap3A_360 {strides = array<i32>} : memref<80x128xf32, #tpu.memory_space<vmem>>, vector<1x16xf32>,
          %add3A_361 = arith.constant 1 : i32
          %add3A_362 = arith.addi %mul3A_145, %add3A_361 : i32
          %get3A_363 = arith.index_cast %add3A_362 : i32 to index
          %get3A_364 = arith.constant 96 : index
          %get3A_365 = tpu.vector_load %arg21[%get3A_363, %get3A_364] {strides = array<i32>} : memref<80x128xf32, #tpu.memory_space<vmem>>, vector<1x16xf32>,
          %get3A_366 = vector.shape_cast %get3A_365 : vector<1x16xf32> to vector<16xf32>
          %mul3A_367 = vector.broadcast %squeeze3A_270 : f32 to vector<16xf32>
          %mul3A_368 = arith.mulf %get3A_366, %mul3A_367 : vector<16xf32>
          %add3A_369 = arith.constant 1 : i32
          %add3A_370 = arith.addi %mul3A_145, %add3A_369 : i32
          %swap3A_371 = arith.index_cast %add3A_370 : i32 to index
          %swap3A_372 = arith.constant 96 : index
          %swap3A_373 = tpu.vector_load %arg21[%swap3A_371, %swap3A_372] {strides = array<i32>} : memref<80x128xf32, #tpu.memory_space<vmem>>, vector<1x16xf32>,
          %swap3A_374 = vector.shape_cast %swap3A_373 : vector<1x16xf32> to vector<16xf32>
          %swap3A_375 = vector.shape_cast %mul3A_368 : vector<16xf32> to vector<1x16xf32>
          tpu.vector_store %arg21[%swap3A_371, %swap3A_372], %swap3A_375 {strides = array<i32>} : memref<80x128xf32, #tpu.memory_space<vmem>>, vector<1x16xf32>,
          %add3A_376 = arith.constant 1 : i32
          %add3A_377 = arith.addi %mul3A_145, %add3A_376 : i32
          %get3A_378 = arith.index_cast %add3A_377 : i32 to index
          %get3A_379 = arith.constant 112 : index
          %get3A_380 = tpu.vector_load %arg21[%get3A_378, %get3A_379] {strides = array<i32>} : memref<80x128xf32, #tpu.memory_space<vmem>>, vector<1x16xf32>,
          %get3A_381 = vector.shape_cast %get3A_380 : vector<1x16xf32> to vector<16xf32>
          %mul3A_382 = vector.broadcast %squeeze3A_270 : f32 to vector<16xf32>
          %mul3A_383 = arith.mulf %get3A_381, %mul3A_382 : vector<16xf32>
          %add3A_384 = arith.constant 1 : i32
          %add3A_385 = arith.addi %mul3A_145, %add3A_384 : i32
          %swap3A_386 = arith.index_cast %add3A_385 : i32 to index
          %swap3A_387 = arith.constant 112 : index
          %swap3A_388 = tpu.vector_load %arg21[%swap3A_386, %swap3A_387] {strides = array<i32>} : memref<80x128xf32, #tpu.memory_space<vmem>>, vector<1x16xf32>,
          %swap3A_389 = vector.shape_cast %swap3A_388 : vector<1x16xf32> to vector<16xf32>
          %swap3A_390 = vector.shape_cast %mul3A_383 : vector<16xf32> to vector<1x16xf32>
          tpu.vector_store %arg21[%swap3A_386, %swap3A_387], %swap3A_390 {strides = array<i32>} : memref<80x128xf32, #tpu.memory_space<vmem>>, vector<1x16xf32>,
          %slice3A_391 = vector.extract_strided_slice %get3A_148 {offsets = [2], sizes = [1], strides = [1]} : vector<16xf32> to vector<1xf32>
          %squeeze3A_392 = vector.extract %slice3A_391[0] : f32 from vector<1xf32>
          %add3A_393 = arith.constant 2 : i32
          %add3A_394 = arith.addi %mul3A_145, %add3A_393 : i32
          %get3A_395 = arith.index_cast %add3A_394 : i32 to index
          %get3A_396 = arith.constant 0 : index
          %get3A_397 = tpu.vector_load %arg21[%get3A_395, %get3A_396] {strides = array<i32>} : memref<80x128xf32, #tpu.memory_space<vmem>>, vector<1x16xf32>,
          %get3A_398 = vector.shape_cast %get3A_397 : vector<1x16xf32> to vector<16xf32>
          %mul3A_399 = vector.broadcast %squeeze3A_392 : f32 to vector<16xf32>
          %mul3A_400 = arith.mulf %get3A_398, %mul3A_399 : vector<16xf32>
          %add3A_401 = arith.constant 2 : i32
          %add3A_402 = arith.addi %mul3A_145, %add3A_401 : i32
          %swap3A_403 = arith.index_cast %add3A_402 : i32 to index
          %swap3A_404 = arith.constant 0 : index
          %swap3A_405 = tpu.vector_load %arg21[%swap3A_403, %swap3A_404] {strides = array<i32>} : memref<80x128xf32, #tpu.memory_space<vmem>>, vector<1x16xf32>,
          %swap3A_406 = vector.shape_cast %swap3A_405 : vector<1x16xf32> to vector<16xf32>
          %swap3A_407 = vector.shape_cast %mul3A_400 : vector<16xf32> to vector<1x16xf32>
          tpu.vector_store %arg21[%swap3A_403, %swap3A_404], %swap3A_407 {strides = array<i32>} : memref<80x128xf32, #tpu.memory_space<vmem>>, vector<1x16xf32>,
          %add3A_408 = arith.constant 2 : i32
          %add3A_409 = arith.addi %mul3A_145, %add3A_408 : i32
          %get3A_410 = arith.index_cast %add3A_409 : i32 to index
          %get3A_411 = arith.constant 16 : index
          %get3A_412 = tpu.vector_load %arg21[%get3A_410, %get3A_411] {strides = array<i32>} : memref<80x128xf32, #tpu.memory_space<vmem>>, vector<1x16xf32>,
          %get3A_413 = vector.shape_cast %get3A_412 : vector<1x16xf32> to vector<16xf32>
          %mul3A_414 = vector.broadcast %squeeze3A_392 : f32 to vector<16xf32>
          %mul3A_415 = arith.mulf %get3A_413, %mul3A_414 : vector<16xf32>
          %add3A_416 = arith.constant 2 : i32
          %add3A_417 = arith.addi %mul3A_145, %add3A_416 : i32
          %swap3A_418 = arith.index_cast %add3A_417 : i32 to index
          %swap3A_419 = arith.constant 16 : index
          %swap3A_420 = tpu.vector_load %arg21[%swap3A_418, %swap3A_419] {strides = array<i32>} : memref<80x128xf32, #tpu.memory_space<vmem>>, vector<1x16xf32>,
          %swap3A_421 = vector.shape_cast %swap3A_420 : vector<1x16xf32> to vector<16xf32>
          %swap3A_422 = vector.shape_cast %mul3A_415 : vector<16xf32> to vector<1x16xf32>
          tpu.vector_store %arg21[%swap3A_418, %swap3A_419], %swap3A_422 {strides = array<i32>} : memref<80x128xf32, #tpu.memory_space<vmem>>, vector<1x16xf32>,
          %add3A_423 = arith.constant 2 : i32
          %add3A_424 = arith.addi %mul3A_145, %add3A_423 : i32
          %get3A_425 = arith.index_cast %add3A_424 : i32 to index
          %get3A_426 = arith.constant 32 : index
          %get3A_427 = tpu.vector_load %arg21[%get3A_425, %get3A_426] {strides = array<i32>} : memref<80x128xf32, #tpu.memory_space<vmem>>, vector<1x16xf32>,
          %get3A_428 = vector.shape_cast %get3A_427 : vector<1x16xf32> to vector<16xf32>
          %mul3A_429 = vector.broadcast %squeeze3A_392 : f32 to vector<16xf32>
          %mul3A_430 = arith.mulf %get3A_428, %mul3A_429 : vector<16xf32>
          %add3A_431 = arith.constant 2 : i32
          %add3A_432 = arith.addi %mul3A_145, %add3A_431 : i32
          %swap3A_433 = arith.index_cast %add3A_432 : i32 to index
          %swap3A_434 = arith.constant 32 : index
          %swap3A_435 = tpu.vector_load %arg21[%swap3A_433, %swap3A_434] {strides = array<i32>} : memref<80x128xf32, #tpu.memory_space<vmem>>, vector<1x16xf32>,
          %swap3A_436 = vector.shape_cast %swap3A_435 : vector<1x16xf32> to vector<16xf32>
          %swap3A_437 = vector.shape_cast %mul3A_430 : vector<16xf32> to vector<1x16xf32>
          tpu.vector_store %arg21[%swap3A_433, %swap3A_434], %swap3A_437 {strides = array<i32>} : memref<80x128xf32, #tpu.memory_space<vmem>>, vector<1x16xf32>,
          %add3A_438 = arith.constant 2 : i32
          %add3A_439 = arith.addi %mul3A_145, %add3A_438 : i32
          %get3A_440 = arith.index_cast %add3A_439 : i32 to index
          %get3A_441 = arith.constant 48 : index
          %get3A_442 = tpu.vector_load %arg21[%get3A_440, %get3A_441] {strides = array<i32>} : memref<80x128xf32, #tpu.memory_space<vmem>>, vector<1x16xf32>,
          %get3A_443 = vector.shape_cast %get3A_442 : vector<1x16xf32> to vector<16xf32>
          %mul3A_444 = vector.broadcast %squeeze3A_392 : f32 to vector<16xf32>
          %mul3A_445 = arith.mulf %get3A_443, %mul3A_444 : vector<16xf32>
          %add3A_446 = arith.constant 2 : i32
          %add3A_447 = arith.addi %mul3A_145, %add3A_446 : i32
          %swap3A_448 = arith.index_cast %add3A_447 : i32 to index
          %swap3A_449 = arith.constant 48 : index
          %swap3A_450 = tpu.vector_load %arg21[%swap3A_448, %swap3A_449] {strides = array<i32>} : memref<80x128xf32, #tpu.memory_space<vmem>>, vector<1x16xf32>,
          %swap3A_451 = vector.shape_cast %swap3A_450 : vector<1x16xf32> to vector<16xf32>
          %swap3A_452 = vector.shape_cast %mul3A_445 : vector<16xf32> to vector<1x16xf32>
          tpu.vector_store %arg21[%swap3A_448, %swap3A_449], %swap3A_452 {strides = array<i32>} : memref<80x128xf32, #tpu.memory_space<vmem>>, vector<1x16xf32>,
          %add3A_453 = arith.constant 2 : i32
          %add3A_454 = arith.addi %mul3A_145, %add3A_453 : i32
          %get3A_455 = arith.index_cast %add3A_454 : i32 to index
          %get3A_456 = arith.constant 64 : index
          %get3A_457 = tpu.vector_load %arg21[%get3A_455, %get3A_456] {strides = array<i32>} : memref<80x128xf32, #tpu.memory_space<vmem>>, vector<1x16xf32>,
          %get3A_458 = vector.shape_cast %get3A_457 : vector<1x16xf32> to vector<16xf32>
          %mul3A_459 = vector.broadcast %squeeze3A_392 : f32 to vector<16xf32>
          %mul3A_460 = arith.mulf %get3A_458, %mul3A_459 : vector<16xf32>
          %add3A_461 = arith.constant 2 : i32
          %add3A_462 = arith.addi %mul3A_145, %add3A_461 : i32
          %swap3A_463 = arith.index_cast %add3A_462 : i32 to index
          %swap3A_464 = arith.constant 64 : index
          %swap3A_465 = tpu.vector_load %arg21[%swap3A_463, %swap3A_464] {strides = array<i32>} : memref<80x128xf32, #tpu.memory_space<vmem>>, vector<1x16xf32>,
          %swap3A_466 = vector.shape_cast %swap3A_465 : vector<1x16xf32> to vector<16xf32>
          %swap3A_467 = vector.shape_cast %mul3A_460 : vector<16xf32> to vector<1x16xf32>
          tpu.vector_store %arg21[%swap3A_463, %swap3A_464], %swap3A_467 {strides = array<i32>} : memref<80x128xf32, #tpu.memory_space<vmem>>, vector<1x16xf32>,
          %add3A_468 = arith.constant 2 : i32
          %add3A_469 = arith.addi %mul3A_145, %add3A_468 : i32
          %get3A_470 = arith.index_cast %add3A_469 : i32 to index
          %get3A_471 = arith.constant 80 : index
          %get3A_472 = tpu.vector_load %arg21[%get3A_470, %get3A_471] {strides = array<i32>} : memref<80x128xf32, #tpu.memory_space<vmem>>, vector<1x16xf32>,
          %get3A_473 = vector.shape_cast %get3A_472 : vector<1x16xf32> to vector<16xf32>
          %mul3A_474 = vector.broadcast %squeeze3A_392 : f32 to vector<16xf32>
          %mul3A_475 = arith.mulf %get3A_473, %mul3A_474 : vector<16xf32>
          %add3A_476 = arith.constant 2 : i32
          %add3A_477 = arith.addi %mul3A_145, %add3A_476 : i32
          %swap3A_478 = arith.index_cast %add3A_477 : i32 to index
          %swap3A_479 = arith.constant 80 : index
          %swap3A_480 = tpu.vector_load %arg21[%swap3A_478, %swap3A_479] {strides = array<i32>} : memref<80x128xf32, #tpu.memory_space<vmem>>, vector<1x16xf32>,
          %swap3A_481 = vector.shape_cast %swap3A_480 : vector<1x16xf32> to vector<16xf32>
          %swap3A_482 = vector.shape_cast %mul3A_475 : vector<16xf32> to vector<1x16xf32>
          tpu.vector_store %arg21[%swap3A_478, %swap3A_479], %swap3A_482 {strides = array<i32>} : memref<80x128xf32, #tpu.memory_space<vmem>>, vector<1x16xf32>,
          %add3A_483 = arith.constant 2 : i32
          %add3A_484 = arith.addi %mul3A_145, %add3A_483 : i32
          %get3A_485 = arith.index_cast %add3A_484 : i32 to index
          %get3A_486 = arith.constant 96 : index
          %get3A_487 = tpu.vector_load %arg21[%get3A_485, %get3A_486] {strides = array<i32>} : memref<80x128xf32, #tpu.memory_space<vmem>>, vector<1x16xf32>,
          %get3A_488 = vector.shape_cast %get3A_487 : vector<1x16xf32> to vector<16xf32>
          %mul3A_489 = vector.broadcast %squeeze3A_392 : f32 to vector<16xf32>
          %mul3A_490 = arith.mulf %get3A_488, %mul3A_489 : vector<16xf32>
          %add3A_491 = arith.constant 2 : i32
          %add3A_492 = arith.addi %mul3A_145, %add3A_491 : i32
          %swap3A_493 = arith.index_cast %add3A_492 : i32 to index
          %swap3A_494 = arith.constant 96 : index
          %swap3A_495 = tpu.vector_load %arg21[%swap3A_493, %swap3A_494] {strides = array<i32>} : memref<80x128xf32, #tpu.memory_space<vmem>>, vector<1x16xf32>,
          %swap3A_496 = vector.shape_cast %swap3A_495 : vector<1x16xf32> to vector<16xf32>
          %swap3A_497 = vector.shape_cast %mul3A_490 : vector<16xf32> to vector<1x16xf32>
          tpu.vector_store %arg21[%swap3A_493, %swap3A_494], %swap3A_497 {strides = array<i32>} : memref<80x128xf32, #tpu.memory_space<vmem>>, vector<1x16xf32>,
          %add3A_498 = arith.constant 2 : i32
          %add3A_499 = arith.addi %mul3A_145, %add3A_498 : i32
          %get3A_500 = arith.index_cast %add3A_499 : i32 to index
          %get3A_501 = arith.constant 112 : index
          %get3A_502 = tpu.vector_load %arg21[%get3A_500, %get3A_501] {strides = array<i32>} : memref<80x128xf32, #tpu.memory_space<vmem>>, vector<1x16xf32>,
          %get3A_503 = vector.shape_cast %get3A_502 : vector<1x16xf32> to vector<16xf32>
          %mul3A_504 = vector.broadcast %squeeze3A_392 : f32 to vector<16xf32>
          %mul3A_505 = arith.mulf %get3A_503, %mul3A_504 : vector<16xf32>
          %add3A_506 = arith.constant 2 : i32
          %add3A_507 = arith.addi %mul3A_145, %add3A_506 : i32
          %swap3A_508 = arith.index_cast %add3A_507 : i32 to index
          %swap3A_509 = arith.constant 112 : index
          %swap3A_510 = tpu.vector_load %arg21[%swap3A_508, %swap3A_509] {strides = array<i32>} : memref<80x128xf32, #tpu.memory_space<vmem>>, vector<1x16xf32>,
          %swap3A_511 = vector.shape_cast %swap3A_510 : vector<1x16xf32> to vector<16xf32>
          %swap3A_512 = vector.shape_cast %mul3A_505 : vector<16xf32> to vector<1x16xf32>
          tpu.vector_store %arg21[%swap3A_508, %swap3A_509], %swap3A_512 {strides = array<i32>} : memref<80x128xf32, #tpu.memory_space<vmem>>, vector<1x16xf32>,
          %slice3A_513 = vector.extract_strided_slice %get3A_148 {offsets = [3], sizes = [1], strides = [1]} : vector<16xf32> to vector<1xf32>
          %squeeze3A_514 = vector.extract %slice3A_513[0] : f32 from vector<1xf32>
          %add3A_515 = arith.constant 3 : i32
          %add3A_516 = arith.addi %mul3A_145, %add3A_515 : i32
          %get3A_517 = arith.index_cast %add3A_516 : i32 to index
          %get3A_518 = arith.constant 0 : index
          %get3A_519 = tpu.vector_load %arg21[%get3A_517, %get3A_518] {strides = array<i32>} : memref<80x128xf32, #tpu.memory_space<vmem>>, vector<1x16xf32>,
          %get3A_520 = vector.shape_cast %get3A_519 : vector<1x16xf32> to vector<16xf32>
          %mul3A_521 = vector.broadcast %squeeze3A_514 : f32 to vector<16xf32>
          %mul3A_522 = arith.mulf %get3A_520, %mul3A_521 : vector<16xf32>
          %add3A_523 = arith.constant 3 : i32
          %add3A_524 = arith.addi %mul3A_145, %add3A_523 : i32
          %swap3A_525 = arith.index_cast %add3A_524 : i32 to index
          %swap3A_526 = arith.constant 0 : index
          %swap3A_527 = tpu.vector_load %arg21[%swap3A_525, %swap3A_526] {strides = array<i32>} : memref<80x128xf32, #tpu.memory_space<vmem>>, vector<1x16xf32>,
          %swap3A_528 = vector.shape_cast %swap3A_527 : vector<1x16xf32> to vector<16xf32>
          %swap3A_529 = vector.shape_cast %mul3A_522 : vector<16xf32> to vector<1x16xf32>
          tpu.vector_store %arg21[%swap3A_525, %swap3A_526], %swap3A_529 {strides = array<i32>} : memref<80x128xf32, #tpu.memory_space<vmem>>, vector<1x16xf32>,
          %add3A_530 = arith.constant 3 : i32
          %add3A_531 = arith.addi %mul3A_145, %add3A_530 : i32
          %get3A_532 = arith.index_cast %add3A_531 : i32 to index
          %get3A_533 = arith.constant 16 : index
          %get3A_534 = tpu.vector_load %arg21[%get3A_532, %get3A_533] {strides = array<i32>} : memref<80x128xf32, #tpu.memory_space<vmem>>, vector<1x16xf32>,
          %get3A_535 = vector.shape_cast %get3A_534 : vector<1x16xf32> to vector<16xf32>
          %mul3A_536 = vector.broadcast %squeeze3A_514 : f32 to vector<16xf32>
          %mul3A_537 = arith.mulf %get3A_535, %mul3A_536 : vector<16xf32>
          %add3A_538 = arith.constant 3 : i32
          %add3A_539 = arith.addi %mul3A_145, %add3A_538 : i32
          %swap3A_540 = arith.index_cast %add3A_539 : i32 to index
          %swap3A_541 = arith.constant 16 : index
          %swap3A_542 = tpu.vector_load %arg21[%swap3A_540, %swap3A_541] {strides = array<i32>} : memref<80x128xf32, #tpu.memory_space<vmem>>, vector<1x16xf32>,
          %swap3A_543 = vector.shape_cast %swap3A_542 : vector<1x16xf32> to vector<16xf32>
          %swap3A_544 = vector.shape_cast %mul3A_537 : vector<16xf32> to vector<1x16xf32>
          tpu.vector_store %arg21[%swap3A_540, %swap3A_541], %swap3A_544 {strides = array<i32>} : memref<80x128xf32, #tpu.memory_space<vmem>>, vector<1x16xf32>,
          %add3A_545 = arith.constant 3 : i32
          %add3A_546 = arith.addi %mul3A_145, %add3A_545 : i32
          %get3A_547 = arith.index_cast %add3A_546 : i32 to index
          %get3A_548 = arith.constant 32 : index
          %get3A_549 = tpu.vector_load %arg21[%get3A_547, %get3A_548] {strides = array<i32>} : memref<80x128xf32, #tpu.memory_space<vmem>>, vector<1x16xf32>,
          %get3A_550 = vector.shape_cast %get3A_549 : vector<1x16xf32> to vector<16xf32>
          %mul3A_551 = vector.broadcast %squeeze3A_514 : f32 to vector<16xf32>
          %mul3A_552 = arith.mulf %get3A_550, %mul3A_551 : vector<16xf32>
          %add3A_553 = arith.constant 3 : i32
          %add3A_554 = arith.addi %mul3A_145, %add3A_553 : i32
          %swap3A_555 = arith.index_cast %add3A_554 : i32 to index
          %swap3A_556 = arith.constant 32 : index
          %swap3A_557 = tpu.vector_load %arg21[%swap3A_555, %swap3A_556] {strides = array<i32>} : memref<80x128xf32, #tpu.memory_space<vmem>>, vector<1x16xf32>,
          %swap3A_558 = vector.shape_cast %swap3A_557 : vector<1x16xf32> to vector<16xf32>
          %swap3A_559 = vector.shape_cast %mul3A_552 : vector<16xf32> to vector<1x16xf32>
          tpu.vector_store %arg21[%swap3A_555, %swap3A_556], %swap3A_559 {strides = array<i32>} : memref<80x128xf32, #tpu.memory_space<vmem>>, vector<1x16xf32>,
          %add3A_560 = arith.constant 3 : i32
          %add3A_561 = arith.addi %mul3A_145, %add3A_560 : i32
          %get3A_562 = arith.index_cast %add3A_561 : i32 to index
          %get3A_563 = arith.constant 48 : index
          %get3A_564 = tpu.vector_load %arg21[%get3A_562, %get3A_563] {strides = array<i32>} : memref<80x128xf32, #tpu.memory_space<vmem>>, vector<1x16xf32>,
          %get3A_565 = vector.shape_cast %get3A_564 : vector<1x16xf32> to vector<16xf32>
          %mul3A_566 = vector.broadcast %squeeze3A_514 : f32 to vector<16xf32>
          %mul3A_567 = arith.mulf %get3A_565, %mul3A_566 : vector<16xf32>
          %add3A_568 = arith.constant 3 : i32
          %add3A_569 = arith.addi %mul3A_145, %add3A_568 : i32
          %swap3A_570 = arith.index_cast %add3A_569 : i32 to index
          %swap3A_571 = arith.constant 48 : index
          %swap3A_572 = tpu.vector_load %arg21[%swap3A_570, %swap3A_571] {strides = array<i32>} : memref<80x128xf32, #tpu.memory_space<vmem>>, vector<1x16xf32>,
          %swap3A_573 = vector.shape_cast %swap3A_572 : vector<1x16xf32> to vector<16xf32>
          %swap3A_574 = vector.shape_cast %mul3A_567 : vector<16xf32> to vector<1x16xf32>
          tpu.vector_store %arg21[%swap3A_570, %swap3A_571], %swap3A_574 {strides = array<i32>} : memref<80x128xf32, #tpu.memory_space<vmem>>, vector<1x16xf32>,
          %add3A_575 = arith.constant 3 : i32
          %add3A_576 = arith.addi %mul3A_145, %add3A_575 : i32
          %get3A_577 = arith.index_cast %add3A_576 : i32 to index
          %get3A_578 = arith.constant 64 : index
          %get3A_579 = tpu.vector_load %arg21[%get3A_577, %get3A_578] {strides = array<i32>} : memref<80x128xf32, #tpu.memory_space<vmem>>, vector<1x16xf32>,
          %get3A_580 = vector.shape_cast %get3A_579 : vector<1x16xf32> to vector<16xf32>
          %mul3A_581 = vector.broadcast %squeeze3A_514 : f32 to vector<16xf32>
          %mul3A_582 = arith.mulf %get3A_580, %mul3A_581 : vector<16xf32>
          %add3A_583 = arith.constant 3 : i32
          %add3A_584 = arith.addi %mul3A_145, %add3A_583 : i32
          %swap3A_585 = arith.index_cast %add3A_584 : i32 to index
          %swap3A_586 = arith.constant 64 : index
          %swap3A_587 = tpu.vector_load %arg21[%swap3A_585, %swap3A_586] {strides = array<i32>} : memref<80x128xf32, #tpu.memory_space<vmem>>, vector<1x16xf32>,
          %swap3A_588 = vector.shape_cast %swap3A_587 : vector<1x16xf32> to vector<16xf32>
          %swap3A_589 = vector.shape_cast %mul3A_582 : vector<16xf32> to vector<1x16xf32>
          tpu.vector_store %arg21[%swap3A_585, %swap3A_586], %swap3A_589 {strides = array<i32>} : memref<80x128xf32, #tpu.memory_space<vmem>>, vector<1x16xf32>,
          %add3A_590 = arith.constant 3 : i32
          %add3A_591 = arith.addi %mul3A_145, %add3A_590 : i32
          %get3A_592 = arith.index_cast %add3A_591 : i32 to index
          %get3A_593 = arith.constant 80 : index
          %get3A_594 = tpu.vector_load %arg21[%get3A_592, %get3A_593] {strides = array<i32>} : memref<80x128xf32, #tpu.memory_space<vmem>>, vector<1x16xf32>,
          %get3A_595 = vector.shape_cast %get3A_594 : vector<1x16xf32> to vector<16xf32>
          %mul3A_596 = vector.broadcast %squeeze3A_514 : f32 to vector<16xf32>
          %mul3A_597 = arith.mulf %get3A_595, %mul3A_596 : vector<16xf32>
          %add3A_598 = arith.constant 3 : i32
          %add3A_599 = arith.addi %mul3A_145, %add3A_598 : i32
          %swap3A_600 = arith.index_cast %add3A_599 : i32 to index
          %swap3A_601 = arith.constant 80 : index
          %swap3A_602 = tpu.vector_load %arg21[%swap3A_600, %swap3A_601] {strides = array<i32>} : memref<80x128xf32, #tpu.memory_space<vmem>>, vector<1x16xf32>,
          %swap3A_603 = vector.shape_cast %swap3A_602 : vector<1x16xf32> to vector<16xf32>
          %swap3A_604 = vector.shape_cast %mul3A_597 : vector<16xf32> to vector<1x16xf32>
          tpu.vector_store %arg21[%swap3A_600, %swap3A_601], %swap3A_604 {strides = array<i32>} : memref<80x128xf32, #tpu.memory_space<vmem>>, vector<1x16xf32>,
          %add3A_605 = arith.constant 3 : i32
          %add3A_606 = arith.addi %mul3A_145, %add3A_605 : i32
          %get3A_607 = arith.index_cast %add3A_606 : i32 to index
          %get3A_608 = arith.constant 96 : index
          %get3A_609 = tpu.vector_load %arg21[%get3A_607, %get3A_608] {strides = array<i32>} : memref<80x128xf32, #tpu.memory_space<vmem>>, vector<1x16xf32>,
          %get3A_610 = vector.shape_cast %get3A_609 : vector<1x16xf32> to vector<16xf32>
          %mul3A_611 = vector.broadcast %squeeze3A_514 : f32 to vector<16xf32>
          %mul3A_612 = arith.mulf %get3A_610, %mul3A_611 : vector<16xf32>
          %add3A_613 = arith.constant 3 : i32
          %add3A_614 = arith.addi %mul3A_145, %add3A_613 : i32
          %swap3A_615 = arith.index_cast %add3A_614 : i32 to index
          %swap3A_616 = arith.constant 96 : index
          %swap3A_617 = tpu.vector_load %arg21[%swap3A_615, %swap3A_616] {strides = array<i32>} : memref<80x128xf32, #tpu.memory_space<vmem>>, vector<1x16xf32>,
          %swap3A_618 = vector.shape_cast %swap3A_617 : vector<1x16xf32> to vector<16xf32>
          %swap3A_619 = vector.shape_cast %mul3A_612 : vector<16xf32> to vector<1x16xf32>
          tpu.vector_store %arg21[%swap3A_615, %swap3A_616], %swap3A_619 {strides = array<i32>} : memref<80x128xf32, #tpu.memory_space<vmem>>, vector<1x16xf32>,
          %add3A_620 = arith.constant 3 : i32
          %add3A_621 = arith.addi %mul3A_145, %add3A_620 : i32
          %get3A_622 = arith.index_cast %add3A_621 : i32 to index
          %get3A_623 = arith.constant 112 : index
          %get3A_624 = tpu.vector_load %arg21[%get3A_622, %get3A_623] {strides = array<i32>} : memref<80x128xf32, #tpu.memory_space<vmem>>, vector<1x16xf32>,
          %get3A_625 = vector.shape_cast %get3A_624 : vector<1x16xf32> to vector<16xf32>
          %mul3A_626 = vector.broadcast %squeeze3A_514 : f32 to vector<16xf32>
          %mul3A_627 = arith.mulf %get3A_625, %mul3A_626 : vector<16xf32>
          %add3A_628 = arith.constant 3 : i32
          %add3A_629 = arith.addi %mul3A_145, %add3A_628 : i32
          %swap3A_630 = arith.index_cast %add3A_629 : i32 to index
          %swap3A_631 = arith.constant 112 : index
          %swap3A_632 = tpu.vector_load %arg21[%swap3A_630, %swap3A_631] {strides = array<i32>} : memref<80x128xf32, #tpu.memory_space<vmem>>, vector<1x16xf32>,
          %swap3A_633 = vector.shape_cast %swap3A_632 : vector<1x16xf32> to vector<16xf32>
          %swap3A_634 = vector.shape_cast %mul3A_627 : vector<16xf32> to vector<1x16xf32>
          tpu.vector_store %arg21[%swap3A_630, %swap3A_631], %swap3A_634 {strides = array<i32>} : memref<80x128xf32, #tpu.memory_space<vmem>>, vector<1x16xf32>,
          %slice3A_635 = vector.extract_strided_slice %get3A_148 {offsets = [4], sizes = [1], strides = [1]} : vector<16xf32> to vector<1xf32>
          %squeeze3A_636 = vector.extract %slice3A_635[0] : f32 from vector<1xf32>
          %add3A_637 = arith.constant 4 : i32
          %add3A_638 = arith.addi %mul3A_145, %add3A_637 : i32
          %get3A_639 = arith.index_cast %add3A_638 : i32 to index
          %get3A_640 = arith.constant 0 : index
          %get3A_641 = tpu.vector_load %arg21[%get3A_639, %get3A_640] {strides = array<i32>} : memref<80x128xf32, #tpu.memory_space<vmem>>, vector<1x16xf32>,
          %get3A_642 = vector.shape_cast %get3A_641 : vector<1x16xf32> to vector<16xf32>
          %mul3A_643 = vector.broadcast %squeeze3A_636 : f32 to vector<16xf32>
          %mul3A_644 = arith.mulf %get3A_642, %mul3A_643 : vector<16xf32>
          %add3A_645 = arith.constant 4 : i32
          %add3A_646 = arith.addi %mul3A_145, %add3A_645 : i32
          %swap3A_647 = arith.index_cast %add3A_646 : i32 to index
          %swap3A_648 = arith.constant 0 : index
          %swap3A_649 = tpu.vector_load %arg21[%swap3A_647, %swap3A_648] {strides = array<i32>} : memref<80x128xf32, #tpu.memory_space<vmem>>, vector<1x16xf32>,
          %swap3A_650 = vector.shape_cast %swap3A_649 : vector<1x16xf32> to vector<16xf32>
          %swap3A_651 = vector.shape_cast %mul3A_644 : vector<16xf32> to vector<1x16xf32>
          tpu.vector_store %arg21[%swap3A_647, %swap3A_648], %swap3A_651 {strides = array<i32>} : memref<80x128xf32, #tpu.memory_space<vmem>>, vector<1x16xf32>,
          %add3A_652 = arith.constant 4 : i32
          %add3A_653 = arith.addi %mul3A_145, %add3A_652 : i32
          %get3A_654 = arith.index_cast %add3A_653 : i32 to index
          %get3A_655 = arith.constant 16 : index
          %get3A_656 = tpu.vector_load %arg21[%get3A_654, %get3A_655] {strides = array<i32>} : memref<80x128xf32, #tpu.memory_space<vmem>>, vector<1x16xf32>,
          %get3A_657 = vector.shape_cast %get3A_656 : vector<1x16xf32> to vector<16xf32>
          %mul3A_658 = vector.broadcast %squeeze3A_636 : f32 to vector<16xf32>
          %mul3A_659 = arith.mulf %get3A_657, %mul3A_658 : vector<16xf32>
          %add3A_660 = arith.constant 4 : i32
          %add3A_661 = arith.addi %mul3A_145, %add3A_660 : i32
          %swap3A_662 = arith.index_cast %add3A_661 : i32 to index
          %swap3A_663 = arith.constant 16 : index
          %swap3A_664 = tpu.vector_load %arg21[%swap3A_662, %swap3A_663] {strides = array<i32>} : memref<80x128xf32, #tpu.memory_space<vmem>>, vector<1x16xf32>,
          %swap3A_665 = vector.shape_cast %swap3A_664 : vector<1x16xf32> to vector<16xf32>
          %swap3A_666 = vector.shape_cast %mul3A_659 : vector<16xf32> to vector<1x16xf32>
          tpu.vector_store %arg21[%swap3A_662, %swap3A_663], %swap3A_666 {strides = array<i32>} : memref<80x128xf32, #tpu.memory_space<vmem>>, vector<1x16xf32>,
          %add3A_667 = arith.constant 4 : i32
          %add3A_668 = arith.addi %mul3A_145, %add3A_667 : i32
          %get3A_669 = arith.index_cast %add3A_668 : i32 to index
          %get3A_670 = arith.constant 32 : index
          %get3A_671 = tpu.vector_load %arg21[%get3A_669, %get3A_670] {strides = array<i32>} : memref<80x128xf32, #tpu.memory_space<vmem>>, vector<1x16xf32>,
          %get3A_672 = vector.shape_cast %get3A_671 : vector<1x16xf32> to vector<16xf32>
          %mul3A_673 = vector.broadcast %squeeze3A_636 : f32 to vector<16xf32>
          %mul3A_674 = arith.mulf %get3A_672, %mul3A_673 : vector<16xf32>
          %add3A_675 = arith.constant 4 : i32
          %add3A_676 = arith.addi %mul3A_145, %add3A_675 : i32
          %swap3A_677 = arith.index_cast %add3A_676 : i32 to index
          %swap3A_678 = arith.constant 32 : index
          %swap3A_679 = tpu.vector_load %arg21[%swap3A_677, %swap3A_678] {strides = array<i32>} : memref<80x128xf32, #tpu.memory_space<vmem>>, vector<1x16xf32>,
          %swap3A_680 = vector.shape_cast %swap3A_679 : vector<1x16xf32> to vector<16xf32>
          %swap3A_681 = vector.shape_cast %mul3A_674 : vector<16xf32> to vector<1x16xf32>
          tpu.vector_store %arg21[%swap3A_677, %swap3A_678], %swap3A_681 {strides = array<i32>} : memref<80x128xf32, #tpu.memory_space<vmem>>, vector<1x16xf32>,
          %add3A_682 = arith.constant 4 : i32
          %add3A_683 = arith.addi %mul3A_145, %add3A_682 : i32
          %get3A_684 = arith.index_cast %add3A_683 : i32 to index
          %get3A_685 = arith.constant 48 : index
          %get3A_686 = tpu.vector_load %arg21[%get3A_684, %get3A_685] {strides = array<i32>} : memref<80x128xf32, #tpu.memory_space<vmem>>, vector<1x16xf32>,
          %get3A_687 = vector.shape_cast %get3A_686 : vector<1x16xf32> to vector<16xf32>
          %mul3A_688 = vector.broadcast %squeeze3A_636 : f32 to vector<16xf32>
          %mul3A_689 = arith.mulf %get3A_687, %mul3A_688 : vector<16xf32>
          %add3A_690 = arith.constant 4 : i32
          %add3A_691 = arith.addi %mul3A_145, %add3A_690 : i32
          %swap3A_692 = arith.index_cast %add3A_691 : i32 to index
          %swap3A_693 = arith.constant 48 : index
          %swap3A_694 = tpu.vector_load %arg21[%swap3A_692, %swap3A_693] {strides = array<i32>} : memref<80x128xf32, #tpu.memory_space<vmem>>, vector<1x16xf32>,
          %swap3A_695 = vector.shape_cast %swap3A_694 : vector<1x16xf32> to vector<16xf32>
          %swap3A_696 = vector.shape_cast %mul3A_689 : vector<16xf32> to vector<1x16xf32>
          tpu.vector_store %arg21[%swap3A_692, %swap3A_693], %swap3A_696 {strides = array<i32>} : memref<80x128xf32, #tpu.memory_space<vmem>>, vector<1x16xf32>,
          %add3A_697 = arith.constant 4 : i32
          %add3A_698 = arith.addi %mul3A_145, %add3A_697 : i32
          %get3A_699 = arith.index_cast %add3A_698 : i32 to index
          %get3A_700 = arith.constant 64 : index
          %get3A_701 = tpu.vector_load %arg21[%get3A_699, %get3A_700] {strides = array<i32>} : memref<80x128xf32, #tpu.memory_space<vmem>>, vector<1x16xf32>,
          %get3A_702 = vector.shape_cast %get3A_701 : vector<1x16xf32> to vector<16xf32>
          %mul3A_703 = vector.broadcast %squeeze3A_636 : f32 to vector<16xf32>
          %mul3A_704 = arith.mulf %get3A_702, %mul3A_703 : vector<16xf32>
          %add3A_705 = arith.constant 4 : i32
          %add3A_706 = arith.addi %mul3A_145, %add3A_705 : i32
          %swap3A_707 = arith.index_cast %add3A_706 : i32 to index
          %swap3A_708 = arith.constant 64 : index
          %swap3A_709 = tpu.vector_load %arg21[%swap3A_707, %swap3A_708] {strides = array<i32>} : memref<80x128xf32, #tpu.memory_space<vmem>>, vector<1x16xf32>,
          %swap3A_710 = vector.shape_cast %swap3A_709 : vector<1x16xf32> to vector<16xf32>
          %swap3A_711 = vector.shape_cast %mul3A_704 : vector<16xf32> to vector<1x16xf32>
          tpu.vector_store %arg21[%swap3A_707, %swap3A_708], %swap3A_711 {strides = array<i32>} : memref<80x128xf32, #tpu.memory_space<vmem>>, vector<1x16xf32>,
          %add3A_712 = arith.constant 4 : i32
          %add3A_713 = arith.addi %mul3A_145, %add3A_712 : i32
          %get3A_714 = arith.index_cast %add3A_713 : i32 to index
          %get3A_715 = arith.constant 80 : index
          %get3A_716 = tpu.vector_load %arg21[%get3A_714, %get3A_715] {strides = array<i32>} : memref<80x128xf32, #tpu.memory_space<vmem>>, vector<1x16xf32>,
          %get3A_717 = vector.shape_cast %get3A_716 : vector<1x16xf32> to vector<16xf32>
          %mul3A_718 = vector.broadcast %squeeze3A_636 : f32 to vector<16xf32>
          %mul3A_719 = arith.mulf %get3A_717, %mul3A_718 : vector<16xf32>
          %add3A_720 = arith.constant 4 : i32
          %add3A_721 = arith.addi %mul3A_145, %add3A_720 : i32
          %swap3A_722 = arith.index_cast %add3A_721 : i32 to index
          %swap3A_723 = arith.constant 80 : index
          %swap3A_724 = tpu.vector_load %arg21[%swap3A_722, %swap3A_723] {strides = array<i32>} : memref<80x128xf32, #tpu.memory_space<vmem>>, vector<1x16xf32>,
          %swap3A_725 = vector.shape_cast %swap3A_724 : vector<1x16xf32> to vector<16xf32>
          %swap3A_726 = vector.shape_cast %mul3A_719 : vector<16xf32> to vector<1x16xf32>
          tpu.vector_store %arg21[%swap3A_722, %swap3A_723], %swap3A_726 {strides = array<i32>} : memref<80x128xf32, #tpu.memory_space<vmem>>, vector<1x16xf32>,
          %add3A_727 = arith.constant 4 : i32
          %add3A_728 = arith.addi %mul3A_145, %add3A_727 : i32
          %get3A_729 = arith.index_cast %add3A_728 : i32 to index
          %get3A_730 = arith.constant 96 : index
          %get3A_731 = tpu.vector_load %arg21[%get3A_729, %get3A_730] {strides = array<i32>} : memref<80x128xf32, #tpu.memory_space<vmem>>, vector<1x16xf32>,
          %get3A_732 = vector.shape_cast %get3A_731 : vector<1x16xf32> to vector<16xf32>
          %mul3A_733 = vector.broadcast %squeeze3A_636 : f32 to vector<16xf32>
          %mul3A_734 = arith.mulf %get3A_732, %mul3A_733 : vector<16xf32>
          %add3A_735 = arith.constant 4 : i32
          %add3A_736 = arith.addi %mul3A_145, %add3A_735 : i32
          %swap3A_737 = arith.index_cast %add3A_736 : i32 to index
          %swap3A_738 = arith.constant 96 : index
          %swap3A_739 = tpu.vector_load %arg21[%swap3A_737, %swap3A_738] {strides = array<i32>} : memref<80x128xf32, #tpu.memory_space<vmem>>, vector<1x16xf32>,
          %swap3A_740 = vector.shape_cast %swap3A_739 : vector<1x16xf32> to vector<16xf32>
          %swap3A_741 = vector.shape_cast %mul3A_734 : vector<16xf32> to vector<1x16xf32>
          tpu.vector_store %arg21[%swap3A_737, %swap3A_738], %swap3A_741 {strides = array<i32>} : memref<80x128xf32, #tpu.memory_space<vmem>>, vector<1x16xf32>,
          %add3A_742 = arith.constant 4 : i32
          %add3A_743 = arith.addi %mul3A_145, %add3A_742 : i32
          %get3A_744 = arith.index_cast %add3A_743 : i32 to index
          %get3A_745 = arith.constant 112 : index
          %get3A_746 = tpu.vector_load %arg21[%get3A_744, %get3A_745] {strides = array<i32>} : memref<80x128xf32, #tpu.memory_space<vmem>>, vector<1x16xf32>,
          %get3A_747 = vector.shape_cast %get3A_746 : vector<1x16xf32> to vector<16xf32>
          %mul3A_748 = vector.broadcast %squeeze3A_636 : f32 to vector<16xf32>
          %mul3A_749 = arith.mulf %get3A_747, %mul3A_748 : vector<16xf32>
          %add3A_750 = arith.constant 4 : i32
          %add3A_751 = arith.addi %mul3A_145, %add3A_750 : i32
          %swap3A_752 = arith.index_cast %add3A_751 : i32 to index
          %swap3A_753 = arith.constant 112 : index
          %swap3A_754 = tpu.vector_load %arg21[%swap3A_752, %swap3A_753] {strides = array<i32>} : memref<80x128xf32, #tpu.memory_space<vmem>>, vector<1x16xf32>,
          %swap3A_755 = vector.shape_cast %swap3A_754 : vector<1x16xf32> to vector<16xf32>
          %swap3A_756 = vector.shape_cast %mul3A_749 : vector<16xf32> to vector<1x16xf32>
          tpu.vector_store %arg21[%swap3A_752, %swap3A_753], %swap3A_756 {strides = array<i32>} : memref<80x128xf32, #tpu.memory_space<vmem>>, vector<1x16xf32>,
          %slice3A_757 = vector.extract_strided_slice %get3A_148 {offsets = [5], sizes = [1], strides = [1]} : vector<16xf32> to vector<1xf32>
          %squeeze3A_758 = vector.extract %slice3A_757[0] : f32 from vector<1xf32>
          %add3A_759 = arith.constant 5 : i32
          %add3A_760 = arith.addi %mul3A_145, %add3A_759 : i32
          %get3A_761 = arith.index_cast %add3A_760 : i32 to index
          %get3A_762 = arith.constant 0 : index
          %get3A_763 = tpu.vector_load %arg21[%get3A_761, %get3A_762] {strides = array<i32>} : memref<80x128xf32, #tpu.memory_space<vmem>>, vector<1x16xf32>,
          %get3A_764 = vector.shape_cast %get3A_763 : vector<1x16xf32> to vector<16xf32>
          %mul3A_765 = vector.broadcast %squeeze3A_758 : f32 to vector<16xf32>
          %mul3A_766 = arith.mulf %get3A_764, %mul3A_765 : vector<16xf32>
          %add3A_767 = arith.constant 5 : i32
          %add3A_768 = arith.addi %mul3A_145, %add3A_767 : i32
          %swap3A_769 = arith.index_cast %add3A_768 : i32 to index
          %swap3A_770 = arith.constant 0 : index
          %swap3A_771 = tpu.vector_load %arg21[%swap3A_769, %swap3A_770] {strides = array<i32>} : memref<80x128xf32, #tpu.memory_space<vmem>>, vector<1x16xf32>,
          %swap3A_772 = vector.shape_cast %swap3A_771 : vector<1x16xf32> to vector<16xf32>
          %swap3A_773 = vector.shape_cast %mul3A_766 : vector<16xf32> to vector<1x16xf32>
          tpu.vector_store %arg21[%swap3A_769, %swap3A_770], %swap3A_773 {strides = array<i32>} : memref<80x128xf32, #tpu.memory_space<vmem>>, vector<1x16xf32>,
          %add3A_774 = arith.constant 5 : i32
          %add3A_775 = arith.addi %mul3A_145, %add3A_774 : i32
          %get3A_776 = arith.index_cast %add3A_775 : i32 to index
          %get3A_777 = arith.constant 16 : index
          %get3A_778 = tpu.vector_load %arg21[%get3A_776, %get3A_777] {strides = array<i32>} : memref<80x128xf32, #tpu.memory_space<vmem>>, vector<1x16xf32>,
          %get3A_779 = vector.shape_cast %get3A_778 : vector<1x16xf32> to vector<16xf32>
          %mul3A_780 = vector.broadcast %squeeze3A_758 : f32 to vector<16xf32>
          %mul3A_781 = arith.mulf %get3A_779, %mul3A_780 : vector<16xf32>
          %add3A_782 = arith.constant 5 : i32
          %add3A_783 = arith.addi %mul3A_145, %add3A_782 : i32
          %swap3A_784 = arith.index_cast %add3A_783 : i32 to index
          %swap3A_785 = arith.constant 16 : index
          %swap3A_786 = tpu.vector_load %arg21[%swap3A_784, %swap3A_785] {strides = array<i32>} : memref<80x128xf32, #tpu.memory_space<vmem>>, vector<1x16xf32>,
          %swap3A_787 = vector.shape_cast %swap3A_786 : vector<1x16xf32> to vector<16xf32>
          %swap3A_788 = vector.shape_cast %mul3A_781 : vector<16xf32> to vector<1x16xf32>
          tpu.vector_store %arg21[%swap3A_784, %swap3A_785], %swap3A_788 {strides = array<i32>} : memref<80x128xf32, #tpu.memory_space<vmem>>, vector<1x16xf32>,
          %add3A_789 = arith.constant 5 : i32
          %add3A_790 = arith.addi %mul3A_145, %add3A_789 : i32
          %get3A_791 = arith.index_cast %add3A_790 : i32 to index
          %get3A_792 = arith.constant 32 : index
          %get3A_793 = tpu.vector_load %arg21[%get3A_791, %get3A_792] {strides = array<i32>} : memref<80x128xf32, #tpu.memory_space<vmem>>, vector<1x16xf32>,
          %get3A_794 = vector.shape_cast %get3A_793 : vector<1x16xf32> to vector<16xf32>
          %mul3A_795 = vector.broadcast %squeeze3A_758 : f32 to vector<16xf32>
          %mul3A_796 = arith.mulf %get3A_794, %mul3A_795 : vector<16xf32>
          %add3A_797 = arith.constant 5 : i32
          %add3A_798 = arith.addi %mul3A_145, %add3A_797 : i32
          %swap3A_799 = arith.index_cast %add3A_798 : i32 to index
          %swap3A_800 = arith.constant 32 : index
          %swap3A_801 = tpu.vector_load %arg21[%swap3A_799, %swap3A_800] {strides = array<i32>} : memref<80x128xf32, #tpu.memory_space<vmem>>, vector<1x16xf32>,
          %swap3A_802 = vector.shape_cast %swap3A_801 : vector<1x16xf32> to vector<16xf32>
          %swap3A_803 = vector.shape_cast %mul3A_796 : vector<16xf32> to vector<1x16xf32>
          tpu.vector_store %arg21[%swap3A_799, %swap3A_800], %swap3A_803 {strides = array<i32>} : memref<80x128xf32, #tpu.memory_space<vmem>>, vector<1x16xf32>,
          %add3A_804 = arith.constant 5 : i32
          %add3A_805 = arith.addi %mul3A_145, %add3A_804 : i32
          %get3A_806 = arith.index_cast %add3A_805 : i32 to index
          %get3A_807 = arith.constant 48 : index
          %get3A_808 = tpu.vector_load %arg21[%get3A_806, %get3A_807] {strides = array<i32>} : memref<80x128xf32, #tpu.memory_space<vmem>>, vector<1x16xf32>,
          %get3A_809 = vector.shape_cast %get3A_808 : vector<1x16xf32> to vector<16xf32>
          %mul3A_810 = vector.broadcast %squeeze3A_758 : f32 to vector<16xf32>
          %mul3A_811 = arith.mulf %get3A_809, %mul3A_810 : vector<16xf32>
          %add3A_812 = arith.constant 5 : i32
          %add3A_813 = arith.addi %mul3A_145, %add3A_812 : i32
          %swap3A_814 = arith.index_cast %add3A_813 : i32 to index
          %swap3A_815 = arith.constant 48 : index
          %swap3A_816 = tpu.vector_load %arg21[%swap3A_814, %swap3A_815] {strides = array<i32>} : memref<80x128xf32, #tpu.memory_space<vmem>>, vector<1x16xf32>,
          %swap3A_817 = vector.shape_cast %swap3A_816 : vector<1x16xf32> to vector<16xf32>
          %swap3A_818 = vector.shape_cast %mul3A_811 : vector<16xf32> to vector<1x16xf32>
          tpu.vector_store %arg21[%swap3A_814, %swap3A_815], %swap3A_818 {strides = array<i32>} : memref<80x128xf32, #tpu.memory_space<vmem>>, vector<1x16xf32>,
          %add3A_819 = arith.constant 5 : i32
          %add3A_820 = arith.addi %mul3A_145, %add3A_819 : i32
          %get3A_821 = arith.index_cast %add3A_820 : i32 to index
          %get3A_822 = arith.constant 64 : index
          %get3A_823 = tpu.vector_load %arg21[%get3A_821, %get3A_822] {strides = array<i32>} : memref<80x128xf32, #tpu.memory_space<vmem>>, vector<1x16xf32>,
          %get3A_824 = vector.shape_cast %get3A_823 : vector<1x16xf32> to vector<16xf32>
          %mul3A_825 = vector.broadcast %squeeze3A_758 : f32 to vector<16xf32>
          %mul3A_826 = arith.mulf %get3A_824, %mul3A_825 : vector<16xf32>
          %add3A_827 = arith.constant 5 : i32
          %add3A_828 = arith.addi %mul3A_145, %add3A_827 : i32
          %swap3A_829 = arith.index_cast %add3A_828 : i32 to index
          %swap3A_830 = arith.constant 64 : index
          %swap3A_831 = tpu.vector_load %arg21[%swap3A_829, %swap3A_830] {strides = array<i32>} : memref<80x128xf32, #tpu.memory_space<vmem>>, vector<1x16xf32>,
          %swap3A_832 = vector.shape_cast %swap3A_831 : vector<1x16xf32> to vector<16xf32>
          %swap3A_833 = vector.shape_cast %mul3A_826 : vector<16xf32> to vector<1x16xf32>
          tpu.vector_store %arg21[%swap3A_829, %swap3A_830], %swap3A_833 {strides = array<i32>} : memref<80x128xf32, #tpu.memory_space<vmem>>, vector<1x16xf32>,
          %add3A_834 = arith.constant 5 : i32
          %add3A_835 = arith.addi %mul3A_145, %add3A_834 : i32
          %get3A_836 = arith.index_cast %add3A_835 : i32 to index
          %get3A_837 = arith.constant 80 : index
          %get3A_838 = tpu.vector_load %arg21[%get3A_836, %get3A_837] {strides = array<i32>} : memref<80x128xf32, #tpu.memory_space<vmem>>, vector<1x16xf32>,
          %get3A_839 = vector.shape_cast %get3A_838 : vector<1x16xf32> to vector<16xf32>
          %mul3A_840 = vector.broadcast %squeeze3A_758 : f32 to vector<16xf32>
          %mul3A_841 = arith.mulf %get3A_839, %mul3A_840 : vector<16xf32>
          %add3A_842 = arith.constant 5 : i32
          %add3A_843 = arith.addi %mul3A_145, %add3A_842 : i32
          %swap3A_844 = arith.index_cast %add3A_843 : i32 to index
          %swap3A_845 = arith.constant 80 : index
          %swap3A_846 = tpu.vector_load %arg21[%swap3A_844, %swap3A_845] {strides = array<i32>} : memref<80x128xf32, #tpu.memory_space<vmem>>, vector<1x16xf32>,
          %swap3A_847 = vector.shape_cast %swap3A_846 : vector<1x16xf32> to vector<16xf32>
          %swap3A_848 = vector.shape_cast %mul3A_841 : vector<16xf32> to vector<1x16xf32>
          tpu.vector_store %arg21[%swap3A_844, %swap3A_845], %swap3A_848 {strides = array<i32>} : memref<80x128xf32, #tpu.memory_space<vmem>>, vector<1x16xf32>,
          %add3A_849 = arith.constant 5 : i32
          %add3A_850 = arith.addi %mul3A_145, %add3A_849 : i32
          %get3A_851 = arith.index_cast %add3A_850 : i32 to index
          %get3A_852 = arith.constant 96 : index
          %get3A_853 = tpu.vector_load %arg21[%get3A_851, %get3A_852] {strides = array<i32>} : memref<80x128xf32, #tpu.memory_space<vmem>>, vector<1x16xf32>,
          %get3A_854 = vector.shape_cast %get3A_853 : vector<1x16xf32> to vector<16xf32>
          %mul3A_855 = vector.broadcast %squeeze3A_758 : f32 to vector<16xf32>
          %mul3A_856 = arith.mulf %get3A_854, %mul3A_855 : vector<16xf32>
          %add3A_857 = arith.constant 5 : i32
          %add3A_858 = arith.addi %mul3A_145, %add3A_857 : i32
          %swap3A_859 = arith.index_cast %add3A_858 : i32 to index
          %swap3A_860 = arith.constant 96 : index
          %swap3A_861 = tpu.vector_load %arg21[%swap3A_859, %swap3A_860] {strides = array<i32>} : memref<80x128xf32, #tpu.memory_space<vmem>>, vector<1x16xf32>,
          %swap3A_862 = vector.shape_cast %swap3A_861 : vector<1x16xf32> to vector<16xf32>
          %swap3A_863 = vector.shape_cast %mul3A_856 : vector<16xf32> to vector<1x16xf32>
          tpu.vector_store %arg21[%swap3A_859, %swap3A_860], %swap3A_863 {strides = array<i32>} : memref<80x128xf32, #tpu.memory_space<vmem>>, vector<1x16xf32>,
          %add3A_864 = arith.constant 5 : i32
          %add3A_865 = arith.addi %mul3A_145, %add3A_864 : i32
          %get3A_866 = arith.index_cast %add3A_865 : i32 to index
          %get3A_867 = arith.constant 112 : index
          %get3A_868 = tpu.vector_load %arg21[%get3A_866, %get3A_867] {strides = array<i32>} : memref<80x128xf32, #tpu.memory_space<vmem>>, vector<1x16xf32>,
          %get3A_869 = vector.shape_cast %get3A_868 : vector<1x16xf32> to vector<16xf32>
          %mul3A_870 = vector.broadcast %squeeze3A_758 : f32 to vector<16xf32>
          %mul3A_871 = arith.mulf %get3A_869, %mul3A_870 : vector<16xf32>
          %add3A_872 = arith.constant 5 : i32
          %add3A_873 = arith.addi %mul3A_145, %add3A_872 : i32
          %swap3A_874 = arith.index_cast %add3A_873 : i32 to index
          %swap3A_875 = arith.constant 112 : index
          %swap3A_876 = tpu.vector_load %arg21[%swap3A_874, %swap3A_875] {strides = array<i32>} : memref<80x128xf32, #tpu.memory_space<vmem>>, vector<1x16xf32>,
          %swap3A_877 = vector.shape_cast %swap3A_876 : vector<1x16xf32> to vector<16xf32>
          %swap3A_878 = vector.shape_cast %mul3A_871 : vector<16xf32> to vector<1x16xf32>
          tpu.vector_store %arg21[%swap3A_874, %swap3A_875], %swap3A_878 {strides = array<i32>} : memref<80x128xf32, #tpu.memory_space<vmem>>, vector<1x16xf32>,
          %slice3A_879 = vector.extract_strided_slice %get3A_148 {offsets = [6], sizes = [1], strides = [1]} : vector<16xf32> to vector<1xf32>
          %squeeze3A_880 = vector.extract %slice3A_879[0] : f32 from vector<1xf32>
          %add3A_881 = arith.constant 6 : i32
          %add3A_882 = arith.addi %mul3A_145, %add3A_881 : i32
          %get3A_883 = arith.index_cast %add3A_882 : i32 to index
          %get3A_884 = arith.constant 0 : index
          %get3A_885 = tpu.vector_load %arg21[%get3A_883, %get3A_884] {strides = array<i32>} : memref<80x128xf32, #tpu.memory_space<vmem>>, vector<1x16xf32>,
          %get3A_886 = vector.shape_cast %get3A_885 : vector<1x16xf32> to vector<16xf32>
          %mul3A_887 = vector.broadcast %squeeze3A_880 : f32 to vector<16xf32>
          %mul3A_888 = arith.mulf %get3A_886, %mul3A_887 : vector<16xf32>
          %add3A_889 = arith.constant 6 : i32
          %add3A_890 = arith.addi %mul3A_145, %add3A_889 : i32
          %swap3A_891 = arith.index_cast %add3A_890 : i32 to index
          %swap3A_892 = arith.constant 0 : index
          %swap3A_893 = tpu.vector_load %arg21[%swap3A_891, %swap3A_892] {strides = array<i32>} : memref<80x128xf32, #tpu.memory_space<vmem>>, vector<1x16xf32>,
          %swap3A_894 = vector.shape_cast %swap3A_893 : vector<1x16xf32> to vector<16xf32>
          %swap3A_895 = vector.shape_cast %mul3A_888 : vector<16xf32> to vector<1x16xf32>
          tpu.vector_store %arg21[%swap3A_891, %swap3A_892], %swap3A_895 {strides = array<i32>} : memref<80x128xf32, #tpu.memory_space<vmem>>, vector<1x16xf32>,
          %add3A_896 = arith.constant 6 : i32
          %add3A_897 = arith.addi %mul3A_145, %add3A_896 : i32
          %get3A_898 = arith.index_cast %add3A_897 : i32 to index
          %get3A_899 = arith.constant 16 : index
          %get3A_900 = tpu.vector_load %arg21[%get3A_898, %get3A_899] {strides = array<i32>} : memref<80x128xf32, #tpu.memory_space<vmem>>, vector<1x16xf32>,
          %get3A_901 = vector.shape_cast %get3A_900 : vector<1x16xf32> to vector<16xf32>
          %mul3A_902 = vector.broadcast %squeeze3A_880 : f32 to vector<16xf32>
          %mul3A_903 = arith.mulf %get3A_901, %mul3A_902 : vector<16xf32>
          %add3A_904 = arith.constant 6 : i32
          %add3A_905 = arith.addi %mul3A_145, %add3A_904 : i32
          %swap3A_906 = arith.index_cast %add3A_905 : i32 to index
          %swap3A_907 = arith.constant 16 : index
          %swap3A_908 = tpu.vector_load %arg21[%swap3A_906, %swap3A_907] {strides = array<i32>} : memref<80x128xf32, #tpu.memory_space<vmem>>, vector<1x16xf32>,
          %swap3A_909 = vector.shape_cast %swap3A_908 : vector<1x16xf32> to vector<16xf32>
          %swap3A_910 = vector.shape_cast %mul3A_903 : vector<16xf32> to vector<1x16xf32>
          tpu.vector_store %arg21[%swap3A_906, %swap3A_907], %swap3A_910 {strides = array<i32>} : memref<80x128xf32, #tpu.memory_space<vmem>>, vector<1x16xf32>,
          %add3A_911 = arith.constant 6 : i32
          %add3A_912 = arith.addi %mul3A_145, %add3A_911 : i32
          %get3A_913 = arith.index_cast %add3A_912 : i32 to index
          %get3A_914 = arith.constant 32 : index
          %get3A_915 = tpu.vector_load %arg21[%get3A_913, %get3A_914] {strides = array<i32>} : memref<80x128xf32, #tpu.memory_space<vmem>>, vector<1x16xf32>,
          %get3A_916 = vector.shape_cast %get3A_915 : vector<1x16xf32> to vector<16xf32>
          %mul3A_917 = vector.broadcast %squeeze3A_880 : f32 to vector<16xf32>
          %mul3A_918 = arith.mulf %get3A_916, %mul3A_917 : vector<16xf32>
          %add3A_919 = arith.constant 6 : i32
          %add3A_920 = arith.addi %mul3A_145, %add3A_919 : i32
          %swap3A_921 = arith.index_cast %add3A_920 : i32 to index
          %swap3A_922 = arith.constant 32 : index
          %swap3A_923 = tpu.vector_load %arg21[%swap3A_921, %swap3A_922] {strides = array<i32>} : memref<80x128xf32, #tpu.memory_space<vmem>>, vector<1x16xf32>,
          %swap3A_924 = vector.shape_cast %swap3A_923 : vector<1x16xf32> to vector<16xf32>
          %swap3A_925 = vector.shape_cast %mul3A_918 : vector<16xf32> to vector<1x16xf32>
          tpu.vector_store %arg21[%swap3A_921, %swap3A_922], %swap3A_925 {strides = array<i32>} : memref<80x128xf32, #tpu.memory_space<vmem>>, vector<1x16xf32>,
          %add3A_926 = arith.constant 6 : i32
          %add3A_927 = arith.addi %mul3A_145, %add3A_926 : i32
          %get3A_928 = arith.index_cast %add3A_927 : i32 to index
          %get3A_929 = arith.constant 48 : index
          %get3A_930 = tpu.vector_load %arg21[%get3A_928, %get3A_929] {strides = array<i32>} : memref<80x128xf32, #tpu.memory_space<vmem>>, vector<1x16xf32>,
          %get3A_931 = vector.shape_cast %get3A_930 : vector<1x16xf32> to vector<16xf32>
          %mul3A_932 = vector.broadcast %squeeze3A_880 : f32 to vector<16xf32>
          %mul3A_933 = arith.mulf %get3A_931, %mul3A_932 : vector<16xf32>
          %add3A_934 = arith.constant 6 : i32
          %add3A_935 = arith.addi %mul3A_145, %add3A_934 : i32
          %swap3A_936 = arith.index_cast %add3A_935 : i32 to index
          %swap3A_937 = arith.constant 48 : index
          %swap3A_938 = tpu.vector_load %arg21[%swap3A_936, %swap3A_937] {strides = array<i32>} : memref<80x128xf32, #tpu.memory_space<vmem>>, vector<1x16xf32>,
          %swap3A_939 = vector.shape_cast %swap3A_938 : vector<1x16xf32> to vector<16xf32>
          %swap3A_940 = vector.shape_cast %mul3A_933 : vector<16xf32> to vector<1x16xf32>
          tpu.vector_store %arg21[%swap3A_936, %swap3A_937], %swap3A_940 {strides = array<i32>} : memref<80x128xf32, #tpu.memory_space<vmem>>, vector<1x16xf32>,
          %add3A_941 = arith.constant 6 : i32
          %add3A_942 = arith.addi %mul3A_145, %add3A_941 : i32
          %get3A_943 = arith.index_cast %add3A_942 : i32 to index
          %get3A_944 = arith.constant 64 : index
          %get3A_945 = tpu.vector_load %arg21[%get3A_943, %get3A_944] {strides = array<i32>} : memref<80x128xf32, #tpu.memory_space<vmem>>, vector<1x16xf32>,
          %get3A_946 = vector.shape_cast %get3A_945 : vector<1x16xf32> to vector<16xf32>
          %mul3A_947 = vector.broadcast %squeeze3A_880 : f32 to vector<16xf32>
          %mul3A_948 = arith.mulf %get3A_946, %mul3A_947 : vector<16xf32>
          %add3A_949 = arith.constant 6 : i32
          %add3A_950 = arith.addi %mul3A_145, %add3A_949 : i32
          %swap3A_951 = arith.index_cast %add3A_950 : i32 to index
          %swap3A_952 = arith.constant 64 : index
          %swap3A_953 = tpu.vector_load %arg21[%swap3A_951, %swap3A_952] {strides = array<i32>} : memref<80x128xf32, #tpu.memory_space<vmem>>, vector<1x16xf32>,
          %swap3A_954 = vector.shape_cast %swap3A_953 : vector<1x16xf32> to vector<16xf32>
          %swap3A_955 = vector.shape_cast %mul3A_948 : vector<16xf32> to vector<1x16xf32>
          tpu.vector_store %arg21[%swap3A_951, %swap3A_952], %swap3A_955 {strides = array<i32>} : memref<80x128xf32, #tpu.memory_space<vmem>>, vector<1x16xf32>,
          %add3A_956 = arith.constant 6 : i32
          %add3A_957 = arith.addi %mul3A_145, %add3A_956 : i32
          %get3A_958 = arith.index_cast %add3A_957 : i32 to index
          %get3A_959 = arith.constant 80 : index
          %get3A_960 = tpu.vector_load %arg21[%get3A_958, %get3A_959] {strides = array<i32>} : memref<80x128xf32, #tpu.memory_space<vmem>>, vector<1x16xf32>,
          %get3A_961 = vector.shape_cast %get3A_960 : vector<1x16xf32> to vector<16xf32>
          %mul3A_962 = vector.broadcast %squeeze3A_880 : f32 to vector<16xf32>
          %mul3A_963 = arith.mulf %get3A_961, %mul3A_962 : vector<16xf32>
          %add3A_964 = arith.constant 6 : i32
          %add3A_965 = arith.addi %mul3A_145, %add3A_964 : i32
          %swap3A_966 = arith.index_cast %add3A_965 : i32 to index
          %swap3A_967 = arith.constant 80 : index
          %swap3A_968 = tpu.vector_load %arg21[%swap3A_966, %swap3A_967] {strides = array<i32>} : memref<80x128xf32, #tpu.memory_space<vmem>>, vector<1x16xf32>,
          %swap3A_969 = vector.shape_cast %swap3A_968 : vector<1x16xf32> to vector<16xf32>
          %swap3A_970 = vector.shape_cast %mul3A_963 : vector<16xf32> to vector<1x16xf32>
          tpu.vector_store %arg21[%swap3A_966, %swap3A_967], %swap3A_970 {strides = array<i32>} : memref<80x128xf32, #tpu.memory_space<vmem>>, vector<1x16xf32>,
          %add3A_971 = arith.constant 6 : i32
          %add3A_972 = arith.addi %mul3A_145, %add3A_971 : i32
          %get3A_973 = arith.index_cast %add3A_972 : i32 to index
          %get3A_974 = arith.constant 96 : index
          %get3A_975 = tpu.vector_load %arg21[%get3A_973, %get3A_974] {strides = array<i32>} : memref<80x128xf32, #tpu.memory_space<vmem>>, vector<1x16xf32>,
          %get3A_976 = vector.shape_cast %get3A_975 : vector<1x16xf32> to vector<16xf32>
          %mul3A_977 = vector.broadcast %squeeze3A_880 : f32 to vector<16xf32>
          %mul3A_978 = arith.mulf %get3A_976, %mul3A_977 : vector<16xf32>
          %add3A_979 = arith.constant 6 : i32
          %add3A_980 = arith.addi %mul3A_145, %add3A_979 : i32
          %swap3A_981 = arith.index_cast %add3A_980 : i32 to index
          %swap3A_982 = arith.constant 96 : index
          %swap3A_983 = tpu.vector_load %arg21[%swap3A_981, %swap3A_982] {strides = array<i32>} : memref<80x128xf32, #tpu.memory_space<vmem>>, vector<1x16xf32>,
          %swap3A_984 = vector.shape_cast %swap3A_983 : vector<1x16xf32> to vector<16xf32>
          %swap3A_985 = vector.shape_cast %mul3A_978 : vector<16xf32> to vector<1x16xf32>
          tpu.vector_store %arg21[%swap3A_981, %swap3A_982], %swap3A_985 {strides = array<i32>} : memref<80x128xf32, #tpu.memory_space<vmem>>, vector<1x16xf32>,
          %add3A_986 = arith.constant 6 : i32
          %add3A_987 = arith.addi %mul3A_145, %add3A_986 : i32
          %get3A_988 = arith.index_cast %add3A_987 : i32 to index
          %get3A_989 = arith.constant 112 : index
          %get3A_990 = tpu.vector_load %arg21[%get3A_988, %get3A_989] {strides = array<i32>} : memref<80x128xf32, #tpu.memory_space<vmem>>, vector<1x16xf32>,
          %get3A_991 = vector.shape_cast %get3A_990 : vector<1x16xf32> to vector<16xf32>
          %mul3A_992 = vector.broadcast %squeeze3A_880 : f32 to vector<16xf32>
          %mul3A_993 = arith.mulf %get3A_991, %mul3A_992 : vector<16xf32>
          %add3A_994 = arith.constant 6 : i32
          %add3A_995 = arith.addi %mul3A_145, %add3A_994 : i32
          %swap3A_996 = arith.index_cast %add3A_995 : i32 to index
          %swap3A_997 = arith.constant 112 : index
          %swap3A_998 = tpu.vector_load %arg21[%swap3A_996, %swap3A_997] {strides = array<i32>} : memref<80x128xf32, #tpu.memory_space<vmem>>, vector<1x16xf32>,
          %swap3A_999 = vector.shape_cast %swap3A_998 : vector<1x16xf32> to vector<16xf32>
          %swap3A_1000 = vector.shape_cast %mul3A_993 : vector<16xf32> to vector<1x16xf32>
          tpu.vector_store %arg21[%swap3A_996, %swap3A_997], %swap3A_1000 {strides = array<i32>} : memref<80x128xf32, #tpu.memory_space<vmem>>, vector<1x16xf32>,
          %slice3A_1001 = vector.extract_strided_slice %get3A_148 {offsets = [7], sizes = [1], strides = [1]} : vector<16xf32> to vector<1xf32>
          %squeeze3A_1002 = vector.extract %slice3A_1001[0] : f32 from vector<1xf32>
          %add3A_1003 = arith.constant 7 : i32
          %add3A_1004 = arith.addi %mul3A_145, %add3A_1003 : i32
          %get3A_1005 = arith.index_cast %add3A_1004 : i32 to index
          %get3A_1006 = arith.constant 0 : index
          %get3A_1007 = tpu.vector_load %arg21[%get3A_1005, %get3A_1006] {strides = array<i32>} : memref<80x128xf32, #tpu.memory_space<vmem>>, vector<1x16xf32>,
          %get3A_1008 = vector.shape_cast %get3A_1007 : vector<1x16xf32> to vector<16xf32>
          %mul3A_1009 = vector.broadcast %squeeze3A_1002 : f32 to vector<16xf32>
          %mul3A_1010 = arith.mulf %get3A_1008, %mul3A_1009 : vector<16xf32>
          %add3A_1011 = arith.constant 7 : i32
          %add3A_1012 = arith.addi %mul3A_145, %add3A_1011 : i32
          %swap3A_1013 = arith.index_cast %add3A_1012 : i32 to index
          %swap3A_1014 = arith.constant 0 : index
          %swap3A_1015 = tpu.vector_load %arg21[%swap3A_1013, %swap3A_1014] {strides = array<i32>} : memref<80x128xf32, #tpu.memory_space<vmem>>, vector<1x16xf32>,
          %swap3A_1016 = vector.shape_cast %swap3A_1015 : vector<1x16xf32> to vector<16xf32>
          %swap3A_1017 = vector.shape_cast %mul3A_1010 : vector<16xf32> to vector<1x16xf32>
          tpu.vector_store %arg21[%swap3A_1013, %swap3A_1014], %swap3A_1017 {strides = array<i32>} : memref<80x128xf32, #tpu.memory_space<vmem>>, vector<1x16xf32>,
          %add3A_1018 = arith.constant 7 : i32
          %add3A_1019 = arith.addi %mul3A_145, %add3A_1018 : i32
          %get3A_1020 = arith.index_cast %add3A_1019 : i32 to index
          %get3A_1021 = arith.constant 16 : index
          %get3A_1022 = tpu.vector_load %arg21[%get3A_1020, %get3A_1021] {strides = array<i32>} : memref<80x128xf32, #tpu.memory_space<vmem>>, vector<1x16xf32>,
          %get3A_1023 = vector.shape_cast %get3A_1022 : vector<1x16xf32> to vector<16xf32>
          %mul3A_1024 = vector.broadcast %squeeze3A_1002 : f32 to vector<16xf32>
          %mul3A_1025 = arith.mulf %get3A_1023, %mul3A_1024 : vector<16xf32>
          %add3A_1026 = arith.constant 7 : i32
          %add3A_1027 = arith.addi %mul3A_145, %add3A_1026 : i32
          %swap3A_1028 = arith.index_cast %add3A_1027 : i32 to index
          %swap3A_1029 = arith.constant 16 : index
          %swap3A_1030 = tpu.vector_load %arg21[%swap3A_1028, %swap3A_1029] {strides = array<i32>} : memref<80x128xf32, #tpu.memory_space<vmem>>, vector<1x16xf32>,
          %swap3A_1031 = vector.shape_cast %swap3A_1030 : vector<1x16xf32> to vector<16xf32>
          %swap3A_1032 = vector.shape_cast %mul3A_1025 : vector<16xf32> to vector<1x16xf32>
          tpu.vector_store %arg21[%swap3A_1028, %swap3A_1029], %swap3A_1032 {strides = array<i32>} : memref<80x128xf32, #tpu.memory_space<vmem>>, vector<1x16xf32>,
          %add3A_1033 = arith.constant 7 : i32
          %add3A_1034 = arith.addi %mul3A_145, %add3A_1033 : i32
          %get3A_1035 = arith.index_cast %add3A_1034 : i32 to index
          %get3A_1036 = arith.constant 32 : index
          %get3A_1037 = tpu.vector_load %arg21[%get3A_1035, %get3A_1036] {strides = array<i32>} : memref<80x128xf32, #tpu.memory_space<vmem>>, vector<1x16xf32>,
          %get3A_1038 = vector.shape_cast %get3A_1037 : vector<1x16xf32> to vector<16xf32>
          %mul3A_1039 = vector.broadcast %squeeze3A_1002 : f32 to vector<16xf32>
          %mul3A_1040 = arith.mulf %get3A_1038, %mul3A_1039 : vector<16xf32>
          %add3A_1041 = arith.constant 7 : i32
          %add3A_1042 = arith.addi %mul3A_145, %add3A_1041 : i32
          %swap3A_1043 = arith.index_cast %add3A_1042 : i32 to index
          %swap3A_1044 = arith.constant 32 : index
          %swap3A_1045 = tpu.vector_load %arg21[%swap3A_1043, %swap3A_1044] {strides = array<i32>} : memref<80x128xf32, #tpu.memory_space<vmem>>, vector<1x16xf32>,
          %swap3A_1046 = vector.shape_cast %swap3A_1045 : vector<1x16xf32> to vector<16xf32>
          %swap3A_1047 = vector.shape_cast %mul3A_1040 : vector<16xf32> to vector<1x16xf32>
          tpu.vector_store %arg21[%swap3A_1043, %swap3A_1044], %swap3A_1047 {strides = array<i32>} : memref<80x128xf32, #tpu.memory_space<vmem>>, vector<1x16xf32>,
          %add3A_1048 = arith.constant 7 : i32
          %add3A_1049 = arith.addi %mul3A_145, %add3A_1048 : i32
          %get3A_1050 = arith.index_cast %add3A_1049 : i32 to index
          %get3A_1051 = arith.constant 48 : index
          %get3A_1052 = tpu.vector_load %arg21[%get3A_1050, %get3A_1051] {strides = array<i32>} : memref<80x128xf32, #tpu.memory_space<vmem>>, vector<1x16xf32>,
          %get3A_1053 = vector.shape_cast %get3A_1052 : vector<1x16xf32> to vector<16xf32>
          %mul3A_1054 = vector.broadcast %squeeze3A_1002 : f32 to vector<16xf32>
          %mul3A_1055 = arith.mulf %get3A_1053, %mul3A_1054 : vector<16xf32>
          %add3A_1056 = arith.constant 7 : i32
          %add3A_1057 = arith.addi %mul3A_145, %add3A_1056 : i32
          %swap3A_1058 = arith.index_cast %add3A_1057 : i32 to index
          %swap3A_1059 = arith.constant 48 : index
          %swap3A_1060 = tpu.vector_load %arg21[%swap3A_1058, %swap3A_1059] {strides = array<i32>} : memref<80x128xf32, #tpu.memory_space<vmem>>, vector<1x16xf32>,
          %swap3A_1061 = vector.shape_cast %swap3A_1060 : vector<1x16xf32> to vector<16xf32>
          %swap3A_1062 = vector.shape_cast %mul3A_1055 : vector<16xf32> to vector<1x16xf32>
          tpu.vector_store %arg21[%swap3A_1058, %swap3A_1059], %swap3A_1062 {strides = array<i32>} : memref<80x128xf32, #tpu.memory_space<vmem>>, vector<1x16xf32>,
          %add3A_1063 = arith.constant 7 : i32
          %add3A_1064 = arith.addi %mul3A_145, %add3A_1063 : i32
          %get3A_1065 = arith.index_cast %add3A_1064 : i32 to index
          %get3A_1066 = arith.constant 64 : index
          %get3A_1067 = tpu.vector_load %arg21[%get3A_1065, %get3A_1066] {strides = array<i32>} : memref<80x128xf32, #tpu.memory_space<vmem>>, vector<1x16xf32>,
          %get3A_1068 = vector.shape_cast %get3A_1067 : vector<1x16xf32> to vector<16xf32>
          %mul3A_1069 = vector.broadcast %squeeze3A_1002 : f32 to vector<16xf32>
          %mul3A_1070 = arith.mulf %get3A_1068, %mul3A_1069 : vector<16xf32>
          %add3A_1071 = arith.constant 7 : i32
          %add3A_1072 = arith.addi %mul3A_145, %add3A_1071 : i32
          %swap3A_1073 = arith.index_cast %add3A_1072 : i32 to index
          %swap3A_1074 = arith.constant 64 : index
          %swap3A_1075 = tpu.vector_load %arg21[%swap3A_1073, %swap3A_1074] {strides = array<i32>} : memref<80x128xf32, #tpu.memory_space<vmem>>, vector<1x16xf32>,
          %swap3A_1076 = vector.shape_cast %swap3A_1075 : vector<1x16xf32> to vector<16xf32>
          %swap3A_1077 = vector.shape_cast %mul3A_1070 : vector<16xf32> to vector<1x16xf32>
          tpu.vector_store %arg21[%swap3A_1073, %swap3A_1074], %swap3A_1077 {strides = array<i32>} : memref<80x128xf32, #tpu.memory_space<vmem>>, vector<1x16xf32>,
          %add3A_1078 = arith.constant 7 : i32
          %add3A_1079 = arith.addi %mul3A_145, %add3A_1078 : i32
          %get3A_1080 = arith.index_cast %add3A_1079 : i32 to index
          %get3A_1081 = arith.constant 80 : index
          %get3A_1082 = tpu.vector_load %arg21[%get3A_1080, %get3A_1081] {strides = array<i32>} : memref<80x128xf32, #tpu.memory_space<vmem>>, vector<1x16xf32>,
          %get3A_1083 = vector.shape_cast %get3A_1082 : vector<1x16xf32> to vector<16xf32>
          %mul3A_1084 = vector.broadcast %squeeze3A_1002 : f32 to vector<16xf32>
          %mul3A_1085 = arith.mulf %get3A_1083, %mul3A_1084 : vector<16xf32>
          %add3A_1086 = arith.constant 7 : i32
          %add3A_1087 = arith.addi %mul3A_145, %add3A_1086 : i32
          %swap3A_1088 = arith.index_cast %add3A_1087 : i32 to index
          %swap3A_1089 = arith.constant 80 : index
          %swap3A_1090 = tpu.vector_load %arg21[%swap3A_1088, %swap3A_1089] {strides = array<i32>} : memref<80x128xf32, #tpu.memory_space<vmem>>, vector<1x16xf32>,
          %swap3A_1091 = vector.shape_cast %swap3A_1090 : vector<1x16xf32> to vector<16xf32>
          %swap3A_1092 = vector.shape_cast %mul3A_1085 : vector<16xf32> to vector<1x16xf32>
          tpu.vector_store %arg21[%swap3A_1088, %swap3A_1089], %swap3A_1092 {strides = array<i32>} : memref<80x128xf32, #tpu.memory_space<vmem>>, vector<1x16xf32>,
          %add3A_1093 = arith.constant 7 : i32
          %add3A_1094 = arith.addi %mul3A_145, %add3A_1093 : i32
          %get3A_1095 = arith.index_cast %add3A_1094 : i32 to index
          %get3A_1096 = arith.constant 96 : index
          %get3A_1097 = tpu.vector_load %arg21[%get3A_1095, %get3A_1096] {strides = array<i32>} : memref<80x128xf32, #tpu.memory_space<vmem>>, vector<1x16xf32>,
          %get3A_1098 = vector.shape_cast %get3A_1097 : vector<1x16xf32> to vector<16xf32>
          %mul3A_1099 = vector.broadcast %squeeze3A_1002 : f32 to vector<16xf32>
          %mul3A_1100 = arith.mulf %get3A_1098, %mul3A_1099 : vector<16xf32>
          %add3A_1101 = arith.constant 7 : i32
          %add3A_1102 = arith.addi %mul3A_145, %add3A_1101 : i32
          %swap3A_1103 = arith.index_cast %add3A_1102 : i32 to index
          %swap3A_1104 = arith.constant 96 : index
          %swap3A_1105 = tpu.vector_load %arg21[%swap3A_1103, %swap3A_1104] {strides = array<i32>} : memref<80x128xf32, #tpu.memory_space<vmem>>, vector<1x16xf32>,
          %swap3A_1106 = vector.shape_cast %swap3A_1105 : vector<1x16xf32> to vector<16xf32>
          %swap3A_1107 = vector.shape_cast %mul3A_1100 : vector<16xf32> to vector<1x16xf32>
          tpu.vector_store %arg21[%swap3A_1103, %swap3A_1104], %swap3A_1107 {strides = array<i32>} : memref<80x128xf32, #tpu.memory_space<vmem>>, vector<1x16xf32>,
          %add3A_1108 = arith.constant 7 : i32
          %add3A_1109 = arith.addi %mul3A_145, %add3A_1108 : i32
          %get3A_1110 = arith.index_cast %add3A_1109 : i32 to index
          %get3A_1111 = arith.constant 112 : index
          %get3A_1112 = tpu.vector_load %arg21[%get3A_1110, %get3A_1111] {strides = array<i32>} : memref<80x128xf32, #tpu.memory_space<vmem>>, vector<1x16xf32>,
          %get3A_1113 = vector.shape_cast %get3A_1112 : vector<1x16xf32> to vector<16xf32>
          %mul3A_1114 = vector.broadcast %squeeze3A_1002 : f32 to vector<16xf32>
          %mul3A_1115 = arith.mulf %get3A_1113, %mul3A_1114 : vector<16xf32>
          %add3A_1116 = arith.constant 7 : i32
          %add3A_1117 = arith.addi %mul3A_145, %add3A_1116 : i32
          %swap3A_1118 = arith.index_cast %add3A_1117 : i32 to index
          %swap3A_1119 = arith.constant 112 : index
          %swap3A_1120 = tpu.vector_load %arg21[%swap3A_1118, %swap3A_1119] {strides = array<i32>} : memref<80x128xf32, #tpu.memory_space<vmem>>, vector<1x16xf32>,
          %swap3A_1121 = vector.shape_cast %swap3A_1120 : vector<1x16xf32> to vector<16xf32>
          %swap3A_1122 = vector.shape_cast %mul3A_1115 : vector<16xf32> to vector<1x16xf32>
          tpu.vector_store %arg21[%swap3A_1118, %swap3A_1119], %swap3A_1122 {strides = array<i32>} : memref<80x128xf32, #tpu.memory_space<vmem>>, vector<1x16xf32>,
          %slice3A_1123 = vector.extract_strided_slice %get3A_148 {offsets = [8], sizes = [1], strides = [1]} : vector<16xf32> to vector<1xf32>
          %squeeze3A_1124 = vector.extract %slice3A_1123[0] : f32 from vector<1xf32>
          %add3A_1125 = arith.constant 8 : i32
          %add3A_1126 = arith.addi %mul3A_145, %add3A_1125 : i32
          %get3A_1127 = arith.index_cast %add3A_1126 : i32 to index
          %get3A_1128 = arith.constant 0 : index
          %get3A_1129 = tpu.vector_load %arg21[%get3A_1127, %get3A_1128] {strides = array<i32>} : memref<80x128xf32, #tpu.memory_space<vmem>>, vector<1x16xf32>,
          %get3A_1130 = vector.shape_cast %get3A_1129 : vector<1x16xf32> to vector<16xf32>
          %mul3A_1131 = vector.broadcast %squeeze3A_1124 : f32 to vector<16xf32>
          %mul3A_1132 = arith.mulf %get3A_1130, %mul3A_1131 : vector<16xf32>
          %add3A_1133 = arith.constant 8 : i32
          %add3A_1134 = arith.addi %mul3A_145, %add3A_1133 : i32
          %swap3A_1135 = arith.index_cast %add3A_1134 : i32 to index
          %swap3A_1136 = arith.constant 0 : index
          %swap3A_1137 = tpu.vector_load %arg21[%swap3A_1135, %swap3A_1136] {strides = array<i32>} : memref<80x128xf32, #tpu.memory_space<vmem>>, vector<1x16xf32>,
          %swap3A_1138 = vector.shape_cast %swap3A_1137 : vector<1x16xf32> to vector<16xf32>
          %swap3A_1139 = vector.shape_cast %mul3A_1132 : vector<16xf32> to vector<1x16xf32>
          tpu.vector_store %arg21[%swap3A_1135, %swap3A_1136], %swap3A_1139 {strides = array<i32>} : memref<80x128xf32, #tpu.memory_space<vmem>>, vector<1x16xf32>,
          %add3A_1140 = arith.constant 8 : i32
          %add3A_1141 = arith.addi %mul3A_145, %add3A_1140 : i32
          %get3A_1142 = arith.index_cast %add3A_1141 : i32 to index
          %get3A_1143 = arith.constant 16 : index
          %get3A_1144 = tpu.vector_load %arg21[%get3A_1142, %get3A_1143] {strides = array<i32>} : memref<80x128xf32, #tpu.memory_space<vmem>>, vector<1x16xf32>,
          %get3A_1145 = vector.shape_cast %get3A_1144 : vector<1x16xf32> to vector<16xf32>
          %mul3A_1146 = vector.broadcast %squeeze3A_1124 : f32 to vector<16xf32>
          %mul3A_1147 = arith.mulf %get3A_1145, %mul3A_1146 : vector<16xf32>
          %add3A_1148 = arith.constant 8 : i32
          %add3A_1149 = arith.addi %mul3A_145, %add3A_1148 : i32
          %swap3A_1150 = arith.index_cast %add3A_1149 : i32 to index
          %swap3A_1151 = arith.constant 16 : index
          %swap3A_1152 = tpu.vector_load %arg21[%swap3A_1150, %swap3A_1151] {strides = array<i32>} : memref<80x128xf32, #tpu.memory_space<vmem>>, vector<1x16xf32>,
          %swap3A_1153 = vector.shape_cast %swap3A_1152 : vector<1x16xf32> to vector<16xf32>
          %swap3A_1154 = vector.shape_cast %mul3A_1147 : vector<16xf32> to vector<1x16xf32>
          tpu.vector_store %arg21[%swap3A_1150, %swap3A_1151], %swap3A_1154 {strides = array<i32>} : memref<80x128xf32, #tpu.memory_space<vmem>>, vector<1x16xf32>,
          %add3A_1155 = arith.constant 8 : i32
          %add3A_1156 = arith.addi %mul3A_145, %add3A_1155 : i32
          %get3A_1157 = arith.index_cast %add3A_1156 : i32 to index
          %get3A_1158 = arith.constant 32 : index
          %get3A_1159 = tpu.vector_load %arg21[%get3A_1157, %get3A_1158] {strides = array<i32>} : memref<80x128xf32, #tpu.memory_space<vmem>>, vector<1x16xf32>,
          %get3A_1160 = vector.shape_cast %get3A_1159 : vector<1x16xf32> to vector<16xf32>
          %mul3A_1161 = vector.broadcast %squeeze3A_1124 : f32 to vector<16xf32>
          %mul3A_1162 = arith.mulf %get3A_1160, %mul3A_1161 : vector<16xf32>
          %add3A_1163 = arith.constant 8 : i32
          %add3A_1164 = arith.addi %mul3A_145, %add3A_1163 : i32
          %swap3A_1165 = arith.index_cast %add3A_1164 : i32 to index
          %swap3A_1166 = arith.constant 32 : index
          %swap3A_1167 = tpu.vector_load %arg21[%swap3A_1165, %swap3A_1166] {strides = array<i32>} : memref<80x128xf32, #tpu.memory_space<vmem>>, vector<1x16xf32>,
          %swap3A_1168 = vector.shape_cast %swap3A_1167 : vector<1x16xf32> to vector<16xf32>
          %swap3A_1169 = vector.shape_cast %mul3A_1162 : vector<16xf32> to vector<1x16xf32>
          tpu.vector_store %arg21[%swap3A_1165, %swap3A_1166], %swap3A_1169 {strides = array<i32>} : memref<80x128xf32, #tpu.memory_space<vmem>>, vector<1x16xf32>,
          %add3A_1170 = arith.constant 8 : i32
          %add3A_1171 = arith.addi %mul3A_145, %add3A_1170 : i32
          %get3A_1172 = arith.index_cast %add3A_1171 : i32 to index
          %get3A_1173 = arith.constant 48 : index
          %get3A_1174 = tpu.vector_load %arg21[%get3A_1172, %get3A_1173] {strides = array<i32>} : memref<80x128xf32, #tpu.memory_space<vmem>>, vector<1x16xf32>,
          %get3A_1175 = vector.shape_cast %get3A_1174 : vector<1x16xf32> to vector<16xf32>
          %mul3A_1176 = vector.broadcast %squeeze3A_1124 : f32 to vector<16xf32>
          %mul3A_1177 = arith.mulf %get3A_1175, %mul3A_1176 : vector<16xf32>
          %add3A_1178 = arith.constant 8 : i32
          %add3A_1179 = arith.addi %mul3A_145, %add3A_1178 : i32
          %swap3A_1180 = arith.index_cast %add3A_1179 : i32 to index
          %swap3A_1181 = arith.constant 48 : index
          %swap3A_1182 = tpu.vector_load %arg21[%swap3A_1180, %swap3A_1181] {strides = array<i32>} : memref<80x128xf32, #tpu.memory_space<vmem>>, vector<1x16xf32>,
          %swap3A_1183 = vector.shape_cast %swap3A_1182 : vector<1x16xf32> to vector<16xf32>
          %swap3A_1184 = vector.shape_cast %mul3A_1177 : vector<16xf32> to vector<1x16xf32>
          tpu.vector_store %arg21[%swap3A_1180, %swap3A_1181], %swap3A_1184 {strides = array<i32>} : memref<80x128xf32, #tpu.memory_space<vmem>>, vector<1x16xf32>,
          %add3A_1185 = arith.constant 8 : i32
          %add3A_1186 = arith.addi %mul3A_145, %add3A_1185 : i32
          %get3A_1187 = arith.index_cast %add3A_1186 : i32 to index
          %get3A_1188 = arith.constant 64 : index
          %get3A_1189 = tpu.vector_load %arg21[%get3A_1187, %get3A_1188] {strides = array<i32>} : memref<80x128xf32, #tpu.memory_space<vmem>>, vector<1x16xf32>,
          %get3A_1190 = vector.shape_cast %get3A_1189 : vector<1x16xf32> to vector<16xf32>
          %mul3A_1191 = vector.broadcast %squeeze3A_1124 : f32 to vector<16xf32>
          %mul3A_1192 = arith.mulf %get3A_1190, %mul3A_1191 : vector<16xf32>
          %add3A_1193 = arith.constant 8 : i32
          %add3A_1194 = arith.addi %mul3A_145, %add3A_1193 : i32
          %swap3A_1195 = arith.index_cast %add3A_1194 : i32 to index
          %swap3A_1196 = arith.constant 64 : index
          %swap3A_1197 = tpu.vector_load %arg21[%swap3A_1195, %swap3A_1196] {strides = array<i32>} : memref<80x128xf32, #tpu.memory_space<vmem>>, vector<1x16xf32>,
          %swap3A_1198 = vector.shape_cast %swap3A_1197 : vector<1x16xf32> to vector<16xf32>
          %swap3A_1199 = vector.shape_cast %mul3A_1192 : vector<16xf32> to vector<1x16xf32>
          tpu.vector_store %arg21[%swap3A_1195, %swap3A_1196], %swap3A_1199 {strides = array<i32>} : memref<80x128xf32, #tpu.memory_space<vmem>>, vector<1x16xf32>,
          %add3A_1200 = arith.constant 8 : i32
          %add3A_1201 = arith.addi %mul3A_145, %add3A_1200 : i32
          %get3A_1202 = arith.index_cast %add3A_1201 : i32 to index
          %get3A_1203 = arith.constant 80 : index
          %get3A_1204 = tpu.vector_load %arg21[%get3A_1202, %get3A_1203] {strides = array<i32>} : memref<80x128xf32, #tpu.memory_space<vmem>>, vector<1x16xf32>,
          %get3A_1205 = vector.shape_cast %get3A_1204 : vector<1x16xf32> to vector<16xf32>
          %mul3A_1206 = vector.broadcast %squeeze3A_1124 : f32 to vector<16xf32>
          %mul3A_1207 = arith.mulf %get3A_1205, %mul3A_1206 : vector<16xf32>
          %add3A_1208 = arith.constant 8 : i32
          %add3A_1209 = arith.addi %mul3A_145, %add3A_1208 : i32
          %swap3A_1210 = arith.index_cast %add3A_1209 : i32 to index
          %swap3A_1211 = arith.constant 80 : index
          %swap3A_1212 = tpu.vector_load %arg21[%swap3A_1210, %swap3A_1211] {strides = array<i32>} : memref<80x128xf32, #tpu.memory_space<vmem>>, vector<1x16xf32>,
          %swap3A_1213 = vector.shape_cast %swap3A_1212 : vector<1x16xf32> to vector<16xf32>
          %swap3A_1214 = vector.shape_cast %mul3A_1207 : vector<16xf32> to vector<1x16xf32>
          tpu.vector_store %arg21[%swap3A_1210, %swap3A_1211], %swap3A_1214 {strides = array<i32>} : memref<80x128xf32, #tpu.memory_space<vmem>>, vector<1x16xf32>,
          %add3A_1215 = arith.constant 8 : i32
          %add3A_1216 = arith.addi %mul3A_145, %add3A_1215 : i32
          %get3A_1217 = arith.index_cast %add3A_1216 : i32 to index
          %get3A_1218 = arith.constant 96 : index
          %get3A_1219 = tpu.vector_load %arg21[%get3A_1217, %get3A_1218] {strides = array<i32>} : memref<80x128xf32, #tpu.memory_space<vmem>>, vector<1x16xf32>,
          %get3A_1220 = vector.shape_cast %get3A_1219 : vector<1x16xf32> to vector<16xf32>
          %mul3A_1221 = vector.broadcast %squeeze3A_1124 : f32 to vector<16xf32>
          %mul3A_1222 = arith.mulf %get3A_1220, %mul3A_1221 : vector<16xf32>
          %add3A_1223 = arith.constant 8 : i32
          %add3A_1224 = arith.addi %mul3A_145, %add3A_1223 : i32
          %swap3A_1225 = arith.index_cast %add3A_1224 : i32 to index
          %swap3A_1226 = arith.constant 96 : index
          %swap3A_1227 = tpu.vector_load %arg21[%swap3A_1225, %swap3A_1226] {strides = array<i32>} : memref<80x128xf32, #tpu.memory_space<vmem>>, vector<1x16xf32>,
          %swap3A_1228 = vector.shape_cast %swap3A_1227 : vector<1x16xf32> to vector<16xf32>
          %swap3A_1229 = vector.shape_cast %mul3A_1222 : vector<16xf32> to vector<1x16xf32>
          tpu.vector_store %arg21[%swap3A_1225, %swap3A_1226], %swap3A_1229 {strides = array<i32>} : memref<80x128xf32, #tpu.memory_space<vmem>>, vector<1x16xf32>,
          %add3A_1230 = arith.constant 8 : i32
          %add3A_1231 = arith.addi %mul3A_145, %add3A_1230 : i32
          %get3A_1232 = arith.index_cast %add3A_1231 : i32 to index
          %get3A_1233 = arith.constant 112 : index
          %get3A_1234 = tpu.vector_load %arg21[%get3A_1232, %get3A_1233] {strides = array<i32>} : memref<80x128xf32, #tpu.memory_space<vmem>>, vector<1x16xf32>,
          %get3A_1235 = vector.shape_cast %get3A_1234 : vector<1x16xf32> to vector<16xf32>
          %mul3A_1236 = vector.broadcast %squeeze3A_1124 : f32 to vector<16xf32>
          %mul3A_1237 = arith.mulf %get3A_1235, %mul3A_1236 : vector<16xf32>
          %add3A_1238 = arith.constant 8 : i32
          %add3A_1239 = arith.addi %mul3A_145, %add3A_1238 : i32
          %swap3A_1240 = arith.index_cast %add3A_1239 : i32 to index
          %swap3A_1241 = arith.constant 112 : index
          %swap3A_1242 = tpu.vector_load %arg21[%swap3A_1240, %swap3A_1241] {strides = array<i32>} : memref<80x128xf32, #tpu.memory_space<vmem>>, vector<1x16xf32>,
          %swap3A_1243 = vector.shape_cast %swap3A_1242 : vector<1x16xf32> to vector<16xf32>
          %swap3A_1244 = vector.shape_cast %mul3A_1237 : vector<16xf32> to vector<1x16xf32>
          tpu.vector_store %arg21[%swap3A_1240, %swap3A_1241], %swap3A_1244 {strides = array<i32>} : memref<80x128xf32, #tpu.memory_space<vmem>>, vector<1x16xf32>,
          %slice3A_1245 = vector.extract_strided_slice %get3A_148 {offsets = [9], sizes = [1], strides = [1]} : vector<16xf32> to vector<1xf32>
          %squeeze3A_1246 = vector.extract %slice3A_1245[0] : f32 from vector<1xf32>
          %add3A_1247 = arith.constant 9 : i32
          %add3A_1248 = arith.addi %mul3A_145, %add3A_1247 : i32
          %get3A_1249 = arith.index_cast %add3A_1248 : i32 to index
          %get3A_1250 = arith.constant 0 : index
          %get3A_1251 = tpu.vector_load %arg21[%get3A_1249, %get3A_1250] {strides = array<i32>} : memref<80x128xf32, #tpu.memory_space<vmem>>, vector<1x16xf32>,
          %get3A_1252 = vector.shape_cast %get3A_1251 : vector<1x16xf32> to vector<16xf32>
          %mul3A_1253 = vector.broadcast %squeeze3A_1246 : f32 to vector<16xf32>
          %mul3A_1254 = arith.mulf %get3A_1252, %mul3A_1253 : vector<16xf32>
          %add3A_1255 = arith.constant 9 : i32
          %add3A_1256 = arith.addi %mul3A_145, %add3A_1255 : i32
          %swap3A_1257 = arith.index_cast %add3A_1256 : i32 to index
          %swap3A_1258 = arith.constant 0 : index
          %swap3A_1259 = tpu.vector_load %arg21[%swap3A_1257, %swap3A_1258] {strides = array<i32>} : memref<80x128xf32, #tpu.memory_space<vmem>>, vector<1x16xf32>,
          %swap3A_1260 = vector.shape_cast %swap3A_1259 : vector<1x16xf32> to vector<16xf32>
          %swap3A_1261 = vector.shape_cast %mul3A_1254 : vector<16xf32> to vector<1x16xf32>
          tpu.vector_store %arg21[%swap3A_1257, %swap3A_1258], %swap3A_1261 {strides = array<i32>} : memref<80x128xf32, #tpu.memory_space<vmem>>, vector<1x16xf32>,
          %add3A_1262 = arith.constant 9 : i32
          %add3A_1263 = arith.addi %mul3A_145, %add3A_1262 : i32
          %get3A_1264 = arith.index_cast %add3A_1263 : i32 to index
          %get3A_1265 = arith.constant 16 : index
          %get3A_1266 = tpu.vector_load %arg21[%get3A_1264, %get3A_1265] {strides = array<i32>} : memref<80x128xf32, #tpu.memory_space<vmem>>, vector<1x16xf32>,
          %get3A_1267 = vector.shape_cast %get3A_1266 : vector<1x16xf32> to vector<16xf32>
          %mul3A_1268 = vector.broadcast %squeeze3A_1246 : f32 to vector<16xf32>
          %mul3A_1269 = arith.mulf %get3A_1267, %mul3A_1268 : vector<16xf32>
          %add3A_1270 = arith.constant 9 : i32
          %add3A_1271 = arith.addi %mul3A_145, %add3A_1270 : i32
          %swap3A_1272 = arith.index_cast %add3A_1271 : i32 to index
          %swap3A_1273 = arith.constant 16 : index
          %swap3A_1274 = tpu.vector_load %arg21[%swap3A_1272, %swap3A_1273] {strides = array<i32>} : memref<80x128xf32, #tpu.memory_space<vmem>>, vector<1x16xf32>,
          %swap3A_1275 = vector.shape_cast %swap3A_1274 : vector<1x16xf32> to vector<16xf32>
          %swap3A_1276 = vector.shape_cast %mul3A_1269 : vector<16xf32> to vector<1x16xf32>
          tpu.vector_store %arg21[%swap3A_1272, %swap3A_1273], %swap3A_1276 {strides = array<i32>} : memref<80x128xf32, #tpu.memory_space<vmem>>, vector<1x16xf32>,
          %add3A_1277 = arith.constant 9 : i32
          %add3A_1278 = arith.addi %mul3A_145, %add3A_1277 : i32
          %get3A_1279 = arith.index_cast %add3A_1278 : i32 to index
          %get3A_1280 = arith.constant 32 : index
          %get3A_1281 = tpu.vector_load %arg21[%get3A_1279, %get3A_1280] {strides = array<i32>} : memref<80x128xf32, #tpu.memory_space<vmem>>, vector<1x16xf32>,
          %get3A_1282 = vector.shape_cast %get3A_1281 : vector<1x16xf32> to vector<16xf32>
          %mul3A_1283 = vector.broadcast %squeeze3A_1246 : f32 to vector<16xf32>
          %mul3A_1284 = arith.mulf %get3A_1282, %mul3A_1283 : vector<16xf32>
          %add3A_1285 = arith.constant 9 : i32
          %add3A_1286 = arith.addi %mul3A_145, %add3A_1285 : i32
          %swap3A_1287 = arith.index_cast %add3A_1286 : i32 to index
          %swap3A_1288 = arith.constant 32 : index
          %swap3A_1289 = tpu.vector_load %arg21[%swap3A_1287, %swap3A_1288] {strides = array<i32>} : memref<80x128xf32, #tpu.memory_space<vmem>>, vector<1x16xf32>,
          %swap3A_1290 = vector.shape_cast %swap3A_1289 : vector<1x16xf32> to vector<16xf32>
          %swap3A_1291 = vector.shape_cast %mul3A_1284 : vector<16xf32> to vector<1x16xf32>
          tpu.vector_store %arg21[%swap3A_1287, %swap3A_1288], %swap3A_1291 {strides = array<i32>} : memref<80x128xf32, #tpu.memory_space<vmem>>, vector<1x16xf32>,
          %add3A_1292 = arith.constant 9 : i32
          %add3A_1293 = arith.addi %mul3A_145, %add3A_1292 : i32
          %get3A_1294 = arith.index_cast %add3A_1293 : i32 to index
          %get3A_1295 = arith.constant 48 : index
          %get3A_1296 = tpu.vector_load %arg21[%get3A_1294, %get3A_1295] {strides = array<i32>} : memref<80x128xf32, #tpu.memory_space<vmem>>, vector<1x16xf32>,
          %get3A_1297 = vector.shape_cast %get3A_1296 : vector<1x16xf32> to vector<16xf32>
          %mul3A_1298 = vector.broadcast %squeeze3A_1246 : f32 to vector<16xf32>
          %mul3A_1299 = arith.mulf %get3A_1297, %mul3A_1298 : vector<16xf32>
          %add3A_1300 = arith.constant 9 : i32
          %add3A_1301 = arith.addi %mul3A_145, %add3A_1300 : i32
          %swap3A_1302 = arith.index_cast %add3A_1301 : i32 to index
          %swap3A_1303 = arith.constant 48 : index
          %swap3A_1304 = tpu.vector_load %arg21[%swap3A_1302, %swap3A_1303] {strides = array<i32>} : memref<80x128xf32, #tpu.memory_space<vmem>>, vector<1x16xf32>,
          %swap3A_1305 = vector.shape_cast %swap3A_1304 : vector<1x16xf32> to vector<16xf32>
          %swap3A_1306 = vector.shape_cast %mul3A_1299 : vector<16xf32> to vector<1x16xf32>
          tpu.vector_store %arg21[%swap3A_1302, %swap3A_1303], %swap3A_1306 {strides = array<i32>} : memref<80x128xf32, #tpu.memory_space<vmem>>, vector<1x16xf32>,
          %add3A_1307 = arith.constant 9 : i32
          %add3A_1308 = arith.addi %mul3A_145, %add3A_1307 : i32
          %get3A_1309 = arith.index_cast %add3A_1308 : i32 to index
          %get3A_1310 = arith.constant 64 : index
          %get3A_1311 = tpu.vector_load %arg21[%get3A_1309, %get3A_1310] {strides = array<i32>} : memref<80x128xf32, #tpu.memory_space<vmem>>, vector<1x16xf32>,
          %get3A_1312 = vector.shape_cast %get3A_1311 : vector<1x16xf32> to vector<16xf32>
          %mul3A_1313 = vector.broadcast %squeeze3A_1246 : f32 to vector<16xf32>
          %mul3A_1314 = arith.mulf %get3A_1312, %mul3A_1313 : vector<16xf32>
          %add3A_1315 = arith.constant 9 : i32
          %add3A_1316 = arith.addi %mul3A_145, %add3A_1315 : i32
          %swap3A_1317 = arith.index_cast %add3A_1316 : i32 to index
          %swap3A_1318 = arith.constant 64 : index
          %swap3A_1319 = tpu.vector_load %arg21[%swap3A_1317, %swap3A_1318] {strides = array<i32>} : memref<80x128xf32, #tpu.memory_space<vmem>>, vector<1x16xf32>,
          %swap3A_1320 = vector.shape_cast %swap3A_1319 : vector<1x16xf32> to vector<16xf32>
          %swap3A_1321 = vector.shape_cast %mul3A_1314 : vector<16xf32> to vector<1x16xf32>
          tpu.vector_store %arg21[%swap3A_1317, %swap3A_1318], %swap3A_1321 {strides = array<i32>} : memref<80x128xf32, #tpu.memory_space<vmem>>, vector<1x16xf32>,
          %add3A_1322 = arith.constant 9 : i32
          %add3A_1323 = arith.addi %mul3A_145, %add3A_1322 : i32
          %get3A_1324 = arith.index_cast %add3A_1323 : i32 to index
          %get3A_1325 = arith.constant 80 : index
          %get3A_1326 = tpu.vector_load %arg21[%get3A_1324, %get3A_1325] {strides = array<i32>} : memref<80x128xf32, #tpu.memory_space<vmem>>, vector<1x16xf32>,
          %get3A_1327 = vector.shape_cast %get3A_1326 : vector<1x16xf32> to vector<16xf32>
          %mul3A_1328 = vector.broadcast %squeeze3A_1246 : f32 to vector<16xf32>
          %mul3A_1329 = arith.mulf %get3A_1327, %mul3A_1328 : vector<16xf32>
          %add3A_1330 = arith.constant 9 : i32
          %add3A_1331 = arith.addi %mul3A_145, %add3A_1330 : i32
          %swap3A_1332 = arith.index_cast %add3A_1331 : i32 to index
          %swap3A_1333 = arith.constant 80 : index
          %swap3A_1334 = tpu.vector_load %arg21[%swap3A_1332, %swap3A_1333] {strides = array<i32>} : memref<80x128xf32, #tpu.memory_space<vmem>>, vector<1x16xf32>,
          %swap3A_1335 = vector.shape_cast %swap3A_1334 : vector<1x16xf32> to vector<16xf32>
          %swap3A_1336 = vector.shape_cast %mul3A_1329 : vector<16xf32> to vector<1x16xf32>
          tpu.vector_store %arg21[%swap3A_1332, %swap3A_1333], %swap3A_1336 {strides = array<i32>} : memref<80x128xf32, #tpu.memory_space<vmem>>, vector<1x16xf32>,
          %add3A_1337 = arith.constant 9 : i32
          %add3A_1338 = arith.addi %mul3A_145, %add3A_1337 : i32
          %get3A_1339 = arith.index_cast %add3A_1338 : i32 to index
          %get3A_1340 = arith.constant 96 : index
          %get3A_1341 = tpu.vector_load %arg21[%get3A_1339, %get3A_1340] {strides = array<i32>} : memref<80x128xf32, #tpu.memory_space<vmem>>, vector<1x16xf32>,
          %get3A_1342 = vector.shape_cast %get3A_1341 : vector<1x16xf32> to vector<16xf32>
          %mul3A_1343 = vector.broadcast %squeeze3A_1246 : f32 to vector<16xf32>
          %mul3A_1344 = arith.mulf %get3A_1342, %mul3A_1343 : vector<16xf32>
          %add3A_1345 = arith.constant 9 : i32
          %add3A_1346 = arith.addi %mul3A_145, %add3A_1345 : i32
          %swap3A_1347 = arith.index_cast %add3A_1346 : i32 to index
          %swap3A_1348 = arith.constant 96 : index
          %swap3A_1349 = tpu.vector_load %arg21[%swap3A_1347, %swap3A_1348] {strides = array<i32>} : memref<80x128xf32, #tpu.memory_space<vmem>>, vector<1x16xf32>,
          %swap3A_1350 = vector.shape_cast %swap3A_1349 : vector<1x16xf32> to vector<16xf32>
          %swap3A_1351 = vector.shape_cast %mul3A_1344 : vector<16xf32> to vector<1x16xf32>
          tpu.vector_store %arg21[%swap3A_1347, %swap3A_1348], %swap3A_1351 {strides = array<i32>} : memref<80x128xf32, #tpu.memory_space<vmem>>, vector<1x16xf32>,
          %add3A_1352 = arith.constant 9 : i32
          %add3A_1353 = arith.addi %mul3A_145, %add3A_1352 : i32
          %get3A_1354 = arith.index_cast %add3A_1353 : i32 to index
          %get3A_1355 = arith.constant 112 : index
          %get3A_1356 = tpu.vector_load %arg21[%get3A_1354, %get3A_1355] {strides = array<i32>} : memref<80x128xf32, #tpu.memory_space<vmem>>, vector<1x16xf32>,
          %get3A_1357 = vector.shape_cast %get3A_1356 : vector<1x16xf32> to vector<16xf32>
          %mul3A_1358 = vector.broadcast %squeeze3A_1246 : f32 to vector<16xf32>
          %mul3A_1359 = arith.mulf %get3A_1357, %mul3A_1358 : vector<16xf32>
          %add3A_1360 = arith.constant 9 : i32
          %add3A_1361 = arith.addi %mul3A_145, %add3A_1360 : i32
          %swap3A_1362 = arith.index_cast %add3A_1361 : i32 to index
          %swap3A_1363 = arith.constant 112 : index
          %swap3A_1364 = tpu.vector_load %arg21[%swap3A_1362, %swap3A_1363] {strides = array<i32>} : memref<80x128xf32, #tpu.memory_space<vmem>>, vector<1x16xf32>,
          %swap3A_1365 = vector.shape_cast %swap3A_1364 : vector<1x16xf32> to vector<16xf32>
          %swap3A_1366 = vector.shape_cast %mul3A_1359 : vector<16xf32> to vector<1x16xf32>
          tpu.vector_store %arg21[%swap3A_1362, %swap3A_1363], %swap3A_1366 {strides = array<i32>} : memref<80x128xf32, #tpu.memory_space<vmem>>, vector<1x16xf32>,
          %slice3A_1367 = vector.extract_strided_slice %get3A_148 {offsets = [10], sizes = [1], strides = [1]} : vector<16xf32> to vector<1xf32>
          %squeeze3A_1368 = vector.extract %slice3A_1367[0] : f32 from vector<1xf32>
          %add3A_1369 = arith.constant 10 : i32
          %add3A_1370 = arith.addi %mul3A_145, %add3A_1369 : i32
          %get3A_1371 = arith.index_cast %add3A_1370 : i32 to index
          %get3A_1372 = arith.constant 0 : index
          %get3A_1373 = tpu.vector_load %arg21[%get3A_1371, %get3A_1372] {strides = array<i32>} : memref<80x128xf32, #tpu.memory_space<vmem>>, vector<1x16xf32>,
          %get3A_1374 = vector.shape_cast %get3A_1373 : vector<1x16xf32> to vector<16xf32>
          %mul3A_1375 = vector.broadcast %squeeze3A_1368 : f32 to vector<16xf32>
          %mul3A_1376 = arith.mulf %get3A_1374, %mul3A_1375 : vector<16xf32>
          %add3A_1377 = arith.constant 10 : i32
          %add3A_1378 = arith.addi %mul3A_145, %add3A_1377 : i32
          %swap3A_1379 = arith.index_cast %add3A_1378 : i32 to index
          %swap3A_1380 = arith.constant 0 : index
          %swap3A_1381 = tpu.vector_load %arg21[%swap3A_1379, %swap3A_1380] {strides = array<i32>} : memref<80x128xf32, #tpu.memory_space<vmem>>, vector<1x16xf32>,
          %swap3A_1382 = vector.shape_cast %swap3A_1381 : vector<1x16xf32> to vector<16xf32>
          %swap3A_1383 = vector.shape_cast %mul3A_1376 : vector<16xf32> to vector<1x16xf32>
          tpu.vector_store %arg21[%swap3A_1379, %swap3A_1380], %swap3A_1383 {strides = array<i32>} : memref<80x128xf32, #tpu.memory_space<vmem>>, vector<1x16xf32>,
          %add3A_1384 = arith.constant 10 : i32
          %add3A_1385 = arith.addi %mul3A_145, %add3A_1384 : i32
          %get3A_1386 = arith.index_cast %add3A_1385 : i32 to index
          %get3A_1387 = arith.constant 16 : index
          %get3A_1388 = tpu.vector_load %arg21[%get3A_1386, %get3A_1387] {strides = array<i32>} : memref<80x128xf32, #tpu.memory_space<vmem>>, vector<1x16xf32>,
          %get3A_1389 = vector.shape_cast %get3A_1388 : vector<1x16xf32> to vector<16xf32>
          %mul3A_1390 = vector.broadcast %squeeze3A_1368 : f32 to vector<16xf32>
          %mul3A_1391 = arith.mulf %get3A_1389, %mul3A_1390 : vector<16xf32>
          %add3A_1392 = arith.constant 10 : i32
          %add3A_1393 = arith.addi %mul3A_145, %add3A_1392 : i32
          %swap3A_1394 = arith.index_cast %add3A_1393 : i32 to index
          %swap3A_1395 = arith.constant 16 : index
          %swap3A_1396 = tpu.vector_load %arg21[%swap3A_1394, %swap3A_1395] {strides = array<i32>} : memref<80x128xf32, #tpu.memory_space<vmem>>, vector<1x16xf32>,
          %swap3A_1397 = vector.shape_cast %swap3A_1396 : vector<1x16xf32> to vector<16xf32>
          %swap3A_1398 = vector.shape_cast %mul3A_1391 : vector<16xf32> to vector<1x16xf32>
          tpu.vector_store %arg21[%swap3A_1394, %swap3A_1395], %swap3A_1398 {strides = array<i32>} : memref<80x128xf32, #tpu.memory_space<vmem>>, vector<1x16xf32>,
          %add3A_1399 = arith.constant 10 : i32
          %add3A_1400 = arith.addi %mul3A_145, %add3A_1399 : i32
          %get3A_1401 = arith.index_cast %add3A_1400 : i32 to index
          %get3A_1402 = arith.constant 32 : index
          %get3A_1403 = tpu.vector_load %arg21[%get3A_1401, %get3A_1402] {strides = array<i32>} : memref<80x128xf32, #tpu.memory_space<vmem>>, vector<1x16xf32>,
          %get3A_1404 = vector.shape_cast %get3A_1403 : vector<1x16xf32> to vector<16xf32>
          %mul3A_1405 = vector.broadcast %squeeze3A_1368 : f32 to vector<16xf32>
          %mul3A_1406 = arith.mulf %get3A_1404, %mul3A_1405 : vector<16xf32>
          %add3A_1407 = arith.constant 10 : i32
          %add3A_1408 = arith.addi %mul3A_145, %add3A_1407 : i32
          %swap3A_1409 = arith.index_cast %add3A_1408 : i32 to index
          %swap3A_1410 = arith.constant 32 : index
          %swap3A_1411 = tpu.vector_load %arg21[%swap3A_1409, %swap3A_1410] {strides = array<i32>} : memref<80x128xf32, #tpu.memory_space<vmem>>, vector<1x16xf32>,
          %swap3A_1412 = vector.shape_cast %swap3A_1411 : vector<1x16xf32> to vector<16xf32>
          %swap3A_1413 = vector.shape_cast %mul3A_1406 : vector<16xf32> to vector<1x16xf32>
          tpu.vector_store %arg21[%swap3A_1409, %swap3A_1410], %swap3A_1413 {strides = array<i32>} : memref<80x128xf32, #tpu.memory_space<vmem>>, vector<1x16xf32>,
          %add3A_1414 = arith.constant 10 : i32
          %add3A_1415 = arith.addi %mul3A_145, %add3A_1414 : i32
          %get3A_1416 = arith.index_cast %add3A_1415 : i32 to index
          %get3A_1417 = arith.constant 48 : index
          %get3A_1418 = tpu.vector_load %arg21[%get3A_1416, %get3A_1417] {strides = array<i32>} : memref<80x128xf32, #tpu.memory_space<vmem>>, vector<1x16xf32>,
          %get3A_1419 = vector.shape_cast %get3A_1418 : vector<1x16xf32> to vector<16xf32>
          %mul3A_1420 = vector.broadcast %squeeze3A_1368 : f32 to vector<16xf32>
          %mul3A_1421 = arith.mulf %get3A_1419, %mul3A_1420 : vector<16xf32>
          %add3A_1422 = arith.constant 10 : i32
          %add3A_1423 = arith.addi %mul3A_145, %add3A_1422 : i32
          %swap3A_1424 = arith.index_cast %add3A_1423 : i32 to index
          %swap3A_1425 = arith.constant 48 : index
          %swap3A_1426 = tpu.vector_load %arg21[%swap3A_1424, %swap3A_1425] {strides = array<i32>} : memref<80x128xf32, #tpu.memory_space<vmem>>, vector<1x16xf32>,
          %swap3A_1427 = vector.shape_cast %swap3A_1426 : vector<1x16xf32> to vector<16xf32>
          %swap3A_1428 = vector.shape_cast %mul3A_1421 : vector<16xf32> to vector<1x16xf32>
          tpu.vector_store %arg21[%swap3A_1424, %swap3A_1425], %swap3A_1428 {strides = array<i32>} : memref<80x128xf32, #tpu.memory_space<vmem>>, vector<1x16xf32>,
          %add3A_1429 = arith.constant 10 : i32
          %add3A_1430 = arith.addi %mul3A_145, %add3A_1429 : i32
          %get3A_1431 = arith.index_cast %add3A_1430 : i32 to index
          %get3A_1432 = arith.constant 64 : index
          %get3A_1433 = tpu.vector_load %arg21[%get3A_1431, %get3A_1432] {strides = array<i32>} : memref<80x128xf32, #tpu.memory_space<vmem>>, vector<1x16xf32>,
          %get3A_1434 = vector.shape_cast %get3A_1433 : vector<1x16xf32> to vector<16xf32>
          %mul3A_1435 = vector.broadcast %squeeze3A_1368 : f32 to vector<16xf32>
          %mul3A_1436 = arith.mulf %get3A_1434, %mul3A_1435 : vector<16xf32>
          %add3A_1437 = arith.constant 10 : i32
          %add3A_1438 = arith.addi %mul3A_145, %add3A_1437 : i32
          %swap3A_1439 = arith.index_cast %add3A_1438 : i32 to index
          %swap3A_1440 = arith.constant 64 : index
          %swap3A_1441 = tpu.vector_load %arg21[%swap3A_1439, %swap3A_1440] {strides = array<i32>} : memref<80x128xf32, #tpu.memory_space<vmem>>, vector<1x16xf32>,
          %swap3A_1442 = vector.shape_cast %swap3A_1441 : vector<1x16xf32> to vector<16xf32>
          %swap3A_1443 = vector.shape_cast %mul3A_1436 : vector<16xf32> to vector<1x16xf32>
          tpu.vector_store %arg21[%swap3A_1439, %swap3A_1440], %swap3A_1443 {strides = array<i32>} : memref<80x128xf32, #tpu.memory_space<vmem>>, vector<1x16xf32>,
          %add3A_1444 = arith.constant 10 : i32
          %add3A_1445 = arith.addi %mul3A_145, %add3A_1444 : i32
          %get3A_1446 = arith.index_cast %add3A_1445 : i32 to index
          %get3A_1447 = arith.constant 80 : index
          %get3A_1448 = tpu.vector_load %arg21[%get3A_1446, %get3A_1447] {strides = array<i32>} : memref<80x128xf32, #tpu.memory_space<vmem>>, vector<1x16xf32>,
          %get3A_1449 = vector.shape_cast %get3A_1448 : vector<1x16xf32> to vector<16xf32>
          %mul3A_1450 = vector.broadcast %squeeze3A_1368 : f32 to vector<16xf32>
          %mul3A_1451 = arith.mulf %get3A_1449, %mul3A_1450 : vector<16xf32>
          %add3A_1452 = arith.constant 10 : i32
          %add3A_1453 = arith.addi %mul3A_145, %add3A_1452 : i32
          %swap3A_1454 = arith.index_cast %add3A_1453 : i32 to index
          %swap3A_1455 = arith.constant 80 : index
          %swap3A_1456 = tpu.vector_load %arg21[%swap3A_1454, %swap3A_1455] {strides = array<i32>} : memref<80x128xf32, #tpu.memory_space<vmem>>, vector<1x16xf32>,
          %swap3A_1457 = vector.shape_cast %swap3A_1456 : vector<1x16xf32> to vector<16xf32>
          %swap3A_1458 = vector.shape_cast %mul3A_1451 : vector<16xf32> to vector<1x16xf32>
          tpu.vector_store %arg21[%swap3A_1454, %swap3A_1455], %swap3A_1458 {strides = array<i32>} : memref<80x128xf32, #tpu.memory_space<vmem>>, vector<1x16xf32>,
          %add3A_1459 = arith.constant 10 : i32
          %add3A_1460 = arith.addi %mul3A_145, %add3A_1459 : i32
          %get3A_1461 = arith.index_cast %add3A_1460 : i32 to index
          %get3A_1462 = arith.constant 96 : index
          %get3A_1463 = tpu.vector_load %arg21[%get3A_1461, %get3A_1462] {strides = array<i32>} : memref<80x128xf32, #tpu.memory_space<vmem>>, vector<1x16xf32>,
          %get3A_1464 = vector.shape_cast %get3A_1463 : vector<1x16xf32> to vector<16xf32>
          %mul3A_1465 = vector.broadcast %squeeze3A_1368 : f32 to vector<16xf32>
          %mul3A_1466 = arith.mulf %get3A_1464, %mul3A_1465 : vector<16xf32>
          %add3A_1467 = arith.constant 10 : i32
          %add3A_1468 = arith.addi %mul3A_145, %add3A_1467 : i32
          %swap3A_1469 = arith.index_cast %add3A_1468 : i32 to index
          %swap3A_1470 = arith.constant 96 : index
          %swap3A_1471 = tpu.vector_load %arg21[%swap3A_1469, %swap3A_1470] {strides = array<i32>} : memref<80x128xf32, #tpu.memory_space<vmem>>, vector<1x16xf32>,
          %swap3A_1472 = vector.shape_cast %swap3A_1471 : vector<1x16xf32> to vector<16xf32>
          %swap3A_1473 = vector.shape_cast %mul3A_1466 : vector<16xf32> to vector<1x16xf32>
          tpu.vector_store %arg21[%swap3A_1469, %swap3A_1470], %swap3A_1473 {strides = array<i32>} : memref<80x128xf32, #tpu.memory_space<vmem>>, vector<1x16xf32>,
          %add3A_1474 = arith.constant 10 : i32
          %add3A_1475 = arith.addi %mul3A_145, %add3A_1474 : i32
          %get3A_1476 = arith.index_cast %add3A_1475 : i32 to index
          %get3A_1477 = arith.constant 112 : index
          %get3A_1478 = tpu.vector_load %arg21[%get3A_1476, %get3A_1477] {strides = array<i32>} : memref<80x128xf32, #tpu.memory_space<vmem>>, vector<1x16xf32>,
          %get3A_1479 = vector.shape_cast %get3A_1478 : vector<1x16xf32> to vector<16xf32>
          %mul3A_1480 = vector.broadcast %squeeze3A_1368 : f32 to vector<16xf32>
          %mul3A_1481 = arith.mulf %get3A_1479, %mul3A_1480 : vector<16xf32>
          %add3A_1482 = arith.constant 10 : i32
          %add3A_1483 = arith.addi %mul3A_145, %add3A_1482 : i32
          %swap3A_1484 = arith.index_cast %add3A_1483 : i32 to index
          %swap3A_1485 = arith.constant 112 : index
          %swap3A_1486 = tpu.vector_load %arg21[%swap3A_1484, %swap3A_1485] {strides = array<i32>} : memref<80x128xf32, #tpu.memory_space<vmem>>, vector<1x16xf32>,
          %swap3A_1487 = vector.shape_cast %swap3A_1486 : vector<1x16xf32> to vector<16xf32>
          %swap3A_1488 = vector.shape_cast %mul3A_1481 : vector<16xf32> to vector<1x16xf32>
          tpu.vector_store %arg21[%swap3A_1484, %swap3A_1485], %swap3A_1488 {strides = array<i32>} : memref<80x128xf32, #tpu.memory_space<vmem>>, vector<1x16xf32>,
          %slice3A_1489 = vector.extract_strided_slice %get3A_148 {offsets = [11], sizes = [1], strides = [1]} : vector<16xf32> to vector<1xf32>
          %squeeze3A_1490 = vector.extract %slice3A_1489[0] : f32 from vector<1xf32>
          %add3A_1491 = arith.constant 11 : i32
          %add3A_1492 = arith.addi %mul3A_145, %add3A_1491 : i32
          %get3A_1493 = arith.index_cast %add3A_1492 : i32 to index
          %get3A_1494 = arith.constant 0 : index
          %get3A_1495 = tpu.vector_load %arg21[%get3A_1493, %get3A_1494] {strides = array<i32>} : memref<80x128xf32, #tpu.memory_space<vmem>>, vector<1x16xf32>,
          %get3A_1496 = vector.shape_cast %get3A_1495 : vector<1x16xf32> to vector<16xf32>
          %mul3A_1497 = vector.broadcast %squeeze3A_1490 : f32 to vector<16xf32>
          %mul3A_1498 = arith.mulf %get3A_1496, %mul3A_1497 : vector<16xf32>
          %add3A_1499 = arith.constant 11 : i32
          %add3A_1500 = arith.addi %mul3A_145, %add3A_1499 : i32
          %swap3A_1501 = arith.index_cast %add3A_1500 : i32 to index
          %swap3A_1502 = arith.constant 0 : index
          %swap3A_1503 = tpu.vector_load %arg21[%swap3A_1501, %swap3A_1502] {strides = array<i32>} : memref<80x128xf32, #tpu.memory_space<vmem>>, vector<1x16xf32>,
          %swap3A_1504 = vector.shape_cast %swap3A_1503 : vector<1x16xf32> to vector<16xf32>
          %swap3A_1505 = vector.shape_cast %mul3A_1498 : vector<16xf32> to vector<1x16xf32>
          tpu.vector_store %arg21[%swap3A_1501, %swap3A_1502], %swap3A_1505 {strides = array<i32>} : memref<80x128xf32, #tpu.memory_space<vmem>>, vector<1x16xf32>,
          %add3A_1506 = arith.constant 11 : i32
          %add3A_1507 = arith.addi %mul3A_145, %add3A_1506 : i32
          %get3A_1508 = arith.index_cast %add3A_1507 : i32 to index
          %get3A_1509 = arith.constant 16 : index
          %get3A_1510 = tpu.vector_load %arg21[%get3A_1508, %get3A_1509] {strides = array<i32>} : memref<80x128xf32, #tpu.memory_space<vmem>>, vector<1x16xf32>,
          %get3A_1511 = vector.shape_cast %get3A_1510 : vector<1x16xf32> to vector<16xf32>
          %mul3A_1512 = vector.broadcast %squeeze3A_1490 : f32 to vector<16xf32>
          %mul3A_1513 = arith.mulf %get3A_1511, %mul3A_1512 : vector<16xf32>
          %add3A_1514 = arith.constant 11 : i32
          %add3A_1515 = arith.addi %mul3A_145, %add3A_1514 : i32
          %swap3A_1516 = arith.index_cast %add3A_1515 : i32 to index
          %swap3A_1517 = arith.constant 16 : index
          %swap3A_1518 = tpu.vector_load %arg21[%swap3A_1516, %swap3A_1517] {strides = array<i32>} : memref<80x128xf32, #tpu.memory_space<vmem>>, vector<1x16xf32>,
          %swap3A_1519 = vector.shape_cast %swap3A_1518 : vector<1x16xf32> to vector<16xf32>
          %swap3A_1520 = vector.shape_cast %mul3A_1513 : vector<16xf32> to vector<1x16xf32>
          tpu.vector_store %arg21[%swap3A_1516, %swap3A_1517], %swap3A_1520 {strides = array<i32>} : memref<80x128xf32, #tpu.memory_space<vmem>>, vector<1x16xf32>,
          %add3A_1521 = arith.constant 11 : i32
          %add3A_1522 = arith.addi %mul3A_145, %add3A_1521 : i32
          %get3A_1523 = arith.index_cast %add3A_1522 : i32 to index
          %get3A_1524 = arith.constant 32 : index
          %get3A_1525 = tpu.vector_load %arg21[%get3A_1523, %get3A_1524] {strides = array<i32>} : memref<80x128xf32, #tpu.memory_space<vmem>>, vector<1x16xf32>,
          %get3A_1526 = vector.shape_cast %get3A_1525 : vector<1x16xf32> to vector<16xf32>
          %mul3A_1527 = vector.broadcast %squeeze3A_1490 : f32 to vector<16xf32>
          %mul3A_1528 = arith.mulf %get3A_1526, %mul3A_1527 : vector<16xf32>
          %add3A_1529 = arith.constant 11 : i32
          %add3A_1530 = arith.addi %mul3A_145, %add3A_1529 : i32
          %swap3A_1531 = arith.index_cast %add3A_1530 : i32 to index
          %swap3A_1532 = arith.constant 32 : index
          %swap3A_1533 = tpu.vector_load %arg21[%swap3A_1531, %swap3A_1532] {strides = array<i32>} : memref<80x128xf32, #tpu.memory_space<vmem>>, vector<1x16xf32>,
          %swap3A_1534 = vector.shape_cast %swap3A_1533 : vector<1x16xf32> to vector<16xf32>
          %swap3A_1535 = vector.shape_cast %mul3A_1528 : vector<16xf32> to vector<1x16xf32>
          tpu.vector_store %arg21[%swap3A_1531, %swap3A_1532], %swap3A_1535 {strides = array<i32>} : memref<80x128xf32, #tpu.memory_space<vmem>>, vector<1x16xf32>,
          %add3A_1536 = arith.constant 11 : i32
          %add3A_1537 = arith.addi %mul3A_145, %add3A_1536 : i32
          %get3A_1538 = arith.index_cast %add3A_1537 : i32 to index
          %get3A_1539 = arith.constant 48 : index
          %get3A_1540 = tpu.vector_load %arg21[%get3A_1538, %get3A_1539] {strides = array<i32>} : memref<80x128xf32, #tpu.memory_space<vmem>>, vector<1x16xf32>,
          %get3A_1541 = vector.shape_cast %get3A_1540 : vector<1x16xf32> to vector<16xf32>
          %mul3A_1542 = vector.broadcast %squeeze3A_1490 : f32 to vector<16xf32>
          %mul3A_1543 = arith.mulf %get3A_1541, %mul3A_1542 : vector<16xf32>
          %add3A_1544 = arith.constant 11 : i32
          %add3A_1545 = arith.addi %mul3A_145, %add3A_1544 : i32
          %swap3A_1546 = arith.index_cast %add3A_1545 : i32 to index
          %swap3A_1547 = arith.constant 48 : index
          %swap3A_1548 = tpu.vector_load %arg21[%swap3A_1546, %swap3A_1547] {strides = array<i32>} : memref<80x128xf32, #tpu.memory_space<vmem>>, vector<1x16xf32>,
          %swap3A_1549 = vector.shape_cast %swap3A_1548 : vector<1x16xf32> to vector<16xf32>
          %swap3A_1550 = vector.shape_cast %mul3A_1543 : vector<16xf32> to vector<1x16xf32>
          tpu.vector_store %arg21[%swap3A_1546, %swap3A_1547], %swap3A_1550 {strides = array<i32>} : memref<80x128xf32, #tpu.memory_space<vmem>>, vector<1x16xf32>,
          %add3A_1551 = arith.constant 11 : i32
          %add3A_1552 = arith.addi %mul3A_145, %add3A_1551 : i32
          %get3A_1553 = arith.index_cast %add3A_1552 : i32 to index
          %get3A_1554 = arith.constant 64 : index
          %get3A_1555 = tpu.vector_load %arg21[%get3A_1553, %get3A_1554] {strides = array<i32>} : memref<80x128xf32, #tpu.memory_space<vmem>>, vector<1x16xf32>,
          %get3A_1556 = vector.shape_cast %get3A_1555 : vector<1x16xf32> to vector<16xf32>
          %mul3A_1557 = vector.broadcast %squeeze3A_1490 : f32 to vector<16xf32>
          %mul3A_1558 = arith.mulf %get3A_1556, %mul3A_1557 : vector<16xf32>
          %add3A_1559 = arith.constant 11 : i32
          %add3A_1560 = arith.addi %mul3A_145, %add3A_1559 : i32
          %swap3A_1561 = arith.index_cast %add3A_1560 : i32 to index
          %swap3A_1562 = arith.constant 64 : index
          %swap3A_1563 = tpu.vector_load %arg21[%swap3A_1561, %swap3A_1562] {strides = array<i32>} : memref<80x128xf32, #tpu.memory_space<vmem>>, vector<1x16xf32>,
          %swap3A_1564 = vector.shape_cast %swap3A_1563 : vector<1x16xf32> to vector<16xf32>
          %swap3A_1565 = vector.shape_cast %mul3A_1558 : vector<16xf32> to vector<1x16xf32>
          tpu.vector_store %arg21[%swap3A_1561, %swap3A_1562], %swap3A_1565 {strides = array<i32>} : memref<80x128xf32, #tpu.memory_space<vmem>>, vector<1x16xf32>,
          %add3A_1566 = arith.constant 11 : i32
          %add3A_1567 = arith.addi %mul3A_145, %add3A_1566 : i32
          %get3A_1568 = arith.index_cast %add3A_1567 : i32 to index
          %get3A_1569 = arith.constant 80 : index
          %get3A_1570 = tpu.vector_load %arg21[%get3A_1568, %get3A_1569] {strides = array<i32>} : memref<80x128xf32, #tpu.memory_space<vmem>>, vector<1x16xf32>,
          %get3A_1571 = vector.shape_cast %get3A_1570 : vector<1x16xf32> to vector<16xf32>
          %mul3A_1572 = vector.broadcast %squeeze3A_1490 : f32 to vector<16xf32>
          %mul3A_1573 = arith.mulf %get3A_1571, %mul3A_1572 : vector<16xf32>
          %add3A_1574 = arith.constant 11 : i32
          %add3A_1575 = arith.addi %mul3A_145, %add3A_1574 : i32
          %swap3A_1576 = arith.index_cast %add3A_1575 : i32 to index
          %swap3A_1577 = arith.constant 80 : index
          %swap3A_1578 = tpu.vector_load %arg21[%swap3A_1576, %swap3A_1577] {strides = array<i32>} : memref<80x128xf32, #tpu.memory_space<vmem>>, vector<1x16xf32>,
          %swap3A_1579 = vector.shape_cast %swap3A_1578 : vector<1x16xf32> to vector<16xf32>
          %swap3A_1580 = vector.shape_cast %mul3A_1573 : vector<16xf32> to vector<1x16xf32>
          tpu.vector_store %arg21[%swap3A_1576, %swap3A_1577], %swap3A_1580 {strides = array<i32>} : memref<80x128xf32, #tpu.memory_space<vmem>>, vector<1x16xf32>,
          %add3A_1581 = arith.constant 11 : i32
          %add3A_1582 = arith.addi %mul3A_145, %add3A_1581 : i32
          %get3A_1583 = arith.index_cast %add3A_1582 : i32 to index
          %get3A_1584 = arith.constant 96 : index
          %get3A_1585 = tpu.vector_load %arg21[%get3A_1583, %get3A_1584] {strides = array<i32>} : memref<80x128xf32, #tpu.memory_space<vmem>>, vector<1x16xf32>,
          %get3A_1586 = vector.shape_cast %get3A_1585 : vector<1x16xf32> to vector<16xf32>
          %mul3A_1587 = vector.broadcast %squeeze3A_1490 : f32 to vector<16xf32>
          %mul3A_1588 = arith.mulf %get3A_1586, %mul3A_1587 : vector<16xf32>
          %add3A_1589 = arith.constant 11 : i32
          %add3A_1590 = arith.addi %mul3A_145, %add3A_1589 : i32
          %swap3A_1591 = arith.index_cast %add3A_1590 : i32 to index
          %swap3A_1592 = arith.constant 96 : index
          %swap3A_1593 = tpu.vector_load %arg21[%swap3A_1591, %swap3A_1592] {strides = array<i32>} : memref<80x128xf32, #tpu.memory_space<vmem>>, vector<1x16xf32>,
          %swap3A_1594 = vector.shape_cast %swap3A_1593 : vector<1x16xf32> to vector<16xf32>
          %swap3A_1595 = vector.shape_cast %mul3A_1588 : vector<16xf32> to vector<1x16xf32>
          tpu.vector_store %arg21[%swap3A_1591, %swap3A_1592], %swap3A_1595 {strides = array<i32>} : memref<80x128xf32, #tpu.memory_space<vmem>>, vector<1x16xf32>,
          %add3A_1596 = arith.constant 11 : i32
          %add3A_1597 = arith.addi %mul3A_145, %add3A_1596 : i32
          %get3A_1598 = arith.index_cast %add3A_1597 : i32 to index
          %get3A_1599 = arith.constant 112 : index
          %get3A_1600 = tpu.vector_load %arg21[%get3A_1598, %get3A_1599] {strides = array<i32>} : memref<80x128xf32, #tpu.memory_space<vmem>>, vector<1x16xf32>,
          %get3A_1601 = vector.shape_cast %get3A_1600 : vector<1x16xf32> to vector<16xf32>
          %mul3A_1602 = vector.broadcast %squeeze3A_1490 : f32 to vector<16xf32>
          %mul3A_1603 = arith.mulf %get3A_1601, %mul3A_1602 : vector<16xf32>
          %add3A_1604 = arith.constant 11 : i32
          %add3A_1605 = arith.addi %mul3A_145, %add3A_1604 : i32
          %swap3A_1606 = arith.index_cast %add3A_1605 : i32 to index
          %swap3A_1607 = arith.constant 112 : index
          %swap3A_1608 = tpu.vector_load %arg21[%swap3A_1606, %swap3A_1607] {strides = array<i32>} : memref<80x128xf32, #tpu.memory_space<vmem>>, vector<1x16xf32>,
          %swap3A_1609 = vector.shape_cast %swap3A_1608 : vector<1x16xf32> to vector<16xf32>
          %swap3A_1610 = vector.shape_cast %mul3A_1603 : vector<16xf32> to vector<1x16xf32>
          tpu.vector_store %arg21[%swap3A_1606, %swap3A_1607], %swap3A_1610 {strides = array<i32>} : memref<80x128xf32, #tpu.memory_space<vmem>>, vector<1x16xf32>,
          %slice3A_1611 = vector.extract_strided_slice %get3A_148 {offsets = [12], sizes = [1], strides = [1]} : vector<16xf32> to vector<1xf32>
          %squeeze3A_1612 = vector.extract %slice3A_1611[0] : f32 from vector<1xf32>
          %add3A_1613 = arith.constant 12 : i32
          %add3A_1614 = arith.addi %mul3A_145, %add3A_1613 : i32
          %get3A_1615 = arith.index_cast %add3A_1614 : i32 to index
          %get3A_1616 = arith.constant 0 : index
          %get3A_1617 = tpu.vector_load %arg21[%get3A_1615, %get3A_1616] {strides = array<i32>} : memref<80x128xf32, #tpu.memory_space<vmem>>, vector<1x16xf32>,
          %get3A_1618 = vector.shape_cast %get3A_1617 : vector<1x16xf32> to vector<16xf32>
          %mul3A_1619 = vector.broadcast %squeeze3A_1612 : f32 to vector<16xf32>
          %mul3A_1620 = arith.mulf %get3A_1618, %mul3A_1619 : vector<16xf32>
          %add3A_1621 = arith.constant 12 : i32
          %add3A_1622 = arith.addi %mul3A_145, %add3A_1621 : i32
          %swap3A_1623 = arith.index_cast %add3A_1622 : i32 to index
          %swap3A_1624 = arith.constant 0 : index
          %swap3A_1625 = tpu.vector_load %arg21[%swap3A_1623, %swap3A_1624] {strides = array<i32>} : memref<80x128xf32, #tpu.memory_space<vmem>>, vector<1x16xf32>,
          %swap3A_1626 = vector.shape_cast %swap3A_1625 : vector<1x16xf32> to vector<16xf32>
          %swap3A_1627 = vector.shape_cast %mul3A_1620 : vector<16xf32> to vector<1x16xf32>
          tpu.vector_store %arg21[%swap3A_1623, %swap3A_1624], %swap3A_1627 {strides = array<i32>} : memref<80x128xf32, #tpu.memory_space<vmem>>, vector<1x16xf32>,
          %add3A_1628 = arith.constant 12 : i32
          %add3A_1629 = arith.addi %mul3A_145, %add3A_1628 : i32
          %get3A_1630 = arith.index_cast %add3A_1629 : i32 to index
          %get3A_1631 = arith.constant 16 : index
          %get3A_1632 = tpu.vector_load %arg21[%get3A_1630, %get3A_1631] {strides = array<i32>} : memref<80x128xf32, #tpu.memory_space<vmem>>, vector<1x16xf32>,
          %get3A_1633 = vector.shape_cast %get3A_1632 : vector<1x16xf32> to vector<16xf32>
          %mul3A_1634 = vector.broadcast %squeeze3A_1612 : f32 to vector<16xf32>
          %mul3A_1635 = arith.mulf %get3A_1633, %mul3A_1634 : vector<16xf32>
          %add3A_1636 = arith.constant 12 : i32
          %add3A_1637 = arith.addi %mul3A_145, %add3A_1636 : i32
          %swap3A_1638 = arith.index_cast %add3A_1637 : i32 to index
          %swap3A_1639 = arith.constant 16 : index
          %swap3A_1640 = tpu.vector_load %arg21[%swap3A_1638, %swap3A_1639] {strides = array<i32>} : memref<80x128xf32, #tpu.memory_space<vmem>>, vector<1x16xf32>,
          %swap3A_1641 = vector.shape_cast %swap3A_1640 : vector<1x16xf32> to vector<16xf32>
          %swap3A_1642 = vector.shape_cast %mul3A_1635 : vector<16xf32> to vector<1x16xf32>
          tpu.vector_store %arg21[%swap3A_1638, %swap3A_1639], %swap3A_1642 {strides = array<i32>} : memref<80x128xf32, #tpu.memory_space<vmem>>, vector<1x16xf32>,
          %add3A_1643 = arith.constant 12 : i32
          %add3A_1644 = arith.addi %mul3A_145, %add3A_1643 : i32
          %get3A_1645 = arith.index_cast %add3A_1644 : i32 to index
          %get3A_1646 = arith.constant 32 : index
          %get3A_1647 = tpu.vector_load %arg21[%get3A_1645, %get3A_1646] {strides = array<i32>} : memref<80x128xf32, #tpu.memory_space<vmem>>, vector<1x16xf32>,
          %get3A_1648 = vector.shape_cast %get3A_1647 : vector<1x16xf32> to vector<16xf32>
          %mul3A_1649 = vector.broadcast %squeeze3A_1612 : f32 to vector<16xf32>
          %mul3A_1650 = arith.mulf %get3A_1648, %mul3A_1649 : vector<16xf32>
          %add3A_1651 = arith.constant 12 : i32
          %add3A_1652 = arith.addi %mul3A_145, %add3A_1651 : i32
          %swap3A_1653 = arith.index_cast %add3A_1652 : i32 to index
          %swap3A_1654 = arith.constant 32 : index
          %swap3A_1655 = tpu.vector_load %arg21[%swap3A_1653, %swap3A_1654] {strides = array<i32>} : memref<80x128xf32, #tpu.memory_space<vmem>>, vector<1x16xf32>,
          %swap3A_1656 = vector.shape_cast %swap3A_1655 : vector<1x16xf32> to vector<16xf32>
          %swap3A_1657 = vector.shape_cast %mul3A_1650 : vector<16xf32> to vector<1x16xf32>
          tpu.vector_store %arg21[%swap3A_1653, %swap3A_1654], %swap3A_1657 {strides = array<i32>} : memref<80x128xf32, #tpu.memory_space<vmem>>, vector<1x16xf32>,
          %add3A_1658 = arith.constant 12 : i32
          %add3A_1659 = arith.addi %mul3A_145, %add3A_1658 : i32
          %get3A_1660 = arith.index_cast %add3A_1659 : i32 to index
          %get3A_1661 = arith.constant 48 : index
          %get3A_1662 = tpu.vector_load %arg21[%get3A_1660, %get3A_1661] {strides = array<i32>} : memref<80x128xf32, #tpu.memory_space<vmem>>, vector<1x16xf32>,
          %get3A_1663 = vector.shape_cast %get3A_1662 : vector<1x16xf32> to vector<16xf32>
          %mul3A_1664 = vector.broadcast %squeeze3A_1612 : f32 to vector<16xf32>
          %mul3A_1665 = arith.mulf %get3A_1663, %mul3A_1664 : vector<16xf32>
          %add3A_1666 = arith.constant 12 : i32
          %add3A_1667 = arith.addi %mul3A_145, %add3A_1666 : i32
          %swap3A_1668 = arith.index_cast %add3A_1667 : i32 to index
          %swap3A_1669 = arith.constant 48 : index
          %swap3A_1670 = tpu.vector_load %arg21[%swap3A_1668, %swap3A_1669] {strides = array<i32>} : memref<80x128xf32, #tpu.memory_space<vmem>>, vector<1x16xf32>,
          %swap3A_1671 = vector.shape_cast %swap3A_1670 : vector<1x16xf32> to vector<16xf32>
          %swap3A_1672 = vector.shape_cast %mul3A_1665 : vector<16xf32> to vector<1x16xf32>
          tpu.vector_store %arg21[%swap3A_1668, %swap3A_1669], %swap3A_1672 {strides = array<i32>} : memref<80x128xf32, #tpu.memory_space<vmem>>, vector<1x16xf32>,
          %add3A_1673 = arith.constant 12 : i32
          %add3A_1674 = arith.addi %mul3A_145, %add3A_1673 : i32
          %get3A_1675 = arith.index_cast %add3A_1674 : i32 to index
          %get3A_1676 = arith.constant 64 : index
          %get3A_1677 = tpu.vector_load %arg21[%get3A_1675, %get3A_1676] {strides = array<i32>} : memref<80x128xf32, #tpu.memory_space<vmem>>, vector<1x16xf32>,
          %get3A_1678 = vector.shape_cast %get3A_1677 : vector<1x16xf32> to vector<16xf32>
          %mul3A_1679 = vector.broadcast %squeeze3A_1612 : f32 to vector<16xf32>
          %mul3A_1680 = arith.mulf %get3A_1678, %mul3A_1679 : vector<16xf32>
          %add3A_1681 = arith.constant 12 : i32
          %add3A_1682 = arith.addi %mul3A_145, %add3A_1681 : i32
          %swap3A_1683 = arith.index_cast %add3A_1682 : i32 to index
          %swap3A_1684 = arith.constant 64 : index
          %swap3A_1685 = tpu.vector_load %arg21[%swap3A_1683, %swap3A_1684] {strides = array<i32>} : memref<80x128xf32, #tpu.memory_space<vmem>>, vector<1x16xf32>,
          %swap3A_1686 = vector.shape_cast %swap3A_1685 : vector<1x16xf32> to vector<16xf32>
          %swap3A_1687 = vector.shape_cast %mul3A_1680 : vector<16xf32> to vector<1x16xf32>
          tpu.vector_store %arg21[%swap3A_1683, %swap3A_1684], %swap3A_1687 {strides = array<i32>} : memref<80x128xf32, #tpu.memory_space<vmem>>, vector<1x16xf32>,
          %add3A_1688 = arith.constant 12 : i32
          %add3A_1689 = arith.addi %mul3A_145, %add3A_1688 : i32
          %get3A_1690 = arith.index_cast %add3A_1689 : i32 to index
          %get3A_1691 = arith.constant 80 : index
          %get3A_1692 = tpu.vector_load %arg21[%get3A_1690, %get3A_1691] {strides = array<i32>} : memref<80x128xf32, #tpu.memory_space<vmem>>, vector<1x16xf32>,
          %get3A_1693 = vector.shape_cast %get3A_1692 : vector<1x16xf32> to vector<16xf32>
          %mul3A_1694 = vector.broadcast %squeeze3A_1612 : f32 to vector<16xf32>
          %mul3A_1695 = arith.mulf %get3A_1693, %mul3A_1694 : vector<16xf32>
          %add3A_1696 = arith.constant 12 : i32
          %add3A_1697 = arith.addi %mul3A_145, %add3A_1696 : i32
          %swap3A_1698 = arith.index_cast %add3A_1697 : i32 to index
          %swap3A_1699 = arith.constant 80 : index
          %swap3A_1700 = tpu.vector_load %arg21[%swap3A_1698, %swap3A_1699] {strides = array<i32>} : memref<80x128xf32, #tpu.memory_space<vmem>>, vector<1x16xf32>,
          %swap3A_1701 = vector.shape_cast %swap3A_1700 : vector<1x16xf32> to vector<16xf32>
          %swap3A_1702 = vector.shape_cast %mul3A_1695 : vector<16xf32> to vector<1x16xf32>
          tpu.vector_store %arg21[%swap3A_1698, %swap3A_1699], %swap3A_1702 {strides = array<i32>} : memref<80x128xf32, #tpu.memory_space<vmem>>, vector<1x16xf32>,
          %add3A_1703 = arith.constant 12 : i32
          %add3A_1704 = arith.addi %mul3A_145, %add3A_1703 : i32
          %get3A_1705 = arith.index_cast %add3A_1704 : i32 to index
          %get3A_1706 = arith.constant 96 : index
          %get3A_1707 = tpu.vector_load %arg21[%get3A_1705, %get3A_1706] {strides = array<i32>} : memref<80x128xf32, #tpu.memory_space<vmem>>, vector<1x16xf32>,
          %get3A_1708 = vector.shape_cast %get3A_1707 : vector<1x16xf32> to vector<16xf32>
          %mul3A_1709 = vector.broadcast %squeeze3A_1612 : f32 to vector<16xf32>
          %mul3A_1710 = arith.mulf %get3A_1708, %mul3A_1709 : vector<16xf32>
          %add3A_1711 = arith.constant 12 : i32
          %add3A_1712 = arith.addi %mul3A_145, %add3A_1711 : i32
          %swap3A_1713 = arith.index_cast %add3A_1712 : i32 to index
          %swap3A_1714 = arith.constant 96 : index
          %swap3A_1715 = tpu.vector_load %arg21[%swap3A_1713, %swap3A_1714] {strides = array<i32>} : memref<80x128xf32, #tpu.memory_space<vmem>>, vector<1x16xf32>,
          %swap3A_1716 = vector.shape_cast %swap3A_1715 : vector<1x16xf32> to vector<16xf32>
          %swap3A_1717 = vector.shape_cast %mul3A_1710 : vector<16xf32> to vector<1x16xf32>
          tpu.vector_store %arg21[%swap3A_1713, %swap3A_1714], %swap3A_1717 {strides = array<i32>} : memref<80x128xf32, #tpu.memory_space<vmem>>, vector<1x16xf32>,
          %add3A_1718 = arith.constant 12 : i32
          %add3A_1719 = arith.addi %mul3A_145, %add3A_1718 : i32
          %get3A_1720 = arith.index_cast %add3A_1719 : i32 to index
          %get3A_1721 = arith.constant 112 : index
          %get3A_1722 = tpu.vector_load %arg21[%get3A_1720, %get3A_1721] {strides = array<i32>} : memref<80x128xf32, #tpu.memory_space<vmem>>, vector<1x16xf32>,
          %get3A_1723 = vector.shape_cast %get3A_1722 : vector<1x16xf32> to vector<16xf32>
          %mul3A_1724 = vector.broadcast %squeeze3A_1612 : f32 to vector<16xf32>
          %mul3A_1725 = arith.mulf %get3A_1723, %mul3A_1724 : vector<16xf32>
          %add3A_1726 = arith.constant 12 : i32
          %add3A_1727 = arith.addi %mul3A_145, %add3A_1726 : i32
          %swap3A_1728 = arith.index_cast %add3A_1727 : i32 to index
          %swap3A_1729 = arith.constant 112 : index
          %swap3A_1730 = tpu.vector_load %arg21[%swap3A_1728, %swap3A_1729] {strides = array<i32>} : memref<80x128xf32, #tpu.memory_space<vmem>>, vector<1x16xf32>,
          %swap3A_1731 = vector.shape_cast %swap3A_1730 : vector<1x16xf32> to vector<16xf32>
          %swap3A_1732 = vector.shape_cast %mul3A_1725 : vector<16xf32> to vector<1x16xf32>
          tpu.vector_store %arg21[%swap3A_1728, %swap3A_1729], %swap3A_1732 {strides = array<i32>} : memref<80x128xf32, #tpu.memory_space<vmem>>, vector<1x16xf32>,
          %slice3A_1733 = vector.extract_strided_slice %get3A_148 {offsets = [13], sizes = [1], strides = [1]} : vector<16xf32> to vector<1xf32>
          %squeeze3A_1734 = vector.extract %slice3A_1733[0] : f32 from vector<1xf32>
          %add3A_1735 = arith.constant 13 : i32
          %add3A_1736 = arith.addi %mul3A_145, %add3A_1735 : i32
          %get3A_1737 = arith.index_cast %add3A_1736 : i32 to index
          %get3A_1738 = arith.constant 0 : index
          %get3A_1739 = tpu.vector_load %arg21[%get3A_1737, %get3A_1738] {strides = array<i32>} : memref<80x128xf32, #tpu.memory_space<vmem>>, vector<1x16xf32>,
          %get3A_1740 = vector.shape_cast %get3A_1739 : vector<1x16xf32> to vector<16xf32>
          %mul3A_1741 = vector.broadcast %squeeze3A_1734 : f32 to vector<16xf32>
          %mul3A_1742 = arith.mulf %get3A_1740, %mul3A_1741 : vector<16xf32>
          %add3A_1743 = arith.constant 13 : i32
          %add3A_1744 = arith.addi %mul3A_145, %add3A_1743 : i32
          %swap3A_1745 = arith.index_cast %add3A_1744 : i32 to index
          %swap3A_1746 = arith.constant 0 : index
          %swap3A_1747 = tpu.vector_load %arg21[%swap3A_1745, %swap3A_1746] {strides = array<i32>} : memref<80x128xf32, #tpu.memory_space<vmem>>, vector<1x16xf32>,
          %swap3A_1748 = vector.shape_cast %swap3A_1747 : vector<1x16xf32> to vector<16xf32>
          %swap3A_1749 = vector.shape_cast %mul3A_1742 : vector<16xf32> to vector<1x16xf32>
          tpu.vector_store %arg21[%swap3A_1745, %swap3A_1746], %swap3A_1749 {strides = array<i32>} : memref<80x128xf32, #tpu.memory_space<vmem>>, vector<1x16xf32>,
          %add3A_1750 = arith.constant 13 : i32
          %add3A_1751 = arith.addi %mul3A_145, %add3A_1750 : i32
          %get3A_1752 = arith.index_cast %add3A_1751 : i32 to index
          %get3A_1753 = arith.constant 16 : index
          %get3A_1754 = tpu.vector_load %arg21[%get3A_1752, %get3A_1753] {strides = array<i32>} : memref<80x128xf32, #tpu.memory_space<vmem>>, vector<1x16xf32>,
          %get3A_1755 = vector.shape_cast %get3A_1754 : vector<1x16xf32> to vector<16xf32>
          %mul3A_1756 = vector.broadcast %squeeze3A_1734 : f32 to vector<16xf32>
          %mul3A_1757 = arith.mulf %get3A_1755, %mul3A_1756 : vector<16xf32>
          %add3A_1758 = arith.constant 13 : i32
          %add3A_1759 = arith.addi %mul3A_145, %add3A_1758 : i32
          %swap3A_1760 = arith.index_cast %add3A_1759 : i32 to index
          %swap3A_1761 = arith.constant 16 : index
          %swap3A_1762 = tpu.vector_load %arg21[%swap3A_1760, %swap3A_1761] {strides = array<i32>} : memref<80x128xf32, #tpu.memory_space<vmem>>, vector<1x16xf32>,
          %swap3A_1763 = vector.shape_cast %swap3A_1762 : vector<1x16xf32> to vector<16xf32>
          %swap3A_1764 = vector.shape_cast %mul3A_1757 : vector<16xf32> to vector<1x16xf32>
          tpu.vector_store %arg21[%swap3A_1760, %swap3A_1761], %swap3A_1764 {strides = array<i32>} : memref<80x128xf32, #tpu.memory_space<vmem>>, vector<1x16xf32>,
          %add3A_1765 = arith.constant 13 : i32
          %add3A_1766 = arith.addi %mul3A_145, %add3A_1765 : i32
          %get3A_1767 = arith.index_cast %add3A_1766 : i32 to index
          %get3A_1768 = arith.constant 32 : index
          %get3A_1769 = tpu.vector_load %arg21[%get3A_1767, %get3A_1768] {strides = array<i32>} : memref<80x128xf32, #tpu.memory_space<vmem>>, vector<1x16xf32>,
          %get3A_1770 = vector.shape_cast %get3A_1769 : vector<1x16xf32> to vector<16xf32>
          %mul3A_1771 = vector.broadcast %squeeze3A_1734 : f32 to vector<16xf32>
          %mul3A_1772 = arith.mulf %get3A_1770, %mul3A_1771 : vector<16xf32>
          %add3A_1773 = arith.constant 13 : i32
          %add3A_1774 = arith.addi %mul3A_145, %add3A_1773 : i32
          %swap3A_1775 = arith.index_cast %add3A_1774 : i32 to index
          %swap3A_1776 = arith.constant 32 : index
          %swap3A_1777 = tpu.vector_load %arg21[%swap3A_1775, %swap3A_1776] {strides = array<i32>} : memref<80x128xf32, #tpu.memory_space<vmem>>, vector<1x16xf32>,
          %swap3A_1778 = vector.shape_cast %swap3A_1777 : vector<1x16xf32> to vector<16xf32>
          %swap3A_1779 = vector.shape_cast %mul3A_1772 : vector<16xf32> to vector<1x16xf32>
          tpu.vector_store %arg21[%swap3A_1775, %swap3A_1776], %swap3A_1779 {strides = array<i32>} : memref<80x128xf32, #tpu.memory_space<vmem>>, vector<1x16xf32>,
          %add3A_1780 = arith.constant 13 : i32
          %add3A_1781 = arith.addi %mul3A_145, %add3A_1780 : i32
          %get3A_1782 = arith.index_cast %add3A_1781 : i32 to index
          %get3A_1783 = arith.constant 48 : index
          %get3A_1784 = tpu.vector_load %arg21[%get3A_1782, %get3A_1783] {strides = array<i32>} : memref<80x128xf32, #tpu.memory_space<vmem>>, vector<1x16xf32>,
          %get3A_1785 = vector.shape_cast %get3A_1784 : vector<1x16xf32> to vector<16xf32>
          %mul3A_1786 = vector.broadcast %squeeze3A_1734 : f32 to vector<16xf32>
          %mul3A_1787 = arith.mulf %get3A_1785, %mul3A_1786 : vector<16xf32>
          %add3A_1788 = arith.constant 13 : i32
          %add3A_1789 = arith.addi %mul3A_145, %add3A_1788 : i32
          %swap3A_1790 = arith.index_cast %add3A_1789 : i32 to index
          %swap3A_1791 = arith.constant 48 : index
          %swap3A_1792 = tpu.vector_load %arg21[%swap3A_1790, %swap3A_1791] {strides = array<i32>} : memref<80x128xf32, #tpu.memory_space<vmem>>, vector<1x16xf32>,
          %swap3A_1793 = vector.shape_cast %swap3A_1792 : vector<1x16xf32> to vector<16xf32>
          %swap3A_1794 = vector.shape_cast %mul3A_1787 : vector<16xf32> to vector<1x16xf32>
          tpu.vector_store %arg21[%swap3A_1790, %swap3A_1791], %swap3A_1794 {strides = array<i32>} : memref<80x128xf32, #tpu.memory_space<vmem>>, vector<1x16xf32>,
          %add3A_1795 = arith.constant 13 : i32
          %add3A_1796 = arith.addi %mul3A_145, %add3A_1795 : i32
          %get3A_1797 = arith.index_cast %add3A_1796 : i32 to index
          %get3A_1798 = arith.constant 64 : index
          %get3A_1799 = tpu.vector_load %arg21[%get3A_1797, %get3A_1798] {strides = array<i32>} : memref<80x128xf32, #tpu.memory_space<vmem>>, vector<1x16xf32>,
          %get3A_1800 = vector.shape_cast %get3A_1799 : vector<1x16xf32> to vector<16xf32>
          %mul3A_1801 = vector.broadcast %squeeze3A_1734 : f32 to vector<16xf32>
          %mul3A_1802 = arith.mulf %get3A_1800, %mul3A_1801 : vector<16xf32>
          %add3A_1803 = arith.constant 13 : i32
          %add3A_1804 = arith.addi %mul3A_145, %add3A_1803 : i32
          %swap3A_1805 = arith.index_cast %add3A_1804 : i32 to index
          %swap3A_1806 = arith.constant 64 : index
          %swap3A_1807 = tpu.vector_load %arg21[%swap3A_1805, %swap3A_1806] {strides = array<i32>} : memref<80x128xf32, #tpu.memory_space<vmem>>, vector<1x16xf32>,
          %swap3A_1808 = vector.shape_cast %swap3A_1807 : vector<1x16xf32> to vector<16xf32>
          %swap3A_1809 = vector.shape_cast %mul3A_1802 : vector<16xf32> to vector<1x16xf32>
          tpu.vector_store %arg21[%swap3A_1805, %swap3A_1806], %swap3A_1809 {strides = array<i32>} : memref<80x128xf32, #tpu.memory_space<vmem>>, vector<1x16xf32>,
          %add3A_1810 = arith.constant 13 : i32
          %add3A_1811 = arith.addi %mul3A_145, %add3A_1810 : i32
          %get3A_1812 = arith.index_cast %add3A_1811 : i32 to index
          %get3A_1813 = arith.constant 80 : index
          %get3A_1814 = tpu.vector_load %arg21[%get3A_1812, %get3A_1813] {strides = array<i32>} : memref<80x128xf32, #tpu.memory_space<vmem>>, vector<1x16xf32>,
          %get3A_1815 = vector.shape_cast %get3A_1814 : vector<1x16xf32> to vector<16xf32>
          %mul3A_1816 = vector.broadcast %squeeze3A_1734 : f32 to vector<16xf32>
          %mul3A_1817 = arith.mulf %get3A_1815, %mul3A_1816 : vector<16xf32>
          %add3A_1818 = arith.constant 13 : i32
          %add3A_1819 = arith.addi %mul3A_145, %add3A_1818 : i32
          %swap3A_1820 = arith.index_cast %add3A_1819 : i32 to index
          %swap3A_1821 = arith.constant 80 : index
          %swap3A_1822 = tpu.vector_load %arg21[%swap3A_1820, %swap3A_1821] {strides = array<i32>} : memref<80x128xf32, #tpu.memory_space<vmem>>, vector<1x16xf32>,
          %swap3A_1823 = vector.shape_cast %swap3A_1822 : vector<1x16xf32> to vector<16xf32>
          %swap3A_1824 = vector.shape_cast %mul3A_1817 : vector<16xf32> to vector<1x16xf32>
          tpu.vector_store %arg21[%swap3A_1820, %swap3A_1821], %swap3A_1824 {strides = array<i32>} : memref<80x128xf32, #tpu.memory_space<vmem>>, vector<1x16xf32>,
          %add3A_1825 = arith.constant 13 : i32
          %add3A_1826 = arith.addi %mul3A_145, %add3A_1825 : i32
          %get3A_1827 = arith.index_cast %add3A_1826 : i32 to index
          %get3A_1828 = arith.constant 96 : index
          %get3A_1829 = tpu.vector_load %arg21[%get3A_1827, %get3A_1828] {strides = array<i32>} : memref<80x128xf32, #tpu.memory_space<vmem>>, vector<1x16xf32>,
          %get3A_1830 = vector.shape_cast %get3A_1829 : vector<1x16xf32> to vector<16xf32>
          %mul3A_1831 = vector.broadcast %squeeze3A_1734 : f32 to vector<16xf32>
          %mul3A_1832 = arith.mulf %get3A_1830, %mul3A_1831 : vector<16xf32>
          %add3A_1833 = arith.constant 13 : i32
          %add3A_1834 = arith.addi %mul3A_145, %add3A_1833 : i32
          %swap3A_1835 = arith.index_cast %add3A_1834 : i32 to index
          %swap3A_1836 = arith.constant 96 : index
          %swap3A_1837 = tpu.vector_load %arg21[%swap3A_1835, %swap3A_1836] {strides = array<i32>} : memref<80x128xf32, #tpu.memory_space<vmem>>, vector<1x16xf32>,
          %swap3A_1838 = vector.shape_cast %swap3A_1837 : vector<1x16xf32> to vector<16xf32>
          %swap3A_1839 = vector.shape_cast %mul3A_1832 : vector<16xf32> to vector<1x16xf32>
          tpu.vector_store %arg21[%swap3A_1835, %swap3A_1836], %swap3A_1839 {strides = array<i32>} : memref<80x128xf32, #tpu.memory_space<vmem>>, vector<1x16xf32>,
          %add3A_1840 = arith.constant 13 : i32
          %add3A_1841 = arith.addi %mul3A_145, %add3A_1840 : i32
          %get3A_1842 = arith.index_cast %add3A_1841 : i32 to index
          %get3A_1843 = arith.constant 112 : index
          %get3A_1844 = tpu.vector_load %arg21[%get3A_1842, %get3A_1843] {strides = array<i32>} : memref<80x128xf32, #tpu.memory_space<vmem>>, vector<1x16xf32>,
          %get3A_1845 = vector.shape_cast %get3A_1844 : vector<1x16xf32> to vector<16xf32>
          %mul3A_1846 = vector.broadcast %squeeze3A_1734 : f32 to vector<16xf32>
          %mul3A_1847 = arith.mulf %get3A_1845, %mul3A_1846 : vector<16xf32>
          %add3A_1848 = arith.constant 13 : i32
          %add3A_1849 = arith.addi %mul3A_145, %add3A_1848 : i32
          %swap3A_1850 = arith.index_cast %add3A_1849 : i32 to index
          %swap3A_1851 = arith.constant 112 : index
          %swap3A_1852 = tpu.vector_load %arg21[%swap3A_1850, %swap3A_1851] {strides = array<i32>} : memref<80x128xf32, #tpu.memory_space<vmem>>, vector<1x16xf32>,
          %swap3A_1853 = vector.shape_cast %swap3A_1852 : vector<1x16xf32> to vector<16xf32>
          %swap3A_1854 = vector.shape_cast %mul3A_1847 : vector<16xf32> to vector<1x16xf32>
          tpu.vector_store %arg21[%swap3A_1850, %swap3A_1851], %swap3A_1854 {strides = array<i32>} : memref<80x128xf32, #tpu.memory_space<vmem>>, vector<1x16xf32>,
          %slice3A_1855 = vector.extract_strided_slice %get3A_148 {offsets = [14], sizes = [1], strides = [1]} : vector<16xf32> to vector<1xf32>
          %squeeze3A_1856 = vector.extract %slice3A_1855[0] : f32 from vector<1xf32>
          %add3A_1857 = arith.constant 14 : i32
          %add3A_1858 = arith.addi %mul3A_145, %add3A_1857 : i32
          %get3A_1859 = arith.index_cast %add3A_1858 : i32 to index
          %get3A_1860 = arith.constant 0 : index
          %get3A_1861 = tpu.vector_load %arg21[%get3A_1859, %get3A_1860] {strides = array<i32>} : memref<80x128xf32, #tpu.memory_space<vmem>>, vector<1x16xf32>,
          %get3A_1862 = vector.shape_cast %get3A_1861 : vector<1x16xf32> to vector<16xf32>
          %mul3A_1863 = vector.broadcast %squeeze3A_1856 : f32 to vector<16xf32>
          %mul3A_1864 = arith.mulf %get3A_1862, %mul3A_1863 : vector<16xf32>
          %add3A_1865 = arith.constant 14 : i32
          %add3A_1866 = arith.addi %mul3A_145, %add3A_1865 : i32
          %swap3A_1867 = arith.index_cast %add3A_1866 : i32 to index
          %swap3A_1868 = arith.constant 0 : index
          %swap3A_1869 = tpu.vector_load %arg21[%swap3A_1867, %swap3A_1868] {strides = array<i32>} : memref<80x128xf32, #tpu.memory_space<vmem>>, vector<1x16xf32>,
          %swap3A_1870 = vector.shape_cast %swap3A_1869 : vector<1x16xf32> to vector<16xf32>
          %swap3A_1871 = vector.shape_cast %mul3A_1864 : vector<16xf32> to vector<1x16xf32>
          tpu.vector_store %arg21[%swap3A_1867, %swap3A_1868], %swap3A_1871 {strides = array<i32>} : memref<80x128xf32, #tpu.memory_space<vmem>>, vector<1x16xf32>,
          %add3A_1872 = arith.constant 14 : i32
          %add3A_1873 = arith.addi %mul3A_145, %add3A_1872 : i32
          %get3A_1874 = arith.index_cast %add3A_1873 : i32 to index
          %get3A_1875 = arith.constant 16 : index
          %get3A_1876 = tpu.vector_load %arg21[%get3A_1874, %get3A_1875] {strides = array<i32>} : memref<80x128xf32, #tpu.memory_space<vmem>>, vector<1x16xf32>,
          %get3A_1877 = vector.shape_cast %get3A_1876 : vector<1x16xf32> to vector<16xf32>
          %mul3A_1878 = vector.broadcast %squeeze3A_1856 : f32 to vector<16xf32>
          %mul3A_1879 = arith.mulf %get3A_1877, %mul3A_1878 : vector<16xf32>
          %add3A_1880 = arith.constant 14 : i32
          %add3A_1881 = arith.addi %mul3A_145, %add3A_1880 : i32
          %swap3A_1882 = arith.index_cast %add3A_1881 : i32 to index
          %swap3A_1883 = arith.constant 16 : index
          %swap3A_1884 = tpu.vector_load %arg21[%swap3A_1882, %swap3A_1883] {strides = array<i32>} : memref<80x128xf32, #tpu.memory_space<vmem>>, vector<1x16xf32>,
          %swap3A_1885 = vector.shape_cast %swap3A_1884 : vector<1x16xf32> to vector<16xf32>
          %swap3A_1886 = vector.shape_cast %mul3A_1879 : vector<16xf32> to vector<1x16xf32>
          tpu.vector_store %arg21[%swap3A_1882, %swap3A_1883], %swap3A_1886 {strides = array<i32>} : memref<80x128xf32, #tpu.memory_space<vmem>>, vector<1x16xf32>,
          %add3A_1887 = arith.constant 14 : i32
          %add3A_1888 = arith.addi %mul3A_145, %add3A_1887 : i32
          %get3A_1889 = arith.index_cast %add3A_1888 : i32 to index
          %get3A_1890 = arith.constant 32 : index
          %get3A_1891 = tpu.vector_load %arg21[%get3A_1889, %get3A_1890] {strides = array<i32>} : memref<80x128xf32, #tpu.memory_space<vmem>>, vector<1x16xf32>,
          %get3A_1892 = vector.shape_cast %get3A_1891 : vector<1x16xf32> to vector<16xf32>
          %mul3A_1893 = vector.broadcast %squeeze3A_1856 : f32 to vector<16xf32>
          %mul3A_1894 = arith.mulf %get3A_1892, %mul3A_1893 : vector<16xf32>
          %add3A_1895 = arith.constant 14 : i32
          %add3A_1896 = arith.addi %mul3A_145, %add3A_1895 : i32
          %swap3A_1897 = arith.index_cast %add3A_1896 : i32 to index
          %swap3A_1898 = arith.constant 32 : index
          %swap3A_1899 = tpu.vector_load %arg21[%swap3A_1897, %swap3A_1898] {strides = array<i32>} : memref<80x128xf32, #tpu.memory_space<vmem>>, vector<1x16xf32>,
          %swap3A_1900 = vector.shape_cast %swap3A_1899 : vector<1x16xf32> to vector<16xf32>
          %swap3A_1901 = vector.shape_cast %mul3A_1894 : vector<16xf32> to vector<1x16xf32>
          tpu.vector_store %arg21[%swap3A_1897, %swap3A_1898], %swap3A_1901 {strides = array<i32>} : memref<80x128xf32, #tpu.memory_space<vmem>>, vector<1x16xf32>,
          %add3A_1902 = arith.constant 14 : i32
          %add3A_1903 = arith.addi %mul3A_145, %add3A_1902 : i32
          %get3A_1904 = arith.index_cast %add3A_1903 : i32 to index
          %get3A_1905 = arith.constant 48 : index
          %get3A_1906 = tpu.vector_load %arg21[%get3A_1904, %get3A_1905] {strides = array<i32>} : memref<80x128xf32, #tpu.memory_space<vmem>>, vector<1x16xf32>,
          %get3A_1907 = vector.shape_cast %get3A_1906 : vector<1x16xf32> to vector<16xf32>
          %mul3A_1908 = vector.broadcast %squeeze3A_1856 : f32 to vector<16xf32>
          %mul3A_1909 = arith.mulf %get3A_1907, %mul3A_1908 : vector<16xf32>
          %add3A_1910 = arith.constant 14 : i32
          %add3A_1911 = arith.addi %mul3A_145, %add3A_1910 : i32
          %swap3A_1912 = arith.index_cast %add3A_1911 : i32 to index
          %swap3A_1913 = arith.constant 48 : index
          %swap3A_1914 = tpu.vector_load %arg21[%swap3A_1912, %swap3A_1913] {strides = array<i32>} : memref<80x128xf32, #tpu.memory_space<vmem>>, vector<1x16xf32>,
          %swap3A_1915 = vector.shape_cast %swap3A_1914 : vector<1x16xf32> to vector<16xf32>
          %swap3A_1916 = vector.shape_cast %mul3A_1909 : vector<16xf32> to vector<1x16xf32>
          tpu.vector_store %arg21[%swap3A_1912, %swap3A_1913], %swap3A_1916 {strides = array<i32>} : memref<80x128xf32, #tpu.memory_space<vmem>>, vector<1x16xf32>,
          %add3A_1917 = arith.constant 14 : i32
          %add3A_1918 = arith.addi %mul3A_145, %add3A_1917 : i32
          %get3A_1919 = arith.index_cast %add3A_1918 : i32 to index
          %get3A_1920 = arith.constant 64 : index
          %get3A_1921 = tpu.vector_load %arg21[%get3A_1919, %get3A_1920] {strides = array<i32>} : memref<80x128xf32, #tpu.memory_space<vmem>>, vector<1x16xf32>,
          %get3A_1922 = vector.shape_cast %get3A_1921 : vector<1x16xf32> to vector<16xf32>
          %mul3A_1923 = vector.broadcast %squeeze3A_1856 : f32 to vector<16xf32>
          %mul3A_1924 = arith.mulf %get3A_1922, %mul3A_1923 : vector<16xf32>
          %add3A_1925 = arith.constant 14 : i32
          %add3A_1926 = arith.addi %mul3A_145, %add3A_1925 : i32
          %swap3A_1927 = arith.index_cast %add3A_1926 : i32 to index
          %swap3A_1928 = arith.constant 64 : index
          %swap3A_1929 = tpu.vector_load %arg21[%swap3A_1927, %swap3A_1928] {strides = array<i32>} : memref<80x128xf32, #tpu.memory_space<vmem>>, vector<1x16xf32>,
          %swap3A_1930 = vector.shape_cast %swap3A_1929 : vector<1x16xf32> to vector<16xf32>
          %swap3A_1931 = vector.shape_cast %mul3A_1924 : vector<16xf32> to vector<1x16xf32>
          tpu.vector_store %arg21[%swap3A_1927, %swap3A_1928], %swap3A_1931 {strides = array<i32>} : memref<80x128xf32, #tpu.memory_space<vmem>>, vector<1x16xf32>,
          %add3A_1932 = arith.constant 14 : i32
          %add3A_1933 = arith.addi %mul3A_145, %add3A_1932 : i32
          %get3A_1934 = arith.index_cast %add3A_1933 : i32 to index
          %get3A_1935 = arith.constant 80 : index
          %get3A_1936 = tpu.vector_load %arg21[%get3A_1934, %get3A_1935] {strides = array<i32>} : memref<80x128xf32, #tpu.memory_space<vmem>>, vector<1x16xf32>,
          %get3A_1937 = vector.shape_cast %get3A_1936 : vector<1x16xf32> to vector<16xf32>
          %mul3A_1938 = vector.broadcast %squeeze3A_1856 : f32 to vector<16xf32>
          %mul3A_1939 = arith.mulf %get3A_1937, %mul3A_1938 : vector<16xf32>
          %add3A_1940 = arith.constant 14 : i32
          %add3A_1941 = arith.addi %mul3A_145, %add3A_1940 : i32
          %swap3A_1942 = arith.index_cast %add3A_1941 : i32 to index
          %swap3A_1943 = arith.constant 80 : index
          %swap3A_1944 = tpu.vector_load %arg21[%swap3A_1942, %swap3A_1943] {strides = array<i32>} : memref<80x128xf32, #tpu.memory_space<vmem>>, vector<1x16xf32>,
          %swap3A_1945 = vector.shape_cast %swap3A_1944 : vector<1x16xf32> to vector<16xf32>
          %swap3A_1946 = vector.shape_cast %mul3A_1939 : vector<16xf32> to vector<1x16xf32>
          tpu.vector_store %arg21[%swap3A_1942, %swap3A_1943], %swap3A_1946 {strides = array<i32>} : memref<80x128xf32, #tpu.memory_space<vmem>>, vector<1x16xf32>,
          %add3A_1947 = arith.constant 14 : i32
          %add3A_1948 = arith.addi %mul3A_145, %add3A_1947 : i32
          %get3A_1949 = arith.index_cast %add3A_1948 : i32 to index
          %get3A_1950 = arith.constant 96 : index
          %get3A_1951 = tpu.vector_load %arg21[%get3A_1949, %get3A_1950] {strides = array<i32>} : memref<80x128xf32, #tpu.memory_space<vmem>>, vector<1x16xf32>,
          %get3A_1952 = vector.shape_cast %get3A_1951 : vector<1x16xf32> to vector<16xf32>
          %mul3A_1953 = vector.broadcast %squeeze3A_1856 : f32 to vector<16xf32>
          %mul3A_1954 = arith.mulf %get3A_1952, %mul3A_1953 : vector<16xf32>
          %add3A_1955 = arith.constant 14 : i32
          %add3A_1956 = arith.addi %mul3A_145, %add3A_1955 : i32
          %swap3A_1957 = arith.index_cast %add3A_1956 : i32 to index
          %swap3A_1958 = arith.constant 96 : index
          %swap3A_1959 = tpu.vector_load %arg21[%swap3A_1957, %swap3A_1958] {strides = array<i32>} : memref<80x128xf32, #tpu.memory_space<vmem>>, vector<1x16xf32>,
          %swap3A_1960 = vector.shape_cast %swap3A_1959 : vector<1x16xf32> to vector<16xf32>
          %swap3A_1961 = vector.shape_cast %mul3A_1954 : vector<16xf32> to vector<1x16xf32>
          tpu.vector_store %arg21[%swap3A_1957, %swap3A_1958], %swap3A_1961 {strides = array<i32>} : memref<80x128xf32, #tpu.memory_space<vmem>>, vector<1x16xf32>,
          %add3A_1962 = arith.constant 14 : i32
          %add3A_1963 = arith.addi %mul3A_145, %add3A_1962 : i32
          %get3A_1964 = arith.index_cast %add3A_1963 : i32 to index
          %get3A_1965 = arith.constant 112 : index
          %get3A_1966 = tpu.vector_load %arg21[%get3A_1964, %get3A_1965] {strides = array<i32>} : memref<80x128xf32, #tpu.memory_space<vmem>>, vector<1x16xf32>,
          %get3A_1967 = vector.shape_cast %get3A_1966 : vector<1x16xf32> to vector<16xf32>
          %mul3A_1968 = vector.broadcast %squeeze3A_1856 : f32 to vector<16xf32>
          %mul3A_1969 = arith.mulf %get3A_1967, %mul3A_1968 : vector<16xf32>
          %add3A_1970 = arith.constant 14 : i32
          %add3A_1971 = arith.addi %mul3A_145, %add3A_1970 : i32
          %swap3A_1972 = arith.index_cast %add3A_1971 : i32 to index
          %swap3A_1973 = arith.constant 112 : index
          %swap3A_1974 = tpu.vector_load %arg21[%swap3A_1972, %swap3A_1973] {strides = array<i32>} : memref<80x128xf32, #tpu.memory_space<vmem>>, vector<1x16xf32>,
          %swap3A_1975 = vector.shape_cast %swap3A_1974 : vector<1x16xf32> to vector<16xf32>
          %swap3A_1976 = vector.shape_cast %mul3A_1969 : vector<16xf32> to vector<1x16xf32>
          tpu.vector_store %arg21[%swap3A_1972, %swap3A_1973], %swap3A_1976 {strides = array<i32>} : memref<80x128xf32, #tpu.memory_space<vmem>>, vector<1x16xf32>,
          %slice3A_1977 = vector.extract_strided_slice %get3A_148 {offsets = [15], sizes = [1], strides = [1]} : vector<16xf32> to vector<1xf32>
          %squeeze3A_1978 = vector.extract %slice3A_1977[0] : f32 from vector<1xf32>
          %add3A_1979 = arith.constant 15 : i32
          %add3A_1980 = arith.addi %mul3A_145, %add3A_1979 : i32
          %get3A_1981 = arith.index_cast %add3A_1980 : i32 to index
          %get3A_1982 = arith.constant 0 : index
          %get3A_1983 = tpu.vector_load %arg21[%get3A_1981, %get3A_1982] {strides = array<i32>} : memref<80x128xf32, #tpu.memory_space<vmem>>, vector<1x16xf32>,
          %get3A_1984 = vector.shape_cast %get3A_1983 : vector<1x16xf32> to vector<16xf32>
          %mul3A_1985 = vector.broadcast %squeeze3A_1978 : f32 to vector<16xf32>
          %mul3A_1986 = arith.mulf %get3A_1984, %mul3A_1985 : vector<16xf32>
          %add3A_1987 = arith.constant 15 : i32
          %add3A_1988 = arith.addi %mul3A_145, %add3A_1987 : i32
          %swap3A_1989 = arith.index_cast %add3A_1988 : i32 to index
          %swap3A_1990 = arith.constant 0 : index
          %swap3A_1991 = tpu.vector_load %arg21[%swap3A_1989, %swap3A_1990] {strides = array<i32>} : memref<80x128xf32, #tpu.memory_space<vmem>>, vector<1x16xf32>,
          %swap3A_1992 = vector.shape_cast %swap3A_1991 : vector<1x16xf32> to vector<16xf32>
          %swap3A_1993 = vector.shape_cast %mul3A_1986 : vector<16xf32> to vector<1x16xf32>
          tpu.vector_store %arg21[%swap3A_1989, %swap3A_1990], %swap3A_1993 {strides = array<i32>} : memref<80x128xf32, #tpu.memory_space<vmem>>, vector<1x16xf32>,
          %add3A_1994 = arith.constant 15 : i32
          %add3A_1995 = arith.addi %mul3A_145, %add3A_1994 : i32
          %get3A_1996 = arith.index_cast %add3A_1995 : i32 to index
          %get3A_1997 = arith.constant 16 : index
          %get3A_1998 = tpu.vector_load %arg21[%get3A_1996, %get3A_1997] {strides = array<i32>} : memref<80x128xf32, #tpu.memory_space<vmem>>, vector<1x16xf32>,
          %get3A_1999 = vector.shape_cast %get3A_1998 : vector<1x16xf32> to vector<16xf32>
          %mul3A_2000 = vector.broadcast %squeeze3A_1978 : f32 to vector<16xf32>
          %mul3A_2001 = arith.mulf %get3A_1999, %mul3A_2000 : vector<16xf32>
          %add3A_2002 = arith.constant 15 : i32
          %add3A_2003 = arith.addi %mul3A_145, %add3A_2002 : i32
          %swap3A_2004 = arith.index_cast %add3A_2003 : i32 to index
          %swap3A_2005 = arith.constant 16 : index
          %swap3A_2006 = tpu.vector_load %arg21[%swap3A_2004, %swap3A_2005] {strides = array<i32>} : memref<80x128xf32, #tpu.memory_space<vmem>>, vector<1x16xf32>,
          %swap3A_2007 = vector.shape_cast %swap3A_2006 : vector<1x16xf32> to vector<16xf32>
          %swap3A_2008 = vector.shape_cast %mul3A_2001 : vector<16xf32> to vector<1x16xf32>
          tpu.vector_store %arg21[%swap3A_2004, %swap3A_2005], %swap3A_2008 {strides = array<i32>} : memref<80x128xf32, #tpu.memory_space<vmem>>, vector<1x16xf32>,
          %add3A_2009 = arith.constant 15 : i32
          %add3A_2010 = arith.addi %mul3A_145, %add3A_2009 : i32
          %get3A_2011 = arith.index_cast %add3A_2010 : i32 to index
          %get3A_2012 = arith.constant 32 : index
          %get3A_2013 = tpu.vector_load %arg21[%get3A_2011, %get3A_2012] {strides = array<i32>} : memref<80x128xf32, #tpu.memory_space<vmem>>, vector<1x16xf32>,
          %get3A_2014 = vector.shape_cast %get3A_2013 : vector<1x16xf32> to vector<16xf32>
          %mul3A_2015 = vector.broadcast %squeeze3A_1978 : f32 to vector<16xf32>
          %mul3A_2016 = arith.mulf %get3A_2014, %mul3A_2015 : vector<16xf32>
          %add3A_2017 = arith.constant 15 : i32
          %add3A_2018 = arith.addi %mul3A_145, %add3A_2017 : i32
          %swap3A_2019 = arith.index_cast %add3A_2018 : i32 to index
          %swap3A_2020 = arith.constant 32 : index
          %swap3A_2021 = tpu.vector_load %arg21[%swap3A_2019, %swap3A_2020] {strides = array<i32>} : memref<80x128xf32, #tpu.memory_space<vmem>>, vector<1x16xf32>,
          %swap3A_2022 = vector.shape_cast %swap3A_2021 : vector<1x16xf32> to vector<16xf32>
          %swap3A_2023 = vector.shape_cast %mul3A_2016 : vector<16xf32> to vector<1x16xf32>
          tpu.vector_store %arg21[%swap3A_2019, %swap3A_2020], %swap3A_2023 {strides = array<i32>} : memref<80x128xf32, #tpu.memory_space<vmem>>, vector<1x16xf32>,
          %add3A_2024 = arith.constant 15 : i32
          %add3A_2025 = arith.addi %mul3A_145, %add3A_2024 : i32
          %get3A_2026 = arith.index_cast %add3A_2025 : i32 to index
          %get3A_2027 = arith.constant 48 : index
          %get3A_2028 = tpu.vector_load %arg21[%get3A_2026, %get3A_2027] {strides = array<i32>} : memref<80x128xf32, #tpu.memory_space<vmem>>, vector<1x16xf32>,
          %get3A_2029 = vector.shape_cast %get3A_2028 : vector<1x16xf32> to vector<16xf32>
          %mul3A_2030 = vector.broadcast %squeeze3A_1978 : f32 to vector<16xf32>
          %mul3A_2031 = arith.mulf %get3A_2029, %mul3A_2030 : vector<16xf32>
          %add3A_2032 = arith.constant 15 : i32
          %add3A_2033 = arith.addi %mul3A_145, %add3A_2032 : i32
          %swap3A_2034 = arith.index_cast %add3A_2033 : i32 to index
          %swap3A_2035 = arith.constant 48 : index
          %swap3A_2036 = tpu.vector_load %arg21[%swap3A_2034, %swap3A_2035] {strides = array<i32>} : memref<80x128xf32, #tpu.memory_space<vmem>>, vector<1x16xf32>,
          %swap3A_2037 = vector.shape_cast %swap3A_2036 : vector<1x16xf32> to vector<16xf32>
          %swap3A_2038 = vector.shape_cast %mul3A_2031 : vector<16xf32> to vector<1x16xf32>
          tpu.vector_store %arg21[%swap3A_2034, %swap3A_2035], %swap3A_2038 {strides = array<i32>} : memref<80x128xf32, #tpu.memory_space<vmem>>, vector<1x16xf32>,
          %add3A_2039 = arith.constant 15 : i32
          %add3A_2040 = arith.addi %mul3A_145, %add3A_2039 : i32
          %get3A_2041 = arith.index_cast %add3A_2040 : i32 to index
          %get3A_2042 = arith.constant 64 : index
          %get3A_2043 = tpu.vector_load %arg21[%get3A_2041, %get3A_2042] {strides = array<i32>} : memref<80x128xf32, #tpu.memory_space<vmem>>, vector<1x16xf32>,
          %get3A_2044 = vector.shape_cast %get3A_2043 : vector<1x16xf32> to vector<16xf32>
          %mul3A_2045 = vector.broadcast %squeeze3A_1978 : f32 to vector<16xf32>
          %mul3A_2046 = arith.mulf %get3A_2044, %mul3A_2045 : vector<16xf32>
          %add3A_2047 = arith.constant 15 : i32
          %add3A_2048 = arith.addi %mul3A_145, %add3A_2047 : i32
          %swap3A_2049 = arith.index_cast %add3A_2048 : i32 to index
          %swap3A_2050 = arith.constant 64 : index
          %swap3A_2051 = tpu.vector_load %arg21[%swap3A_2049, %swap3A_2050] {strides = array<i32>} : memref<80x128xf32, #tpu.memory_space<vmem>>, vector<1x16xf32>,
          %swap3A_2052 = vector.shape_cast %swap3A_2051 : vector<1x16xf32> to vector<16xf32>
          %swap3A_2053 = vector.shape_cast %mul3A_2046 : vector<16xf32> to vector<1x16xf32>
          tpu.vector_store %arg21[%swap3A_2049, %swap3A_2050], %swap3A_2053 {strides = array<i32>} : memref<80x128xf32, #tpu.memory_space<vmem>>, vector<1x16xf32>,
          %add3A_2054 = arith.constant 15 : i32
          %add3A_2055 = arith.addi %mul3A_145, %add3A_2054 : i32
          %get3A_2056 = arith.index_cast %add3A_2055 : i32 to index
          %get3A_2057 = arith.constant 80 : index
          %get3A_2058 = tpu.vector_load %arg21[%get3A_2056, %get3A_2057] {strides = array<i32>} : memref<80x128xf32, #tpu.memory_space<vmem>>, vector<1x16xf32>,
          %get3A_2059 = vector.shape_cast %get3A_2058 : vector<1x16xf32> to vector<16xf32>
          %mul3A_2060 = vector.broadcast %squeeze3A_1978 : f32 to vector<16xf32>
          %mul3A_2061 = arith.mulf %get3A_2059, %mul3A_2060 : vector<16xf32>
          %add3A_2062 = arith.constant 15 : i32
          %add3A_2063 = arith.addi %mul3A_145, %add3A_2062 : i32
          %swap3A_2064 = arith.index_cast %add3A_2063 : i32 to index
          %swap3A_2065 = arith.constant 80 : index
          %swap3A_2066 = tpu.vector_load %arg21[%swap3A_2064, %swap3A_2065] {strides = array<i32>} : memref<80x128xf32, #tpu.memory_space<vmem>>, vector<1x16xf32>,
          %swap3A_2067 = vector.shape_cast %swap3A_2066 : vector<1x16xf32> to vector<16xf32>
          %swap3A_2068 = vector.shape_cast %mul3A_2061 : vector<16xf32> to vector<1x16xf32>
          tpu.vector_store %arg21[%swap3A_2064, %swap3A_2065], %swap3A_2068 {strides = array<i32>} : memref<80x128xf32, #tpu.memory_space<vmem>>, vector<1x16xf32>,
          %add3A_2069 = arith.constant 15 : i32
          %add3A_2070 = arith.addi %mul3A_145, %add3A_2069 : i32
          %get3A_2071 = arith.index_cast %add3A_2070 : i32 to index
          %get3A_2072 = arith.constant 96 : index
          %get3A_2073 = tpu.vector_load %arg21[%get3A_2071, %get3A_2072] {strides = array<i32>} : memref<80x128xf32, #tpu.memory_space<vmem>>, vector<1x16xf32>,
          %get3A_2074 = vector.shape_cast %get3A_2073 : vector<1x16xf32> to vector<16xf32>
          %mul3A_2075 = vector.broadcast %squeeze3A_1978 : f32 to vector<16xf32>
          %mul3A_2076 = arith.mulf %get3A_2074, %mul3A_2075 : vector<16xf32>
          %add3A_2077 = arith.constant 15 : i32
          %add3A_2078 = arith.addi %mul3A_145, %add3A_2077 : i32
          %swap3A_2079 = arith.index_cast %add3A_2078 : i32 to index
          %swap3A_2080 = arith.constant 96 : index
          %swap3A_2081 = tpu.vector_load %arg21[%swap3A_2079, %swap3A_2080] {strides = array<i32>} : memref<80x128xf32, #tpu.memory_space<vmem>>, vector<1x16xf32>,
          %swap3A_2082 = vector.shape_cast %swap3A_2081 : vector<1x16xf32> to vector<16xf32>
          %swap3A_2083 = vector.shape_cast %mul3A_2076 : vector<16xf32> to vector<1x16xf32>
          tpu.vector_store %arg21[%swap3A_2079, %swap3A_2080], %swap3A_2083 {strides = array<i32>} : memref<80x128xf32, #tpu.memory_space<vmem>>, vector<1x16xf32>,
          %add3A_2084 = arith.constant 15 : i32
          %add3A_2085 = arith.addi %mul3A_145, %add3A_2084 : i32
          %get3A_2086 = arith.index_cast %add3A_2085 : i32 to index
          %get3A_2087 = arith.constant 112 : index
          %get3A_2088 = tpu.vector_load %arg21[%get3A_2086, %get3A_2087] {strides = array<i32>} : memref<80x128xf32, #tpu.memory_space<vmem>>, vector<1x16xf32>,
          %get3A_2089 = vector.shape_cast %get3A_2088 : vector<1x16xf32> to vector<16xf32>
          %mul3A_2090 = vector.broadcast %squeeze3A_1978 : f32 to vector<16xf32>
          %mul3A_2091 = arith.mulf %get3A_2089, %mul3A_2090 : vector<16xf32>
          %add3A_2092 = arith.constant 15 : i32
          %add3A_2093 = arith.addi %mul3A_145, %add3A_2092 : i32
          %swap3A_2094 = arith.index_cast %add3A_2093 : i32 to index
          %swap3A_2095 = arith.constant 112 : index
          %swap3A_2096 = tpu.vector_load %arg21[%swap3A_2094, %swap3A_2095] {strides = array<i32>} : memref<80x128xf32, #tpu.memory_space<vmem>>, vector<1x16xf32>,
          %swap3A_2097 = vector.shape_cast %swap3A_2096 : vector<1x16xf32> to vector<16xf32>
          %swap3A_2098 = vector.shape_cast %mul3A_2091 : vector<16xf32> to vector<1x16xf32>
          tpu.vector_store %arg21[%swap3A_2094, %swap3A_2095], %swap3A_2098 {strides = array<i32>} : memref<80x128xf32, #tpu.memory_space<vmem>>, vector<1x16xf32>,
        }
        %scan3A_136 = arith.constant 5 : i32
        %dma_start3A_137 = arith.constant 0 : i32
        %dma_start3A_138 = arith.constant 0 : i32
        %dma_start3A_139 = tpu.memref_slice %arg24[%dma_start3A_137, %dma_start3A_138] : memref<10000x128xf32, #tpu.memory_space<vmem_shared>> -> memref<10000x128xf32, #tpu.memory_space<vmem_shared>>
        tpu.enqueue_indirect_dma source(%arg21 : memref<80x128xf32, #tpu.memory_space<vmem>>) target(%dma_start3A_139 : memref<10000x128xf32, #tpu.memory_space<vmem_shared>>) offsets(%arg17 : memref<80xi32, #tpu.memory_space<vmem>>) semaphore(%arg32 : memref<!tpu.dma_semaphore, #tpu.memory_space<semaphore_mem>>) {add = true}
        %dma_start3A_140 = arith.constant 0 : i32
        %dma_start3A_141 = arith.constant 0 : i32
        %dma_start3A_142 = tpu.memref_slice %arg25[%dma_start3A_140, %dma_start3A_141] : memref<10000x16xf32, #tpu.memory_space<vmem_shared>> -> memref<10000x16xf32, #tpu.memory_space<vmem_shared>>
        tpu.enqueue_indirect_dma source(%arg23 : memref<80x16xf32, #tpu.memory_space<vmem>>) target(%dma_start3A_142 : memref<10000x16xf32, #tpu.memory_space<vmem_shared>>) offsets(%arg17 : memref<80xi32, #tpu.memory_space<vmem>>) semaphore(%arg34 : memref<!tpu.dma_semaphore, #tpu.memory_space<semaphore_mem>>) {add = true}
      } else {
      }
      %mul3A_59 = arith.constant 2 : i32
      %mul3A_60 = arith.muli %mul3A_59, %scan3A_54 : i32
      %add3A_61 = arith.constant 1 : i32
      %add3A_62 = arith.addi %mul3A_60, %add3A_61 : i32
      %lt3A_63 = arith.constant 125 : i32
      %lt3A_64 = arith.cmpi slt, %add3A_62, %lt3A_63 : i32
      %convert_element_type3A_65 = arith.extui %lt3A_64 : i1 to i32
      %cond3A_66 = arith.constant 0 : i32
      %cond3A_67 = arith.cmpi ne, %convert_element_type3A_65, %cond3A_66 : i32
      scf.if %cond3A_67 {
        %dma_wait3A_68 = arith.constant 0 : i32
        %dma_wait3A_69 = tpu.memref_slice %arg5[%dma_wait3A_68] : memref<320000xf32, #tpu.memory_space<hbm>> -> memref<320000xf32, #tpu.memory_space<hbm>>
        tpu.wait_indirect_dma semaphore(%arg29 : memref<!tpu.dma_semaphore, #tpu.memory_space<semaphore_mem>>) src(%dma_wait3A_69 : memref<320000xf32, #tpu.memory_space<hbm>>) dst(%arg20 : memref<80xf32, #tpu.memory_space<vmem>>)
        %dma_wait3A_70 = arith.constant 0 : i32
        %dma_wait3A_71 = arith.constant 0 : i32
        %dma_wait3A_72 = tpu.memref_slice %arg6[%dma_wait3A_70, %dma_wait3A_71] : memref<10000x128xf32, #tpu.memory_space<hbm>> -> memref<10000x128xf32, #tpu.memory_space<hbm>>
        tpu.wait_indirect_dma semaphore(%arg31 : memref<!tpu.dma_semaphore, #tpu.memory_space<semaphore_mem>>) src(%dma_wait3A_72 : memref<10000x128xf32, #tpu.memory_space<hbm>>) dst(%arg22 : memref<80x128xf32, #tpu.memory_space<vmem>>)
        %get3A = arith.constant 0 : index
        %get3A_73 = tpu.vector_load %arg14[%get3A] {strides = array<i32>} : memref<80xi32, #tpu.memory_space<vmem>>, vector<16xi32>,
        %get3A_74 = vector.shape_cast %get3A_73 : vector<16xi32> to vector<16xi32>
        %swap3A = arith.constant 0 : index
        %swap3A_75 = tpu.vector_load %arg18[%swap3A] {strides = array<i32>} : memref<80xi32, #tpu.memory_space<vmem>>, vector<16xi32>,
        %swap3A_76 = vector.shape_cast %swap3A_75 : vector<16xi32> to vector<16xi32>
        %swap3A_77 = vector.shape_cast %get3A_74 : vector<16xi32> to vector<16xi32>
        tpu.vector_store %arg18[%swap3A], %swap3A_77 {strides = array<i32>} : memref<80xi32, #tpu.memory_space<vmem>>, vector<16xi32>,
        %get3A_78 = arith.constant 16 : index
        %get3A_79 = tpu.vector_load %arg14[%get3A_78] {strides = array<i32>} : memref<80xi32, #tpu.memory_space<vmem>>, vector<16xi32>,
        %get3A_80 = vector.shape_cast %get3A_79 : vector<16xi32> to vector<16xi32>
        %swap3A_81 = arith.constant 16 : index
        %swap3A_82 = tpu.vector_load %arg18[%swap3A_81] {strides = array<i32>} : memref<80xi32, #tpu.memory_space<vmem>>, vector<16xi32>,
        %swap3A_83 = vector.shape_cast %swap3A_82 : vector<16xi32> to vector<16xi32>
        %swap3A_84 = vector.shape_cast %get3A_80 : vector<16xi32> to vector<16xi32>
        tpu.vector_store %arg18[%swap3A_81], %swap3A_84 {strides = array<i32>} : memref<80xi32, #tpu.memory_space<vmem>>, vector<16xi32>,
        %get3A_85 = arith.constant 32 : index
        %get3A_86 = tpu.vector_load %arg14[%get3A_85] {strides = array<i32>} : memref<80xi32, #tpu.memory_space<vmem>>, vector<16xi32>,
        %get3A_87 = vector.shape_cast %get3A_86 : vector<16xi32> to vector<16xi32>
        %swap3A_88 = arith.constant 32 : index
        %swap3A_89 = tpu.vector_load %arg18[%swap3A_88] {strides = array<i32>} : memref<80xi32, #tpu.memory_space<vmem>>, vector<16xi32>,
        %swap3A_90 = vector.shape_cast %swap3A_89 : vector<16xi32> to vector<16xi32>
        %swap3A_91 = vector.shape_cast %get3A_87 : vector<16xi32> to vector<16xi32>
        tpu.vector_store %arg18[%swap3A_88], %swap3A_91 {strides = array<i32>} : memref<80xi32, #tpu.memory_space<vmem>>, vector<16xi32>,
        %get3A_92 = arith.constant 48 : index
        %get3A_93 = tpu.vector_load %arg14[%get3A_92] {strides = array<i32>} : memref<80xi32, #tpu.memory_space<vmem>>, vector<16xi32>,
        %get3A_94 = vector.shape_cast %get3A_93 : vector<16xi32> to vector<16xi32>
        %swap3A_95 = arith.constant 48 : index
        %swap3A_96 = tpu.vector_load %arg18[%swap3A_95] {strides = array<i32>} : memref<80xi32, #tpu.memory_space<vmem>>, vector<16xi32>,
        %swap3A_97 = vector.shape_cast %swap3A_96 : vector<16xi32> to vector<16xi32>
        %swap3A_98 = vector.shape_cast %get3A_94 : vector<16xi32> to vector<16xi32>
        tpu.vector_store %arg18[%swap3A_95], %swap3A_98 {strides = array<i32>} : memref<80xi32, #tpu.memory_space<vmem>>, vector<16xi32>,
        %get3A_99 = arith.constant 64 : index
        %get3A_100 = tpu.vector_load %arg14[%get3A_99] {strides = array<i32>} : memref<80xi32, #tpu.memory_space<vmem>>, vector<16xi32>,
        %get3A_101 = vector.shape_cast %get3A_100 : vector<16xi32> to vector<16xi32>
        %swap3A_102 = arith.constant 64 : index
        %swap3A_103 = tpu.vector_load %arg18[%swap3A_102] {strides = array<i32>} : memref<80xi32, #tpu.memory_space<vmem>>, vector<16xi32>,
        %swap3A_104 = vector.shape_cast %swap3A_103 : vector<16xi32> to vector<16xi32>
        %swap3A_105 = vector.shape_cast %get3A_101 : vector<16xi32> to vector<16xi32>
        tpu.vector_store %arg18[%swap3A_102], %swap3A_105 {strides = array<i32>} : memref<80xi32, #tpu.memory_space<vmem>>, vector<16xi32>,
        %add3A_106 = arith.constant 1 : i32
        %add3A_107 = arith.addi %add3A_62, %add3A_106 : i32
        %lt3A_108 = arith.constant 125 : i32
        %lt3A_109 = arith.cmpi slt, %add3A_107, %lt3A_108 : i32
        %convert_element_type3A_110 = arith.extui %lt3A_109 : i1 to i32
        %cond3A_111 = arith.constant 0 : i32
        %cond3A_112 = arith.cmpi ne, %convert_element_type3A_110, %cond3A_111 : i32
        scf.if %cond3A_112 {
          %add3A_143 = arith.constant 1 : i32
          %add3A_144 = arith.addi %add3A_62, %add3A_143 : i32
          %mul3A_145 = arith.constant 80 : i32
          %mul3A_146 = arith.muli %add3A_144, %mul3A_145 : i32
          %add3A_147 = arith.addi %mul3A_2, %mul3A_146 : i32
          %multiple_of3A_148 = tpu.assume_multiple %add3A_147, 8 : i32
          %dma_wait3A_149 = tpu.memref_slice %arg2[%multiple_of3A_148] : memref<320000xi32, #tpu.memory_space<hbm>> -> memref<80xi32, #tpu.memory_space<hbm>>
          %dma_wait3A_150 = tpu.memref_slice %arg2[%multiple_of3A_148] : memref<320000xi32, #tpu.memory_space<hbm>> -> memref<80xi32, #tpu.memory_space<hbm>>
          tpu.wait_dma2 semaphore(%arg26 : memref<!tpu.dma_semaphore, #tpu.memory_space<semaphore_mem>>) src(%dma_wait3A_150 : memref<80xi32, #tpu.memory_space<hbm>>) dst(%arg11 : memref<80xi32, #tpu.memory_space<vmem>>)
          %dma_wait3A_151 = tpu.memref_slice %arg3[%multiple_of3A_148] : memref<320000xi32, #tpu.memory_space<hbm>> -> memref<80xi32, #tpu.memory_space<hbm>>
          %dma_wait3A_152 = tpu.memref_slice %arg3[%multiple_of3A_148] : memref<320000xi32, #tpu.memory_space<hbm>> -> memref<80xi32, #tpu.memory_space<hbm>>
          tpu.wait_dma2 semaphore(%arg26 : memref<!tpu.dma_semaphore, #tpu.memory_space<semaphore_mem>>) src(%dma_wait3A_152 : memref<80xi32, #tpu.memory_space<hbm>>) dst(%arg13 : memref<80xi32, #tpu.memory_space<vmem>>)
          %dma_wait3A_153 = tpu.memref_slice %arg4[%multiple_of3A_148] : memref<320000xi32, #tpu.memory_space<hbm>> -> memref<80xi32, #tpu.memory_space<hbm>>
          %dma_wait3A_154 = tpu.memref_slice %arg4[%multiple_of3A_148] : memref<320000xi32, #tpu.memory_space<hbm>> -> memref<80xi32, #tpu.memory_space<hbm>>
          tpu.wait_dma2 semaphore(%arg26 : memref<!tpu.dma_semaphore, #tpu.memory_space<semaphore_mem>>) src(%dma_wait3A_154 : memref<80xi32, #tpu.memory_space<hbm>>) dst(%arg15 : memref<80xi32, #tpu.memory_space<vmem>>)
        } else {
        }
        %ge3A = arith.constant 1 : i32
        %ge3A_113 = arith.cmpi sge, %add3A_62, %ge3A : i32
        %convert_element_type3A_114 = arith.extui %ge3A_113 : i1 to i32
        %cond3A_115 = arith.constant 0 : i32
        %cond3A_116 = arith.cmpi ne, %convert_element_type3A_114, %cond3A_115 : i32
        scf.if %cond3A_116 {
          %dma_wait3A_143 = arith.constant 0 : i32
          %dma_wait3A_144 = arith.constant 0 : i32
          %dma_wait3A_145 = tpu.memref_slice %arg24[%dma_wait3A_143, %dma_wait3A_144] : memref<10000x128xf32, #tpu.memory_space<vmem_shared>> -> memref<10000x128xf32, #tpu.memory_space<vmem_shared>>
          tpu.wait_indirect_dma semaphore(%arg32 : memref<!tpu.dma_semaphore, #tpu.memory_space<semaphore_mem>>) src(%arg21 : memref<80x128xf32, #tpu.memory_space<vmem>>) dst(%dma_wait3A_145 : memref<10000x128xf32, #tpu.memory_space<vmem_shared>>)
          %dma_wait3A_146 = arith.constant 0 : i32
          %dma_wait3A_147 = arith.constant 0 : i32
          %dma_wait3A_148 = tpu.memref_slice %arg25[%dma_wait3A_146, %dma_wait3A_147] : memref<10000x16xf32, #tpu.memory_space<vmem_shared>> -> memref<10000x16xf32, #tpu.memory_space<vmem_shared>>
          tpu.wait_indirect_dma semaphore(%arg34 : memref<!tpu.dma_semaphore, #tpu.memory_space<semaphore_mem>>) src(%arg23 : memref<80x16xf32, #tpu.memory_space<vmem>>) dst(%dma_wait3A_148 : memref<10000x16xf32, #tpu.memory_space<vmem_shared>>)
        } else {
        }
        %add3A_117 = arith.constant 1 : i32
        %add3A_118 = arith.addi %add3A_62, %add3A_117 : i32
        %lt3A_119 = arith.constant 125 : i32
        %lt3A_120 = arith.cmpi slt, %add3A_118, %lt3A_119 : i32
        %convert_element_type3A_121 = arith.extui %lt3A_120 : i1 to i32
        %cond3A_122 = arith.constant 0 : i32
        %cond3A_123 = arith.cmpi ne, %convert_element_type3A_121, %cond3A_122 : i32
        scf.if %cond3A_123 {
          %dma_start3A_143 = arith.constant 0 : i32
          %dma_start3A_144 = tpu.memref_slice %arg5[%dma_start3A_143] : memref<320000xf32, #tpu.memory_space<hbm>> -> memref<320000xf32, #tpu.memory_space<hbm>>
          tpu.enqueue_indirect_dma source(%dma_start3A_144 : memref<320000xf32, #tpu.memory_space<hbm>>) target(%arg19 : memref<80xf32, #tpu.memory_space<vmem>>) offsets(%arg15 : memref<80xi32, #tpu.memory_space<vmem>>) semaphore(%arg28 : memref<!tpu.dma_semaphore, #tpu.memory_space<semaphore_mem>>)
          %dma_start3A_145 = arith.constant 0 : i32
          %dma_start3A_146 = arith.constant 0 : i32
          %dma_start3A_147 = tpu.memref_slice %arg6[%dma_start3A_145, %dma_start3A_146] : memref<10000x128xf32, #tpu.memory_space<hbm>> -> memref<10000x128xf32, #tpu.memory_space<hbm>>
          tpu.enqueue_indirect_dma source(%dma_start3A_147 : memref<10000x128xf32, #tpu.memory_space<hbm>>) target(%arg21 : memref<80x128xf32, #tpu.memory_space<vmem>>) offsets(%arg11 : memref<80xi32, #tpu.memory_space<vmem>>) semaphore(%arg30 : memref<!tpu.dma_semaphore, #tpu.memory_space<semaphore_mem>>)
        } else {
        }
        %add3A_124 = arith.constant 2 : i32
        %add3A_125 = arith.addi %add3A_62, %add3A_124 : i32
        %lt3A_126 = arith.constant 125 : i32
        %lt3A_127 = arith.cmpi slt, %add3A_125, %lt3A_126 : i32
        %convert_element_type3A_128 = arith.extui %lt3A_127 : i1 to i32
        %cond3A_129 = arith.constant 0 : i32
        %cond3A_130 = arith.cmpi ne, %convert_element_type3A_128, %cond3A_129 : i32
        scf.if %cond3A_130 {
          %add3A_143 = arith.constant 2 : i32
          %add3A_144 = arith.addi %add3A_62, %add3A_143 : i32
          %mul3A_145 = arith.constant 80 : i32
          %mul3A_146 = arith.muli %add3A_144, %mul3A_145 : i32
          %add3A_147 = arith.addi %mul3A_2, %mul3A_146 : i32
          %multiple_of3A_148 = tpu.assume_multiple %add3A_147, 8 : i32
          %dma_start3A_149 = tpu.memref_slice %arg2[%multiple_of3A_148] : memref<320000xi32, #tpu.memory_space<hbm>> -> memref<80xi32, #tpu.memory_space<hbm>>
          %dma_start3A_150 = tpu.memref_slice %arg2[%multiple_of3A_148] : memref<320000xi32, #tpu.memory_space<hbm>> -> memref<80xi32, #tpu.memory_space<hbm>>
          tpu.enqueue_dma source(%dma_start3A_150 : memref<80xi32, #tpu.memory_space<hbm>>) target(%arg12 : memref<80xi32, #tpu.memory_space<vmem>>) target_semaphore(%arg27 : memref<!tpu.dma_semaphore, #tpu.memory_space<semaphore_mem>>)
          %dma_start3A_151 = tpu.memref_slice %arg3[%multiple_of3A_148] : memref<320000xi32, #tpu.memory_space<hbm>> -> memref<80xi32, #tpu.memory_space<hbm>>
          %dma_start3A_152 = tpu.memref_slice %arg3[%multiple_of3A_148] : memref<320000xi32, #tpu.memory_space<hbm>> -> memref<80xi32, #tpu.memory_space<hbm>>
          tpu.enqueue_dma source(%dma_start3A_152 : memref<80xi32, #tpu.memory_space<hbm>>) target(%arg14 : memref<80xi32, #tpu.memory_space<vmem>>) target_semaphore(%arg27 : memref<!tpu.dma_semaphore, #tpu.memory_space<semaphore_mem>>)
          %dma_start3A_153 = tpu.memref_slice %arg4[%multiple_of3A_148] : memref<320000xi32, #tpu.memory_space<hbm>> -> memref<80xi32, #tpu.memory_space<hbm>>
          %dma_start3A_154 = tpu.memref_slice %arg4[%multiple_of3A_148] : memref<320000xi32, #tpu.memory_space<hbm>> -> memref<80xi32, #tpu.memory_space<hbm>>
          tpu.enqueue_dma source(%dma_start3A_154 : memref<80xi32, #tpu.memory_space<hbm>>) target(%arg16 : memref<80xi32, #tpu.memory_space<vmem>>) target_semaphore(%arg27 : memref<!tpu.dma_semaphore, #tpu.memory_space<semaphore_mem>>)
        } else {
        }
        %scan3A_131 = arith.constant 0 : i32
        %scan3A_132 = arith.constant 0 : i32
        %scan3A_133 = arith.constant 5 : i32
        %scan3A_134 = arith.addi %scan3A_132, %scan3A_133 : i32
        %scan3A_135 = arith.constant 1 : i32
        scf.for %scan3A_143 = %scan3A_132 to %scan3A_134 step %scan3A_135  : i32 {
          %mul3A_144 = arith.constant 16 : i32
          %mul3A_145 = arith.muli %scan3A_143, %mul3A_144 : i32
          %get3A_146 = arith.index_cast %mul3A_145 : i32 to index
          %get3A_147 = tpu.vector_load %arg20[%get3A_146] {strides = array<i32>} : memref<80xf32, #tpu.memory_space<vmem>>, vector<16xf32>,
          %get3A_148 = vector.shape_cast %get3A_147 : vector<16xf32> to vector<16xf32>
          %slice3A = vector.extract_strided_slice %get3A_148 {offsets = [0], sizes = [1], strides = [1]} : vector<16xf32> to vector<1xf32>
          %squeeze3A = vector.extract %slice3A[0] : f32 from vector<1xf32>
          %add3A_149 = arith.constant 0 : i32
          %add3A_150 = arith.addi %mul3A_145, %add3A_149 : i32
          %get3A_151 = arith.index_cast %add3A_150 : i32 to index
          %get3A_152 = arith.constant 0 : index
          %get3A_153 = tpu.vector_load %arg22[%get3A_151, %get3A_152] {strides = array<i32>} : memref<80x128xf32, #tpu.memory_space<vmem>>, vector<1x16xf32>,
          %get3A_154 = vector.shape_cast %get3A_153 : vector<1x16xf32> to vector<16xf32>
          %mul3A_155 = vector.broadcast %squeeze3A : f32 to vector<16xf32>
          %mul3A_156 = arith.mulf %get3A_154, %mul3A_155 : vector<16xf32>
          %add3A_157 = arith.constant 0 : i32
          %add3A_158 = arith.addi %mul3A_145, %add3A_157 : i32
          %swap3A_159 = arith.index_cast %add3A_158 : i32 to index
          %swap3A_160 = arith.constant 0 : index
          %swap3A_161 = tpu.vector_load %arg22[%swap3A_159, %swap3A_160] {strides = array<i32>} : memref<80x128xf32, #tpu.memory_space<vmem>>, vector<1x16xf32>,
          %swap3A_162 = vector.shape_cast %swap3A_161 : vector<1x16xf32> to vector<16xf32>
          %swap3A_163 = vector.shape_cast %mul3A_156 : vector<16xf32> to vector<1x16xf32>
          tpu.vector_store %arg22[%swap3A_159, %swap3A_160], %swap3A_163 {strides = array<i32>} : memref<80x128xf32, #tpu.memory_space<vmem>>, vector<1x16xf32>,
          %add3A_164 = arith.constant 0 : i32
          %add3A_165 = arith.addi %mul3A_145, %add3A_164 : i32
          %get3A_166 = arith.index_cast %add3A_165 : i32 to index
          %get3A_167 = arith.constant 16 : index
          %get3A_168 = tpu.vector_load %arg22[%get3A_166, %get3A_167] {strides = array<i32>} : memref<80x128xf32, #tpu.memory_space<vmem>>, vector<1x16xf32>,
          %get3A_169 = vector.shape_cast %get3A_168 : vector<1x16xf32> to vector<16xf32>
          %mul3A_170 = vector.broadcast %squeeze3A : f32 to vector<16xf32>
          %mul3A_171 = arith.mulf %get3A_169, %mul3A_170 : vector<16xf32>
          %add3A_172 = arith.constant 0 : i32
          %add3A_173 = arith.addi %mul3A_145, %add3A_172 : i32
          %swap3A_174 = arith.index_cast %add3A_173 : i32 to index
          %swap3A_175 = arith.constant 16 : index
          %swap3A_176 = tpu.vector_load %arg22[%swap3A_174, %swap3A_175] {strides = array<i32>} : memref<80x128xf32, #tpu.memory_space<vmem>>, vector<1x16xf32>,
          %swap3A_177 = vector.shape_cast %swap3A_176 : vector<1x16xf32> to vector<16xf32>
          %swap3A_178 = vector.shape_cast %mul3A_171 : vector<16xf32> to vector<1x16xf32>
          tpu.vector_store %arg22[%swap3A_174, %swap3A_175], %swap3A_178 {strides = array<i32>} : memref<80x128xf32, #tpu.memory_space<vmem>>, vector<1x16xf32>,
          %add3A_179 = arith.constant 0 : i32
          %add3A_180 = arith.addi %mul3A_145, %add3A_179 : i32
          %get3A_181 = arith.index_cast %add3A_180 : i32 to index
          %get3A_182 = arith.constant 32 : index
          %get3A_183 = tpu.vector_load %arg22[%get3A_181, %get3A_182] {strides = array<i32>} : memref<80x128xf32, #tpu.memory_space<vmem>>, vector<1x16xf32>,
          %get3A_184 = vector.shape_cast %get3A_183 : vector<1x16xf32> to vector<16xf32>
          %mul3A_185 = vector.broadcast %squeeze3A : f32 to vector<16xf32>
          %mul3A_186 = arith.mulf %get3A_184, %mul3A_185 : vector<16xf32>
          %add3A_187 = arith.constant 0 : i32
          %add3A_188 = arith.addi %mul3A_145, %add3A_187 : i32
          %swap3A_189 = arith.index_cast %add3A_188 : i32 to index
          %swap3A_190 = arith.constant 32 : index
          %swap3A_191 = tpu.vector_load %arg22[%swap3A_189, %swap3A_190] {strides = array<i32>} : memref<80x128xf32, #tpu.memory_space<vmem>>, vector<1x16xf32>,
          %swap3A_192 = vector.shape_cast %swap3A_191 : vector<1x16xf32> to vector<16xf32>
          %swap3A_193 = vector.shape_cast %mul3A_186 : vector<16xf32> to vector<1x16xf32>
          tpu.vector_store %arg22[%swap3A_189, %swap3A_190], %swap3A_193 {strides = array<i32>} : memref<80x128xf32, #tpu.memory_space<vmem>>, vector<1x16xf32>,
          %add3A_194 = arith.constant 0 : i32
          %add3A_195 = arith.addi %mul3A_145, %add3A_194 : i32
          %get3A_196 = arith.index_cast %add3A_195 : i32 to index
          %get3A_197 = arith.constant 48 : index
          %get3A_198 = tpu.vector_load %arg22[%get3A_196, %get3A_197] {strides = array<i32>} : memref<80x128xf32, #tpu.memory_space<vmem>>, vector<1x16xf32>,
          %get3A_199 = vector.shape_cast %get3A_198 : vector<1x16xf32> to vector<16xf32>
          %mul3A_200 = vector.broadcast %squeeze3A : f32 to vector<16xf32>
          %mul3A_201 = arith.mulf %get3A_199, %mul3A_200 : vector<16xf32>
          %add3A_202 = arith.constant 0 : i32
          %add3A_203 = arith.addi %mul3A_145, %add3A_202 : i32
          %swap3A_204 = arith.index_cast %add3A_203 : i32 to index
          %swap3A_205 = arith.constant 48 : index
          %swap3A_206 = tpu.vector_load %arg22[%swap3A_204, %swap3A_205] {strides = array<i32>} : memref<80x128xf32, #tpu.memory_space<vmem>>, vector<1x16xf32>,
          %swap3A_207 = vector.shape_cast %swap3A_206 : vector<1x16xf32> to vector<16xf32>
          %swap3A_208 = vector.shape_cast %mul3A_201 : vector<16xf32> to vector<1x16xf32>
          tpu.vector_store %arg22[%swap3A_204, %swap3A_205], %swap3A_208 {strides = array<i32>} : memref<80x128xf32, #tpu.memory_space<vmem>>, vector<1x16xf32>,
          %add3A_209 = arith.constant 0 : i32
          %add3A_210 = arith.addi %mul3A_145, %add3A_209 : i32
          %get3A_211 = arith.index_cast %add3A_210 : i32 to index
          %get3A_212 = arith.constant 64 : index
          %get3A_213 = tpu.vector_load %arg22[%get3A_211, %get3A_212] {strides = array<i32>} : memref<80x128xf32, #tpu.memory_space<vmem>>, vector<1x16xf32>,
          %get3A_214 = vector.shape_cast %get3A_213 : vector<1x16xf32> to vector<16xf32>
          %mul3A_215 = vector.broadcast %squeeze3A : f32 to vector<16xf32>
          %mul3A_216 = arith.mulf %get3A_214, %mul3A_215 : vector<16xf32>
          %add3A_217 = arith.constant 0 : i32
          %add3A_218 = arith.addi %mul3A_145, %add3A_217 : i32
          %swap3A_219 = arith.index_cast %add3A_218 : i32 to index
          %swap3A_220 = arith.constant 64 : index
          %swap3A_221 = tpu.vector_load %arg22[%swap3A_219, %swap3A_220] {strides = array<i32>} : memref<80x128xf32, #tpu.memory_space<vmem>>, vector<1x16xf32>,
          %swap3A_222 = vector.shape_cast %swap3A_221 : vector<1x16xf32> to vector<16xf32>
          %swap3A_223 = vector.shape_cast %mul3A_216 : vector<16xf32> to vector<1x16xf32>
          tpu.vector_store %arg22[%swap3A_219, %swap3A_220], %swap3A_223 {strides = array<i32>} : memref<80x128xf32, #tpu.memory_space<vmem>>, vector<1x16xf32>,
          %add3A_224 = arith.constant 0 : i32
          %add3A_225 = arith.addi %mul3A_145, %add3A_224 : i32
          %get3A_226 = arith.index_cast %add3A_225 : i32 to index
          %get3A_227 = arith.constant 80 : index
          %get3A_228 = tpu.vector_load %arg22[%get3A_226, %get3A_227] {strides = array<i32>} : memref<80x128xf32, #tpu.memory_space<vmem>>, vector<1x16xf32>,
          %get3A_229 = vector.shape_cast %get3A_228 : vector<1x16xf32> to vector<16xf32>
          %mul3A_230 = vector.broadcast %squeeze3A : f32 to vector<16xf32>
          %mul3A_231 = arith.mulf %get3A_229, %mul3A_230 : vector<16xf32>
          %add3A_232 = arith.constant 0 : i32
          %add3A_233 = arith.addi %mul3A_145, %add3A_232 : i32
          %swap3A_234 = arith.index_cast %add3A_233 : i32 to index
          %swap3A_235 = arith.constant 80 : index
          %swap3A_236 = tpu.vector_load %arg22[%swap3A_234, %swap3A_235] {strides = array<i32>} : memref<80x128xf32, #tpu.memory_space<vmem>>, vector<1x16xf32>,
          %swap3A_237 = vector.shape_cast %swap3A_236 : vector<1x16xf32> to vector<16xf32>
          %swap3A_238 = vector.shape_cast %mul3A_231 : vector<16xf32> to vector<1x16xf32>
          tpu.vector_store %arg22[%swap3A_234, %swap3A_235], %swap3A_238 {strides = array<i32>} : memref<80x128xf32, #tpu.memory_space<vmem>>, vector<1x16xf32>,
          %add3A_239 = arith.constant 0 : i32
          %add3A_240 = arith.addi %mul3A_145, %add3A_239 : i32
          %get3A_241 = arith.index_cast %add3A_240 : i32 to index
          %get3A_242 = arith.constant 96 : index
          %get3A_243 = tpu.vector_load %arg22[%get3A_241, %get3A_242] {strides = array<i32>} : memref<80x128xf32, #tpu.memory_space<vmem>>, vector<1x16xf32>,
          %get3A_244 = vector.shape_cast %get3A_243 : vector<1x16xf32> to vector<16xf32>
          %mul3A_245 = vector.broadcast %squeeze3A : f32 to vector<16xf32>
          %mul3A_246 = arith.mulf %get3A_244, %mul3A_245 : vector<16xf32>
          %add3A_247 = arith.constant 0 : i32
          %add3A_248 = arith.addi %mul3A_145, %add3A_247 : i32
          %swap3A_249 = arith.index_cast %add3A_248 : i32 to index
          %swap3A_250 = arith.constant 96 : index
          %swap3A_251 = tpu.vector_load %arg22[%swap3A_249, %swap3A_250] {strides = array<i32>} : memref<80x128xf32, #tpu.memory_space<vmem>>, vector<1x16xf32>,
          %swap3A_252 = vector.shape_cast %swap3A_251 : vector<1x16xf32> to vector<16xf32>
          %swap3A_253 = vector.shape_cast %mul3A_246 : vector<16xf32> to vector<1x16xf32>
          tpu.vector_store %arg22[%swap3A_249, %swap3A_250], %swap3A_253 {strides = array<i32>} : memref<80x128xf32, #tpu.memory_space<vmem>>, vector<1x16xf32>,
          %add3A_254 = arith.constant 0 : i32
          %add3A_255 = arith.addi %mul3A_145, %add3A_254 : i32
          %get3A_256 = arith.index_cast %add3A_255 : i32 to index
          %get3A_257 = arith.constant 112 : index
          %get3A_258 = tpu.vector_load %arg22[%get3A_256, %get3A_257] {strides = array<i32>} : memref<80x128xf32, #tpu.memory_space<vmem>>, vector<1x16xf32>,
          %get3A_259 = vector.shape_cast %get3A_258 : vector<1x16xf32> to vector<16xf32>
          %mul3A_260 = vector.broadcast %squeeze3A : f32 to vector<16xf32>
          %mul3A_261 = arith.mulf %get3A_259, %mul3A_260 : vector<16xf32>
          %add3A_262 = arith.constant 0 : i32
          %add3A_263 = arith.addi %mul3A_145, %add3A_262 : i32
          %swap3A_264 = arith.index_cast %add3A_263 : i32 to index
          %swap3A_265 = arith.constant 112 : index
          %swap3A_266 = tpu.vector_load %arg22[%swap3A_264, %swap3A_265] {strides = array<i32>} : memref<80x128xf32, #tpu.memory_space<vmem>>, vector<1x16xf32>,
          %swap3A_267 = vector.shape_cast %swap3A_266 : vector<1x16xf32> to vector<16xf32>
          %swap3A_268 = vector.shape_cast %mul3A_261 : vector<16xf32> to vector<1x16xf32>
          tpu.vector_store %arg22[%swap3A_264, %swap3A_265], %swap3A_268 {strides = array<i32>} : memref<80x128xf32, #tpu.memory_space<vmem>>, vector<1x16xf32>,
          %slice3A_269 = vector.extract_strided_slice %get3A_148 {offsets = [1], sizes = [1], strides = [1]} : vector<16xf32> to vector<1xf32>
          %squeeze3A_270 = vector.extract %slice3A_269[0] : f32 from vector<1xf32>
          %add3A_271 = arith.constant 1 : i32
          %add3A_272 = arith.addi %mul3A_145, %add3A_271 : i32
          %get3A_273 = arith.index_cast %add3A_272 : i32 to index
          %get3A_274 = arith.constant 0 : index
          %get3A_275 = tpu.vector_load %arg22[%get3A_273, %get3A_274] {strides = array<i32>} : memref<80x128xf32, #tpu.memory_space<vmem>>, vector<1x16xf32>,
          %get3A_276 = vector.shape_cast %get3A_275 : vector<1x16xf32> to vector<16xf32>
          %mul3A_277 = vector.broadcast %squeeze3A_270 : f32 to vector<16xf32>
          %mul3A_278 = arith.mulf %get3A_276, %mul3A_277 : vector<16xf32>
          %add3A_279 = arith.constant 1 : i32
          %add3A_280 = arith.addi %mul3A_145, %add3A_279 : i32
          %swap3A_281 = arith.index_cast %add3A_280 : i32 to index
          %swap3A_282 = arith.constant 0 : index
          %swap3A_283 = tpu.vector_load %arg22[%swap3A_281, %swap3A_282] {strides = array<i32>} : memref<80x128xf32, #tpu.memory_space<vmem>>, vector<1x16xf32>,
          %swap3A_284 = vector.shape_cast %swap3A_283 : vector<1x16xf32> to vector<16xf32>
          %swap3A_285 = vector.shape_cast %mul3A_278 : vector<16xf32> to vector<1x16xf32>
          tpu.vector_store %arg22[%swap3A_281, %swap3A_282], %swap3A_285 {strides = array<i32>} : memref<80x128xf32, #tpu.memory_space<vmem>>, vector<1x16xf32>,
          %add3A_286 = arith.constant 1 : i32
          %add3A_287 = arith.addi %mul3A_145, %add3A_286 : i32
          %get3A_288 = arith.index_cast %add3A_287 : i32 to index
          %get3A_289 = arith.constant 16 : index
          %get3A_290 = tpu.vector_load %arg22[%get3A_288, %get3A_289] {strides = array<i32>} : memref<80x128xf32, #tpu.memory_space<vmem>>, vector<1x16xf32>,
          %get3A_291 = vector.shape_cast %get3A_290 : vector<1x16xf32> to vector<16xf32>
          %mul3A_292 = vector.broadcast %squeeze3A_270 : f32 to vector<16xf32>
          %mul3A_293 = arith.mulf %get3A_291, %mul3A_292 : vector<16xf32>
          %add3A_294 = arith.constant 1 : i32
          %add3A_295 = arith.addi %mul3A_145, %add3A_294 : i32
          %swap3A_296 = arith.index_cast %add3A_295 : i32 to index
          %swap3A_297 = arith.constant 16 : index
          %swap3A_298 = tpu.vector_load %arg22[%swap3A_296, %swap3A_297] {strides = array<i32>} : memref<80x128xf32, #tpu.memory_space<vmem>>, vector<1x16xf32>,
          %swap3A_299 = vector.shape_cast %swap3A_298 : vector<1x16xf32> to vector<16xf32>
          %swap3A_300 = vector.shape_cast %mul3A_293 : vector<16xf32> to vector<1x16xf32>
          tpu.vector_store %arg22[%swap3A_296, %swap3A_297], %swap3A_300 {strides = array<i32>} : memref<80x128xf32, #tpu.memory_space<vmem>>, vector<1x16xf32>,
          %add3A_301 = arith.constant 1 : i32
          %add3A_302 = arith.addi %mul3A_145, %add3A_301 : i32
          %get3A_303 = arith.index_cast %add3A_302 : i32 to index
          %get3A_304 = arith.constant 32 : index
          %get3A_305 = tpu.vector_load %arg22[%get3A_303, %get3A_304] {strides = array<i32>} : memref<80x128xf32, #tpu.memory_space<vmem>>, vector<1x16xf32>,
          %get3A_306 = vector.shape_cast %get3A_305 : vector<1x16xf32> to vector<16xf32>
          %mul3A_307 = vector.broadcast %squeeze3A_270 : f32 to vector<16xf32>
          %mul3A_308 = arith.mulf %get3A_306, %mul3A_307 : vector<16xf32>
          %add3A_309 = arith.constant 1 : i32
          %add3A_310 = arith.addi %mul3A_145, %add3A_309 : i32
          %swap3A_311 = arith.index_cast %add3A_310 : i32 to index
          %swap3A_312 = arith.constant 32 : index
          %swap3A_313 = tpu.vector_load %arg22[%swap3A_311, %swap3A_312] {strides = array<i32>} : memref<80x128xf32, #tpu.memory_space<vmem>>, vector<1x16xf32>,
          %swap3A_314 = vector.shape_cast %swap3A_313 : vector<1x16xf32> to vector<16xf32>
          %swap3A_315 = vector.shape_cast %mul3A_308 : vector<16xf32> to vector<1x16xf32>
          tpu.vector_store %arg22[%swap3A_311, %swap3A_312], %swap3A_315 {strides = array<i32>} : memref<80x128xf32, #tpu.memory_space<vmem>>, vector<1x16xf32>,
          %add3A_316 = arith.constant 1 : i32
          %add3A_317 = arith.addi %mul3A_145, %add3A_316 : i32
          %get3A_318 = arith.index_cast %add3A_317 : i32 to index
          %get3A_319 = arith.constant 48 : index
          %get3A_320 = tpu.vector_load %arg22[%get3A_318, %get3A_319] {strides = array<i32>} : memref<80x128xf32, #tpu.memory_space<vmem>>, vector<1x16xf32>,
          %get3A_321 = vector.shape_cast %get3A_320 : vector<1x16xf32> to vector<16xf32>
          %mul3A_322 = vector.broadcast %squeeze3A_270 : f32 to vector<16xf32>
          %mul3A_323 = arith.mulf %get3A_321, %mul3A_322 : vector<16xf32>
          %add3A_324 = arith.constant 1 : i32
          %add3A_325 = arith.addi %mul3A_145, %add3A_324 : i32
          %swap3A_326 = arith.index_cast %add3A_325 : i32 to index
          %swap3A_327 = arith.constant 48 : index
          %swap3A_328 = tpu.vector_load %arg22[%swap3A_326, %swap3A_327] {strides = array<i32>} : memref<80x128xf32, #tpu.memory_space<vmem>>, vector<1x16xf32>,
          %swap3A_329 = vector.shape_cast %swap3A_328 : vector<1x16xf32> to vector<16xf32>
          %swap3A_330 = vector.shape_cast %mul3A_323 : vector<16xf32> to vector<1x16xf32>
          tpu.vector_store %arg22[%swap3A_326, %swap3A_327], %swap3A_330 {strides = array<i32>} : memref<80x128xf32, #tpu.memory_space<vmem>>, vector<1x16xf32>,
          %add3A_331 = arith.constant 1 : i32
          %add3A_332 = arith.addi %mul3A_145, %add3A_331 : i32
          %get3A_333 = arith.index_cast %add3A_332 : i32 to index
          %get3A_334 = arith.constant 64 : index
          %get3A_335 = tpu.vector_load %arg22[%get3A_333, %get3A_334] {strides = array<i32>} : memref<80x128xf32, #tpu.memory_space<vmem>>, vector<1x16xf32>,
          %get3A_336 = vector.shape_cast %get3A_335 : vector<1x16xf32> to vector<16xf32>
          %mul3A_337 = vector.broadcast %squeeze3A_270 : f32 to vector<16xf32>
          %mul3A_338 = arith.mulf %get3A_336, %mul3A_337 : vector<16xf32>
          %add3A_339 = arith.constant 1 : i32
          %add3A_340 = arith.addi %mul3A_145, %add3A_339 : i32
          %swap3A_341 = arith.index_cast %add3A_340 : i32 to index
          %swap3A_342 = arith.constant 64 : index
          %swap3A_343 = tpu.vector_load %arg22[%swap3A_341, %swap3A_342] {strides = array<i32>} : memref<80x128xf32, #tpu.memory_space<vmem>>, vector<1x16xf32>,
          %swap3A_344 = vector.shape_cast %swap3A_343 : vector<1x16xf32> to vector<16xf32>
          %swap3A_345 = vector.shape_cast %mul3A_338 : vector<16xf32> to vector<1x16xf32>
          tpu.vector_store %arg22[%swap3A_341, %swap3A_342], %swap3A_345 {strides = array<i32>} : memref<80x128xf32, #tpu.memory_space<vmem>>, vector<1x16xf32>,
          %add3A_346 = arith.constant 1 : i32
          %add3A_347 = arith.addi %mul3A_145, %add3A_346 : i32
          %get3A_348 = arith.index_cast %add3A_347 : i32 to index
          %get3A_349 = arith.constant 80 : index
          %get3A_350 = tpu.vector_load %arg22[%get3A_348, %get3A_349] {strides = array<i32>} : memref<80x128xf32, #tpu.memory_space<vmem>>, vector<1x16xf32>,
          %get3A_351 = vector.shape_cast %get3A_350 : vector<1x16xf32> to vector<16xf32>
          %mul3A_352 = vector.broadcast %squeeze3A_270 : f32 to vector<16xf32>
          %mul3A_353 = arith.mulf %get3A_351, %mul3A_352 : vector<16xf32>
          %add3A_354 = arith.constant 1 : i32
          %add3A_355 = arith.addi %mul3A_145, %add3A_354 : i32
          %swap3A_356 = arith.index_cast %add3A_355 : i32 to index
          %swap3A_357 = arith.constant 80 : index
          %swap3A_358 = tpu.vector_load %arg22[%swap3A_356, %swap3A_357] {strides = array<i32>} : memref<80x128xf32, #tpu.memory_space<vmem>>, vector<1x16xf32>,
          %swap3A_359 = vector.shape_cast %swap3A_358 : vector<1x16xf32> to vector<16xf32>
          %swap3A_360 = vector.shape_cast %mul3A_353 : vector<16xf32> to vector<1x16xf32>
          tpu.vector_store %arg22[%swap3A_356, %swap3A_357], %swap3A_360 {strides = array<i32>} : memref<80x128xf32, #tpu.memory_space<vmem>>, vector<1x16xf32>,
          %add3A_361 = arith.constant 1 : i32
          %add3A_362 = arith.addi %mul3A_145, %add3A_361 : i32
          %get3A_363 = arith.index_cast %add3A_362 : i32 to index
          %get3A_364 = arith.constant 96 : index
          %get3A_365 = tpu.vector_load %arg22[%get3A_363, %get3A_364] {strides = array<i32>} : memref<80x128xf32, #tpu.memory_space<vmem>>, vector<1x16xf32>,
          %get3A_366 = vector.shape_cast %get3A_365 : vector<1x16xf32> to vector<16xf32>
          %mul3A_367 = vector.broadcast %squeeze3A_270 : f32 to vector<16xf32>
          %mul3A_368 = arith.mulf %get3A_366, %mul3A_367 : vector<16xf32>
          %add3A_369 = arith.constant 1 : i32
          %add3A_370 = arith.addi %mul3A_145, %add3A_369 : i32
          %swap3A_371 = arith.index_cast %add3A_370 : i32 to index
          %swap3A_372 = arith.constant 96 : index
          %swap3A_373 = tpu.vector_load %arg22[%swap3A_371, %swap3A_372] {strides = array<i32>} : memref<80x128xf32, #tpu.memory_space<vmem>>, vector<1x16xf32>,
          %swap3A_374 = vector.shape_cast %swap3A_373 : vector<1x16xf32> to vector<16xf32>
          %swap3A_375 = vector.shape_cast %mul3A_368 : vector<16xf32> to vector<1x16xf32>
          tpu.vector_store %arg22[%swap3A_371, %swap3A_372], %swap3A_375 {strides = array<i32>} : memref<80x128xf32, #tpu.memory_space<vmem>>, vector<1x16xf32>,
          %add3A_376 = arith.constant 1 : i32
          %add3A_377 = arith.addi %mul3A_145, %add3A_376 : i32
          %get3A_378 = arith.index_cast %add3A_377 : i32 to index
          %get3A_379 = arith.constant 112 : index
          %get3A_380 = tpu.vector_load %arg22[%get3A_378, %get3A_379] {strides = array<i32>} : memref<80x128xf32, #tpu.memory_space<vmem>>, vector<1x16xf32>,
          %get3A_381 = vector.shape_cast %get3A_380 : vector<1x16xf32> to vector<16xf32>
          %mul3A_382 = vector.broadcast %squeeze3A_270 : f32 to vector<16xf32>
          %mul3A_383 = arith.mulf %get3A_381, %mul3A_382 : vector<16xf32>
          %add3A_384 = arith.constant 1 : i32
          %add3A_385 = arith.addi %mul3A_145, %add3A_384 : i32
          %swap3A_386 = arith.index_cast %add3A_385 : i32 to index
          %swap3A_387 = arith.constant 112 : index
          %swap3A_388 = tpu.vector_load %arg22[%swap3A_386, %swap3A_387] {strides = array<i32>} : memref<80x128xf32, #tpu.memory_space<vmem>>, vector<1x16xf32>,
          %swap3A_389 = vector.shape_cast %swap3A_388 : vector<1x16xf32> to vector<16xf32>
          %swap3A_390 = vector.shape_cast %mul3A_383 : vector<16xf32> to vector<1x16xf32>
          tpu.vector_store %arg22[%swap3A_386, %swap3A_387], %swap3A_390 {strides = array<i32>} : memref<80x128xf32, #tpu.memory_space<vmem>>, vector<1x16xf32>,
          %slice3A_391 = vector.extract_strided_slice %get3A_148 {offsets = [2], sizes = [1], strides = [1]} : vector<16xf32> to vector<1xf32>
          %squeeze3A_392 = vector.extract %slice3A_391[0] : f32 from vector<1xf32>
          %add3A_393 = arith.constant 2 : i32
          %add3A_394 = arith.addi %mul3A_145, %add3A_393 : i32
          %get3A_395 = arith.index_cast %add3A_394 : i32 to index
          %get3A_396 = arith.constant 0 : index
          %get3A_397 = tpu.vector_load %arg22[%get3A_395, %get3A_396] {strides = array<i32>} : memref<80x128xf32, #tpu.memory_space<vmem>>, vector<1x16xf32>,
          %get3A_398 = vector.shape_cast %get3A_397 : vector<1x16xf32> to vector<16xf32>
          %mul3A_399 = vector.broadcast %squeeze3A_392 : f32 to vector<16xf32>
          %mul3A_400 = arith.mulf %get3A_398, %mul3A_399 : vector<16xf32>
          %add3A_401 = arith.constant 2 : i32
          %add3A_402 = arith.addi %mul3A_145, %add3A_401 : i32
          %swap3A_403 = arith.index_cast %add3A_402 : i32 to index
          %swap3A_404 = arith.constant 0 : index
          %swap3A_405 = tpu.vector_load %arg22[%swap3A_403, %swap3A_404] {strides = array<i32>} : memref<80x128xf32, #tpu.memory_space<vmem>>, vector<1x16xf32>,
          %swap3A_406 = vector.shape_cast %swap3A_405 : vector<1x16xf32> to vector<16xf32>
          %swap3A_407 = vector.shape_cast %mul3A_400 : vector<16xf32> to vector<1x16xf32>
          tpu.vector_store %arg22[%swap3A_403, %swap3A_404], %swap3A_407 {strides = array<i32>} : memref<80x128xf32, #tpu.memory_space<vmem>>, vector<1x16xf32>,
          %add3A_408 = arith.constant 2 : i32
          %add3A_409 = arith.addi %mul3A_145, %add3A_408 : i32
          %get3A_410 = arith.index_cast %add3A_409 : i32 to index
          %get3A_411 = arith.constant 16 : index
          %get3A_412 = tpu.vector_load %arg22[%get3A_410, %get3A_411] {strides = array<i32>} : memref<80x128xf32, #tpu.memory_space<vmem>>, vector<1x16xf32>,
          %get3A_413 = vector.shape_cast %get3A_412 : vector<1x16xf32> to vector<16xf32>
          %mul3A_414 = vector.broadcast %squeeze3A_392 : f32 to vector<16xf32>
          %mul3A_415 = arith.mulf %get3A_413, %mul3A_414 : vector<16xf32>
          %add3A_416 = arith.constant 2 : i32
          %add3A_417 = arith.addi %mul3A_145, %add3A_416 : i32
          %swap3A_418 = arith.index_cast %add3A_417 : i32 to index
          %swap3A_419 = arith.constant 16 : index
          %swap3A_420 = tpu.vector_load %arg22[%swap3A_418, %swap3A_419] {strides = array<i32>} : memref<80x128xf32, #tpu.memory_space<vmem>>, vector<1x16xf32>,
          %swap3A_421 = vector.shape_cast %swap3A_420 : vector<1x16xf32> to vector<16xf32>
          %swap3A_422 = vector.shape_cast %mul3A_415 : vector<16xf32> to vector<1x16xf32>
          tpu.vector_store %arg22[%swap3A_418, %swap3A_419], %swap3A_422 {strides = array<i32>} : memref<80x128xf32, #tpu.memory_space<vmem>>, vector<1x16xf32>,
          %add3A_423 = arith.constant 2 : i32
          %add3A_424 = arith.addi %mul3A_145, %add3A_423 : i32
          %get3A_425 = arith.index_cast %add3A_424 : i32 to index
          %get3A_426 = arith.constant 32 : index
          %get3A_427 = tpu.vector_load %arg22[%get3A_425, %get3A_426] {strides = array<i32>} : memref<80x128xf32, #tpu.memory_space<vmem>>, vector<1x16xf32>,
          %get3A_428 = vector.shape_cast %get3A_427 : vector<1x16xf32> to vector<16xf32>
          %mul3A_429 = vector.broadcast %squeeze3A_392 : f32 to vector<16xf32>
          %mul3A_430 = arith.mulf %get3A_428, %mul3A_429 : vector<16xf32>
          %add3A_431 = arith.constant 2 : i32
          %add3A_432 = arith.addi %mul3A_145, %add3A_431 : i32
          %swap3A_433 = arith.index_cast %add3A_432 : i32 to index
          %swap3A_434 = arith.constant 32 : index
          %swap3A_435 = tpu.vector_load %arg22[%swap3A_433, %swap3A_434] {strides = array<i32>} : memref<80x128xf32, #tpu.memory_space<vmem>>, vector<1x16xf32>,
          %swap3A_436 = vector.shape_cast %swap3A_435 : vector<1x16xf32> to vector<16xf32>
          %swap3A_437 = vector.shape_cast %mul3A_430 : vector<16xf32> to vector<1x16xf32>
          tpu.vector_store %arg22[%swap3A_433, %swap3A_434], %swap3A_437 {strides = array<i32>} : memref<80x128xf32, #tpu.memory_space<vmem>>, vector<1x16xf32>,
          %add3A_438 = arith.constant 2 : i32
          %add3A_439 = arith.addi %mul3A_145, %add3A_438 : i32
          %get3A_440 = arith.index_cast %add3A_439 : i32 to index
          %get3A_441 = arith.constant 48 : index
          %get3A_442 = tpu.vector_load %arg22[%get3A_440, %get3A_441] {strides = array<i32>} : memref<80x128xf32, #tpu.memory_space<vmem>>, vector<1x16xf32>,
          %get3A_443 = vector.shape_cast %get3A_442 : vector<1x16xf32> to vector<16xf32>
          %mul3A_444 = vector.broadcast %squeeze3A_392 : f32 to vector<16xf32>
          %mul3A_445 = arith.mulf %get3A_443, %mul3A_444 : vector<16xf32>
          %add3A_446 = arith.constant 2 : i32
          %add3A_447 = arith.addi %mul3A_145, %add3A_446 : i32
          %swap3A_448 = arith.index_cast %add3A_447 : i32 to index
          %swap3A_449 = arith.constant 48 : index
          %swap3A_450 = tpu.vector_load %arg22[%swap3A_448, %swap3A_449] {strides = array<i32>} : memref<80x128xf32, #tpu.memory_space<vmem>>, vector<1x16xf32>,
          %swap3A_451 = vector.shape_cast %swap3A_450 : vector<1x16xf32> to vector<16xf32>
          %swap3A_452 = vector.shape_cast %mul3A_445 : vector<16xf32> to vector<1x16xf32>
          tpu.vector_store %arg22[%swap3A_448, %swap3A_449], %swap3A_452 {strides = array<i32>} : memref<80x128xf32, #tpu.memory_space<vmem>>, vector<1x16xf32>,
          %add3A_453 = arith.constant 2 : i32
          %add3A_454 = arith.addi %mul3A_145, %add3A_453 : i32
          %get3A_455 = arith.index_cast %add3A_454 : i32 to index
          %get3A_456 = arith.constant 64 : index
          %get3A_457 = tpu.vector_load %arg22[%get3A_455, %get3A_456] {strides = array<i32>} : memref<80x128xf32, #tpu.memory_space<vmem>>, vector<1x16xf32>,
          %get3A_458 = vector.shape_cast %get3A_457 : vector<1x16xf32> to vector<16xf32>
          %mul3A_459 = vector.broadcast %squeeze3A_392 : f32 to vector<16xf32>
          %mul3A_460 = arith.mulf %get3A_458, %mul3A_459 : vector<16xf32>
          %add3A_461 = arith.constant 2 : i32
          %add3A_462 = arith.addi %mul3A_145, %add3A_461 : i32
          %swap3A_463 = arith.index_cast %add3A_462 : i32 to index
          %swap3A_464 = arith.constant 64 : index
          %swap3A_465 = tpu.vector_load %arg22[%swap3A_463, %swap3A_464] {strides = array<i32>} : memref<80x128xf32, #tpu.memory_space<vmem>>, vector<1x16xf32>,
          %swap3A_466 = vector.shape_cast %swap3A_465 : vector<1x16xf32> to vector<16xf32>
          %swap3A_467 = vector.shape_cast %mul3A_460 : vector<16xf32> to vector<1x16xf32>
          tpu.vector_store %arg22[%swap3A_463, %swap3A_464], %swap3A_467 {strides = array<i32>} : memref<80x128xf32, #tpu.memory_space<vmem>>, vector<1x16xf32>,
          %add3A_468 = arith.constant 2 : i32
          %add3A_469 = arith.addi %mul3A_145, %add3A_468 : i32
          %get3A_470 = arith.index_cast %add3A_469 : i32 to index
          %get3A_471 = arith.constant 80 : index
          %get3A_472 = tpu.vector_load %arg22[%get3A_470, %get3A_471] {strides = array<i32>} : memref<80x128xf32, #tpu.memory_space<vmem>>, vector<1x16xf32>,
          %get3A_473 = vector.shape_cast %get3A_472 : vector<1x16xf32> to vector<16xf32>
          %mul3A_474 = vector.broadcast %squeeze3A_392 : f32 to vector<16xf32>
          %mul3A_475 = arith.mulf %get3A_473, %mul3A_474 : vector<16xf32>
          %add3A_476 = arith.constant 2 : i32
          %add3A_477 = arith.addi %mul3A_145, %add3A_476 : i32
          %swap3A_478 = arith.index_cast %add3A_477 : i32 to index
          %swap3A_479 = arith.constant 80 : index
          %swap3A_480 = tpu.vector_load %arg22[%swap3A_478, %swap3A_479] {strides = array<i32>} : memref<80x128xf32, #tpu.memory_space<vmem>>, vector<1x16xf32>,
          %swap3A_481 = vector.shape_cast %swap3A_480 : vector<1x16xf32> to vector<16xf32>
          %swap3A_482 = vector.shape_cast %mul3A_475 : vector<16xf32> to vector<1x16xf32>
          tpu.vector_store %arg22[%swap3A_478, %swap3A_479], %swap3A_482 {strides = array<i32>} : memref<80x128xf32, #tpu.memory_space<vmem>>, vector<1x16xf32>,
          %add3A_483 = arith.constant 2 : i32
          %add3A_484 = arith.addi %mul3A_145, %add3A_483 : i32
          %get3A_485 = arith.index_cast %add3A_484 : i32 to index
          %get3A_486 = arith.constant 96 : index
          %get3A_487 = tpu.vector_load %arg22[%get3A_485, %get3A_486] {strides = array<i32>} : memref<80x128xf32, #tpu.memory_space<vmem>>, vector<1x16xf32>,
          %get3A_488 = vector.shape_cast %get3A_487 : vector<1x16xf32> to vector<16xf32>
          %mul3A_489 = vector.broadcast %squeeze3A_392 : f32 to vector<16xf32>
          %mul3A_490 = arith.mulf %get3A_488, %mul3A_489 : vector<16xf32>
          %add3A_491 = arith.constant 2 : i32
          %add3A_492 = arith.addi %mul3A_145, %add3A_491 : i32
          %swap3A_493 = arith.index_cast %add3A_492 : i32 to index
          %swap3A_494 = arith.constant 96 : index
          %swap3A_495 = tpu.vector_load %arg22[%swap3A_493, %swap3A_494] {strides = array<i32>} : memref<80x128xf32, #tpu.memory_space<vmem>>, vector<1x16xf32>,
          %swap3A_496 = vector.shape_cast %swap3A_495 : vector<1x16xf32> to vector<16xf32>
          %swap3A_497 = vector.shape_cast %mul3A_490 : vector<16xf32> to vector<1x16xf32>
          tpu.vector_store %arg22[%swap3A_493, %swap3A_494], %swap3A_497 {strides = array<i32>} : memref<80x128xf32, #tpu.memory_space<vmem>>, vector<1x16xf32>,
          %add3A_498 = arith.constant 2 : i32
          %add3A_499 = arith.addi %mul3A_145, %add3A_498 : i32
          %get3A_500 = arith.index_cast %add3A_499 : i32 to index
          %get3A_501 = arith.constant 112 : index
          %get3A_502 = tpu.vector_load %arg22[%get3A_500, %get3A_501] {strides = array<i32>} : memref<80x128xf32, #tpu.memory_space<vmem>>, vector<1x16xf32>,
          %get3A_503 = vector.shape_cast %get3A_502 : vector<1x16xf32> to vector<16xf32>
          %mul3A_504 = vector.broadcast %squeeze3A_392 : f32 to vector<16xf32>
          %mul3A_505 = arith.mulf %get3A_503, %mul3A_504 : vector<16xf32>
          %add3A_506 = arith.constant 2 : i32
          %add3A_507 = arith.addi %mul3A_145, %add3A_506 : i32
          %swap3A_508 = arith.index_cast %add3A_507 : i32 to index
          %swap3A_509 = arith.constant 112 : index
          %swap3A_510 = tpu.vector_load %arg22[%swap3A_508, %swap3A_509] {strides = array<i32>} : memref<80x128xf32, #tpu.memory_space<vmem>>, vector<1x16xf32>,
          %swap3A_511 = vector.shape_cast %swap3A_510 : vector<1x16xf32> to vector<16xf32>
          %swap3A_512 = vector.shape_cast %mul3A_505 : vector<16xf32> to vector<1x16xf32>
          tpu.vector_store %arg22[%swap3A_508, %swap3A_509], %swap3A_512 {strides = array<i32>} : memref<80x128xf32, #tpu.memory_space<vmem>>, vector<1x16xf32>,
          %slice3A_513 = vector.extract_strided_slice %get3A_148 {offsets = [3], sizes = [1], strides = [1]} : vector<16xf32> to vector<1xf32>
          %squeeze3A_514 = vector.extract %slice3A_513[0] : f32 from vector<1xf32>
          %add3A_515 = arith.constant 3 : i32
          %add3A_516 = arith.addi %mul3A_145, %add3A_515 : i32
          %get3A_517 = arith.index_cast %add3A_516 : i32 to index
          %get3A_518 = arith.constant 0 : index
          %get3A_519 = tpu.vector_load %arg22[%get3A_517, %get3A_518] {strides = array<i32>} : memref<80x128xf32, #tpu.memory_space<vmem>>, vector<1x16xf32>,
          %get3A_520 = vector.shape_cast %get3A_519 : vector<1x16xf32> to vector<16xf32>
          %mul3A_521 = vector.broadcast %squeeze3A_514 : f32 to vector<16xf32>
          %mul3A_522 = arith.mulf %get3A_520, %mul3A_521 : vector<16xf32>
          %add3A_523 = arith.constant 3 : i32
          %add3A_524 = arith.addi %mul3A_145, %add3A_523 : i32
          %swap3A_525 = arith.index_cast %add3A_524 : i32 to index
          %swap3A_526 = arith.constant 0 : index
          %swap3A_527 = tpu.vector_load %arg22[%swap3A_525, %swap3A_526] {strides = array<i32>} : memref<80x128xf32, #tpu.memory_space<vmem>>, vector<1x16xf32>,
          %swap3A_528 = vector.shape_cast %swap3A_527 : vector<1x16xf32> to vector<16xf32>
          %swap3A_529 = vector.shape_cast %mul3A_522 : vector<16xf32> to vector<1x16xf32>
          tpu.vector_store %arg22[%swap3A_525, %swap3A_526], %swap3A_529 {strides = array<i32>} : memref<80x128xf32, #tpu.memory_space<vmem>>, vector<1x16xf32>,
          %add3A_530 = arith.constant 3 : i32
          %add3A_531 = arith.addi %mul3A_145, %add3A_530 : i32
          %get3A_532 = arith.index_cast %add3A_531 : i32 to index
          %get3A_533 = arith.constant 16 : index
          %get3A_534 = tpu.vector_load %arg22[%get3A_532, %get3A_533] {strides = array<i32>} : memref<80x128xf32, #tpu.memory_space<vmem>>, vector<1x16xf32>,
          %get3A_535 = vector.shape_cast %get3A_534 : vector<1x16xf32> to vector<16xf32>
          %mul3A_536 = vector.broadcast %squeeze3A_514 : f32 to vector<16xf32>
          %mul3A_537 = arith.mulf %get3A_535, %mul3A_536 : vector<16xf32>
          %add3A_538 = arith.constant 3 : i32
          %add3A_539 = arith.addi %mul3A_145, %add3A_538 : i32
          %swap3A_540 = arith.index_cast %add3A_539 : i32 to index
          %swap3A_541 = arith.constant 16 : index
          %swap3A_542 = tpu.vector_load %arg22[%swap3A_540, %swap3A_541] {strides = array<i32>} : memref<80x128xf32, #tpu.memory_space<vmem>>, vector<1x16xf32>,
          %swap3A_543 = vector.shape_cast %swap3A_542 : vector<1x16xf32> to vector<16xf32>
          %swap3A_544 = vector.shape_cast %mul3A_537 : vector<16xf32> to vector<1x16xf32>
          tpu.vector_store %arg22[%swap3A_540, %swap3A_541], %swap3A_544 {strides = array<i32>} : memref<80x128xf32, #tpu.memory_space<vmem>>, vector<1x16xf32>,
          %add3A_545 = arith.constant 3 : i32
          %add3A_546 = arith.addi %mul3A_145, %add3A_545 : i32
          %get3A_547 = arith.index_cast %add3A_546 : i32 to index
          %get3A_548 = arith.constant 32 : index
          %get3A_549 = tpu.vector_load %arg22[%get3A_547, %get3A_548] {strides = array<i32>} : memref<80x128xf32, #tpu.memory_space<vmem>>, vector<1x16xf32>,
          %get3A_550 = vector.shape_cast %get3A_549 : vector<1x16xf32> to vector<16xf32>
          %mul3A_551 = vector.broadcast %squeeze3A_514 : f32 to vector<16xf32>
          %mul3A_552 = arith.mulf %get3A_550, %mul3A_551 : vector<16xf32>
          %add3A_553 = arith.constant 3 : i32
          %add3A_554 = arith.addi %mul3A_145, %add3A_553 : i32
          %swap3A_555 = arith.index_cast %add3A_554 : i32 to index
          %swap3A_556 = arith.constant 32 : index
          %swap3A_557 = tpu.vector_load %arg22[%swap3A_555, %swap3A_556] {strides = array<i32>} : memref<80x128xf32, #tpu.memory_space<vmem>>, vector<1x16xf32>,
          %swap3A_558 = vector.shape_cast %swap3A_557 : vector<1x16xf32> to vector<16xf32>
          %swap3A_559 = vector.shape_cast %mul3A_552 : vector<16xf32> to vector<1x16xf32>
          tpu.vector_store %arg22[%swap3A_555, %swap3A_556], %swap3A_559 {strides = array<i32>} : memref<80x128xf32, #tpu.memory_space<vmem>>, vector<1x16xf32>,
          %add3A_560 = arith.constant 3 : i32
          %add3A_561 = arith.addi %mul3A_145, %add3A_560 : i32
          %get3A_562 = arith.index_cast %add3A_561 : i32 to index
          %get3A_563 = arith.constant 48 : index
          %get3A_564 = tpu.vector_load %arg22[%get3A_562, %get3A_563] {strides = array<i32>} : memref<80x128xf32, #tpu.memory_space<vmem>>, vector<1x16xf32>,
          %get3A_565 = vector.shape_cast %get3A_564 : vector<1x16xf32> to vector<16xf32>
          %mul3A_566 = vector.broadcast %squeeze3A_514 : f32 to vector<16xf32>
          %mul3A_567 = arith.mulf %get3A_565, %mul3A_566 : vector<16xf32>
          %add3A_568 = arith.constant 3 : i32
          %add3A_569 = arith.addi %mul3A_145, %add3A_568 : i32
          %swap3A_570 = arith.index_cast %add3A_569 : i32 to index
          %swap3A_571 = arith.constant 48 : index
          %swap3A_572 = tpu.vector_load %arg22[%swap3A_570, %swap3A_571] {strides = array<i32>} : memref<80x128xf32, #tpu.memory_space<vmem>>, vector<1x16xf32>,
          %swap3A_573 = vector.shape_cast %swap3A_572 : vector<1x16xf32> to vector<16xf32>
          %swap3A_574 = vector.shape_cast %mul3A_567 : vector<16xf32> to vector<1x16xf32>
          tpu.vector_store %arg22[%swap3A_570, %swap3A_571], %swap3A_574 {strides = array<i32>} : memref<80x128xf32, #tpu.memory_space<vmem>>, vector<1x16xf32>,
          %add3A_575 = arith.constant 3 : i32
          %add3A_576 = arith.addi %mul3A_145, %add3A_575 : i32
          %get3A_577 = arith.index_cast %add3A_576 : i32 to index
          %get3A_578 = arith.constant 64 : index
          %get3A_579 = tpu.vector_load %arg22[%get3A_577, %get3A_578] {strides = array<i32>} : memref<80x128xf32, #tpu.memory_space<vmem>>, vector<1x16xf32>,
          %get3A_580 = vector.shape_cast %get3A_579 : vector<1x16xf32> to vector<16xf32>
          %mul3A_581 = vector.broadcast %squeeze3A_514 : f32 to vector<16xf32>
          %mul3A_582 = arith.mulf %get3A_580, %mul3A_581 : vector<16xf32>
          %add3A_583 = arith.constant 3 : i32
          %add3A_584 = arith.addi %mul3A_145, %add3A_583 : i32
          %swap3A_585 = arith.index_cast %add3A_584 : i32 to index
          %swap3A_586 = arith.constant 64 : index
          %swap3A_587 = tpu.vector_load %arg22[%swap3A_585, %swap3A_586] {strides = array<i32>} : memref<80x128xf32, #tpu.memory_space<vmem>>, vector<1x16xf32>,
          %swap3A_588 = vector.shape_cast %swap3A_587 : vector<1x16xf32> to vector<16xf32>
          %swap3A_589 = vector.shape_cast %mul3A_582 : vector<16xf32> to vector<1x16xf32>
          tpu.vector_store %arg22[%swap3A_585, %swap3A_586], %swap3A_589 {strides = array<i32>} : memref<80x128xf32, #tpu.memory_space<vmem>>, vector<1x16xf32>,
          %add3A_590 = arith.constant 3 : i32
          %add3A_591 = arith.addi %mul3A_145, %add3A_590 : i32
          %get3A_592 = arith.index_cast %add3A_591 : i32 to index
          %get3A_593 = arith.constant 80 : index
          %get3A_594 = tpu.vector_load %arg22[%get3A_592, %get3A_593] {strides = array<i32>} : memref<80x128xf32, #tpu.memory_space<vmem>>, vector<1x16xf32>,
          %get3A_595 = vector.shape_cast %get3A_594 : vector<1x16xf32> to vector<16xf32>
          %mul3A_596 = vector.broadcast %squeeze3A_514 : f32 to vector<16xf32>
          %mul3A_597 = arith.mulf %get3A_595, %mul3A_596 : vector<16xf32>
          %add3A_598 = arith.constant 3 : i32
          %add3A_599 = arith.addi %mul3A_145, %add3A_598 : i32
          %swap3A_600 = arith.index_cast %add3A_599 : i32 to index
          %swap3A_601 = arith.constant 80 : index
          %swap3A_602 = tpu.vector_load %arg22[%swap3A_600, %swap3A_601] {strides = array<i32>} : memref<80x128xf32, #tpu.memory_space<vmem>>, vector<1x16xf32>,
          %swap3A_603 = vector.shape_cast %swap3A_602 : vector<1x16xf32> to vector<16xf32>
          %swap3A_604 = vector.shape_cast %mul3A_597 : vector<16xf32> to vector<1x16xf32>
          tpu.vector_store %arg22[%swap3A_600, %swap3A_601], %swap3A_604 {strides = array<i32>} : memref<80x128xf32, #tpu.memory_space<vmem>>, vector<1x16xf32>,
          %add3A_605 = arith.constant 3 : i32
          %add3A_606 = arith.addi %mul3A_145, %add3A_605 : i32
          %get3A_607 = arith.index_cast %add3A_606 : i32 to index
          %get3A_608 = arith.constant 96 : index
          %get3A_609 = tpu.vector_load %arg22[%get3A_607, %get3A_608] {strides = array<i32>} : memref<80x128xf32, #tpu.memory_space<vmem>>, vector<1x16xf32>,
          %get3A_610 = vector.shape_cast %get3A_609 : vector<1x16xf32> to vector<16xf32>
          %mul3A_611 = vector.broadcast %squeeze3A_514 : f32 to vector<16xf32>
          %mul3A_612 = arith.mulf %get3A_610, %mul3A_611 : vector<16xf32>
          %add3A_613 = arith.constant 3 : i32
          %add3A_614 = arith.addi %mul3A_145, %add3A_613 : i32
          %swap3A_615 = arith.index_cast %add3A_614 : i32 to index
          %swap3A_616 = arith.constant 96 : index
          %swap3A_617 = tpu.vector_load %arg22[%swap3A_615, %swap3A_616] {strides = array<i32>} : memref<80x128xf32, #tpu.memory_space<vmem>>, vector<1x16xf32>,
          %swap3A_618 = vector.shape_cast %swap3A_617 : vector<1x16xf32> to vector<16xf32>
          %swap3A_619 = vector.shape_cast %mul3A_612 : vector<16xf32> to vector<1x16xf32>
          tpu.vector_store %arg22[%swap3A_615, %swap3A_616], %swap3A_619 {strides = array<i32>} : memref<80x128xf32, #tpu.memory_space<vmem>>, vector<1x16xf32>,
          %add3A_620 = arith.constant 3 : i32
          %add3A_621 = arith.addi %mul3A_145, %add3A_620 : i32
          %get3A_622 = arith.index_cast %add3A_621 : i32 to index
          %get3A_623 = arith.constant 112 : index
          %get3A_624 = tpu.vector_load %arg22[%get3A_622, %get3A_623] {strides = array<i32>} : memref<80x128xf32, #tpu.memory_space<vmem>>, vector<1x16xf32>,
          %get3A_625 = vector.shape_cast %get3A_624 : vector<1x16xf32> to vector<16xf32>
          %mul3A_626 = vector.broadcast %squeeze3A_514 : f32 to vector<16xf32>
          %mul3A_627 = arith.mulf %get3A_625, %mul3A_626 : vector<16xf32>
          %add3A_628 = arith.constant 3 : i32
          %add3A_629 = arith.addi %mul3A_145, %add3A_628 : i32
          %swap3A_630 = arith.index_cast %add3A_629 : i32 to index
          %swap3A_631 = arith.constant 112 : index
          %swap3A_632 = tpu.vector_load %arg22[%swap3A_630, %swap3A_631] {strides = array<i32>} : memref<80x128xf32, #tpu.memory_space<vmem>>, vector<1x16xf32>,
          %swap3A_633 = vector.shape_cast %swap3A_632 : vector<1x16xf32> to vector<16xf32>
          %swap3A_634 = vector.shape_cast %mul3A_627 : vector<16xf32> to vector<1x16xf32>
          tpu.vector_store %arg22[%swap3A_630, %swap3A_631], %swap3A_634 {strides = array<i32>} : memref<80x128xf32, #tpu.memory_space<vmem>>, vector<1x16xf32>,
          %slice3A_635 = vector.extract_strided_slice %get3A_148 {offsets = [4], sizes = [1], strides = [1]} : vector<16xf32> to vector<1xf32>
          %squeeze3A_636 = vector.extract %slice3A_635[0] : f32 from vector<1xf32>
          %add3A_637 = arith.constant 4 : i32
          %add3A_638 = arith.addi %mul3A_145, %add3A_637 : i32
          %get3A_639 = arith.index_cast %add3A_638 : i32 to index
          %get3A_640 = arith.constant 0 : index
          %get3A_641 = tpu.vector_load %arg22[%get3A_639, %get3A_640] {strides = array<i32>} : memref<80x128xf32, #tpu.memory_space<vmem>>, vector<1x16xf32>,
          %get3A_642 = vector.shape_cast %get3A_641 : vector<1x16xf32> to vector<16xf32>
          %mul3A_643 = vector.broadcast %squeeze3A_636 : f32 to vector<16xf32>
          %mul3A_644 = arith.mulf %get3A_642, %mul3A_643 : vector<16xf32>
          %add3A_645 = arith.constant 4 : i32
          %add3A_646 = arith.addi %mul3A_145, %add3A_645 : i32
          %swap3A_647 = arith.index_cast %add3A_646 : i32 to index
          %swap3A_648 = arith.constant 0 : index
          %swap3A_649 = tpu.vector_load %arg22[%swap3A_647, %swap3A_648] {strides = array<i32>} : memref<80x128xf32, #tpu.memory_space<vmem>>, vector<1x16xf32>,
          %swap3A_650 = vector.shape_cast %swap3A_649 : vector<1x16xf32> to vector<16xf32>
          %swap3A_651 = vector.shape_cast %mul3A_644 : vector<16xf32> to vector<1x16xf32>
          tpu.vector_store %arg22[%swap3A_647, %swap3A_648], %swap3A_651 {strides = array<i32>} : memref<80x128xf32, #tpu.memory_space<vmem>>, vector<1x16xf32>,
          %add3A_652 = arith.constant 4 : i32
          %add3A_653 = arith.addi %mul3A_145, %add3A_652 : i32
          %get3A_654 = arith.index_cast %add3A_653 : i32 to index
          %get3A_655 = arith.constant 16 : index
          %get3A_656 = tpu.vector_load %arg22[%get3A_654, %get3A_655] {strides = array<i32>} : memref<80x128xf32, #tpu.memory_space<vmem>>, vector<1x16xf32>,
          %get3A_657 = vector.shape_cast %get3A_656 : vector<1x16xf32> to vector<16xf32>
          %mul3A_658 = vector.broadcast %squeeze3A_636 : f32 to vector<16xf32>
          %mul3A_659 = arith.mulf %get3A_657, %mul3A_658 : vector<16xf32>
          %add3A_660 = arith.constant 4 : i32
          %add3A_661 = arith.addi %mul3A_145, %add3A_660 : i32
          %swap3A_662 = arith.index_cast %add3A_661 : i32 to index
          %swap3A_663 = arith.constant 16 : index
          %swap3A_664 = tpu.vector_load %arg22[%swap3A_662, %swap3A_663] {strides = array<i32>} : memref<80x128xf32, #tpu.memory_space<vmem>>, vector<1x16xf32>,
          %swap3A_665 = vector.shape_cast %swap3A_664 : vector<1x16xf32> to vector<16xf32>
          %swap3A_666 = vector.shape_cast %mul3A_659 : vector<16xf32> to vector<1x16xf32>
          tpu.vector_store %arg22[%swap3A_662, %swap3A_663], %swap3A_666 {strides = array<i32>} : memref<80x128xf32, #tpu.memory_space<vmem>>, vector<1x16xf32>,
          %add3A_667 = arith.constant 4 : i32
          %add3A_668 = arith.addi %mul3A_145, %add3A_667 : i32
          %get3A_669 = arith.index_cast %add3A_668 : i32 to index
          %get3A_670 = arith.constant 32 : index
          %get3A_671 = tpu.vector_load %arg22[%get3A_669, %get3A_670] {strides = array<i32>} : memref<80x128xf32, #tpu.memory_space<vmem>>, vector<1x16xf32>,
          %get3A_672 = vector.shape_cast %get3A_671 : vector<1x16xf32> to vector<16xf32>
          %mul3A_673 = vector.broadcast %squeeze3A_636 : f32 to vector<16xf32>
          %mul3A_674 = arith.mulf %get3A_672, %mul3A_673 : vector<16xf32>
          %add3A_675 = arith.constant 4 : i32
          %add3A_676 = arith.addi %mul3A_145, %add3A_675 : i32
          %swap3A_677 = arith.index_cast %add3A_676 : i32 to index
          %swap3A_678 = arith.constant 32 : index
          %swap3A_679 = tpu.vector_load %arg22[%swap3A_677, %swap3A_678] {strides = array<i32>} : memref<80x128xf32, #tpu.memory_space<vmem>>, vector<1x16xf32>,
          %swap3A_680 = vector.shape_cast %swap3A_679 : vector<1x16xf32> to vector<16xf32>
          %swap3A_681 = vector.shape_cast %mul3A_674 : vector<16xf32> to vector<1x16xf32>
          tpu.vector_store %arg22[%swap3A_677, %swap3A_678], %swap3A_681 {strides = array<i32>} : memref<80x128xf32, #tpu.memory_space<vmem>>, vector<1x16xf32>,
          %add3A_682 = arith.constant 4 : i32
          %add3A_683 = arith.addi %mul3A_145, %add3A_682 : i32
          %get3A_684 = arith.index_cast %add3A_683 : i32 to index
          %get3A_685 = arith.constant 48 : index
          %get3A_686 = tpu.vector_load %arg22[%get3A_684, %get3A_685] {strides = array<i32>} : memref<80x128xf32, #tpu.memory_space<vmem>>, vector<1x16xf32>,
          %get3A_687 = vector.shape_cast %get3A_686 : vector<1x16xf32> to vector<16xf32>
          %mul3A_688 = vector.broadcast %squeeze3A_636 : f32 to vector<16xf32>
          %mul3A_689 = arith.mulf %get3A_687, %mul3A_688 : vector<16xf32>
          %add3A_690 = arith.constant 4 : i32
          %add3A_691 = arith.addi %mul3A_145, %add3A_690 : i32
          %swap3A_692 = arith.index_cast %add3A_691 : i32 to index
          %swap3A_693 = arith.constant 48 : index
          %swap3A_694 = tpu.vector_load %arg22[%swap3A_692, %swap3A_693] {strides = array<i32>} : memref<80x128xf32, #tpu.memory_space<vmem>>, vector<1x16xf32>,
          %swap3A_695 = vector.shape_cast %swap3A_694 : vector<1x16xf32> to vector<16xf32>
          %swap3A_696 = vector.shape_cast %mul3A_689 : vector<16xf32> to vector<1x16xf32>
          tpu.vector_store %arg22[%swap3A_692, %swap3A_693], %swap3A_696 {strides = array<i32>} : memref<80x128xf32, #tpu.memory_space<vmem>>, vector<1x16xf32>,
          %add3A_697 = arith.constant 4 : i32
          %add3A_698 = arith.addi %mul3A_145, %add3A_697 : i32
          %get3A_699 = arith.index_cast %add3A_698 : i32 to index
          %get3A_700 = arith.constant 64 : index
          %get3A_701 = tpu.vector_load %arg22[%get3A_699, %get3A_700] {strides = array<i32>} : memref<80x128xf32, #tpu.memory_space<vmem>>, vector<1x16xf32>,
          %get3A_702 = vector.shape_cast %get3A_701 : vector<1x16xf32> to vector<16xf32>
          %mul3A_703 = vector.broadcast %squeeze3A_636 : f32 to vector<16xf32>
          %mul3A_704 = arith.mulf %get3A_702, %mul3A_703 : vector<16xf32>
          %add3A_705 = arith.constant 4 : i32
          %add3A_706 = arith.addi %mul3A_145, %add3A_705 : i32
          %swap3A_707 = arith.index_cast %add3A_706 : i32 to index
          %swap3A_708 = arith.constant 64 : index
          %swap3A_709 = tpu.vector_load %arg22[%swap3A_707, %swap3A_708] {strides = array<i32>} : memref<80x128xf32, #tpu.memory_space<vmem>>, vector<1x16xf32>,
          %swap3A_710 = vector.shape_cast %swap3A_709 : vector<1x16xf32> to vector<16xf32>
          %swap3A_711 = vector.shape_cast %mul3A_704 : vector<16xf32> to vector<1x16xf32>
          tpu.vector_store %arg22[%swap3A_707, %swap3A_708], %swap3A_711 {strides = array<i32>} : memref<80x128xf32, #tpu.memory_space<vmem>>, vector<1x16xf32>,
          %add3A_712 = arith.constant 4 : i32
          %add3A_713 = arith.addi %mul3A_145, %add3A_712 : i32
          %get3A_714 = arith.index_cast %add3A_713 : i32 to index
          %get3A_715 = arith.constant 80 : index
          %get3A_716 = tpu.vector_load %arg22[%get3A_714, %get3A_715] {strides = array<i32>} : memref<80x128xf32, #tpu.memory_space<vmem>>, vector<1x16xf32>,
          %get3A_717 = vector.shape_cast %get3A_716 : vector<1x16xf32> to vector<16xf32>
          %mul3A_718 = vector.broadcast %squeeze3A_636 : f32 to vector<16xf32>
          %mul3A_719 = arith.mulf %get3A_717, %mul3A_718 : vector<16xf32>
          %add3A_720 = arith.constant 4 : i32
          %add3A_721 = arith.addi %mul3A_145, %add3A_720 : i32
          %swap3A_722 = arith.index_cast %add3A_721 : i32 to index
          %swap3A_723 = arith.constant 80 : index
          %swap3A_724 = tpu.vector_load %arg22[%swap3A_722, %swap3A_723] {strides = array<i32>} : memref<80x128xf32, #tpu.memory_space<vmem>>, vector<1x16xf32>,
          %swap3A_725 = vector.shape_cast %swap3A_724 : vector<1x16xf32> to vector<16xf32>
          %swap3A_726 = vector.shape_cast %mul3A_719 : vector<16xf32> to vector<1x16xf32>
          tpu.vector_store %arg22[%swap3A_722, %swap3A_723], %swap3A_726 {strides = array<i32>} : memref<80x128xf32, #tpu.memory_space<vmem>>, vector<1x16xf32>,
          %add3A_727 = arith.constant 4 : i32
          %add3A_728 = arith.addi %mul3A_145, %add3A_727 : i32
          %get3A_729 = arith.index_cast %add3A_728 : i32 to index
          %get3A_730 = arith.constant 96 : index
          %get3A_731 = tpu.vector_load %arg22[%get3A_729, %get3A_730] {strides = array<i32>} : memref<80x128xf32, #tpu.memory_space<vmem>>, vector<1x16xf32>,
          %get3A_732 = vector.shape_cast %get3A_731 : vector<1x16xf32> to vector<16xf32>
          %mul3A_733 = vector.broadcast %squeeze3A_636 : f32 to vector<16xf32>
          %mul3A_734 = arith.mulf %get3A_732, %mul3A_733 : vector<16xf32>
          %add3A_735 = arith.constant 4 : i32
          %add3A_736 = arith.addi %mul3A_145, %add3A_735 : i32
          %swap3A_737 = arith.index_cast %add3A_736 : i32 to index
          %swap3A_738 = arith.constant 96 : index
          %swap3A_739 = tpu.vector_load %arg22[%swap3A_737, %swap3A_738] {strides = array<i32>} : memref<80x128xf32, #tpu.memory_space<vmem>>, vector<1x16xf32>,
          %swap3A_740 = vector.shape_cast %swap3A_739 : vector<1x16xf32> to vector<16xf32>
          %swap3A_741 = vector.shape_cast %mul3A_734 : vector<16xf32> to vector<1x16xf32>
          tpu.vector_store %arg22[%swap3A_737, %swap3A_738], %swap3A_741 {strides = array<i32>} : memref<80x128xf32, #tpu.memory_space<vmem>>, vector<1x16xf32>,
          %add3A_742 = arith.constant 4 : i32
          %add3A_743 = arith.addi %mul3A_145, %add3A_742 : i32
          %get3A_744 = arith.index_cast %add3A_743 : i32 to index
          %get3A_745 = arith.constant 112 : index
          %get3A_746 = tpu.vector_load %arg22[%get3A_744, %get3A_745] {strides = array<i32>} : memref<80x128xf32, #tpu.memory_space<vmem>>, vector<1x16xf32>,
          %get3A_747 = vector.shape_cast %get3A_746 : vector<1x16xf32> to vector<16xf32>
          %mul3A_748 = vector.broadcast %squeeze3A_636 : f32 to vector<16xf32>
          %mul3A_749 = arith.mulf %get3A_747, %mul3A_748 : vector<16xf32>
          %add3A_750 = arith.constant 4 : i32
          %add3A_751 = arith.addi %mul3A_145, %add3A_750 : i32
          %swap3A_752 = arith.index_cast %add3A_751 : i32 to index
          %swap3A_753 = arith.constant 112 : index
          %swap3A_754 = tpu.vector_load %arg22[%swap3A_752, %swap3A_753] {strides = array<i32>} : memref<80x128xf32, #tpu.memory_space<vmem>>, vector<1x16xf32>,
          %swap3A_755 = vector.shape_cast %swap3A_754 : vector<1x16xf32> to vector<16xf32>
          %swap3A_756 = vector.shape_cast %mul3A_749 : vector<16xf32> to vector<1x16xf32>
          tpu.vector_store %arg22[%swap3A_752, %swap3A_753], %swap3A_756 {strides = array<i32>} : memref<80x128xf32, #tpu.memory_space<vmem>>, vector<1x16xf32>,
          %slice3A_757 = vector.extract_strided_slice %get3A_148 {offsets = [5], sizes = [1], strides = [1]} : vector<16xf32> to vector<1xf32>
          %squeeze3A_758 = vector.extract %slice3A_757[0] : f32 from vector<1xf32>
          %add3A_759 = arith.constant 5 : i32
          %add3A_760 = arith.addi %mul3A_145, %add3A_759 : i32
          %get3A_761 = arith.index_cast %add3A_760 : i32 to index
          %get3A_762 = arith.constant 0 : index
          %get3A_763 = tpu.vector_load %arg22[%get3A_761, %get3A_762] {strides = array<i32>} : memref<80x128xf32, #tpu.memory_space<vmem>>, vector<1x16xf32>,
          %get3A_764 = vector.shape_cast %get3A_763 : vector<1x16xf32> to vector<16xf32>
          %mul3A_765 = vector.broadcast %squeeze3A_758 : f32 to vector<16xf32>
          %mul3A_766 = arith.mulf %get3A_764, %mul3A_765 : vector<16xf32>
          %add3A_767 = arith.constant 5 : i32
          %add3A_768 = arith.addi %mul3A_145, %add3A_767 : i32
          %swap3A_769 = arith.index_cast %add3A_768 : i32 to index
          %swap3A_770 = arith.constant 0 : index
          %swap3A_771 = tpu.vector_load %arg22[%swap3A_769, %swap3A_770] {strides = array<i32>} : memref<80x128xf32, #tpu.memory_space<vmem>>, vector<1x16xf32>,
          %swap3A_772 = vector.shape_cast %swap3A_771 : vector<1x16xf32> to vector<16xf32>
          %swap3A_773 = vector.shape_cast %mul3A_766 : vector<16xf32> to vector<1x16xf32>
          tpu.vector_store %arg22[%swap3A_769, %swap3A_770], %swap3A_773 {strides = array<i32>} : memref<80x128xf32, #tpu.memory_space<vmem>>, vector<1x16xf32>,
          %add3A_774 = arith.constant 5 : i32
          %add3A_775 = arith.addi %mul3A_145, %add3A_774 : i32
          %get3A_776 = arith.index_cast %add3A_775 : i32 to index
          %get3A_777 = arith.constant 16 : index
          %get3A_778 = tpu.vector_load %arg22[%get3A_776, %get3A_777] {strides = array<i32>} : memref<80x128xf32, #tpu.memory_space<vmem>>, vector<1x16xf32>,
          %get3A_779 = vector.shape_cast %get3A_778 : vector<1x16xf32> to vector<16xf32>
          %mul3A_780 = vector.broadcast %squeeze3A_758 : f32 to vector<16xf32>
          %mul3A_781 = arith.mulf %get3A_779, %mul3A_780 : vector<16xf32>
          %add3A_782 = arith.constant 5 : i32
          %add3A_783 = arith.addi %mul3A_145, %add3A_782 : i32
          %swap3A_784 = arith.index_cast %add3A_783 : i32 to index
          %swap3A_785 = arith.constant 16 : index
          %swap3A_786 = tpu.vector_load %arg22[%swap3A_784, %swap3A_785] {strides = array<i32>} : memref<80x128xf32, #tpu.memory_space<vmem>>, vector<1x16xf32>,
          %swap3A_787 = vector.shape_cast %swap3A_786 : vector<1x16xf32> to vector<16xf32>
          %swap3A_788 = vector.shape_cast %mul3A_781 : vector<16xf32> to vector<1x16xf32>
          tpu.vector_store %arg22[%swap3A_784, %swap3A_785], %swap3A_788 {strides = array<i32>} : memref<80x128xf32, #tpu.memory_space<vmem>>, vector<1x16xf32>,
          %add3A_789 = arith.constant 5 : i32
          %add3A_790 = arith.addi %mul3A_145, %add3A_789 : i32
          %get3A_791 = arith.index_cast %add3A_790 : i32 to index
          %get3A_792 = arith.constant 32 : index
          %get3A_793 = tpu.vector_load %arg22[%get3A_791, %get3A_792] {strides = array<i32>} : memref<80x128xf32, #tpu.memory_space<vmem>>, vector<1x16xf32>,
          %get3A_794 = vector.shape_cast %get3A_793 : vector<1x16xf32> to vector<16xf32>
          %mul3A_795 = vector.broadcast %squeeze3A_758 : f32 to vector<16xf32>
          %mul3A_796 = arith.mulf %get3A_794, %mul3A_795 : vector<16xf32>
          %add3A_797 = arith.constant 5 : i32
          %add3A_798 = arith.addi %mul3A_145, %add3A_797 : i32
          %swap3A_799 = arith.index_cast %add3A_798 : i32 to index
          %swap3A_800 = arith.constant 32 : index
          %swap3A_801 = tpu.vector_load %arg22[%swap3A_799, %swap3A_800] {strides = array<i32>} : memref<80x128xf32, #tpu.memory_space<vmem>>, vector<1x16xf32>,
          %swap3A_802 = vector.shape_cast %swap3A_801 : vector<1x16xf32> to vector<16xf32>
          %swap3A_803 = vector.shape_cast %mul3A_796 : vector<16xf32> to vector<1x16xf32>
          tpu.vector_store %arg22[%swap3A_799, %swap3A_800], %swap3A_803 {strides = array<i32>} : memref<80x128xf32, #tpu.memory_space<vmem>>, vector<1x16xf32>,
          %add3A_804 = arith.constant 5 : i32
          %add3A_805 = arith.addi %mul3A_145, %add3A_804 : i32
          %get3A_806 = arith.index_cast %add3A_805 : i32 to index
          %get3A_807 = arith.constant 48 : index
          %get3A_808 = tpu.vector_load %arg22[%get3A_806, %get3A_807] {strides = array<i32>} : memref<80x128xf32, #tpu.memory_space<vmem>>, vector<1x16xf32>,
          %get3A_809 = vector.shape_cast %get3A_808 : vector<1x16xf32> to vector<16xf32>
          %mul3A_810 = vector.broadcast %squeeze3A_758 : f32 to vector<16xf32>
          %mul3A_811 = arith.mulf %get3A_809, %mul3A_810 : vector<16xf32>
          %add3A_812 = arith.constant 5 : i32
          %add3A_813 = arith.addi %mul3A_145, %add3A_812 : i32
          %swap3A_814 = arith.index_cast %add3A_813 : i32 to index
          %swap3A_815 = arith.constant 48 : index
          %swap3A_816 = tpu.vector_load %arg22[%swap3A_814, %swap3A_815] {strides = array<i32>} : memref<80x128xf32, #tpu.memory_space<vmem>>, vector<1x16xf32>,
          %swap3A_817 = vector.shape_cast %swap3A_816 : vector<1x16xf32> to vector<16xf32>
          %swap3A_818 = vector.shape_cast %mul3A_811 : vector<16xf32> to vector<1x16xf32>
          tpu.vector_store %arg22[%swap3A_814, %swap3A_815], %swap3A_818 {strides = array<i32>} : memref<80x128xf32, #tpu.memory_space<vmem>>, vector<1x16xf32>,
          %add3A_819 = arith.constant 5 : i32
          %add3A_820 = arith.addi %mul3A_145, %add3A_819 : i32
          %get3A_821 = arith.index_cast %add3A_820 : i32 to index
          %get3A_822 = arith.constant 64 : index
          %get3A_823 = tpu.vector_load %arg22[%get3A_821, %get3A_822] {strides = array<i32>} : memref<80x128xf32, #tpu.memory_space<vmem>>, vector<1x16xf32>,
          %get3A_824 = vector.shape_cast %get3A_823 : vector<1x16xf32> to vector<16xf32>
          %mul3A_825 = vector.broadcast %squeeze3A_758 : f32 to vector<16xf32>
          %mul3A_826 = arith.mulf %get3A_824, %mul3A_825 : vector<16xf32>
          %add3A_827 = arith.constant 5 : i32
          %add3A_828 = arith.addi %mul3A_145, %add3A_827 : i32
          %swap3A_829 = arith.index_cast %add3A_828 : i32 to index
          %swap3A_830 = arith.constant 64 : index
          %swap3A_831 = tpu.vector_load %arg22[%swap3A_829, %swap3A_830] {strides = array<i32>} : memref<80x128xf32, #tpu.memory_space<vmem>>, vector<1x16xf32>,
          %swap3A_832 = vector.shape_cast %swap3A_831 : vector<1x16xf32> to vector<16xf32>
          %swap3A_833 = vector.shape_cast %mul3A_826 : vector<16xf32> to vector<1x16xf32>
          tpu.vector_store %arg22[%swap3A_829, %swap3A_830], %swap3A_833 {strides = array<i32>} : memref<80x128xf32, #tpu.memory_space<vmem>>, vector<1x16xf32>,
          %add3A_834 = arith.constant 5 : i32
          %add3A_835 = arith.addi %mul3A_145, %add3A_834 : i32
          %get3A_836 = arith.index_cast %add3A_835 : i32 to index
          %get3A_837 = arith.constant 80 : index
          %get3A_838 = tpu.vector_load %arg22[%get3A_836, %get3A_837] {strides = array<i32>} : memref<80x128xf32, #tpu.memory_space<vmem>>, vector<1x16xf32>,
          %get3A_839 = vector.shape_cast %get3A_838 : vector<1x16xf32> to vector<16xf32>
          %mul3A_840 = vector.broadcast %squeeze3A_758 : f32 to vector<16xf32>
          %mul3A_841 = arith.mulf %get3A_839, %mul3A_840 : vector<16xf32>
          %add3A_842 = arith.constant 5 : i32
          %add3A_843 = arith.addi %mul3A_145, %add3A_842 : i32
          %swap3A_844 = arith.index_cast %add3A_843 : i32 to index
          %swap3A_845 = arith.constant 80 : index
          %swap3A_846 = tpu.vector_load %arg22[%swap3A_844, %swap3A_845] {strides = array<i32>} : memref<80x128xf32, #tpu.memory_space<vmem>>, vector<1x16xf32>,
          %swap3A_847 = vector.shape_cast %swap3A_846 : vector<1x16xf32> to vector<16xf32>
          %swap3A_848 = vector.shape_cast %mul3A_841 : vector<16xf32> to vector<1x16xf32>
          tpu.vector_store %arg22[%swap3A_844, %swap3A_845], %swap3A_848 {strides = array<i32>} : memref<80x128xf32, #tpu.memory_space<vmem>>, vector<1x16xf32>,
          %add3A_849 = arith.constant 5 : i32
          %add3A_850 = arith.addi %mul3A_145, %add3A_849 : i32
          %get3A_851 = arith.index_cast %add3A_850 : i32 to index
          %get3A_852 = arith.constant 96 : index
          %get3A_853 = tpu.vector_load %arg22[%get3A_851, %get3A_852] {strides = array<i32>} : memref<80x128xf32, #tpu.memory_space<vmem>>, vector<1x16xf32>,
          %get3A_854 = vector.shape_cast %get3A_853 : vector<1x16xf32> to vector<16xf32>
          %mul3A_855 = vector.broadcast %squeeze3A_758 : f32 to vector<16xf32>
          %mul3A_856 = arith.mulf %get3A_854, %mul3A_855 : vector<16xf32>
          %add3A_857 = arith.constant 5 : i32
          %add3A_858 = arith.addi %mul3A_145, %add3A_857 : i32
          %swap3A_859 = arith.index_cast %add3A_858 : i32 to index
          %swap3A_860 = arith.constant 96 : index
          %swap3A_861 = tpu.vector_load %arg22[%swap3A_859, %swap3A_860] {strides = array<i32>} : memref<80x128xf32, #tpu.memory_space<vmem>>, vector<1x16xf32>,
          %swap3A_862 = vector.shape_cast %swap3A_861 : vector<1x16xf32> to vector<16xf32>
          %swap3A_863 = vector.shape_cast %mul3A_856 : vector<16xf32> to vector<1x16xf32>
          tpu.vector_store %arg22[%swap3A_859, %swap3A_860], %swap3A_863 {strides = array<i32>} : memref<80x128xf32, #tpu.memory_space<vmem>>, vector<1x16xf32>,
          %add3A_864 = arith.constant 5 : i32
          %add3A_865 = arith.addi %mul3A_145, %add3A_864 : i32
          %get3A_866 = arith.index_cast %add3A_865 : i32 to index
          %get3A_867 = arith.constant 112 : index
          %get3A_868 = tpu.vector_load %arg22[%get3A_866, %get3A_867] {strides = array<i32>} : memref<80x128xf32, #tpu.memory_space<vmem>>, vector<1x16xf32>,
          %get3A_869 = vector.shape_cast %get3A_868 : vector<1x16xf32> to vector<16xf32>
          %mul3A_870 = vector.broadcast %squeeze3A_758 : f32 to vector<16xf32>
          %mul3A_871 = arith.mulf %get3A_869, %mul3A_870 : vector<16xf32>
          %add3A_872 = arith.constant 5 : i32
          %add3A_873 = arith.addi %mul3A_145, %add3A_872 : i32
          %swap3A_874 = arith.index_cast %add3A_873 : i32 to index
          %swap3A_875 = arith.constant 112 : index
          %swap3A_876 = tpu.vector_load %arg22[%swap3A_874, %swap3A_875] {strides = array<i32>} : memref<80x128xf32, #tpu.memory_space<vmem>>, vector<1x16xf32>,
          %swap3A_877 = vector.shape_cast %swap3A_876 : vector<1x16xf32> to vector<16xf32>
          %swap3A_878 = vector.shape_cast %mul3A_871 : vector<16xf32> to vector<1x16xf32>
          tpu.vector_store %arg22[%swap3A_874, %swap3A_875], %swap3A_878 {strides = array<i32>} : memref<80x128xf32, #tpu.memory_space<vmem>>, vector<1x16xf32>,
          %slice3A_879 = vector.extract_strided_slice %get3A_148 {offsets = [6], sizes = [1], strides = [1]} : vector<16xf32> to vector<1xf32>
          %squeeze3A_880 = vector.extract %slice3A_879[0] : f32 from vector<1xf32>
          %add3A_881 = arith.constant 6 : i32
          %add3A_882 = arith.addi %mul3A_145, %add3A_881 : i32
          %get3A_883 = arith.index_cast %add3A_882 : i32 to index
          %get3A_884 = arith.constant 0 : index
          %get3A_885 = tpu.vector_load %arg22[%get3A_883, %get3A_884] {strides = array<i32>} : memref<80x128xf32, #tpu.memory_space<vmem>>, vector<1x16xf32>,
          %get3A_886 = vector.shape_cast %get3A_885 : vector<1x16xf32> to vector<16xf32>
          %mul3A_887 = vector.broadcast %squeeze3A_880 : f32 to vector<16xf32>
          %mul3A_888 = arith.mulf %get3A_886, %mul3A_887 : vector<16xf32>
          %add3A_889 = arith.constant 6 : i32
          %add3A_890 = arith.addi %mul3A_145, %add3A_889 : i32
          %swap3A_891 = arith.index_cast %add3A_890 : i32 to index
          %swap3A_892 = arith.constant 0 : index
          %swap3A_893 = tpu.vector_load %arg22[%swap3A_891, %swap3A_892] {strides = array<i32>} : memref<80x128xf32, #tpu.memory_space<vmem>>, vector<1x16xf32>,
          %swap3A_894 = vector.shape_cast %swap3A_893 : vector<1x16xf32> to vector<16xf32>
          %swap3A_895 = vector.shape_cast %mul3A_888 : vector<16xf32> to vector<1x16xf32>
          tpu.vector_store %arg22[%swap3A_891, %swap3A_892], %swap3A_895 {strides = array<i32>} : memref<80x128xf32, #tpu.memory_space<vmem>>, vector<1x16xf32>,
          %add3A_896 = arith.constant 6 : i32
          %add3A_897 = arith.addi %mul3A_145, %add3A_896 : i32
          %get3A_898 = arith.index_cast %add3A_897 : i32 to index
          %get3A_899 = arith.constant 16 : index
          %get3A_900 = tpu.vector_load %arg22[%get3A_898, %get3A_899] {strides = array<i32>} : memref<80x128xf32, #tpu.memory_space<vmem>>, vector<1x16xf32>,
          %get3A_901 = vector.shape_cast %get3A_900 : vector<1x16xf32> to vector<16xf32>
          %mul3A_902 = vector.broadcast %squeeze3A_880 : f32 to vector<16xf32>
          %mul3A_903 = arith.mulf %get3A_901, %mul3A_902 : vector<16xf32>
          %add3A_904 = arith.constant 6 : i32
          %add3A_905 = arith.addi %mul3A_145, %add3A_904 : i32
          %swap3A_906 = arith.index_cast %add3A_905 : i32 to index
          %swap3A_907 = arith.constant 16 : index
          %swap3A_908 = tpu.vector_load %arg22[%swap3A_906, %swap3A_907] {strides = array<i32>} : memref<80x128xf32, #tpu.memory_space<vmem>>, vector<1x16xf32>,
          %swap3A_909 = vector.shape_cast %swap3A_908 : vector<1x16xf32> to vector<16xf32>
          %swap3A_910 = vector.shape_cast %mul3A_903 : vector<16xf32> to vector<1x16xf32>
          tpu.vector_store %arg22[%swap3A_906, %swap3A_907], %swap3A_910 {strides = array<i32>} : memref<80x128xf32, #tpu.memory_space<vmem>>, vector<1x16xf32>,
          %add3A_911 = arith.constant 6 : i32
          %add3A_912 = arith.addi %mul3A_145, %add3A_911 : i32
          %get3A_913 = arith.index_cast %add3A_912 : i32 to index
          %get3A_914 = arith.constant 32 : index
          %get3A_915 = tpu.vector_load %arg22[%get3A_913, %get3A_914] {strides = array<i32>} : memref<80x128xf32, #tpu.memory_space<vmem>>, vector<1x16xf32>,
          %get3A_916 = vector.shape_cast %get3A_915 : vector<1x16xf32> to vector<16xf32>
          %mul3A_917 = vector.broadcast %squeeze3A_880 : f32 to vector<16xf32>
          %mul3A_918 = arith.mulf %get3A_916, %mul3A_917 : vector<16xf32>
          %add3A_919 = arith.constant 6 : i32
          %add3A_920 = arith.addi %mul3A_145, %add3A_919 : i32
          %swap3A_921 = arith.index_cast %add3A_920 : i32 to index
          %swap3A_922 = arith.constant 32 : index
          %swap3A_923 = tpu.vector_load %arg22[%swap3A_921, %swap3A_922] {strides = array<i32>} : memref<80x128xf32, #tpu.memory_space<vmem>>, vector<1x16xf32>,
          %swap3A_924 = vector.shape_cast %swap3A_923 : vector<1x16xf32> to vector<16xf32>
          %swap3A_925 = vector.shape_cast %mul3A_918 : vector<16xf32> to vector<1x16xf32>
          tpu.vector_store %arg22[%swap3A_921, %swap3A_922], %swap3A_925 {strides = array<i32>} : memref<80x128xf32, #tpu.memory_space<vmem>>, vector<1x16xf32>,
          %add3A_926 = arith.constant 6 : i32
          %add3A_927 = arith.addi %mul3A_145, %add3A_926 : i32
          %get3A_928 = arith.index_cast %add3A_927 : i32 to index
          %get3A_929 = arith.constant 48 : index
          %get3A_930 = tpu.vector_load %arg22[%get3A_928, %get3A_929] {strides = array<i32>} : memref<80x128xf32, #tpu.memory_space<vmem>>, vector<1x16xf32>,
          %get3A_931 = vector.shape_cast %get3A_930 : vector<1x16xf32> to vector<16xf32>
          %mul3A_932 = vector.broadcast %squeeze3A_880 : f32 to vector<16xf32>
          %mul3A_933 = arith.mulf %get3A_931, %mul3A_932 : vector<16xf32>
          %add3A_934 = arith.constant 6 : i32
          %add3A_935 = arith.addi %mul3A_145, %add3A_934 : i32
          %swap3A_936 = arith.index_cast %add3A_935 : i32 to index
          %swap3A_937 = arith.constant 48 : index
          %swap3A_938 = tpu.vector_load %arg22[%swap3A_936, %swap3A_937] {strides = array<i32>} : memref<80x128xf32, #tpu.memory_space<vmem>>, vector<1x16xf32>,
          %swap3A_939 = vector.shape_cast %swap3A_938 : vector<1x16xf32> to vector<16xf32>
          %swap3A_940 = vector.shape_cast %mul3A_933 : vector<16xf32> to vector<1x16xf32>
          tpu.vector_store %arg22[%swap3A_936, %swap3A_937], %swap3A_940 {strides = array<i32>} : memref<80x128xf32, #tpu.memory_space<vmem>>, vector<1x16xf32>,
          %add3A_941 = arith.constant 6 : i32
          %add3A_942 = arith.addi %mul3A_145, %add3A_941 : i32
          %get3A_943 = arith.index_cast %add3A_942 : i32 to index
          %get3A_944 = arith.constant 64 : index
          %get3A_945 = tpu.vector_load %arg22[%get3A_943, %get3A_944] {strides = array<i32>} : memref<80x128xf32, #tpu.memory_space<vmem>>, vector<1x16xf32>,
          %get3A_946 = vector.shape_cast %get3A_945 : vector<1x16xf32> to vector<16xf32>
          %mul3A_947 = vector.broadcast %squeeze3A_880 : f32 to vector<16xf32>
          %mul3A_948 = arith.mulf %get3A_946, %mul3A_947 : vector<16xf32>
          %add3A_949 = arith.constant 6 : i32
          %add3A_950 = arith.addi %mul3A_145, %add3A_949 : i32
          %swap3A_951 = arith.index_cast %add3A_950 : i32 to index
          %swap3A_952 = arith.constant 64 : index
          %swap3A_953 = tpu.vector_load %arg22[%swap3A_951, %swap3A_952] {strides = array<i32>} : memref<80x128xf32, #tpu.memory_space<vmem>>, vector<1x16xf32>,
          %swap3A_954 = vector.shape_cast %swap3A_953 : vector<1x16xf32> to vector<16xf32>
          %swap3A_955 = vector.shape_cast %mul3A_948 : vector<16xf32> to vector<1x16xf32>
          tpu.vector_store %arg22[%swap3A_951, %swap3A_952], %swap3A_955 {strides = array<i32>} : memref<80x128xf32, #tpu.memory_space<vmem>>, vector<1x16xf32>,
          %add3A_956 = arith.constant 6 : i32
          %add3A_957 = arith.addi %mul3A_145, %add3A_956 : i32
          %get3A_958 = arith.index_cast %add3A_957 : i32 to index
          %get3A_959 = arith.constant 80 : index
          %get3A_960 = tpu.vector_load %arg22[%get3A_958, %get3A_959] {strides = array<i32>} : memref<80x128xf32, #tpu.memory_space<vmem>>, vector<1x16xf32>,
          %get3A_961 = vector.shape_cast %get3A_960 : vector<1x16xf32> to vector<16xf32>
          %mul3A_962 = vector.broadcast %squeeze3A_880 : f32 to vector<16xf32>
          %mul3A_963 = arith.mulf %get3A_961, %mul3A_962 : vector<16xf32>
          %add3A_964 = arith.constant 6 : i32
          %add3A_965 = arith.addi %mul3A_145, %add3A_964 : i32
          %swap3A_966 = arith.index_cast %add3A_965 : i32 to index
          %swap3A_967 = arith.constant 80 : index
          %swap3A_968 = tpu.vector_load %arg22[%swap3A_966, %swap3A_967] {strides = array<i32>} : memref<80x128xf32, #tpu.memory_space<vmem>>, vector<1x16xf32>,
          %swap3A_969 = vector.shape_cast %swap3A_968 : vector<1x16xf32> to vector<16xf32>
          %swap3A_970 = vector.shape_cast %mul3A_963 : vector<16xf32> to vector<1x16xf32>
          tpu.vector_store %arg22[%swap3A_966, %swap3A_967], %swap3A_970 {strides = array<i32>} : memref<80x128xf32, #tpu.memory_space<vmem>>, vector<1x16xf32>,
          %add3A_971 = arith.constant 6 : i32
          %add3A_972 = arith.addi %mul3A_145, %add3A_971 : i32
          %get3A_973 = arith.index_cast %add3A_972 : i32 to index
          %get3A_974 = arith.constant 96 : index
          %get3A_975 = tpu.vector_load %arg22[%get3A_973, %get3A_974] {strides = array<i32>} : memref<80x128xf32, #tpu.memory_space<vmem>>, vector<1x16xf32>,
          %get3A_976 = vector.shape_cast %get3A_975 : vector<1x16xf32> to vector<16xf32>
          %mul3A_977 = vector.broadcast %squeeze3A_880 : f32 to vector<16xf32>
          %mul3A_978 = arith.mulf %get3A_976, %mul3A_977 : vector<16xf32>
          %add3A_979 = arith.constant 6 : i32
          %add3A_980 = arith.addi %mul3A_145, %add3A_979 : i32
          %swap3A_981 = arith.index_cast %add3A_980 : i32 to index
          %swap3A_982 = arith.constant 96 : index
          %swap3A_983 = tpu.vector_load %arg22[%swap3A_981, %swap3A_982] {strides = array<i32>} : memref<80x128xf32, #tpu.memory_space<vmem>>, vector<1x16xf32>,
          %swap3A_984 = vector.shape_cast %swap3A_983 : vector<1x16xf32> to vector<16xf32>
          %swap3A_985 = vector.shape_cast %mul3A_978 : vector<16xf32> to vector<1x16xf32>
          tpu.vector_store %arg22[%swap3A_981, %swap3A_982], %swap3A_985 {strides = array<i32>} : memref<80x128xf32, #tpu.memory_space<vmem>>, vector<1x16xf32>,
          %add3A_986 = arith.constant 6 : i32
          %add3A_987 = arith.addi %mul3A_145, %add3A_986 : i32
          %get3A_988 = arith.index_cast %add3A_987 : i32 to index
          %get3A_989 = arith.constant 112 : index
          %get3A_990 = tpu.vector_load %arg22[%get3A_988, %get3A_989] {strides = array<i32>} : memref<80x128xf32, #tpu.memory_space<vmem>>, vector<1x16xf32>,
          %get3A_991 = vector.shape_cast %get3A_990 : vector<1x16xf32> to vector<16xf32>
          %mul3A_992 = vector.broadcast %squeeze3A_880 : f32 to vector<16xf32>
          %mul3A_993 = arith.mulf %get3A_991, %mul3A_992 : vector<16xf32>
          %add3A_994 = arith.constant 6 : i32
          %add3A_995 = arith.addi %mul3A_145, %add3A_994 : i32
          %swap3A_996 = arith.index_cast %add3A_995 : i32 to index
          %swap3A_997 = arith.constant 112 : index
          %swap3A_998 = tpu.vector_load %arg22[%swap3A_996, %swap3A_997] {strides = array<i32>} : memref<80x128xf32, #tpu.memory_space<vmem>>, vector<1x16xf32>,
          %swap3A_999 = vector.shape_cast %swap3A_998 : vector<1x16xf32> to vector<16xf32>
          %swap3A_1000 = vector.shape_cast %mul3A_993 : vector<16xf32> to vector<1x16xf32>
          tpu.vector_store %arg22[%swap3A_996, %swap3A_997], %swap3A_1000 {strides = array<i32>} : memref<80x128xf32, #tpu.memory_space<vmem>>, vector<1x16xf32>,
          %slice3A_1001 = vector.extract_strided_slice %get3A_148 {offsets = [7], sizes = [1], strides = [1]} : vector<16xf32> to vector<1xf32>
          %squeeze3A_1002 = vector.extract %slice3A_1001[0] : f32 from vector<1xf32>
          %add3A_1003 = arith.constant 7 : i32
          %add3A_1004 = arith.addi %mul3A_145, %add3A_1003 : i32
          %get3A_1005 = arith.index_cast %add3A_1004 : i32 to index
          %get3A_1006 = arith.constant 0 : index
          %get3A_1007 = tpu.vector_load %arg22[%get3A_1005, %get3A_1006] {strides = array<i32>} : memref<80x128xf32, #tpu.memory_space<vmem>>, vector<1x16xf32>,
          %get3A_1008 = vector.shape_cast %get3A_1007 : vector<1x16xf32> to vector<16xf32>
          %mul3A_1009 = vector.broadcast %squeeze3A_1002 : f32 to vector<16xf32>
          %mul3A_1010 = arith.mulf %get3A_1008, %mul3A_1009 : vector<16xf32>
          %add3A_1011 = arith.constant 7 : i32
          %add3A_1012 = arith.addi %mul3A_145, %add3A_1011 : i32
          %swap3A_1013 = arith.index_cast %add3A_1012 : i32 to index
          %swap3A_1014 = arith.constant 0 : index
          %swap3A_1015 = tpu.vector_load %arg22[%swap3A_1013, %swap3A_1014] {strides = array<i32>} : memref<80x128xf32, #tpu.memory_space<vmem>>, vector<1x16xf32>,
          %swap3A_1016 = vector.shape_cast %swap3A_1015 : vector<1x16xf32> to vector<16xf32>
          %swap3A_1017 = vector.shape_cast %mul3A_1010 : vector<16xf32> to vector<1x16xf32>
          tpu.vector_store %arg22[%swap3A_1013, %swap3A_1014], %swap3A_1017 {strides = array<i32>} : memref<80x128xf32, #tpu.memory_space<vmem>>, vector<1x16xf32>,
          %add3A_1018 = arith.constant 7 : i32
          %add3A_1019 = arith.addi %mul3A_145, %add3A_1018 : i32
          %get3A_1020 = arith.index_cast %add3A_1019 : i32 to index
          %get3A_1021 = arith.constant 16 : index
          %get3A_1022 = tpu.vector_load %arg22[%get3A_1020, %get3A_1021] {strides = array<i32>} : memref<80x128xf32, #tpu.memory_space<vmem>>, vector<1x16xf32>,
          %get3A_1023 = vector.shape_cast %get3A_1022 : vector<1x16xf32> to vector<16xf32>
          %mul3A_1024 = vector.broadcast %squeeze3A_1002 : f32 to vector<16xf32>
          %mul3A_1025 = arith.mulf %get3A_1023, %mul3A_1024 : vector<16xf32>
          %add3A_1026 = arith.constant 7 : i32
          %add3A_1027 = arith.addi %mul3A_145, %add3A_1026 : i32
          %swap3A_1028 = arith.index_cast %add3A_1027 : i32 to index
          %swap3A_1029 = arith.constant 16 : index
          %swap3A_1030 = tpu.vector_load %arg22[%swap3A_1028, %swap3A_1029] {strides = array<i32>} : memref<80x128xf32, #tpu.memory_space<vmem>>, vector<1x16xf32>,
          %swap3A_1031 = vector.shape_cast %swap3A_1030 : vector<1x16xf32> to vector<16xf32>
          %swap3A_1032 = vector.shape_cast %mul3A_1025 : vector<16xf32> to vector<1x16xf32>
          tpu.vector_store %arg22[%swap3A_1028, %swap3A_1029], %swap3A_1032 {strides = array<i32>} : memref<80x128xf32, #tpu.memory_space<vmem>>, vector<1x16xf32>,
          %add3A_1033 = arith.constant 7 : i32
          %add3A_1034 = arith.addi %mul3A_145, %add3A_1033 : i32
          %get3A_1035 = arith.index_cast %add3A_1034 : i32 to index
          %get3A_1036 = arith.constant 32 : index
          %get3A_1037 = tpu.vector_load %arg22[%get3A_1035, %get3A_1036] {strides = array<i32>} : memref<80x128xf32, #tpu.memory_space<vmem>>, vector<1x16xf32>,
          %get3A_1038 = vector.shape_cast %get3A_1037 : vector<1x16xf32> to vector<16xf32>
          %mul3A_1039 = vector.broadcast %squeeze3A_1002 : f32 to vector<16xf32>
          %mul3A_1040 = arith.mulf %get3A_1038, %mul3A_1039 : vector<16xf32>
          %add3A_1041 = arith.constant 7 : i32
          %add3A_1042 = arith.addi %mul3A_145, %add3A_1041 : i32
          %swap3A_1043 = arith.index_cast %add3A_1042 : i32 to index
          %swap3A_1044 = arith.constant 32 : index
          %swap3A_1045 = tpu.vector_load %arg22[%swap3A_1043, %swap3A_1044] {strides = array<i32>} : memref<80x128xf32, #tpu.memory_space<vmem>>, vector<1x16xf32>,
          %swap3A_1046 = vector.shape_cast %swap3A_1045 : vector<1x16xf32> to vector<16xf32>
          %swap3A_1047 = vector.shape_cast %mul3A_1040 : vector<16xf32> to vector<1x16xf32>
          tpu.vector_store %arg22[%swap3A_1043, %swap3A_1044], %swap3A_1047 {strides = array<i32>} : memref<80x128xf32, #tpu.memory_space<vmem>>, vector<1x16xf32>,
          %add3A_1048 = arith.constant 7 : i32
          %add3A_1049 = arith.addi %mul3A_145, %add3A_1048 : i32
          %get3A_1050 = arith.index_cast %add3A_1049 : i32 to index
          %get3A_1051 = arith.constant 48 : index
          %get3A_1052 = tpu.vector_load %arg22[%get3A_1050, %get3A_1051] {strides = array<i32>} : memref<80x128xf32, #tpu.memory_space<vmem>>, vector<1x16xf32>,
          %get3A_1053 = vector.shape_cast %get3A_1052 : vector<1x16xf32> to vector<16xf32>
          %mul3A_1054 = vector.broadcast %squeeze3A_1002 : f32 to vector<16xf32>
          %mul3A_1055 = arith.mulf %get3A_1053, %mul3A_1054 : vector<16xf32>
          %add3A_1056 = arith.constant 7 : i32
          %add3A_1057 = arith.addi %mul3A_145, %add3A_1056 : i32
          %swap3A_1058 = arith.index_cast %add3A_1057 : i32 to index
          %swap3A_1059 = arith.constant 48 : index
          %swap3A_1060 = tpu.vector_load %arg22[%swap3A_1058, %swap3A_1059] {strides = array<i32>} : memref<80x128xf32, #tpu.memory_space<vmem>>, vector<1x16xf32>,
          %swap3A_1061 = vector.shape_cast %swap3A_1060 : vector<1x16xf32> to vector<16xf32>
          %swap3A_1062 = vector.shape_cast %mul3A_1055 : vector<16xf32> to vector<1x16xf32>
          tpu.vector_store %arg22[%swap3A_1058, %swap3A_1059], %swap3A_1062 {strides = array<i32>} : memref<80x128xf32, #tpu.memory_space<vmem>>, vector<1x16xf32>,
          %add3A_1063 = arith.constant 7 : i32
          %add3A_1064 = arith.addi %mul3A_145, %add3A_1063 : i32
          %get3A_1065 = arith.index_cast %add3A_1064 : i32 to index
          %get3A_1066 = arith.constant 64 : index
          %get3A_1067 = tpu.vector_load %arg22[%get3A_1065, %get3A_1066] {strides = array<i32>} : memref<80x128xf32, #tpu.memory_space<vmem>>, vector<1x16xf32>,
          %get3A_1068 = vector.shape_cast %get3A_1067 : vector<1x16xf32> to vector<16xf32>
          %mul3A_1069 = vector.broadcast %squeeze3A_1002 : f32 to vector<16xf32>
          %mul3A_1070 = arith.mulf %get3A_1068, %mul3A_1069 : vector<16xf32>
          %add3A_1071 = arith.constant 7 : i32
          %add3A_1072 = arith.addi %mul3A_145, %add3A_1071 : i32
          %swap3A_1073 = arith.index_cast %add3A_1072 : i32 to index
          %swap3A_1074 = arith.constant 64 : index
          %swap3A_1075 = tpu.vector_load %arg22[%swap3A_1073, %swap3A_1074] {strides = array<i32>} : memref<80x128xf32, #tpu.memory_space<vmem>>, vector<1x16xf32>,
          %swap3A_1076 = vector.shape_cast %swap3A_1075 : vector<1x16xf32> to vector<16xf32>
          %swap3A_1077 = vector.shape_cast %mul3A_1070 : vector<16xf32> to vector<1x16xf32>
          tpu.vector_store %arg22[%swap3A_1073, %swap3A_1074], %swap3A_1077 {strides = array<i32>} : memref<80x128xf32, #tpu.memory_space<vmem>>, vector<1x16xf32>,
          %add3A_1078 = arith.constant 7 : i32
          %add3A_1079 = arith.addi %mul3A_145, %add3A_1078 : i32
          %get3A_1080 = arith.index_cast %add3A_1079 : i32 to index
          %get3A_1081 = arith.constant 80 : index
          %get3A_1082 = tpu.vector_load %arg22[%get3A_1080, %get3A_1081] {strides = array<i32>} : memref<80x128xf32, #tpu.memory_space<vmem>>, vector<1x16xf32>,
          %get3A_1083 = vector.shape_cast %get3A_1082 : vector<1x16xf32> to vector<16xf32>
          %mul3A_1084 = vector.broadcast %squeeze3A_1002 : f32 to vector<16xf32>
          %mul3A_1085 = arith.mulf %get3A_1083, %mul3A_1084 : vector<16xf32>
          %add3A_1086 = arith.constant 7 : i32
          %add3A_1087 = arith.addi %mul3A_145, %add3A_1086 : i32
          %swap3A_1088 = arith.index_cast %add3A_1087 : i32 to index
          %swap3A_1089 = arith.constant 80 : index
          %swap3A_1090 = tpu.vector_load %arg22[%swap3A_1088, %swap3A_1089] {strides = array<i32>} : memref<80x128xf32, #tpu.memory_space<vmem>>, vector<1x16xf32>,
          %swap3A_1091 = vector.shape_cast %swap3A_1090 : vector<1x16xf32> to vector<16xf32>
          %swap3A_1092 = vector.shape_cast %mul3A_1085 : vector<16xf32> to vector<1x16xf32>
          tpu.vector_store %arg22[%swap3A_1088, %swap3A_1089], %swap3A_1092 {strides = array<i32>} : memref<80x128xf32, #tpu.memory_space<vmem>>, vector<1x16xf32>,
          %add3A_1093 = arith.constant 7 : i32
          %add3A_1094 = arith.addi %mul3A_145, %add3A_1093 : i32
          %get3A_1095 = arith.index_cast %add3A_1094 : i32 to index
          %get3A_1096 = arith.constant 96 : index
          %get3A_1097 = tpu.vector_load %arg22[%get3A_1095, %get3A_1096] {strides = array<i32>} : memref<80x128xf32, #tpu.memory_space<vmem>>, vector<1x16xf32>,
          %get3A_1098 = vector.shape_cast %get3A_1097 : vector<1x16xf32> to vector<16xf32>
          %mul3A_1099 = vector.broadcast %squeeze3A_1002 : f32 to vector<16xf32>
          %mul3A_1100 = arith.mulf %get3A_1098, %mul3A_1099 : vector<16xf32>
          %add3A_1101 = arith.constant 7 : i32
          %add3A_1102 = arith.addi %mul3A_145, %add3A_1101 : i32
          %swap3A_1103 = arith.index_cast %add3A_1102 : i32 to index
          %swap3A_1104 = arith.constant 96 : index
          %swap3A_1105 = tpu.vector_load %arg22[%swap3A_1103, %swap3A_1104] {strides = array<i32>} : memref<80x128xf32, #tpu.memory_space<vmem>>, vector<1x16xf32>,
          %swap3A_1106 = vector.shape_cast %swap3A_1105 : vector<1x16xf32> to vector<16xf32>
          %swap3A_1107 = vector.shape_cast %mul3A_1100 : vector<16xf32> to vector<1x16xf32>
          tpu.vector_store %arg22[%swap3A_1103, %swap3A_1104], %swap3A_1107 {strides = array<i32>} : memref<80x128xf32, #tpu.memory_space<vmem>>, vector<1x16xf32>,
          %add3A_1108 = arith.constant 7 : i32
          %add3A_1109 = arith.addi %mul3A_145, %add3A_1108 : i32
          %get3A_1110 = arith.index_cast %add3A_1109 : i32 to index
          %get3A_1111 = arith.constant 112 : index
          %get3A_1112 = tpu.vector_load %arg22[%get3A_1110, %get3A_1111] {strides = array<i32>} : memref<80x128xf32, #tpu.memory_space<vmem>>, vector<1x16xf32>,
          %get3A_1113 = vector.shape_cast %get3A_1112 : vector<1x16xf32> to vector<16xf32>
          %mul3A_1114 = vector.broadcast %squeeze3A_1002 : f32 to vector<16xf32>
          %mul3A_1115 = arith.mulf %get3A_1113, %mul3A_1114 : vector<16xf32>
          %add3A_1116 = arith.constant 7 : i32
          %add3A_1117 = arith.addi %mul3A_145, %add3A_1116 : i32
          %swap3A_1118 = arith.index_cast %add3A_1117 : i32 to index
          %swap3A_1119 = arith.constant 112 : index
          %swap3A_1120 = tpu.vector_load %arg22[%swap3A_1118, %swap3A_1119] {strides = array<i32>} : memref<80x128xf32, #tpu.memory_space<vmem>>, vector<1x16xf32>,
          %swap3A_1121 = vector.shape_cast %swap3A_1120 : vector<1x16xf32> to vector<16xf32>
          %swap3A_1122 = vector.shape_cast %mul3A_1115 : vector<16xf32> to vector<1x16xf32>
          tpu.vector_store %arg22[%swap3A_1118, %swap3A_1119], %swap3A_1122 {strides = array<i32>} : memref<80x128xf32, #tpu.memory_space<vmem>>, vector<1x16xf32>,
          %slice3A_1123 = vector.extract_strided_slice %get3A_148 {offsets = [8], sizes = [1], strides = [1]} : vector<16xf32> to vector<1xf32>
          %squeeze3A_1124 = vector.extract %slice3A_1123[0] : f32 from vector<1xf32>
          %add3A_1125 = arith.constant 8 : i32
          %add3A_1126 = arith.addi %mul3A_145, %add3A_1125 : i32
          %get3A_1127 = arith.index_cast %add3A_1126 : i32 to index
          %get3A_1128 = arith.constant 0 : index
          %get3A_1129 = tpu.vector_load %arg22[%get3A_1127, %get3A_1128] {strides = array<i32>} : memref<80x128xf32, #tpu.memory_space<vmem>>, vector<1x16xf32>,
          %get3A_1130 = vector.shape_cast %get3A_1129 : vector<1x16xf32> to vector<16xf32>
          %mul3A_1131 = vector.broadcast %squeeze3A_1124 : f32 to vector<16xf32>
          %mul3A_1132 = arith.mulf %get3A_1130, %mul3A_1131 : vector<16xf32>
          %add3A_1133 = arith.constant 8 : i32
          %add3A_1134 = arith.addi %mul3A_145, %add3A_1133 : i32
          %swap3A_1135 = arith.index_cast %add3A_1134 : i32 to index
          %swap3A_1136 = arith.constant 0 : index
          %swap3A_1137 = tpu.vector_load %arg22[%swap3A_1135, %swap3A_1136] {strides = array<i32>} : memref<80x128xf32, #tpu.memory_space<vmem>>, vector<1x16xf32>,
          %swap3A_1138 = vector.shape_cast %swap3A_1137 : vector<1x16xf32> to vector<16xf32>
          %swap3A_1139 = vector.shape_cast %mul3A_1132 : vector<16xf32> to vector<1x16xf32>
          tpu.vector_store %arg22[%swap3A_1135, %swap3A_1136], %swap3A_1139 {strides = array<i32>} : memref<80x128xf32, #tpu.memory_space<vmem>>, vector<1x16xf32>,
          %add3A_1140 = arith.constant 8 : i32
          %add3A_1141 = arith.addi %mul3A_145, %add3A_1140 : i32
          %get3A_1142 = arith.index_cast %add3A_1141 : i32 to index
          %get3A_1143 = arith.constant 16 : index
          %get3A_1144 = tpu.vector_load %arg22[%get3A_1142, %get3A_1143] {strides = array<i32>} : memref<80x128xf32, #tpu.memory_space<vmem>>, vector<1x16xf32>,
          %get3A_1145 = vector.shape_cast %get3A_1144 : vector<1x16xf32> to vector<16xf32>
          %mul3A_1146 = vector.broadcast %squeeze3A_1124 : f32 to vector<16xf32>
          %mul3A_1147 = arith.mulf %get3A_1145, %mul3A_1146 : vector<16xf32>
          %add3A_1148 = arith.constant 8 : i32
          %add3A_1149 = arith.addi %mul3A_145, %add3A_1148 : i32
          %swap3A_1150 = arith.index_cast %add3A_1149 : i32 to index
          %swap3A_1151 = arith.constant 16 : index
          %swap3A_1152 = tpu.vector_load %arg22[%swap3A_1150, %swap3A_1151] {strides = array<i32>} : memref<80x128xf32, #tpu.memory_space<vmem>>, vector<1x16xf32>,
          %swap3A_1153 = vector.shape_cast %swap3A_1152 : vector<1x16xf32> to vector<16xf32>
          %swap3A_1154 = vector.shape_cast %mul3A_1147 : vector<16xf32> to vector<1x16xf32>
          tpu.vector_store %arg22[%swap3A_1150, %swap3A_1151], %swap3A_1154 {strides = array<i32>} : memref<80x128xf32, #tpu.memory_space<vmem>>, vector<1x16xf32>,
          %add3A_1155 = arith.constant 8 : i32
          %add3A_1156 = arith.addi %mul3A_145, %add3A_1155 : i32
          %get3A_1157 = arith.index_cast %add3A_1156 : i32 to index
          %get3A_1158 = arith.constant 32 : index
          %get3A_1159 = tpu.vector_load %arg22[%get3A_1157, %get3A_1158] {strides = array<i32>} : memref<80x128xf32, #tpu.memory_space<vmem>>, vector<1x16xf32>,
          %get3A_1160 = vector.shape_cast %get3A_1159 : vector<1x16xf32> to vector<16xf32>
          %mul3A_1161 = vector.broadcast %squeeze3A_1124 : f32 to vector<16xf32>
          %mul3A_1162 = arith.mulf %get3A_1160, %mul3A_1161 : vector<16xf32>
          %add3A_1163 = arith.constant 8 : i32
          %add3A_1164 = arith.addi %mul3A_145, %add3A_1163 : i32
          %swap3A_1165 = arith.index_cast %add3A_1164 : i32 to index
          %swap3A_1166 = arith.constant 32 : index
          %swap3A_1167 = tpu.vector_load %arg22[%swap3A_1165, %swap3A_1166] {strides = array<i32>} : memref<80x128xf32, #tpu.memory_space<vmem>>, vector<1x16xf32>,
          %swap3A_1168 = vector.shape_cast %swap3A_1167 : vector<1x16xf32> to vector<16xf32>
          %swap3A_1169 = vector.shape_cast %mul3A_1162 : vector<16xf32> to vector<1x16xf32>
          tpu.vector_store %arg22[%swap3A_1165, %swap3A_1166], %swap3A_1169 {strides = array<i32>} : memref<80x128xf32, #tpu.memory_space<vmem>>, vector<1x16xf32>,
          %add3A_1170 = arith.constant 8 : i32
          %add3A_1171 = arith.addi %mul3A_145, %add3A_1170 : i32
          %get3A_1172 = arith.index_cast %add3A_1171 : i32 to index
          %get3A_1173 = arith.constant 48 : index
          %get3A_1174 = tpu.vector_load %arg22[%get3A_1172, %get3A_1173] {strides = array<i32>} : memref<80x128xf32, #tpu.memory_space<vmem>>, vector<1x16xf32>,
          %get3A_1175 = vector.shape_cast %get3A_1174 : vector<1x16xf32> to vector<16xf32>
          %mul3A_1176 = vector.broadcast %squeeze3A_1124 : f32 to vector<16xf32>
          %mul3A_1177 = arith.mulf %get3A_1175, %mul3A_1176 : vector<16xf32>
          %add3A_1178 = arith.constant 8 : i32
          %add3A_1179 = arith.addi %mul3A_145, %add3A_1178 : i32
          %swap3A_1180 = arith.index_cast %add3A_1179 : i32 to index
          %swap3A_1181 = arith.constant 48 : index
          %swap3A_1182 = tpu.vector_load %arg22[%swap3A_1180, %swap3A_1181] {strides = array<i32>} : memref<80x128xf32, #tpu.memory_space<vmem>>, vector<1x16xf32>,
          %swap3A_1183 = vector.shape_cast %swap3A_1182 : vector<1x16xf32> to vector<16xf32>
          %swap3A_1184 = vector.shape_cast %mul3A_1177 : vector<16xf32> to vector<1x16xf32>
          tpu.vector_store %arg22[%swap3A_1180, %swap3A_1181], %swap3A_1184 {strides = array<i32>} : memref<80x128xf32, #tpu.memory_space<vmem>>, vector<1x16xf32>,
          %add3A_1185 = arith.constant 8 : i32
          %add3A_1186 = arith.addi %mul3A_145, %add3A_1185 : i32
          %get3A_1187 = arith.index_cast %add3A_1186 : i32 to index
          %get3A_1188 = arith.constant 64 : index
          %get3A_1189 = tpu.vector_load %arg22[%get3A_1187, %get3A_1188] {strides = array<i32>} : memref<80x128xf32, #tpu.memory_space<vmem>>, vector<1x16xf32>,
          %get3A_1190 = vector.shape_cast %get3A_1189 : vector<1x16xf32> to vector<16xf32>
          %mul3A_1191 = vector.broadcast %squeeze3A_1124 : f32 to vector<16xf32>
          %mul3A_1192 = arith.mulf %get3A_1190, %mul3A_1191 : vector<16xf32>
          %add3A_1193 = arith.constant 8 : i32
          %add3A_1194 = arith.addi %mul3A_145, %add3A_1193 : i32
          %swap3A_1195 = arith.index_cast %add3A_1194 : i32 to index
          %swap3A_1196 = arith.constant 64 : index
          %swap3A_1197 = tpu.vector_load %arg22[%swap3A_1195, %swap3A_1196] {strides = array<i32>} : memref<80x128xf32, #tpu.memory_space<vmem>>, vector<1x16xf32>,
          %swap3A_1198 = vector.shape_cast %swap3A_1197 : vector<1x16xf32> to vector<16xf32>
          %swap3A_1199 = vector.shape_cast %mul3A_1192 : vector<16xf32> to vector<1x16xf32>
          tpu.vector_store %arg22[%swap3A_1195, %swap3A_1196], %swap3A_1199 {strides = array<i32>} : memref<80x128xf32, #tpu.memory_space<vmem>>, vector<1x16xf32>,
          %add3A_1200 = arith.constant 8 : i32
          %add3A_1201 = arith.addi %mul3A_145, %add3A_1200 : i32
          %get3A_1202 = arith.index_cast %add3A_1201 : i32 to index
          %get3A_1203 = arith.constant 80 : index
          %get3A_1204 = tpu.vector_load %arg22[%get3A_1202, %get3A_1203] {strides = array<i32>} : memref<80x128xf32, #tpu.memory_space<vmem>>, vector<1x16xf32>,
          %get3A_1205 = vector.shape_cast %get3A_1204 : vector<1x16xf32> to vector<16xf32>
          %mul3A_1206 = vector.broadcast %squeeze3A_1124 : f32 to vector<16xf32>
          %mul3A_1207 = arith.mulf %get3A_1205, %mul3A_1206 : vector<16xf32>
          %add3A_1208 = arith.constant 8 : i32
          %add3A_1209 = arith.addi %mul3A_145, %add3A_1208 : i32
          %swap3A_1210 = arith.index_cast %add3A_1209 : i32 to index
          %swap3A_1211 = arith.constant 80 : index
          %swap3A_1212 = tpu.vector_load %arg22[%swap3A_1210, %swap3A_1211] {strides = array<i32>} : memref<80x128xf32, #tpu.memory_space<vmem>>, vector<1x16xf32>,
          %swap3A_1213 = vector.shape_cast %swap3A_1212 : vector<1x16xf32> to vector<16xf32>
          %swap3A_1214 = vector.shape_cast %mul3A_1207 : vector<16xf32> to vector<1x16xf32>
          tpu.vector_store %arg22[%swap3A_1210, %swap3A_1211], %swap3A_1214 {strides = array<i32>} : memref<80x128xf32, #tpu.memory_space<vmem>>, vector<1x16xf32>,
          %add3A_1215 = arith.constant 8 : i32
          %add3A_1216 = arith.addi %mul3A_145, %add3A_1215 : i32
          %get3A_1217 = arith.index_cast %add3A_1216 : i32 to index
          %get3A_1218 = arith.constant 96 : index
          %get3A_1219 = tpu.vector_load %arg22[%get3A_1217, %get3A_1218] {strides = array<i32>} : memref<80x128xf32, #tpu.memory_space<vmem>>, vector<1x16xf32>,
          %get3A_1220 = vector.shape_cast %get3A_1219 : vector<1x16xf32> to vector<16xf32>
          %mul3A_1221 = vector.broadcast %squeeze3A_1124 : f32 to vector<16xf32>
          %mul3A_1222 = arith.mulf %get3A_1220, %mul3A_1221 : vector<16xf32>
          %add3A_1223 = arith.constant 8 : i32
          %add3A_1224 = arith.addi %mul3A_145, %add3A_1223 : i32
          %swap3A_1225 = arith.index_cast %add3A_1224 : i32 to index
          %swap3A_1226 = arith.constant 96 : index
          %swap3A_1227 = tpu.vector_load %arg22[%swap3A_1225, %swap3A_1226] {strides = array<i32>} : memref<80x128xf32, #tpu.memory_space<vmem>>, vector<1x16xf32>,
          %swap3A_1228 = vector.shape_cast %swap3A_1227 : vector<1x16xf32> to vector<16xf32>
          %swap3A_1229 = vector.shape_cast %mul3A_1222 : vector<16xf32> to vector<1x16xf32>
          tpu.vector_store %arg22[%swap3A_1225, %swap3A_1226], %swap3A_1229 {strides = array<i32>} : memref<80x128xf32, #tpu.memory_space<vmem>>, vector<1x16xf32>,
          %add3A_1230 = arith.constant 8 : i32
          %add3A_1231 = arith.addi %mul3A_145, %add3A_1230 : i32
          %get3A_1232 = arith.index_cast %add3A_1231 : i32 to index
          %get3A_1233 = arith.constant 112 : index
          %get3A_1234 = tpu.vector_load %arg22[%get3A_1232, %get3A_1233] {strides = array<i32>} : memref<80x128xf32, #tpu.memory_space<vmem>>, vector<1x16xf32>,
          %get3A_1235 = vector.shape_cast %get3A_1234 : vector<1x16xf32> to vector<16xf32>
          %mul3A_1236 = vector.broadcast %squeeze3A_1124 : f32 to vector<16xf32>
          %mul3A_1237 = arith.mulf %get3A_1235, %mul3A_1236 : vector<16xf32>
          %add3A_1238 = arith.constant 8 : i32
          %add3A_1239 = arith.addi %mul3A_145, %add3A_1238 : i32
          %swap3A_1240 = arith.index_cast %add3A_1239 : i32 to index
          %swap3A_1241 = arith.constant 112 : index
          %swap3A_1242 = tpu.vector_load %arg22[%swap3A_1240, %swap3A_1241] {strides = array<i32>} : memref<80x128xf32, #tpu.memory_space<vmem>>, vector<1x16xf32>,
          %swap3A_1243 = vector.shape_cast %swap3A_1242 : vector<1x16xf32> to vector<16xf32>
          %swap3A_1244 = vector.shape_cast %mul3A_1237 : vector<16xf32> to vector<1x16xf32>
          tpu.vector_store %arg22[%swap3A_1240, %swap3A_1241], %swap3A_1244 {strides = array<i32>} : memref<80x128xf32, #tpu.memory_space<vmem>>, vector<1x16xf32>,
          %slice3A_1245 = vector.extract_strided_slice %get3A_148 {offsets = [9], sizes = [1], strides = [1]} : vector<16xf32> to vector<1xf32>
          %squeeze3A_1246 = vector.extract %slice3A_1245[0] : f32 from vector<1xf32>
          %add3A_1247 = arith.constant 9 : i32
          %add3A_1248 = arith.addi %mul3A_145, %add3A_1247 : i32
          %get3A_1249 = arith.index_cast %add3A_1248 : i32 to index
          %get3A_1250 = arith.constant 0 : index
          %get3A_1251 = tpu.vector_load %arg22[%get3A_1249, %get3A_1250] {strides = array<i32>} : memref<80x128xf32, #tpu.memory_space<vmem>>, vector<1x16xf32>,
          %get3A_1252 = vector.shape_cast %get3A_1251 : vector<1x16xf32> to vector<16xf32>
          %mul3A_1253 = vector.broadcast %squeeze3A_1246 : f32 to vector<16xf32>
          %mul3A_1254 = arith.mulf %get3A_1252, %mul3A_1253 : vector<16xf32>
          %add3A_1255 = arith.constant 9 : i32
          %add3A_1256 = arith.addi %mul3A_145, %add3A_1255 : i32
          %swap3A_1257 = arith.index_cast %add3A_1256 : i32 to index
          %swap3A_1258 = arith.constant 0 : index
          %swap3A_1259 = tpu.vector_load %arg22[%swap3A_1257, %swap3A_1258] {strides = array<i32>} : memref<80x128xf32, #tpu.memory_space<vmem>>, vector<1x16xf32>,
          %swap3A_1260 = vector.shape_cast %swap3A_1259 : vector<1x16xf32> to vector<16xf32>
          %swap3A_1261 = vector.shape_cast %mul3A_1254 : vector<16xf32> to vector<1x16xf32>
          tpu.vector_store %arg22[%swap3A_1257, %swap3A_1258], %swap3A_1261 {strides = array<i32>} : memref<80x128xf32, #tpu.memory_space<vmem>>, vector<1x16xf32>,
          %add3A_1262 = arith.constant 9 : i32
          %add3A_1263 = arith.addi %mul3A_145, %add3A_1262 : i32
          %get3A_1264 = arith.index_cast %add3A_1263 : i32 to index
          %get3A_1265 = arith.constant 16 : index
          %get3A_1266 = tpu.vector_load %arg22[%get3A_1264, %get3A_1265] {strides = array<i32>} : memref<80x128xf32, #tpu.memory_space<vmem>>, vector<1x16xf32>,
          %get3A_1267 = vector.shape_cast %get3A_1266 : vector<1x16xf32> to vector<16xf32>
          %mul3A_1268 = vector.broadcast %squeeze3A_1246 : f32 to vector<16xf32>
          %mul3A_1269 = arith.mulf %get3A_1267, %mul3A_1268 : vector<16xf32>
          %add3A_1270 = arith.constant 9 : i32
          %add3A_1271 = arith.addi %mul3A_145, %add3A_1270 : i32
          %swap3A_1272 = arith.index_cast %add3A_1271 : i32 to index
          %swap3A_1273 = arith.constant 16 : index
          %swap3A_1274 = tpu.vector_load %arg22[%swap3A_1272, %swap3A_1273] {strides = array<i32>} : memref<80x128xf32, #tpu.memory_space<vmem>>, vector<1x16xf32>,
          %swap3A_1275 = vector.shape_cast %swap3A_1274 : vector<1x16xf32> to vector<16xf32>
          %swap3A_1276 = vector.shape_cast %mul3A_1269 : vector<16xf32> to vector<1x16xf32>
          tpu.vector_store %arg22[%swap3A_1272, %swap3A_1273], %swap3A_1276 {strides = array<i32>} : memref<80x128xf32, #tpu.memory_space<vmem>>, vector<1x16xf32>,
          %add3A_1277 = arith.constant 9 : i32
          %add3A_1278 = arith.addi %mul3A_145, %add3A_1277 : i32
          %get3A_1279 = arith.index_cast %add3A_1278 : i32 to index
          %get3A_1280 = arith.constant 32 : index
          %get3A_1281 = tpu.vector_load %arg22[%get3A_1279, %get3A_1280] {strides = array<i32>} : memref<80x128xf32, #tpu.memory_space<vmem>>, vector<1x16xf32>,
          %get3A_1282 = vector.shape_cast %get3A_1281 : vector<1x16xf32> to vector<16xf32>
          %mul3A_1283 = vector.broadcast %squeeze3A_1246 : f32 to vector<16xf32>
          %mul3A_1284 = arith.mulf %get3A_1282, %mul3A_1283 : vector<16xf32>
          %add3A_1285 = arith.constant 9 : i32
          %add3A_1286 = arith.addi %mul3A_145, %add3A_1285 : i32
          %swap3A_1287 = arith.index_cast %add3A_1286 : i32 to index
          %swap3A_1288 = arith.constant 32 : index
          %swap3A_1289 = tpu.vector_load %arg22[%swap3A_1287, %swap3A_1288] {strides = array<i32>} : memref<80x128xf32, #tpu.memory_space<vmem>>, vector<1x16xf32>,
          %swap3A_1290 = vector.shape_cast %swap3A_1289 : vector<1x16xf32> to vector<16xf32>
          %swap3A_1291 = vector.shape_cast %mul3A_1284 : vector<16xf32> to vector<1x16xf32>
          tpu.vector_store %arg22[%swap3A_1287, %swap3A_1288], %swap3A_1291 {strides = array<i32>} : memref<80x128xf32, #tpu.memory_space<vmem>>, vector<1x16xf32>,
          %add3A_1292 = arith.constant 9 : i32
          %add3A_1293 = arith.addi %mul3A_145, %add3A_1292 : i32
          %get3A_1294 = arith.index_cast %add3A_1293 : i32 to index
          %get3A_1295 = arith.constant 48 : index
          %get3A_1296 = tpu.vector_load %arg22[%get3A_1294, %get3A_1295] {strides = array<i32>} : memref<80x128xf32, #tpu.memory_space<vmem>>, vector<1x16xf32>,
          %get3A_1297 = vector.shape_cast %get3A_1296 : vector<1x16xf32> to vector<16xf32>
          %mul3A_1298 = vector.broadcast %squeeze3A_1246 : f32 to vector<16xf32>
          %mul3A_1299 = arith.mulf %get3A_1297, %mul3A_1298 : vector<16xf32>
          %add3A_1300 = arith.constant 9 : i32
          %add3A_1301 = arith.addi %mul3A_145, %add3A_1300 : i32
          %swap3A_1302 = arith.index_cast %add3A_1301 : i32 to index
          %swap3A_1303 = arith.constant 48 : index
          %swap3A_1304 = tpu.vector_load %arg22[%swap3A_1302, %swap3A_1303] {strides = array<i32>} : memref<80x128xf32, #tpu.memory_space<vmem>>, vector<1x16xf32>,
          %swap3A_1305 = vector.shape_cast %swap3A_1304 : vector<1x16xf32> to vector<16xf32>
          %swap3A_1306 = vector.shape_cast %mul3A_1299 : vector<16xf32> to vector<1x16xf32>
          tpu.vector_store %arg22[%swap3A_1302, %swap3A_1303], %swap3A_1306 {strides = array<i32>} : memref<80x128xf32, #tpu.memory_space<vmem>>, vector<1x16xf32>,
          %add3A_1307 = arith.constant 9 : i32
          %add3A_1308 = arith.addi %mul3A_145, %add3A_1307 : i32
          %get3A_1309 = arith.index_cast %add3A_1308 : i32 to index
          %get3A_1310 = arith.constant 64 : index
          %get3A_1311 = tpu.vector_load %arg22[%get3A_1309, %get3A_1310] {strides = array<i32>} : memref<80x128xf32, #tpu.memory_space<vmem>>, vector<1x16xf32>,
          %get3A_1312 = vector.shape_cast %get3A_1311 : vector<1x16xf32> to vector<16xf32>
          %mul3A_1313 = vector.broadcast %squeeze3A_1246 : f32 to vector<16xf32>
          %mul3A_1314 = arith.mulf %get3A_1312, %mul3A_1313 : vector<16xf32>
          %add3A_1315 = arith.constant 9 : i32
          %add3A_1316 = arith.addi %mul3A_145, %add3A_1315 : i32
          %swap3A_1317 = arith.index_cast %add3A_1316 : i32 to index
          %swap3A_1318 = arith.constant 64 : index
          %swap3A_1319 = tpu.vector_load %arg22[%swap3A_1317, %swap3A_1318] {strides = array<i32>} : memref<80x128xf32, #tpu.memory_space<vmem>>, vector<1x16xf32>,
          %swap3A_1320 = vector.shape_cast %swap3A_1319 : vector<1x16xf32> to vector<16xf32>
          %swap3A_1321 = vector.shape_cast %mul3A_1314 : vector<16xf32> to vector<1x16xf32>
          tpu.vector_store %arg22[%swap3A_1317, %swap3A_1318], %swap3A_1321 {strides = array<i32>} : memref<80x128xf32, #tpu.memory_space<vmem>>, vector<1x16xf32>,
          %add3A_1322 = arith.constant 9 : i32
          %add3A_1323 = arith.addi %mul3A_145, %add3A_1322 : i32
          %get3A_1324 = arith.index_cast %add3A_1323 : i32 to index
          %get3A_1325 = arith.constant 80 : index
          %get3A_1326 = tpu.vector_load %arg22[%get3A_1324, %get3A_1325] {strides = array<i32>} : memref<80x128xf32, #tpu.memory_space<vmem>>, vector<1x16xf32>,
          %get3A_1327 = vector.shape_cast %get3A_1326 : vector<1x16xf32> to vector<16xf32>
          %mul3A_1328 = vector.broadcast %squeeze3A_1246 : f32 to vector<16xf32>
          %mul3A_1329 = arith.mulf %get3A_1327, %mul3A_1328 : vector<16xf32>
          %add3A_1330 = arith.constant 9 : i32
          %add3A_1331 = arith.addi %mul3A_145, %add3A_1330 : i32
          %swap3A_1332 = arith.index_cast %add3A_1331 : i32 to index
          %swap3A_1333 = arith.constant 80 : index
          %swap3A_1334 = tpu.vector_load %arg22[%swap3A_1332, %swap3A_1333] {strides = array<i32>} : memref<80x128xf32, #tpu.memory_space<vmem>>, vector<1x16xf32>,
          %swap3A_1335 = vector.shape_cast %swap3A_1334 : vector<1x16xf32> to vector<16xf32>
          %swap3A_1336 = vector.shape_cast %mul3A_1329 : vector<16xf32> to vector<1x16xf32>
          tpu.vector_store %arg22[%swap3A_1332, %swap3A_1333], %swap3A_1336 {strides = array<i32>} : memref<80x128xf32, #tpu.memory_space<vmem>>, vector<1x16xf32>,
          %add3A_1337 = arith.constant 9 : i32
          %add3A_1338 = arith.addi %mul3A_145, %add3A_1337 : i32
          %get3A_1339 = arith.index_cast %add3A_1338 : i32 to index
          %get3A_1340 = arith.constant 96 : index
          %get3A_1341 = tpu.vector_load %arg22[%get3A_1339, %get3A_1340] {strides = array<i32>} : memref<80x128xf32, #tpu.memory_space<vmem>>, vector<1x16xf32>,
          %get3A_1342 = vector.shape_cast %get3A_1341 : vector<1x16xf32> to vector<16xf32>
          %mul3A_1343 = vector.broadcast %squeeze3A_1246 : f32 to vector<16xf32>
          %mul3A_1344 = arith.mulf %get3A_1342, %mul3A_1343 : vector<16xf32>
          %add3A_1345 = arith.constant 9 : i32
          %add3A_1346 = arith.addi %mul3A_145, %add3A_1345 : i32
          %swap3A_1347 = arith.index_cast %add3A_1346 : i32 to index
          %swap3A_1348 = arith.constant 96 : index
          %swap3A_1349 = tpu.vector_load %arg22[%swap3A_1347, %swap3A_1348] {strides = array<i32>} : memref<80x128xf32, #tpu.memory_space<vmem>>, vector<1x16xf32>,
          %swap3A_1350 = vector.shape_cast %swap3A_1349 : vector<1x16xf32> to vector<16xf32>
          %swap3A_1351 = vector.shape_cast %mul3A_1344 : vector<16xf32> to vector<1x16xf32>
          tpu.vector_store %arg22[%swap3A_1347, %swap3A_1348], %swap3A_1351 {strides = array<i32>} : memref<80x128xf32, #tpu.memory_space<vmem>>, vector<1x16xf32>,
          %add3A_1352 = arith.constant 9 : i32
          %add3A_1353 = arith.addi %mul3A_145, %add3A_1352 : i32
          %get3A_1354 = arith.index_cast %add3A_1353 : i32 to index
          %get3A_1355 = arith.constant 112 : index
          %get3A_1356 = tpu.vector_load %arg22[%get3A_1354, %get3A_1355] {strides = array<i32>} : memref<80x128xf32, #tpu.memory_space<vmem>>, vector<1x16xf32>,
          %get3A_1357 = vector.shape_cast %get3A_1356 : vector<1x16xf32> to vector<16xf32>
          %mul3A_1358 = vector.broadcast %squeeze3A_1246 : f32 to vector<16xf32>
          %mul3A_1359 = arith.mulf %get3A_1357, %mul3A_1358 : vector<16xf32>
          %add3A_1360 = arith.constant 9 : i32
          %add3A_1361 = arith.addi %mul3A_145, %add3A_1360 : i32
          %swap3A_1362 = arith.index_cast %add3A_1361 : i32 to index
          %swap3A_1363 = arith.constant 112 : index
          %swap3A_1364 = tpu.vector_load %arg22[%swap3A_1362, %swap3A_1363] {strides = array<i32>} : memref<80x128xf32, #tpu.memory_space<vmem>>, vector<1x16xf32>,
          %swap3A_1365 = vector.shape_cast %swap3A_1364 : vector<1x16xf32> to vector<16xf32>
          %swap3A_1366 = vector.shape_cast %mul3A_1359 : vector<16xf32> to vector<1x16xf32>
          tpu.vector_store %arg22[%swap3A_1362, %swap3A_1363], %swap3A_1366 {strides = array<i32>} : memref<80x128xf32, #tpu.memory_space<vmem>>, vector<1x16xf32>,
          %slice3A_1367 = vector.extract_strided_slice %get3A_148 {offsets = [10], sizes = [1], strides = [1]} : vector<16xf32> to vector<1xf32>
          %squeeze3A_1368 = vector.extract %slice3A_1367[0] : f32 from vector<1xf32>
          %add3A_1369 = arith.constant 10 : i32
          %add3A_1370 = arith.addi %mul3A_145, %add3A_1369 : i32
          %get3A_1371 = arith.index_cast %add3A_1370 : i32 to index
          %get3A_1372 = arith.constant 0 : index
          %get3A_1373 = tpu.vector_load %arg22[%get3A_1371, %get3A_1372] {strides = array<i32>} : memref<80x128xf32, #tpu.memory_space<vmem>>, vector<1x16xf32>,
          %get3A_1374 = vector.shape_cast %get3A_1373 : vector<1x16xf32> to vector<16xf32>
          %mul3A_1375 = vector.broadcast %squeeze3A_1368 : f32 to vector<16xf32>
          %mul3A_1376 = arith.mulf %get3A_1374, %mul3A_1375 : vector<16xf32>
          %add3A_1377 = arith.constant 10 : i32
          %add3A_1378 = arith.addi %mul3A_145, %add3A_1377 : i32
          %swap3A_1379 = arith.index_cast %add3A_1378 : i32 to index
          %swap3A_1380 = arith.constant 0 : index
          %swap3A_1381 = tpu.vector_load %arg22[%swap3A_1379, %swap3A_1380] {strides = array<i32>} : memref<80x128xf32, #tpu.memory_space<vmem>>, vector<1x16xf32>,
          %swap3A_1382 = vector.shape_cast %swap3A_1381 : vector<1x16xf32> to vector<16xf32>
          %swap3A_1383 = vector.shape_cast %mul3A_1376 : vector<16xf32> to vector<1x16xf32>
          tpu.vector_store %arg22[%swap3A_1379, %swap3A_1380], %swap3A_1383 {strides = array<i32>} : memref<80x128xf32, #tpu.memory_space<vmem>>, vector<1x16xf32>,
          %add3A_1384 = arith.constant 10 : i32
          %add3A_1385 = arith.addi %mul3A_145, %add3A_1384 : i32
          %get3A_1386 = arith.index_cast %add3A_1385 : i32 to index
          %get3A_1387 = arith.constant 16 : index
          %get3A_1388 = tpu.vector_load %arg22[%get3A_1386, %get3A_1387] {strides = array<i32>} : memref<80x128xf32, #tpu.memory_space<vmem>>, vector<1x16xf32>,
          %get3A_1389 = vector.shape_cast %get3A_1388 : vector<1x16xf32> to vector<16xf32>
          %mul3A_1390 = vector.broadcast %squeeze3A_1368 : f32 to vector<16xf32>
          %mul3A_1391 = arith.mulf %get3A_1389, %mul3A_1390 : vector<16xf32>
          %add3A_1392 = arith.constant 10 : i32
          %add3A_1393 = arith.addi %mul3A_145, %add3A_1392 : i32
          %swap3A_1394 = arith.index_cast %add3A_1393 : i32 to index
          %swap3A_1395 = arith.constant 16 : index
          %swap3A_1396 = tpu.vector_load %arg22[%swap3A_1394, %swap3A_1395] {strides = array<i32>} : memref<80x128xf32, #tpu.memory_space<vmem>>, vector<1x16xf32>,
          %swap3A_1397 = vector.shape_cast %swap3A_1396 : vector<1x16xf32> to vector<16xf32>
          %swap3A_1398 = vector.shape_cast %mul3A_1391 : vector<16xf32> to vector<1x16xf32>
          tpu.vector_store %arg22[%swap3A_1394, %swap3A_1395], %swap3A_1398 {strides = array<i32>} : memref<80x128xf32, #tpu.memory_space<vmem>>, vector<1x16xf32>,
          %add3A_1399 = arith.constant 10 : i32
          %add3A_1400 = arith.addi %mul3A_145, %add3A_1399 : i32
          %get3A_1401 = arith.index_cast %add3A_1400 : i32 to index
          %get3A_1402 = arith.constant 32 : index
          %get3A_1403 = tpu.vector_load %arg22[%get3A_1401, %get3A_1402] {strides = array<i32>} : memref<80x128xf32, #tpu.memory_space<vmem>>, vector<1x16xf32>,
          %get3A_1404 = vector.shape_cast %get3A_1403 : vector<1x16xf32> to vector<16xf32>
          %mul3A_1405 = vector.broadcast %squeeze3A_1368 : f32 to vector<16xf32>
          %mul3A_1406 = arith.mulf %get3A_1404, %mul3A_1405 : vector<16xf32>
          %add3A_1407 = arith.constant 10 : i32
          %add3A_1408 = arith.addi %mul3A_145, %add3A_1407 : i32
          %swap3A_1409 = arith.index_cast %add3A_1408 : i32 to index
          %swap3A_1410 = arith.constant 32 : index
          %swap3A_1411 = tpu.vector_load %arg22[%swap3A_1409, %swap3A_1410] {strides = array<i32>} : memref<80x128xf32, #tpu.memory_space<vmem>>, vector<1x16xf32>,
          %swap3A_1412 = vector.shape_cast %swap3A_1411 : vector<1x16xf32> to vector<16xf32>
          %swap3A_1413 = vector.shape_cast %mul3A_1406 : vector<16xf32> to vector<1x16xf32>
          tpu.vector_store %arg22[%swap3A_1409, %swap3A_1410], %swap3A_1413 {strides = array<i32>} : memref<80x128xf32, #tpu.memory_space<vmem>>, vector<1x16xf32>,
          %add3A_1414 = arith.constant 10 : i32
          %add3A_1415 = arith.addi %mul3A_145, %add3A_1414 : i32
          %get3A_1416 = arith.index_cast %add3A_1415 : i32 to index
          %get3A_1417 = arith.constant 48 : index
          %get3A_1418 = tpu.vector_load %arg22[%get3A_1416, %get3A_1417] {strides = array<i32>} : memref<80x128xf32, #tpu.memory_space<vmem>>, vector<1x16xf32>,
          %get3A_1419 = vector.shape_cast %get3A_1418 : vector<1x16xf32> to vector<16xf32>
          %mul3A_1420 = vector.broadcast %squeeze3A_1368 : f32 to vector<16xf32>
          %mul3A_1421 = arith.mulf %get3A_1419, %mul3A_1420 : vector<16xf32>
          %add3A_1422 = arith.constant 10 : i32
          %add3A_1423 = arith.addi %mul3A_145, %add3A_1422 : i32
          %swap3A_1424 = arith.index_cast %add3A_1423 : i32 to index
          %swap3A_1425 = arith.constant 48 : index
          %swap3A_1426 = tpu.vector_load %arg22[%swap3A_1424, %swap3A_1425] {strides = array<i32>} : memref<80x128xf32, #tpu.memory_space<vmem>>, vector<1x16xf32>,
          %swap3A_1427 = vector.shape_cast %swap3A_1426 : vector<1x16xf32> to vector<16xf32>
          %swap3A_1428 = vector.shape_cast %mul3A_1421 : vector<16xf32> to vector<1x16xf32>
          tpu.vector_store %arg22[%swap3A_1424, %swap3A_1425], %swap3A_1428 {strides = array<i32>} : memref<80x128xf32, #tpu.memory_space<vmem>>, vector<1x16xf32>,
          %add3A_1429 = arith.constant 10 : i32
          %add3A_1430 = arith.addi %mul3A_145, %add3A_1429 : i32
          %get3A_1431 = arith.index_cast %add3A_1430 : i32 to index
          %get3A_1432 = arith.constant 64 : index
          %get3A_1433 = tpu.vector_load %arg22[%get3A_1431, %get3A_1432] {strides = array<i32>} : memref<80x128xf32, #tpu.memory_space<vmem>>, vector<1x16xf32>,
          %get3A_1434 = vector.shape_cast %get3A_1433 : vector<1x16xf32> to vector<16xf32>
          %mul3A_1435 = vector.broadcast %squeeze3A_1368 : f32 to vector<16xf32>
          %mul3A_1436 = arith.mulf %get3A_1434, %mul3A_1435 : vector<16xf32>
          %add3A_1437 = arith.constant 10 : i32
          %add3A_1438 = arith.addi %mul3A_145, %add3A_1437 : i32
          %swap3A_1439 = arith.index_cast %add3A_1438 : i32 to index
          %swap3A_1440 = arith.constant 64 : index
          %swap3A_1441 = tpu.vector_load %arg22[%swap3A_1439, %swap3A_1440] {strides = array<i32>} : memref<80x128xf32, #tpu.memory_space<vmem>>, vector<1x16xf32>,
          %swap3A_1442 = vector.shape_cast %swap3A_1441 : vector<1x16xf32> to vector<16xf32>
          %swap3A_1443 = vector.shape_cast %mul3A_1436 : vector<16xf32> to vector<1x16xf32>
          tpu.vector_store %arg22[%swap3A_1439, %swap3A_1440], %swap3A_1443 {strides = array<i32>} : memref<80x128xf32, #tpu.memory_space<vmem>>, vector<1x16xf32>,
          %add3A_1444 = arith.constant 10 : i32
          %add3A_1445 = arith.addi %mul3A_145, %add3A_1444 : i32
          %get3A_1446 = arith.index_cast %add3A_1445 : i32 to index
          %get3A_1447 = arith.constant 80 : index
          %get3A_1448 = tpu.vector_load %arg22[%get3A_1446, %get3A_1447] {strides = array<i32>} : memref<80x128xf32, #tpu.memory_space<vmem>>, vector<1x16xf32>,
          %get3A_1449 = vector.shape_cast %get3A_1448 : vector<1x16xf32> to vector<16xf32>
          %mul3A_1450 = vector.broadcast %squeeze3A_1368 : f32 to vector<16xf32>
          %mul3A_1451 = arith.mulf %get3A_1449, %mul3A_1450 : vector<16xf32>
          %add3A_1452 = arith.constant 10 : i32
          %add3A_1453 = arith.addi %mul3A_145, %add3A_1452 : i32
          %swap3A_1454 = arith.index_cast %add3A_1453 : i32 to index
          %swap3A_1455 = arith.constant 80 : index
          %swap3A_1456 = tpu.vector_load %arg22[%swap3A_1454, %swap3A_1455] {strides = array<i32>} : memref<80x128xf32, #tpu.memory_space<vmem>>, vector<1x16xf32>,
          %swap3A_1457 = vector.shape_cast %swap3A_1456 : vector<1x16xf32> to vector<16xf32>
          %swap3A_1458 = vector.shape_cast %mul3A_1451 : vector<16xf32> to vector<1x16xf32>
          tpu.vector_store %arg22[%swap3A_1454, %swap3A_1455], %swap3A_1458 {strides = array<i32>} : memref<80x128xf32, #tpu.memory_space<vmem>>, vector<1x16xf32>,
          %add3A_1459 = arith.constant 10 : i32
          %add3A_1460 = arith.addi %mul3A_145, %add3A_1459 : i32
          %get3A_1461 = arith.index_cast %add3A_1460 : i32 to index
          %get3A_1462 = arith.constant 96 : index
          %get3A_1463 = tpu.vector_load %arg22[%get3A_1461, %get3A_1462] {strides = array<i32>} : memref<80x128xf32, #tpu.memory_space<vmem>>, vector<1x16xf32>,
          %get3A_1464 = vector.shape_cast %get3A_1463 : vector<1x16xf32> to vector<16xf32>
          %mul3A_1465 = vector.broadcast %squeeze3A_1368 : f32 to vector<16xf32>
          %mul3A_1466 = arith.mulf %get3A_1464, %mul3A_1465 : vector<16xf32>
          %add3A_1467 = arith.constant 10 : i32
          %add3A_1468 = arith.addi %mul3A_145, %add3A_1467 : i32
          %swap3A_1469 = arith.index_cast %add3A_1468 : i32 to index
          %swap3A_1470 = arith.constant 96 : index
          %swap3A_1471 = tpu.vector_load %arg22[%swap3A_1469, %swap3A_1470] {strides = array<i32>} : memref<80x128xf32, #tpu.memory_space<vmem>>, vector<1x16xf32>,
          %swap3A_1472 = vector.shape_cast %swap3A_1471 : vector<1x16xf32> to vector<16xf32>
          %swap3A_1473 = vector.shape_cast %mul3A_1466 : vector<16xf32> to vector<1x16xf32>
          tpu.vector_store %arg22[%swap3A_1469, %swap3A_1470], %swap3A_1473 {strides = array<i32>} : memref<80x128xf32, #tpu.memory_space<vmem>>, vector<1x16xf32>,
          %add3A_1474 = arith.constant 10 : i32
          %add3A_1475 = arith.addi %mul3A_145, %add3A_1474 : i32
          %get3A_1476 = arith.index_cast %add3A_1475 : i32 to index
          %get3A_1477 = arith.constant 112 : index
          %get3A_1478 = tpu.vector_load %arg22[%get3A_1476, %get3A_1477] {strides = array<i32>} : memref<80x128xf32, #tpu.memory_space<vmem>>, vector<1x16xf32>,
          %get3A_1479 = vector.shape_cast %get3A_1478 : vector<1x16xf32> to vector<16xf32>
          %mul3A_1480 = vector.broadcast %squeeze3A_1368 : f32 to vector<16xf32>
          %mul3A_1481 = arith.mulf %get3A_1479, %mul3A_1480 : vector<16xf32>
          %add3A_1482 = arith.constant 10 : i32
          %add3A_1483 = arith.addi %mul3A_145, %add3A_1482 : i32
          %swap3A_1484 = arith.index_cast %add3A_1483 : i32 to index
          %swap3A_1485 = arith.constant 112 : index
          %swap3A_1486 = tpu.vector_load %arg22[%swap3A_1484, %swap3A_1485] {strides = array<i32>} : memref<80x128xf32, #tpu.memory_space<vmem>>, vector<1x16xf32>,
          %swap3A_1487 = vector.shape_cast %swap3A_1486 : vector<1x16xf32> to vector<16xf32>
          %swap3A_1488 = vector.shape_cast %mul3A_1481 : vector<16xf32> to vector<1x16xf32>
          tpu.vector_store %arg22[%swap3A_1484, %swap3A_1485], %swap3A_1488 {strides = array<i32>} : memref<80x128xf32, #tpu.memory_space<vmem>>, vector<1x16xf32>,
          %slice3A_1489 = vector.extract_strided_slice %get3A_148 {offsets = [11], sizes = [1], strides = [1]} : vector<16xf32> to vector<1xf32>
          %squeeze3A_1490 = vector.extract %slice3A_1489[0] : f32 from vector<1xf32>
          %add3A_1491 = arith.constant 11 : i32
          %add3A_1492 = arith.addi %mul3A_145, %add3A_1491 : i32
          %get3A_1493 = arith.index_cast %add3A_1492 : i32 to index
          %get3A_1494 = arith.constant 0 : index
          %get3A_1495 = tpu.vector_load %arg22[%get3A_1493, %get3A_1494] {strides = array<i32>} : memref<80x128xf32, #tpu.memory_space<vmem>>, vector<1x16xf32>,
          %get3A_1496 = vector.shape_cast %get3A_1495 : vector<1x16xf32> to vector<16xf32>
          %mul3A_1497 = vector.broadcast %squeeze3A_1490 : f32 to vector<16xf32>
          %mul3A_1498 = arith.mulf %get3A_1496, %mul3A_1497 : vector<16xf32>
          %add3A_1499 = arith.constant 11 : i32
          %add3A_1500 = arith.addi %mul3A_145, %add3A_1499 : i32
          %swap3A_1501 = arith.index_cast %add3A_1500 : i32 to index
          %swap3A_1502 = arith.constant 0 : index
          %swap3A_1503 = tpu.vector_load %arg22[%swap3A_1501, %swap3A_1502] {strides = array<i32>} : memref<80x128xf32, #tpu.memory_space<vmem>>, vector<1x16xf32>,
          %swap3A_1504 = vector.shape_cast %swap3A_1503 : vector<1x16xf32> to vector<16xf32>
          %swap3A_1505 = vector.shape_cast %mul3A_1498 : vector<16xf32> to vector<1x16xf32>
          tpu.vector_store %arg22[%swap3A_1501, %swap3A_1502], %swap3A_1505 {strides = array<i32>} : memref<80x128xf32, #tpu.memory_space<vmem>>, vector<1x16xf32>,
          %add3A_1506 = arith.constant 11 : i32
          %add3A_1507 = arith.addi %mul3A_145, %add3A_1506 : i32
          %get3A_1508 = arith.index_cast %add3A_1507 : i32 to index
          %get3A_1509 = arith.constant 16 : index
          %get3A_1510 = tpu.vector_load %arg22[%get3A_1508, %get3A_1509] {strides = array<i32>} : memref<80x128xf32, #tpu.memory_space<vmem>>, vector<1x16xf32>,
          %get3A_1511 = vector.shape_cast %get3A_1510 : vector<1x16xf32> to vector<16xf32>
          %mul3A_1512 = vector.broadcast %squeeze3A_1490 : f32 to vector<16xf32>
          %mul3A_1513 = arith.mulf %get3A_1511, %mul3A_1512 : vector<16xf32>
          %add3A_1514 = arith.constant 11 : i32
          %add3A_1515 = arith.addi %mul3A_145, %add3A_1514 : i32
          %swap3A_1516 = arith.index_cast %add3A_1515 : i32 to index
          %swap3A_1517 = arith.constant 16 : index
          %swap3A_1518 = tpu.vector_load %arg22[%swap3A_1516, %swap3A_1517] {strides = array<i32>} : memref<80x128xf32, #tpu.memory_space<vmem>>, vector<1x16xf32>,
          %swap3A_1519 = vector.shape_cast %swap3A_1518 : vector<1x16xf32> to vector<16xf32>
          %swap3A_1520 = vector.shape_cast %mul3A_1513 : vector<16xf32> to vector<1x16xf32>
          tpu.vector_store %arg22[%swap3A_1516, %swap3A_1517], %swap3A_1520 {strides = array<i32>} : memref<80x128xf32, #tpu.memory_space<vmem>>, vector<1x16xf32>,
          %add3A_1521 = arith.constant 11 : i32
          %add3A_1522 = arith.addi %mul3A_145, %add3A_1521 : i32
          %get3A_1523 = arith.index_cast %add3A_1522 : i32 to index
          %get3A_1524 = arith.constant 32 : index
          %get3A_1525 = tpu.vector_load %arg22[%get3A_1523, %get3A_1524] {strides = array<i32>} : memref<80x128xf32, #tpu.memory_space<vmem>>, vector<1x16xf32>,
          %get3A_1526 = vector.shape_cast %get3A_1525 : vector<1x16xf32> to vector<16xf32>
          %mul3A_1527 = vector.broadcast %squeeze3A_1490 : f32 to vector<16xf32>
          %mul3A_1528 = arith.mulf %get3A_1526, %mul3A_1527 : vector<16xf32>
          %add3A_1529 = arith.constant 11 : i32
          %add3A_1530 = arith.addi %mul3A_145, %add3A_1529 : i32
          %swap3A_1531 = arith.index_cast %add3A_1530 : i32 to index
          %swap3A_1532 = arith.constant 32 : index
          %swap3A_1533 = tpu.vector_load %arg22[%swap3A_1531, %swap3A_1532] {strides = array<i32>} : memref<80x128xf32, #tpu.memory_space<vmem>>, vector<1x16xf32>,
          %swap3A_1534 = vector.shape_cast %swap3A_1533 : vector<1x16xf32> to vector<16xf32>
          %swap3A_1535 = vector.shape_cast %mul3A_1528 : vector<16xf32> to vector<1x16xf32>
          tpu.vector_store %arg22[%swap3A_1531, %swap3A_1532], %swap3A_1535 {strides = array<i32>} : memref<80x128xf32, #tpu.memory_space<vmem>>, vector<1x16xf32>,
          %add3A_1536 = arith.constant 11 : i32
          %add3A_1537 = arith.addi %mul3A_145, %add3A_1536 : i32
          %get3A_1538 = arith.index_cast %add3A_1537 : i32 to index
          %get3A_1539 = arith.constant 48 : index
          %get3A_1540 = tpu.vector_load %arg22[%get3A_1538, %get3A_1539] {strides = array<i32>} : memref<80x128xf32, #tpu.memory_space<vmem>>, vector<1x16xf32>,
          %get3A_1541 = vector.shape_cast %get3A_1540 : vector<1x16xf32> to vector<16xf32>
          %mul3A_1542 = vector.broadcast %squeeze3A_1490 : f32 to vector<16xf32>
          %mul3A_1543 = arith.mulf %get3A_1541, %mul3A_1542 : vector<16xf32>
          %add3A_1544 = arith.constant 11 : i32
          %add3A_1545 = arith.addi %mul3A_145, %add3A_1544 : i32
          %swap3A_1546 = arith.index_cast %add3A_1545 : i32 to index
          %swap3A_1547 = arith.constant 48 : index
          %swap3A_1548 = tpu.vector_load %arg22[%swap3A_1546, %swap3A_1547] {strides = array<i32>} : memref<80x128xf32, #tpu.memory_space<vmem>>, vector<1x16xf32>,
          %swap3A_1549 = vector.shape_cast %swap3A_1548 : vector<1x16xf32> to vector<16xf32>
          %swap3A_1550 = vector.shape_cast %mul3A_1543 : vector<16xf32> to vector<1x16xf32>
          tpu.vector_store %arg22[%swap3A_1546, %swap3A_1547], %swap3A_1550 {strides = array<i32>} : memref<80x128xf32, #tpu.memory_space<vmem>>, vector<1x16xf32>,
          %add3A_1551 = arith.constant 11 : i32
          %add3A_1552 = arith.addi %mul3A_145, %add3A_1551 : i32
          %get3A_1553 = arith.index_cast %add3A_1552 : i32 to index
          %get3A_1554 = arith.constant 64 : index
          %get3A_1555 = tpu.vector_load %arg22[%get3A_1553, %get3A_1554] {strides = array<i32>} : memref<80x128xf32, #tpu.memory_space<vmem>>, vector<1x16xf32>,
          %get3A_1556 = vector.shape_cast %get3A_1555 : vector<1x16xf32> to vector<16xf32>
          %mul3A_1557 = vector.broadcast %squeeze3A_1490 : f32 to vector<16xf32>
          %mul3A_1558 = arith.mulf %get3A_1556, %mul3A_1557 : vector<16xf32>
          %add3A_1559 = arith.constant 11 : i32
          %add3A_1560 = arith.addi %mul3A_145, %add3A_1559 : i32
          %swap3A_1561 = arith.index_cast %add3A_1560 : i32 to index
          %swap3A_1562 = arith.constant 64 : index
          %swap3A_1563 = tpu.vector_load %arg22[%swap3A_1561, %swap3A_1562] {strides = array<i32>} : memref<80x128xf32, #tpu.memory_space<vmem>>, vector<1x16xf32>,
          %swap3A_1564 = vector.shape_cast %swap3A_1563 : vector<1x16xf32> to vector<16xf32>
          %swap3A_1565 = vector.shape_cast %mul3A_1558 : vector<16xf32> to vector<1x16xf32>
          tpu.vector_store %arg22[%swap3A_1561, %swap3A_1562], %swap3A_1565 {strides = array<i32>} : memref<80x128xf32, #tpu.memory_space<vmem>>, vector<1x16xf32>,
          %add3A_1566 = arith.constant 11 : i32
          %add3A_1567 = arith.addi %mul3A_145, %add3A_1566 : i32
          %get3A_1568 = arith.index_cast %add3A_1567 : i32 to index
          %get3A_1569 = arith.constant 80 : index
          %get3A_1570 = tpu.vector_load %arg22[%get3A_1568, %get3A_1569] {strides = array<i32>} : memref<80x128xf32, #tpu.memory_space<vmem>>, vector<1x16xf32>,
          %get3A_1571 = vector.shape_cast %get3A_1570 : vector<1x16xf32> to vector<16xf32>
          %mul3A_1572 = vector.broadcast %squeeze3A_1490 : f32 to vector<16xf32>
          %mul3A_1573 = arith.mulf %get3A_1571, %mul3A_1572 : vector<16xf32>
          %add3A_1574 = arith.constant 11 : i32
          %add3A_1575 = arith.addi %mul3A_145, %add3A_1574 : i32
          %swap3A_1576 = arith.index_cast %add3A_1575 : i32 to index
          %swap3A_1577 = arith.constant 80 : index
          %swap3A_1578 = tpu.vector_load %arg22[%swap3A_1576, %swap3A_1577] {strides = array<i32>} : memref<80x128xf32, #tpu.memory_space<vmem>>, vector<1x16xf32>,
          %swap3A_1579 = vector.shape_cast %swap3A_1578 : vector<1x16xf32> to vector<16xf32>
          %swap3A_1580 = vector.shape_cast %mul3A_1573 : vector<16xf32> to vector<1x16xf32>
          tpu.vector_store %arg22[%swap3A_1576, %swap3A_1577], %swap3A_1580 {strides = array<i32>} : memref<80x128xf32, #tpu.memory_space<vmem>>, vector<1x16xf32>,
          %add3A_1581 = arith.constant 11 : i32
          %add3A_1582 = arith.addi %mul3A_145, %add3A_1581 : i32
          %get3A_1583 = arith.index_cast %add3A_1582 : i32 to index
          %get3A_1584 = arith.constant 96 : index
          %get3A_1585 = tpu.vector_load %arg22[%get3A_1583, %get3A_1584] {strides = array<i32>} : memref<80x128xf32, #tpu.memory_space<vmem>>, vector<1x16xf32>,
          %get3A_1586 = vector.shape_cast %get3A_1585 : vector<1x16xf32> to vector<16xf32>
          %mul3A_1587 = vector.broadcast %squeeze3A_1490 : f32 to vector<16xf32>
          %mul3A_1588 = arith.mulf %get3A_1586, %mul3A_1587 : vector<16xf32>
          %add3A_1589 = arith.constant 11 : i32
          %add3A_1590 = arith.addi %mul3A_145, %add3A_1589 : i32
          %swap3A_1591 = arith.index_cast %add3A_1590 : i32 to index
          %swap3A_1592 = arith.constant 96 : index
          %swap3A_1593 = tpu.vector_load %arg22[%swap3A_1591, %swap3A_1592] {strides = array<i32>} : memref<80x128xf32, #tpu.memory_space<vmem>>, vector<1x16xf32>,
          %swap3A_1594 = vector.shape_cast %swap3A_1593 : vector<1x16xf32> to vector<16xf32>
          %swap3A_1595 = vector.shape_cast %mul3A_1588 : vector<16xf32> to vector<1x16xf32>
          tpu.vector_store %arg22[%swap3A_1591, %swap3A_1592], %swap3A_1595 {strides = array<i32>} : memref<80x128xf32, #tpu.memory_space<vmem>>, vector<1x16xf32>,
          %add3A_1596 = arith.constant 11 : i32
          %add3A_1597 = arith.addi %mul3A_145, %add3A_1596 : i32
          %get3A_1598 = arith.index_cast %add3A_1597 : i32 to index
          %get3A_1599 = arith.constant 112 : index
          %get3A_1600 = tpu.vector_load %arg22[%get3A_1598, %get3A_1599] {strides = array<i32>} : memref<80x128xf32, #tpu.memory_space<vmem>>, vector<1x16xf32>,
          %get3A_1601 = vector.shape_cast %get3A_1600 : vector<1x16xf32> to vector<16xf32>
          %mul3A_1602 = vector.broadcast %squeeze3A_1490 : f32 to vector<16xf32>
          %mul3A_1603 = arith.mulf %get3A_1601, %mul3A_1602 : vector<16xf32>
          %add3A_1604 = arith.constant 11 : i32
          %add3A_1605 = arith.addi %mul3A_145, %add3A_1604 : i32
          %swap3A_1606 = arith.index_cast %add3A_1605 : i32 to index
          %swap3A_1607 = arith.constant 112 : index
          %swap3A_1608 = tpu.vector_load %arg22[%swap3A_1606, %swap3A_1607] {strides = array<i32>} : memref<80x128xf32, #tpu.memory_space<vmem>>, vector<1x16xf32>,
          %swap3A_1609 = vector.shape_cast %swap3A_1608 : vector<1x16xf32> to vector<16xf32>
          %swap3A_1610 = vector.shape_cast %mul3A_1603 : vector<16xf32> to vector<1x16xf32>
          tpu.vector_store %arg22[%swap3A_1606, %swap3A_1607], %swap3A_1610 {strides = array<i32>} : memref<80x128xf32, #tpu.memory_space<vmem>>, vector<1x16xf32>,
          %slice3A_1611 = vector.extract_strided_slice %get3A_148 {offsets = [12], sizes = [1], strides = [1]} : vector<16xf32> to vector<1xf32>
          %squeeze3A_1612 = vector.extract %slice3A_1611[0] : f32 from vector<1xf32>
          %add3A_1613 = arith.constant 12 : i32
          %add3A_1614 = arith.addi %mul3A_145, %add3A_1613 : i32
          %get3A_1615 = arith.index_cast %add3A_1614 : i32 to index
          %get3A_1616 = arith.constant 0 : index
          %get3A_1617 = tpu.vector_load %arg22[%get3A_1615, %get3A_1616] {strides = array<i32>} : memref<80x128xf32, #tpu.memory_space<vmem>>, vector<1x16xf32>,
          %get3A_1618 = vector.shape_cast %get3A_1617 : vector<1x16xf32> to vector<16xf32>
          %mul3A_1619 = vector.broadcast %squeeze3A_1612 : f32 to vector<16xf32>
          %mul3A_1620 = arith.mulf %get3A_1618, %mul3A_1619 : vector<16xf32>
          %add3A_1621 = arith.constant 12 : i32
          %add3A_1622 = arith.addi %mul3A_145, %add3A_1621 : i32
          %swap3A_1623 = arith.index_cast %add3A_1622 : i32 to index
          %swap3A_1624 = arith.constant 0 : index
          %swap3A_1625 = tpu.vector_load %arg22[%swap3A_1623, %swap3A_1624] {strides = array<i32>} : memref<80x128xf32, #tpu.memory_space<vmem>>, vector<1x16xf32>,
          %swap3A_1626 = vector.shape_cast %swap3A_1625 : vector<1x16xf32> to vector<16xf32>
          %swap3A_1627 = vector.shape_cast %mul3A_1620 : vector<16xf32> to vector<1x16xf32>
          tpu.vector_store %arg22[%swap3A_1623, %swap3A_1624], %swap3A_1627 {strides = array<i32>} : memref<80x128xf32, #tpu.memory_space<vmem>>, vector<1x16xf32>,
          %add3A_1628 = arith.constant 12 : i32
          %add3A_1629 = arith.addi %mul3A_145, %add3A_1628 : i32
          %get3A_1630 = arith.index_cast %add3A_1629 : i32 to index
          %get3A_1631 = arith.constant 16 : index
          %get3A_1632 = tpu.vector_load %arg22[%get3A_1630, %get3A_1631] {strides = array<i32>} : memref<80x128xf32, #tpu.memory_space<vmem>>, vector<1x16xf32>,
          %get3A_1633 = vector.shape_cast %get3A_1632 : vector<1x16xf32> to vector<16xf32>
          %mul3A_1634 = vector.broadcast %squeeze3A_1612 : f32 to vector<16xf32>
          %mul3A_1635 = arith.mulf %get3A_1633, %mul3A_1634 : vector<16xf32>
          %add3A_1636 = arith.constant 12 : i32
          %add3A_1637 = arith.addi %mul3A_145, %add3A_1636 : i32
          %swap3A_1638 = arith.index_cast %add3A_1637 : i32 to index
          %swap3A_1639 = arith.constant 16 : index
          %swap3A_1640 = tpu.vector_load %arg22[%swap3A_1638, %swap3A_1639] {strides = array<i32>} : memref<80x128xf32, #tpu.memory_space<vmem>>, vector<1x16xf32>,
          %swap3A_1641 = vector.shape_cast %swap3A_1640 : vector<1x16xf32> to vector<16xf32>
          %swap3A_1642 = vector.shape_cast %mul3A_1635 : vector<16xf32> to vector<1x16xf32>
          tpu.vector_store %arg22[%swap3A_1638, %swap3A_1639], %swap3A_1642 {strides = array<i32>} : memref<80x128xf32, #tpu.memory_space<vmem>>, vector<1x16xf32>,
          %add3A_1643 = arith.constant 12 : i32
          %add3A_1644 = arith.addi %mul3A_145, %add3A_1643 : i32
          %get3A_1645 = arith.index_cast %add3A_1644 : i32 to index
          %get3A_1646 = arith.constant 32 : index
          %get3A_1647 = tpu.vector_load %arg22[%get3A_1645, %get3A_1646] {strides = array<i32>} : memref<80x128xf32, #tpu.memory_space<vmem>>, vector<1x16xf32>,
          %get3A_1648 = vector.shape_cast %get3A_1647 : vector<1x16xf32> to vector<16xf32>
          %mul3A_1649 = vector.broadcast %squeeze3A_1612 : f32 to vector<16xf32>
          %mul3A_1650 = arith.mulf %get3A_1648, %mul3A_1649 : vector<16xf32>
          %add3A_1651 = arith.constant 12 : i32
          %add3A_1652 = arith.addi %mul3A_145, %add3A_1651 : i32
          %swap3A_1653 = arith.index_cast %add3A_1652 : i32 to index
          %swap3A_1654 = arith.constant 32 : index
          %swap3A_1655 = tpu.vector_load %arg22[%swap3A_1653, %swap3A_1654] {strides = array<i32>} : memref<80x128xf32, #tpu.memory_space<vmem>>, vector<1x16xf32>,
          %swap3A_1656 = vector.shape_cast %swap3A_1655 : vector<1x16xf32> to vector<16xf32>
          %swap3A_1657 = vector.shape_cast %mul3A_1650 : vector<16xf32> to vector<1x16xf32>
          tpu.vector_store %arg22[%swap3A_1653, %swap3A_1654], %swap3A_1657 {strides = array<i32>} : memref<80x128xf32, #tpu.memory_space<vmem>>, vector<1x16xf32>,
          %add3A_1658 = arith.constant 12 : i32
          %add3A_1659 = arith.addi %mul3A_145, %add3A_1658 : i32
          %get3A_1660 = arith.index_cast %add3A_1659 : i32 to index
          %get3A_1661 = arith.constant 48 : index
          %get3A_1662 = tpu.vector_load %arg22[%get3A_1660, %get3A_1661] {strides = array<i32>} : memref<80x128xf32, #tpu.memory_space<vmem>>, vector<1x16xf32>,
          %get3A_1663 = vector.shape_cast %get3A_1662 : vector<1x16xf32> to vector<16xf32>
          %mul3A_1664 = vector.broadcast %squeeze3A_1612 : f32 to vector<16xf32>
          %mul3A_1665 = arith.mulf %get3A_1663, %mul3A_1664 : vector<16xf32>
          %add3A_1666 = arith.constant 12 : i32
          %add3A_1667 = arith.addi %mul3A_145, %add3A_1666 : i32
          %swap3A_1668 = arith.index_cast %add3A_1667 : i32 to index
          %swap3A_1669 = arith.constant 48 : index
          %swap3A_1670 = tpu.vector_load %arg22[%swap3A_1668, %swap3A_1669] {strides = array<i32>} : memref<80x128xf32, #tpu.memory_space<vmem>>, vector<1x16xf32>,
          %swap3A_1671 = vector.shape_cast %swap3A_1670 : vector<1x16xf32> to vector<16xf32>
          %swap3A_1672 = vector.shape_cast %mul3A_1665 : vector<16xf32> to vector<1x16xf32>
          tpu.vector_store %arg22[%swap3A_1668, %swap3A_1669], %swap3A_1672 {strides = array<i32>} : memref<80x128xf32, #tpu.memory_space<vmem>>, vector<1x16xf32>,
          %add3A_1673 = arith.constant 12 : i32
          %add3A_1674 = arith.addi %mul3A_145, %add3A_1673 : i32
          %get3A_1675 = arith.index_cast %add3A_1674 : i32 to index
          %get3A_1676 = arith.constant 64 : index
          %get3A_1677 = tpu.vector_load %arg22[%get3A_1675, %get3A_1676] {strides = array<i32>} : memref<80x128xf32, #tpu.memory_space<vmem>>, vector<1x16xf32>,
          %get3A_1678 = vector.shape_cast %get3A_1677 : vector<1x16xf32> to vector<16xf32>
          %mul3A_1679 = vector.broadcast %squeeze3A_1612 : f32 to vector<16xf32>
          %mul3A_1680 = arith.mulf %get3A_1678, %mul3A_1679 : vector<16xf32>
          %add3A_1681 = arith.constant 12 : i32
          %add3A_1682 = arith.addi %mul3A_145, %add3A_1681 : i32
          %swap3A_1683 = arith.index_cast %add3A_1682 : i32 to index
          %swap3A_1684 = arith.constant 64 : index
          %swap3A_1685 = tpu.vector_load %arg22[%swap3A_1683, %swap3A_1684] {strides = array<i32>} : memref<80x128xf32, #tpu.memory_space<vmem>>, vector<1x16xf32>,
          %swap3A_1686 = vector.shape_cast %swap3A_1685 : vector<1x16xf32> to vector<16xf32>
          %swap3A_1687 = vector.shape_cast %mul3A_1680 : vector<16xf32> to vector<1x16xf32>
          tpu.vector_store %arg22[%swap3A_1683, %swap3A_1684], %swap3A_1687 {strides = array<i32>} : memref<80x128xf32, #tpu.memory_space<vmem>>, vector<1x16xf32>,
          %add3A_1688 = arith.constant 12 : i32
          %add3A_1689 = arith.addi %mul3A_145, %add3A_1688 : i32
          %get3A_1690 = arith.index_cast %add3A_1689 : i32 to index
          %get3A_1691 = arith.constant 80 : index
          %get3A_1692 = tpu.vector_load %arg22[%get3A_1690, %get3A_1691] {strides = array<i32>} : memref<80x128xf32, #tpu.memory_space<vmem>>, vector<1x16xf32>,
          %get3A_1693 = vector.shape_cast %get3A_1692 : vector<1x16xf32> to vector<16xf32>
          %mul3A_1694 = vector.broadcast %squeeze3A_1612 : f32 to vector<16xf32>
          %mul3A_1695 = arith.mulf %get3A_1693, %mul3A_1694 : vector<16xf32>
          %add3A_1696 = arith.constant 12 : i32
          %add3A_1697 = arith.addi %mul3A_145, %add3A_1696 : i32
          %swap3A_1698 = arith.index_cast %add3A_1697 : i32 to index
          %swap3A_1699 = arith.constant 80 : index
          %swap3A_1700 = tpu.vector_load %arg22[%swap3A_1698, %swap3A_1699] {strides = array<i32>} : memref<80x128xf32, #tpu.memory_space<vmem>>, vector<1x16xf32>,
          %swap3A_1701 = vector.shape_cast %swap3A_1700 : vector<1x16xf32> to vector<16xf32>
          %swap3A_1702 = vector.shape_cast %mul3A_1695 : vector<16xf32> to vector<1x16xf32>
          tpu.vector_store %arg22[%swap3A_1698, %swap3A_1699], %swap3A_1702 {strides = array<i32>} : memref<80x128xf32, #tpu.memory_space<vmem>>, vector<1x16xf32>,
          %add3A_1703 = arith.constant 12 : i32
          %add3A_1704 = arith.addi %mul3A_145, %add3A_1703 : i32
          %get3A_1705 = arith.index_cast %add3A_1704 : i32 to index
          %get3A_1706 = arith.constant 96 : index
          %get3A_1707 = tpu.vector_load %arg22[%get3A_1705, %get3A_1706] {strides = array<i32>} : memref<80x128xf32, #tpu.memory_space<vmem>>, vector<1x16xf32>,
          %get3A_1708 = vector.shape_cast %get3A_1707 : vector<1x16xf32> to vector<16xf32>
          %mul3A_1709 = vector.broadcast %squeeze3A_1612 : f32 to vector<16xf32>
          %mul3A_1710 = arith.mulf %get3A_1708, %mul3A_1709 : vector<16xf32>
          %add3A_1711 = arith.constant 12 : i32
          %add3A_1712 = arith.addi %mul3A_145, %add3A_1711 : i32
          %swap3A_1713 = arith.index_cast %add3A_1712 : i32 to index
          %swap3A_1714 = arith.constant 96 : index
          %swap3A_1715 = tpu.vector_load %arg22[%swap3A_1713, %swap3A_1714] {strides = array<i32>} : memref<80x128xf32, #tpu.memory_space<vmem>>, vector<1x16xf32>,
          %swap3A_1716 = vector.shape_cast %swap3A_1715 : vector<1x16xf32> to vector<16xf32>
          %swap3A_1717 = vector.shape_cast %mul3A_1710 : vector<16xf32> to vector<1x16xf32>
          tpu.vector_store %arg22[%swap3A_1713, %swap3A_1714], %swap3A_1717 {strides = array<i32>} : memref<80x128xf32, #tpu.memory_space<vmem>>, vector<1x16xf32>,
          %add3A_1718 = arith.constant 12 : i32
          %add3A_1719 = arith.addi %mul3A_145, %add3A_1718 : i32
          %get3A_1720 = arith.index_cast %add3A_1719 : i32 to index
          %get3A_1721 = arith.constant 112 : index
          %get3A_1722 = tpu.vector_load %arg22[%get3A_1720, %get3A_1721] {strides = array<i32>} : memref<80x128xf32, #tpu.memory_space<vmem>>, vector<1x16xf32>,
          %get3A_1723 = vector.shape_cast %get3A_1722 : vector<1x16xf32> to vector<16xf32>
          %mul3A_1724 = vector.broadcast %squeeze3A_1612 : f32 to vector<16xf32>
          %mul3A_1725 = arith.mulf %get3A_1723, %mul3A_1724 : vector<16xf32>
          %add3A_1726 = arith.constant 12 : i32
          %add3A_1727 = arith.addi %mul3A_145, %add3A_1726 : i32
          %swap3A_1728 = arith.index_cast %add3A_1727 : i32 to index
          %swap3A_1729 = arith.constant 112 : index
          %swap3A_1730 = tpu.vector_load %arg22[%swap3A_1728, %swap3A_1729] {strides = array<i32>} : memref<80x128xf32, #tpu.memory_space<vmem>>, vector<1x16xf32>,
          %swap3A_1731 = vector.shape_cast %swap3A_1730 : vector<1x16xf32> to vector<16xf32>
          %swap3A_1732 = vector.shape_cast %mul3A_1725 : vector<16xf32> to vector<1x16xf32>
          tpu.vector_store %arg22[%swap3A_1728, %swap3A_1729], %swap3A_1732 {strides = array<i32>} : memref<80x128xf32, #tpu.memory_space<vmem>>, vector<1x16xf32>,
          %slice3A_1733 = vector.extract_strided_slice %get3A_148 {offsets = [13], sizes = [1], strides = [1]} : vector<16xf32> to vector<1xf32>
          %squeeze3A_1734 = vector.extract %slice3A_1733[0] : f32 from vector<1xf32>
          %add3A_1735 = arith.constant 13 : i32
          %add3A_1736 = arith.addi %mul3A_145, %add3A_1735 : i32
          %get3A_1737 = arith.index_cast %add3A_1736 : i32 to index
          %get3A_1738 = arith.constant 0 : index
          %get3A_1739 = tpu.vector_load %arg22[%get3A_1737, %get3A_1738] {strides = array<i32>} : memref<80x128xf32, #tpu.memory_space<vmem>>, vector<1x16xf32>,
          %get3A_1740 = vector.shape_cast %get3A_1739 : vector<1x16xf32> to vector<16xf32>
          %mul3A_1741 = vector.broadcast %squeeze3A_1734 : f32 to vector<16xf32>
          %mul3A_1742 = arith.mulf %get3A_1740, %mul3A_1741 : vector<16xf32>
          %add3A_1743 = arith.constant 13 : i32
          %add3A_1744 = arith.addi %mul3A_145, %add3A_1743 : i32
          %swap3A_1745 = arith.index_cast %add3A_1744 : i32 to index
          %swap3A_1746 = arith.constant 0 : index
          %swap3A_1747 = tpu.vector_load %arg22[%swap3A_1745, %swap3A_1746] {strides = array<i32>} : memref<80x128xf32, #tpu.memory_space<vmem>>, vector<1x16xf32>,
          %swap3A_1748 = vector.shape_cast %swap3A_1747 : vector<1x16xf32> to vector<16xf32>
          %swap3A_1749 = vector.shape_cast %mul3A_1742 : vector<16xf32> to vector<1x16xf32>
          tpu.vector_store %arg22[%swap3A_1745, %swap3A_1746], %swap3A_1749 {strides = array<i32>} : memref<80x128xf32, #tpu.memory_space<vmem>>, vector<1x16xf32>,
          %add3A_1750 = arith.constant 13 : i32
          %add3A_1751 = arith.addi %mul3A_145, %add3A_1750 : i32
          %get3A_1752 = arith.index_cast %add3A_1751 : i32 to index
          %get3A_1753 = arith.constant 16 : index
          %get3A_1754 = tpu.vector_load %arg22[%get3A_1752, %get3A_1753] {strides = array<i32>} : memref<80x128xf32, #tpu.memory_space<vmem>>, vector<1x16xf32>,
          %get3A_1755 = vector.shape_cast %get3A_1754 : vector<1x16xf32> to vector<16xf32>
          %mul3A_1756 = vector.broadcast %squeeze3A_1734 : f32 to vector<16xf32>
          %mul3A_1757 = arith.mulf %get3A_1755, %mul3A_1756 : vector<16xf32>
          %add3A_1758 = arith.constant 13 : i32
          %add3A_1759 = arith.addi %mul3A_145, %add3A_1758 : i32
          %swap3A_1760 = arith.index_cast %add3A_1759 : i32 to index
          %swap3A_1761 = arith.constant 16 : index
          %swap3A_1762 = tpu.vector_load %arg22[%swap3A_1760, %swap3A_1761] {strides = array<i32>} : memref<80x128xf32, #tpu.memory_space<vmem>>, vector<1x16xf32>,
          %swap3A_1763 = vector.shape_cast %swap3A_1762 : vector<1x16xf32> to vector<16xf32>
          %swap3A_1764 = vector.shape_cast %mul3A_1757 : vector<16xf32> to vector<1x16xf32>
          tpu.vector_store %arg22[%swap3A_1760, %swap3A_1761], %swap3A_1764 {strides = array<i32>} : memref<80x128xf32, #tpu.memory_space<vmem>>, vector<1x16xf32>,
          %add3A_1765 = arith.constant 13 : i32
          %add3A_1766 = arith.addi %mul3A_145, %add3A_1765 : i32
          %get3A_1767 = arith.index_cast %add3A_1766 : i32 to index
          %get3A_1768 = arith.constant 32 : index
          %get3A_1769 = tpu.vector_load %arg22[%get3A_1767, %get3A_1768] {strides = array<i32>} : memref<80x128xf32, #tpu.memory_space<vmem>>, vector<1x16xf32>,
          %get3A_1770 = vector.shape_cast %get3A_1769 : vector<1x16xf32> to vector<16xf32>
          %mul3A_1771 = vector.broadcast %squeeze3A_1734 : f32 to vector<16xf32>
          %mul3A_1772 = arith.mulf %get3A_1770, %mul3A_1771 : vector<16xf32>
          %add3A_1773 = arith.constant 13 : i32
          %add3A_1774 = arith.addi %mul3A_145, %add3A_1773 : i32
          %swap3A_1775 = arith.index_cast %add3A_1774 : i32 to index
          %swap3A_1776 = arith.constant 32 : index
          %swap3A_1777 = tpu.vector_load %arg22[%swap3A_1775, %swap3A_1776] {strides = array<i32>} : memref<80x128xf32, #tpu.memory_space<vmem>>, vector<1x16xf32>,
          %swap3A_1778 = vector.shape_cast %swap3A_1777 : vector<1x16xf32> to vector<16xf32>
          %swap3A_1779 = vector.shape_cast %mul3A_1772 : vector<16xf32> to vector<1x16xf32>
          tpu.vector_store %arg22[%swap3A_1775, %swap3A_1776], %swap3A_1779 {strides = array<i32>} : memref<80x128xf32, #tpu.memory_space<vmem>>, vector<1x16xf32>,
          %add3A_1780 = arith.constant 13 : i32
          %add3A_1781 = arith.addi %mul3A_145, %add3A_1780 : i32
          %get3A_1782 = arith.index_cast %add3A_1781 : i32 to index
          %get3A_1783 = arith.constant 48 : index
          %get3A_1784 = tpu.vector_load %arg22[%get3A_1782, %get3A_1783] {strides = array<i32>} : memref<80x128xf32, #tpu.memory_space<vmem>>, vector<1x16xf32>,
          %get3A_1785 = vector.shape_cast %get3A_1784 : vector<1x16xf32> to vector<16xf32>
          %mul3A_1786 = vector.broadcast %squeeze3A_1734 : f32 to vector<16xf32>
          %mul3A_1787 = arith.mulf %get3A_1785, %mul3A_1786 : vector<16xf32>
          %add3A_1788 = arith.constant 13 : i32
          %add3A_1789 = arith.addi %mul3A_145, %add3A_1788 : i32
          %swap3A_1790 = arith.index_cast %add3A_1789 : i32 to index
          %swap3A_1791 = arith.constant 48 : index
          %swap3A_1792 = tpu.vector_load %arg22[%swap3A_1790, %swap3A_1791] {strides = array<i32>} : memref<80x128xf32, #tpu.memory_space<vmem>>, vector<1x16xf32>,
          %swap3A_1793 = vector.shape_cast %swap3A_1792 : vector<1x16xf32> to vector<16xf32>
          %swap3A_1794 = vector.shape_cast %mul3A_1787 : vector<16xf32> to vector<1x16xf32>
          tpu.vector_store %arg22[%swap3A_1790, %swap3A_1791], %swap3A_1794 {strides = array<i32>} : memref<80x128xf32, #tpu.memory_space<vmem>>, vector<1x16xf32>,
          %add3A_1795 = arith.constant 13 : i32
          %add3A_1796 = arith.addi %mul3A_145, %add3A_1795 : i32
          %get3A_1797 = arith.index_cast %add3A_1796 : i32 to index
          %get3A_1798 = arith.constant 64 : index
          %get3A_1799 = tpu.vector_load %arg22[%get3A_1797, %get3A_1798] {strides = array<i32>} : memref<80x128xf32, #tpu.memory_space<vmem>>, vector<1x16xf32>,
          %get3A_1800 = vector.shape_cast %get3A_1799 : vector<1x16xf32> to vector<16xf32>
          %mul3A_1801 = vector.broadcast %squeeze3A_1734 : f32 to vector<16xf32>
          %mul3A_1802 = arith.mulf %get3A_1800, %mul3A_1801 : vector<16xf32>
          %add3A_1803 = arith.constant 13 : i32
          %add3A_1804 = arith.addi %mul3A_145, %add3A_1803 : i32
          %swap3A_1805 = arith.index_cast %add3A_1804 : i32 to index
          %swap3A_1806 = arith.constant 64 : index
          %swap3A_1807 = tpu.vector_load %arg22[%swap3A_1805, %swap3A_1806] {strides = array<i32>} : memref<80x128xf32, #tpu.memory_space<vmem>>, vector<1x16xf32>,
          %swap3A_1808 = vector.shape_cast %swap3A_1807 : vector<1x16xf32> to vector<16xf32>
          %swap3A_1809 = vector.shape_cast %mul3A_1802 : vector<16xf32> to vector<1x16xf32>
          tpu.vector_store %arg22[%swap3A_1805, %swap3A_1806], %swap3A_1809 {strides = array<i32>} : memref<80x128xf32, #tpu.memory_space<vmem>>, vector<1x16xf32>,
          %add3A_1810 = arith.constant 13 : i32
          %add3A_1811 = arith.addi %mul3A_145, %add3A_1810 : i32
          %get3A_1812 = arith.index_cast %add3A_1811 : i32 to index
          %get3A_1813 = arith.constant 80 : index
          %get3A_1814 = tpu.vector_load %arg22[%get3A_1812, %get3A_1813] {strides = array<i32>} : memref<80x128xf32, #tpu.memory_space<vmem>>, vector<1x16xf32>,
          %get3A_1815 = vector.shape_cast %get3A_1814 : vector<1x16xf32> to vector<16xf32>
          %mul3A_1816 = vector.broadcast %squeeze3A_1734 : f32 to vector<16xf32>
          %mul3A_1817 = arith.mulf %get3A_1815, %mul3A_1816 : vector<16xf32>
          %add3A_1818 = arith.constant 13 : i32
          %add3A_1819 = arith.addi %mul3A_145, %add3A_1818 : i32
          %swap3A_1820 = arith.index_cast %add3A_1819 : i32 to index
          %swap3A_1821 = arith.constant 80 : index
          %swap3A_1822 = tpu.vector_load %arg22[%swap3A_1820, %swap3A_1821] {strides = array<i32>} : memref<80x128xf32, #tpu.memory_space<vmem>>, vector<1x16xf32>,
          %swap3A_1823 = vector.shape_cast %swap3A_1822 : vector<1x16xf32> to vector<16xf32>
          %swap3A_1824 = vector.shape_cast %mul3A_1817 : vector<16xf32> to vector<1x16xf32>
          tpu.vector_store %arg22[%swap3A_1820, %swap3A_1821], %swap3A_1824 {strides = array<i32>} : memref<80x128xf32, #tpu.memory_space<vmem>>, vector<1x16xf32>,
          %add3A_1825 = arith.constant 13 : i32
          %add3A_1826 = arith.addi %mul3A_145, %add3A_1825 : i32
          %get3A_1827 = arith.index_cast %add3A_1826 : i32 to index
          %get3A_1828 = arith.constant 96 : index
          %get3A_1829 = tpu.vector_load %arg22[%get3A_1827, %get3A_1828] {strides = array<i32>} : memref<80x128xf32, #tpu.memory_space<vmem>>, vector<1x16xf32>,
          %get3A_1830 = vector.shape_cast %get3A_1829 : vector<1x16xf32> to vector<16xf32>
          %mul3A_1831 = vector.broadcast %squeeze3A_1734 : f32 to vector<16xf32>
          %mul3A_1832 = arith.mulf %get3A_1830, %mul3A_1831 : vector<16xf32>
          %add3A_1833 = arith.constant 13 : i32
          %add3A_1834 = arith.addi %mul3A_145, %add3A_1833 : i32
          %swap3A_1835 = arith.index_cast %add3A_1834 : i32 to index
          %swap3A_1836 = arith.constant 96 : index
          %swap3A_1837 = tpu.vector_load %arg22[%swap3A_1835, %swap3A_1836] {strides = array<i32>} : memref<80x128xf32, #tpu.memory_space<vmem>>, vector<1x16xf32>,
          %swap3A_1838 = vector.shape_cast %swap3A_1837 : vector<1x16xf32> to vector<16xf32>
          %swap3A_1839 = vector.shape_cast %mul3A_1832 : vector<16xf32> to vector<1x16xf32>
          tpu.vector_store %arg22[%swap3A_1835, %swap3A_1836], %swap3A_1839 {strides = array<i32>} : memref<80x128xf32, #tpu.memory_space<vmem>>, vector<1x16xf32>,
          %add3A_1840 = arith.constant 13 : i32
          %add3A_1841 = arith.addi %mul3A_145, %add3A_1840 : i32
          %get3A_1842 = arith.index_cast %add3A_1841 : i32 to index
          %get3A_1843 = arith.constant 112 : index
          %get3A_1844 = tpu.vector_load %arg22[%get3A_1842, %get3A_1843] {strides = array<i32>} : memref<80x128xf32, #tpu.memory_space<vmem>>, vector<1x16xf32>,
          %get3A_1845 = vector.shape_cast %get3A_1844 : vector<1x16xf32> to vector<16xf32>
          %mul3A_1846 = vector.broadcast %squeeze3A_1734 : f32 to vector<16xf32>
          %mul3A_1847 = arith.mulf %get3A_1845, %mul3A_1846 : vector<16xf32>
          %add3A_1848 = arith.constant 13 : i32
          %add3A_1849 = arith.addi %mul3A_145, %add3A_1848 : i32
          %swap3A_1850 = arith.index_cast %add3A_1849 : i32 to index
          %swap3A_1851 = arith.constant 112 : index
          %swap3A_1852 = tpu.vector_load %arg22[%swap3A_1850, %swap3A_1851] {strides = array<i32>} : memref<80x128xf32, #tpu.memory_space<vmem>>, vector<1x16xf32>,
          %swap3A_1853 = vector.shape_cast %swap3A_1852 : vector<1x16xf32> to vector<16xf32>
          %swap3A_1854 = vector.shape_cast %mul3A_1847 : vector<16xf32> to vector<1x16xf32>
          tpu.vector_store %arg22[%swap3A_1850, %swap3A_1851], %swap3A_1854 {strides = array<i32>} : memref<80x128xf32, #tpu.memory_space<vmem>>, vector<1x16xf32>,
          %slice3A_1855 = vector.extract_strided_slice %get3A_148 {offsets = [14], sizes = [1], strides = [1]} : vector<16xf32> to vector<1xf32>
          %squeeze3A_1856 = vector.extract %slice3A_1855[0] : f32 from vector<1xf32>
          %add3A_1857 = arith.constant 14 : i32
          %add3A_1858 = arith.addi %mul3A_145, %add3A_1857 : i32
          %get3A_1859 = arith.index_cast %add3A_1858 : i32 to index
          %get3A_1860 = arith.constant 0 : index
          %get3A_1861 = tpu.vector_load %arg22[%get3A_1859, %get3A_1860] {strides = array<i32>} : memref<80x128xf32, #tpu.memory_space<vmem>>, vector<1x16xf32>,
          %get3A_1862 = vector.shape_cast %get3A_1861 : vector<1x16xf32> to vector<16xf32>
          %mul3A_1863 = vector.broadcast %squeeze3A_1856 : f32 to vector<16xf32>
          %mul3A_1864 = arith.mulf %get3A_1862, %mul3A_1863 : vector<16xf32>
          %add3A_1865 = arith.constant 14 : i32
          %add3A_1866 = arith.addi %mul3A_145, %add3A_1865 : i32
          %swap3A_1867 = arith.index_cast %add3A_1866 : i32 to index
          %swap3A_1868 = arith.constant 0 : index
          %swap3A_1869 = tpu.vector_load %arg22[%swap3A_1867, %swap3A_1868] {strides = array<i32>} : memref<80x128xf32, #tpu.memory_space<vmem>>, vector<1x16xf32>,
          %swap3A_1870 = vector.shape_cast %swap3A_1869 : vector<1x16xf32> to vector<16xf32>
          %swap3A_1871 = vector.shape_cast %mul3A_1864 : vector<16xf32> to vector<1x16xf32>
          tpu.vector_store %arg22[%swap3A_1867, %swap3A_1868], %swap3A_1871 {strides = array<i32>} : memref<80x128xf32, #tpu.memory_space<vmem>>, vector<1x16xf32>,
          %add3A_1872 = arith.constant 14 : i32
          %add3A_1873 = arith.addi %mul3A_145, %add3A_1872 : i32
          %get3A_1874 = arith.index_cast %add3A_1873 : i32 to index
          %get3A_1875 = arith.constant 16 : index
          %get3A_1876 = tpu.vector_load %arg22[%get3A_1874, %get3A_1875] {strides = array<i32>} : memref<80x128xf32, #tpu.memory_space<vmem>>, vector<1x16xf32>,
          %get3A_1877 = vector.shape_cast %get3A_1876 : vector<1x16xf32> to vector<16xf32>
          %mul3A_1878 = vector.broadcast %squeeze3A_1856 : f32 to vector<16xf32>
          %mul3A_1879 = arith.mulf %get3A_1877, %mul3A_1878 : vector<16xf32>
          %add3A_1880 = arith.constant 14 : i32
          %add3A_1881 = arith.addi %mul3A_145, %add3A_1880 : i32
          %swap3A_1882 = arith.index_cast %add3A_1881 : i32 to index
          %swap3A_1883 = arith.constant 16 : index
          %swap3A_1884 = tpu.vector_load %arg22[%swap3A_1882, %swap3A_1883] {strides = array<i32>} : memref<80x128xf32, #tpu.memory_space<vmem>>, vector<1x16xf32>,
          %swap3A_1885 = vector.shape_cast %swap3A_1884 : vector<1x16xf32> to vector<16xf32>
          %swap3A_1886 = vector.shape_cast %mul3A_1879 : vector<16xf32> to vector<1x16xf32>
          tpu.vector_store %arg22[%swap3A_1882, %swap3A_1883], %swap3A_1886 {strides = array<i32>} : memref<80x128xf32, #tpu.memory_space<vmem>>, vector<1x16xf32>,
          %add3A_1887 = arith.constant 14 : i32
          %add3A_1888 = arith.addi %mul3A_145, %add3A_1887 : i32
          %get3A_1889 = arith.index_cast %add3A_1888 : i32 to index
          %get3A_1890 = arith.constant 32 : index
          %get3A_1891 = tpu.vector_load %arg22[%get3A_1889, %get3A_1890] {strides = array<i32>} : memref<80x128xf32, #tpu.memory_space<vmem>>, vector<1x16xf32>,
          %get3A_1892 = vector.shape_cast %get3A_1891 : vector<1x16xf32> to vector<16xf32>
          %mul3A_1893 = vector.broadcast %squeeze3A_1856 : f32 to vector<16xf32>
          %mul3A_1894 = arith.mulf %get3A_1892, %mul3A_1893 : vector<16xf32>
          %add3A_1895 = arith.constant 14 : i32
          %add3A_1896 = arith.addi %mul3A_145, %add3A_1895 : i32
          %swap3A_1897 = arith.index_cast %add3A_1896 : i32 to index
          %swap3A_1898 = arith.constant 32 : index
          %swap3A_1899 = tpu.vector_load %arg22[%swap3A_1897, %swap3A_1898] {strides = array<i32>} : memref<80x128xf32, #tpu.memory_space<vmem>>, vector<1x16xf32>,
          %swap3A_1900 = vector.shape_cast %swap3A_1899 : vector<1x16xf32> to vector<16xf32>
          %swap3A_1901 = vector.shape_cast %mul3A_1894 : vector<16xf32> to vector<1x16xf32>
          tpu.vector_store %arg22[%swap3A_1897, %swap3A_1898], %swap3A_1901 {strides = array<i32>} : memref<80x128xf32, #tpu.memory_space<vmem>>, vector<1x16xf32>,
          %add3A_1902 = arith.constant 14 : i32
          %add3A_1903 = arith.addi %mul3A_145, %add3A_1902 : i32
          %get3A_1904 = arith.index_cast %add3A_1903 : i32 to index
          %get3A_1905 = arith.constant 48 : index
          %get3A_1906 = tpu.vector_load %arg22[%get3A_1904, %get3A_1905] {strides = array<i32>} : memref<80x128xf32, #tpu.memory_space<vmem>>, vector<1x16xf32>,
          %get3A_1907 = vector.shape_cast %get3A_1906 : vector<1x16xf32> to vector<16xf32>
          %mul3A_1908 = vector.broadcast %squeeze3A_1856 : f32 to vector<16xf32>
          %mul3A_1909 = arith.mulf %get3A_1907, %mul3A_1908 : vector<16xf32>
          %add3A_1910 = arith.constant 14 : i32
          %add3A_1911 = arith.addi %mul3A_145, %add3A_1910 : i32
          %swap3A_1912 = arith.index_cast %add3A_1911 : i32 to index
          %swap3A_1913 = arith.constant 48 : index
          %swap3A_1914 = tpu.vector_load %arg22[%swap3A_1912, %swap3A_1913] {strides = array<i32>} : memref<80x128xf32, #tpu.memory_space<vmem>>, vector<1x16xf32>,
          %swap3A_1915 = vector.shape_cast %swap3A_1914 : vector<1x16xf32> to vector<16xf32>
          %swap3A_1916 = vector.shape_cast %mul3A_1909 : vector<16xf32> to vector<1x16xf32>
          tpu.vector_store %arg22[%swap3A_1912, %swap3A_1913], %swap3A_1916 {strides = array<i32>} : memref<80x128xf32, #tpu.memory_space<vmem>>, vector<1x16xf32>,
          %add3A_1917 = arith.constant 14 : i32
          %add3A_1918 = arith.addi %mul3A_145, %add3A_1917 : i32
          %get3A_1919 = arith.index_cast %add3A_1918 : i32 to index
          %get3A_1920 = arith.constant 64 : index
          %get3A_1921 = tpu.vector_load %arg22[%get3A_1919, %get3A_1920] {strides = array<i32>} : memref<80x128xf32, #tpu.memory_space<vmem>>, vector<1x16xf32>,
          %get3A_1922 = vector.shape_cast %get3A_1921 : vector<1x16xf32> to vector<16xf32>
          %mul3A_1923 = vector.broadcast %squeeze3A_1856 : f32 to vector<16xf32>
          %mul3A_1924 = arith.mulf %get3A_1922, %mul3A_1923 : vector<16xf32>
          %add3A_1925 = arith.constant 14 : i32
          %add3A_1926 = arith.addi %mul3A_145, %add3A_1925 : i32
          %swap3A_1927 = arith.index_cast %add3A_1926 : i32 to index
          %swap3A_1928 = arith.constant 64 : index
          %swap3A_1929 = tpu.vector_load %arg22[%swap3A_1927, %swap3A_1928] {strides = array<i32>} : memref<80x128xf32, #tpu.memory_space<vmem>>, vector<1x16xf32>,
          %swap3A_1930 = vector.shape_cast %swap3A_1929 : vector<1x16xf32> to vector<16xf32>
          %swap3A_1931 = vector.shape_cast %mul3A_1924 : vector<16xf32> to vector<1x16xf32>
          tpu.vector_store %arg22[%swap3A_1927, %swap3A_1928], %swap3A_1931 {strides = array<i32>} : memref<80x128xf32, #tpu.memory_space<vmem>>, vector<1x16xf32>,
          %add3A_1932 = arith.constant 14 : i32
          %add3A_1933 = arith.addi %mul3A_145, %add3A_1932 : i32
          %get3A_1934 = arith.index_cast %add3A_1933 : i32 to index
          %get3A_1935 = arith.constant 80 : index
          %get3A_1936 = tpu.vector_load %arg22[%get3A_1934, %get3A_1935] {strides = array<i32>} : memref<80x128xf32, #tpu.memory_space<vmem>>, vector<1x16xf32>,
          %get3A_1937 = vector.shape_cast %get3A_1936 : vector<1x16xf32> to vector<16xf32>
          %mul3A_1938 = vector.broadcast %squeeze3A_1856 : f32 to vector<16xf32>
          %mul3A_1939 = arith.mulf %get3A_1937, %mul3A_1938 : vector<16xf32>
          %add3A_1940 = arith.constant 14 : i32
          %add3A_1941 = arith.addi %mul3A_145, %add3A_1940 : i32
          %swap3A_1942 = arith.index_cast %add3A_1941 : i32 to index
          %swap3A_1943 = arith.constant 80 : index
          %swap3A_1944 = tpu.vector_load %arg22[%swap3A_1942, %swap3A_1943] {strides = array<i32>} : memref<80x128xf32, #tpu.memory_space<vmem>>, vector<1x16xf32>,
          %swap3A_1945 = vector.shape_cast %swap3A_1944 : vector<1x16xf32> to vector<16xf32>
          %swap3A_1946 = vector.shape_cast %mul3A_1939 : vector<16xf32> to vector<1x16xf32>
          tpu.vector_store %arg22[%swap3A_1942, %swap3A_1943], %swap3A_1946 {strides = array<i32>} : memref<80x128xf32, #tpu.memory_space<vmem>>, vector<1x16xf32>,
          %add3A_1947 = arith.constant 14 : i32
          %add3A_1948 = arith.addi %mul3A_145, %add3A_1947 : i32
          %get3A_1949 = arith.index_cast %add3A_1948 : i32 to index
          %get3A_1950 = arith.constant 96 : index
          %get3A_1951 = tpu.vector_load %arg22[%get3A_1949, %get3A_1950] {strides = array<i32>} : memref<80x128xf32, #tpu.memory_space<vmem>>, vector<1x16xf32>,
          %get3A_1952 = vector.shape_cast %get3A_1951 : vector<1x16xf32> to vector<16xf32>
          %mul3A_1953 = vector.broadcast %squeeze3A_1856 : f32 to vector<16xf32>
          %mul3A_1954 = arith.mulf %get3A_1952, %mul3A_1953 : vector<16xf32>
          %add3A_1955 = arith.constant 14 : i32
          %add3A_1956 = arith.addi %mul3A_145, %add3A_1955 : i32
          %swap3A_1957 = arith.index_cast %add3A_1956 : i32 to index
          %swap3A_1958 = arith.constant 96 : index
          %swap3A_1959 = tpu.vector_load %arg22[%swap3A_1957, %swap3A_1958] {strides = array<i32>} : memref<80x128xf32, #tpu.memory_space<vmem>>, vector<1x16xf32>,
          %swap3A_1960 = vector.shape_cast %swap3A_1959 : vector<1x16xf32> to vector<16xf32>
          %swap3A_1961 = vector.shape_cast %mul3A_1954 : vector<16xf32> to vector<1x16xf32>
          tpu.vector_store %arg22[%swap3A_1957, %swap3A_1958], %swap3A_1961 {strides = array<i32>} : memref<80x128xf32, #tpu.memory_space<vmem>>, vector<1x16xf32>,
          %add3A_1962 = arith.constant 14 : i32
          %add3A_1963 = arith.addi %mul3A_145, %add3A_1962 : i32
          %get3A_1964 = arith.index_cast %add3A_1963 : i32 to index
          %get3A_1965 = arith.constant 112 : index
          %get3A_1966 = tpu.vector_load %arg22[%get3A_1964, %get3A_1965] {strides = array<i32>} : memref<80x128xf32, #tpu.memory_space<vmem>>, vector<1x16xf32>,
          %get3A_1967 = vector.shape_cast %get3A_1966 : vector<1x16xf32> to vector<16xf32>
          %mul3A_1968 = vector.broadcast %squeeze3A_1856 : f32 to vector<16xf32>
          %mul3A_1969 = arith.mulf %get3A_1967, %mul3A_1968 : vector<16xf32>
          %add3A_1970 = arith.constant 14 : i32
          %add3A_1971 = arith.addi %mul3A_145, %add3A_1970 : i32
          %swap3A_1972 = arith.index_cast %add3A_1971 : i32 to index
          %swap3A_1973 = arith.constant 112 : index
          %swap3A_1974 = tpu.vector_load %arg22[%swap3A_1972, %swap3A_1973] {strides = array<i32>} : memref<80x128xf32, #tpu.memory_space<vmem>>, vector<1x16xf32>,
          %swap3A_1975 = vector.shape_cast %swap3A_1974 : vector<1x16xf32> to vector<16xf32>
          %swap3A_1976 = vector.shape_cast %mul3A_1969 : vector<16xf32> to vector<1x16xf32>
          tpu.vector_store %arg22[%swap3A_1972, %swap3A_1973], %swap3A_1976 {strides = array<i32>} : memref<80x128xf32, #tpu.memory_space<vmem>>, vector<1x16xf32>,
          %slice3A_1977 = vector.extract_strided_slice %get3A_148 {offsets = [15], sizes = [1], strides = [1]} : vector<16xf32> to vector<1xf32>
          %squeeze3A_1978 = vector.extract %slice3A_1977[0] : f32 from vector<1xf32>
          %add3A_1979 = arith.constant 15 : i32
          %add3A_1980 = arith.addi %mul3A_145, %add3A_1979 : i32
          %get3A_1981 = arith.index_cast %add3A_1980 : i32 to index
          %get3A_1982 = arith.constant 0 : index
          %get3A_1983 = tpu.vector_load %arg22[%get3A_1981, %get3A_1982] {strides = array<i32>} : memref<80x128xf32, #tpu.memory_space<vmem>>, vector<1x16xf32>,
          %get3A_1984 = vector.shape_cast %get3A_1983 : vector<1x16xf32> to vector<16xf32>
          %mul3A_1985 = vector.broadcast %squeeze3A_1978 : f32 to vector<16xf32>
          %mul3A_1986 = arith.mulf %get3A_1984, %mul3A_1985 : vector<16xf32>
          %add3A_1987 = arith.constant 15 : i32
          %add3A_1988 = arith.addi %mul3A_145, %add3A_1987 : i32
          %swap3A_1989 = arith.index_cast %add3A_1988 : i32 to index
          %swap3A_1990 = arith.constant 0 : index
          %swap3A_1991 = tpu.vector_load %arg22[%swap3A_1989, %swap3A_1990] {strides = array<i32>} : memref<80x128xf32, #tpu.memory_space<vmem>>, vector<1x16xf32>,
          %swap3A_1992 = vector.shape_cast %swap3A_1991 : vector<1x16xf32> to vector<16xf32>
          %swap3A_1993 = vector.shape_cast %mul3A_1986 : vector<16xf32> to vector<1x16xf32>
          tpu.vector_store %arg22[%swap3A_1989, %swap3A_1990], %swap3A_1993 {strides = array<i32>} : memref<80x128xf32, #tpu.memory_space<vmem>>, vector<1x16xf32>,
          %add3A_1994 = arith.constant 15 : i32
          %add3A_1995 = arith.addi %mul3A_145, %add3A_1994 : i32
          %get3A_1996 = arith.index_cast %add3A_1995 : i32 to index
          %get3A_1997 = arith.constant 16 : index
          %get3A_1998 = tpu.vector_load %arg22[%get3A_1996, %get3A_1997] {strides = array<i32>} : memref<80x128xf32, #tpu.memory_space<vmem>>, vector<1x16xf32>,
          %get3A_1999 = vector.shape_cast %get3A_1998 : vector<1x16xf32> to vector<16xf32>
          %mul3A_2000 = vector.broadcast %squeeze3A_1978 : f32 to vector<16xf32>
          %mul3A_2001 = arith.mulf %get3A_1999, %mul3A_2000 : vector<16xf32>
          %add3A_2002 = arith.constant 15 : i32
          %add3A_2003 = arith.addi %mul3A_145, %add3A_2002 : i32
          %swap3A_2004 = arith.index_cast %add3A_2003 : i32 to index
          %swap3A_2005 = arith.constant 16 : index
          %swap3A_2006 = tpu.vector_load %arg22[%swap3A_2004, %swap3A_2005] {strides = array<i32>} : memref<80x128xf32, #tpu.memory_space<vmem>>, vector<1x16xf32>,
          %swap3A_2007 = vector.shape_cast %swap3A_2006 : vector<1x16xf32> to vector<16xf32>
          %swap3A_2008 = vector.shape_cast %mul3A_2001 : vector<16xf32> to vector<1x16xf32>
          tpu.vector_store %arg22[%swap3A_2004, %swap3A_2005], %swap3A_2008 {strides = array<i32>} : memref<80x128xf32, #tpu.memory_space<vmem>>, vector<1x16xf32>,
          %add3A_2009 = arith.constant 15 : i32
          %add3A_2010 = arith.addi %mul3A_145, %add3A_2009 : i32
          %get3A_2011 = arith.index_cast %add3A_2010 : i32 to index
          %get3A_2012 = arith.constant 32 : index
          %get3A_2013 = tpu.vector_load %arg22[%get3A_2011, %get3A_2012] {strides = array<i32>} : memref<80x128xf32, #tpu.memory_space<vmem>>, vector<1x16xf32>,
          %get3A_2014 = vector.shape_cast %get3A_2013 : vector<1x16xf32> to vector<16xf32>
          %mul3A_2015 = vector.broadcast %squeeze3A_1978 : f32 to vector<16xf32>
          %mul3A_2016 = arith.mulf %get3A_2014, %mul3A_2015 : vector<16xf32>
          %add3A_2017 = arith.constant 15 : i32
          %add3A_2018 = arith.addi %mul3A_145, %add3A_2017 : i32
          %swap3A_2019 = arith.index_cast %add3A_2018 : i32 to index
          %swap3A_2020 = arith.constant 32 : index
          %swap3A_2021 = tpu.vector_load %arg22[%swap3A_2019, %swap3A_2020] {strides = array<i32>} : memref<80x128xf32, #tpu.memory_space<vmem>>, vector<1x16xf32>,
          %swap3A_2022 = vector.shape_cast %swap3A_2021 : vector<1x16xf32> to vector<16xf32>
          %swap3A_2023 = vector.shape_cast %mul3A_2016 : vector<16xf32> to vector<1x16xf32>
          tpu.vector_store %arg22[%swap3A_2019, %swap3A_2020], %swap3A_2023 {strides = array<i32>} : memref<80x128xf32, #tpu.memory_space<vmem>>, vector<1x16xf32>,
          %add3A_2024 = arith.constant 15 : i32
          %add3A_2025 = arith.addi %mul3A_145, %add3A_2024 : i32
          %get3A_2026 = arith.index_cast %add3A_2025 : i32 to index
          %get3A_2027 = arith.constant 48 : index
          %get3A_2028 = tpu.vector_load %arg22[%get3A_2026, %get3A_2027] {strides = array<i32>} : memref<80x128xf32, #tpu.memory_space<vmem>>, vector<1x16xf32>,
          %get3A_2029 = vector.shape_cast %get3A_2028 : vector<1x16xf32> to vector<16xf32>
          %mul3A_2030 = vector.broadcast %squeeze3A_1978 : f32 to vector<16xf32>
          %mul3A_2031 = arith.mulf %get3A_2029, %mul3A_2030 : vector<16xf32>
          %add3A_2032 = arith.constant 15 : i32
          %add3A_2033 = arith.addi %mul3A_145, %add3A_2032 : i32
          %swap3A_2034 = arith.index_cast %add3A_2033 : i32 to index
          %swap3A_2035 = arith.constant 48 : index
          %swap3A_2036 = tpu.vector_load %arg22[%swap3A_2034, %swap3A_2035] {strides = array<i32>} : memref<80x128xf32, #tpu.memory_space<vmem>>, vector<1x16xf32>,
          %swap3A_2037 = vector.shape_cast %swap3A_2036 : vector<1x16xf32> to vector<16xf32>
          %swap3A_2038 = vector.shape_cast %mul3A_2031 : vector<16xf32> to vector<1x16xf32>
          tpu.vector_store %arg22[%swap3A_2034, %swap3A_2035], %swap3A_2038 {strides = array<i32>} : memref<80x128xf32, #tpu.memory_space<vmem>>, vector<1x16xf32>,
          %add3A_2039 = arith.constant 15 : i32
          %add3A_2040 = arith.addi %mul3A_145, %add3A_2039 : i32
          %get3A_2041 = arith.index_cast %add3A_2040 : i32 to index
          %get3A_2042 = arith.constant 64 : index
          %get3A_2043 = tpu.vector_load %arg22[%get3A_2041, %get3A_2042] {strides = array<i32>} : memref<80x128xf32, #tpu.memory_space<vmem>>, vector<1x16xf32>,
          %get3A_2044 = vector.shape_cast %get3A_2043 : vector<1x16xf32> to vector<16xf32>
          %mul3A_2045 = vector.broadcast %squeeze3A_1978 : f32 to vector<16xf32>
          %mul3A_2046 = arith.mulf %get3A_2044, %mul3A_2045 : vector<16xf32>
          %add3A_2047 = arith.constant 15 : i32
          %add3A_2048 = arith.addi %mul3A_145, %add3A_2047 : i32
          %swap3A_2049 = arith.index_cast %add3A_2048 : i32 to index
          %swap3A_2050 = arith.constant 64 : index
          %swap3A_2051 = tpu.vector_load %arg22[%swap3A_2049, %swap3A_2050] {strides = array<i32>} : memref<80x128xf32, #tpu.memory_space<vmem>>, vector<1x16xf32>,
          %swap3A_2052 = vector.shape_cast %swap3A_2051 : vector<1x16xf32> to vector<16xf32>
          %swap3A_2053 = vector.shape_cast %mul3A_2046 : vector<16xf32> to vector<1x16xf32>
          tpu.vector_store %arg22[%swap3A_2049, %swap3A_2050], %swap3A_2053 {strides = array<i32>} : memref<80x128xf32, #tpu.memory_space<vmem>>, vector<1x16xf32>,
          %add3A_2054 = arith.constant 15 : i32
          %add3A_2055 = arith.addi %mul3A_145, %add3A_2054 : i32
          %get3A_2056 = arith.index_cast %add3A_2055 : i32 to index
          %get3A_2057 = arith.constant 80 : index
          %get3A_2058 = tpu.vector_load %arg22[%get3A_2056, %get3A_2057] {strides = array<i32>} : memref<80x128xf32, #tpu.memory_space<vmem>>, vector<1x16xf32>,
          %get3A_2059 = vector.shape_cast %get3A_2058 : vector<1x16xf32> to vector<16xf32>
          %mul3A_2060 = vector.broadcast %squeeze3A_1978 : f32 to vector<16xf32>
          %mul3A_2061 = arith.mulf %get3A_2059, %mul3A_2060 : vector<16xf32>
          %add3A_2062 = arith.constant 15 : i32
          %add3A_2063 = arith.addi %mul3A_145, %add3A_2062 : i32
          %swap3A_2064 = arith.index_cast %add3A_2063 : i32 to index
          %swap3A_2065 = arith.constant 80 : index
          %swap3A_2066 = tpu.vector_load %arg22[%swap3A_2064, %swap3A_2065] {strides = array<i32>} : memref<80x128xf32, #tpu.memory_space<vmem>>, vector<1x16xf32>,
          %swap3A_2067 = vector.shape_cast %swap3A_2066 : vector<1x16xf32> to vector<16xf32>
          %swap3A_2068 = vector.shape_cast %mul3A_2061 : vector<16xf32> to vector<1x16xf32>
          tpu.vector_store %arg22[%swap3A_2064, %swap3A_2065], %swap3A_2068 {strides = array<i32>} : memref<80x128xf32, #tpu.memory_space<vmem>>, vector<1x16xf32>,
          %add3A_2069 = arith.constant 15 : i32
          %add3A_2070 = arith.addi %mul3A_145, %add3A_2069 : i32
          %get3A_2071 = arith.index_cast %add3A_2070 : i32 to index
          %get3A_2072 = arith.constant 96 : index
          %get3A_2073 = tpu.vector_load %arg22[%get3A_2071, %get3A_2072] {strides = array<i32>} : memref<80x128xf32, #tpu.memory_space<vmem>>, vector<1x16xf32>,
          %get3A_2074 = vector.shape_cast %get3A_2073 : vector<1x16xf32> to vector<16xf32>
          %mul3A_2075 = vector.broadcast %squeeze3A_1978 : f32 to vector<16xf32>
          %mul3A_2076 = arith.mulf %get3A_2074, %mul3A_2075 : vector<16xf32>
          %add3A_2077 = arith.constant 15 : i32
          %add3A_2078 = arith.addi %mul3A_145, %add3A_2077 : i32
          %swap3A_2079 = arith.index_cast %add3A_2078 : i32 to index
          %swap3A_2080 = arith.constant 96 : index
          %swap3A_2081 = tpu.vector_load %arg22[%swap3A_2079, %swap3A_2080] {strides = array<i32>} : memref<80x128xf32, #tpu.memory_space<vmem>>, vector<1x16xf32>,
          %swap3A_2082 = vector.shape_cast %swap3A_2081 : vector<1x16xf32> to vector<16xf32>
          %swap3A_2083 = vector.shape_cast %mul3A_2076 : vector<16xf32> to vector<1x16xf32>
          tpu.vector_store %arg22[%swap3A_2079, %swap3A_2080], %swap3A_2083 {strides = array<i32>} : memref<80x128xf32, #tpu.memory_space<vmem>>, vector<1x16xf32>,
          %add3A_2084 = arith.constant 15 : i32
          %add3A_2085 = arith.addi %mul3A_145, %add3A_2084 : i32
          %get3A_2086 = arith.index_cast %add3A_2085 : i32 to index
          %get3A_2087 = arith.constant 112 : index
          %get3A_2088 = tpu.vector_load %arg22[%get3A_2086, %get3A_2087] {strides = array<i32>} : memref<80x128xf32, #tpu.memory_space<vmem>>, vector<1x16xf32>,
          %get3A_2089 = vector.shape_cast %get3A_2088 : vector<1x16xf32> to vector<16xf32>
          %mul3A_2090 = vector.broadcast %squeeze3A_1978 : f32 to vector<16xf32>
          %mul3A_2091 = arith.mulf %get3A_2089, %mul3A_2090 : vector<16xf32>
          %add3A_2092 = arith.constant 15 : i32
          %add3A_2093 = arith.addi %mul3A_145, %add3A_2092 : i32
          %swap3A_2094 = arith.index_cast %add3A_2093 : i32 to index
          %swap3A_2095 = arith.constant 112 : index
          %swap3A_2096 = tpu.vector_load %arg22[%swap3A_2094, %swap3A_2095] {strides = array<i32>} : memref<80x128xf32, #tpu.memory_space<vmem>>, vector<1x16xf32>,
          %swap3A_2097 = vector.shape_cast %swap3A_2096 : vector<1x16xf32> to vector<16xf32>
          %swap3A_2098 = vector.shape_cast %mul3A_2091 : vector<16xf32> to vector<1x16xf32>
          tpu.vector_store %arg22[%swap3A_2094, %swap3A_2095], %swap3A_2098 {strides = array<i32>} : memref<80x128xf32, #tpu.memory_space<vmem>>, vector<1x16xf32>,
        }
        %scan3A_136 = arith.constant 5 : i32
        %dma_start3A_137 = arith.constant 0 : i32
        %dma_start3A_138 = arith.constant 0 : i32
        %dma_start3A_139 = tpu.memref_slice %arg24[%dma_start3A_137, %dma_start3A_138] : memref<10000x128xf32, #tpu.memory_space<vmem_shared>> -> memref<10000x128xf32, #tpu.memory_space<vmem_shared>>
        tpu.enqueue_indirect_dma source(%arg22 : memref<80x128xf32, #tpu.memory_space<vmem>>) target(%dma_start3A_139 : memref<10000x128xf32, #tpu.memory_space<vmem_shared>>) offsets(%arg18 : memref<80xi32, #tpu.memory_space<vmem>>) semaphore(%arg33 : memref<!tpu.dma_semaphore, #tpu.memory_space<semaphore_mem>>) {add = true}
        %dma_start3A_140 = arith.constant 0 : i32
        %dma_start3A_141 = arith.constant 0 : i32
        %dma_start3A_142 = tpu.memref_slice %arg25[%dma_start3A_140, %dma_start3A_141] : memref<10000x16xf32, #tpu.memory_space<vmem_shared>> -> memref<10000x16xf32, #tpu.memory_space<vmem_shared>>
        tpu.enqueue_indirect_dma source(%arg23 : memref<80x16xf32, #tpu.memory_space<vmem>>) target(%dma_start3A_142 : memref<10000x16xf32, #tpu.memory_space<vmem_shared>>) offsets(%arg18 : memref<80xi32, #tpu.memory_space<vmem>>) semaphore(%arg35 : memref<!tpu.dma_semaphore, #tpu.memory_space<semaphore_mem>>) {add = true}
      } else {
      }
    }
    %scan3A_46 = arith.constant 63 : i32
    %dma_wait3A_47 = arith.constant 0 : i32
    %dma_wait3A_48 = arith.constant 0 : i32
    %dma_wait3A_49 = tpu.memref_slice %arg24[%dma_wait3A_47, %dma_wait3A_48] : memref<10000x128xf32, #tpu.memory_space<vmem_shared>> -> memref<10000x128xf32, #tpu.memory_space<vmem_shared>>
    tpu.wait_indirect_dma semaphore(%arg32 : memref<!tpu.dma_semaphore, #tpu.memory_space<semaphore_mem>>) src(%arg21 : memref<80x128xf32, #tpu.memory_space<vmem>>) dst(%dma_wait3A_49 : memref<10000x128xf32, #tpu.memory_space<vmem_shared>>)
    %dma_wait3A_50 = arith.constant 0 : i32
    %dma_wait3A_51 = arith.constant 0 : i32
    %dma_wait3A_52 = tpu.memref_slice %arg25[%dma_wait3A_50, %dma_wait3A_51] : memref<10000x16xf32, #tpu.memory_space<vmem_shared>> -> memref<10000x16xf32, #tpu.memory_space<vmem_shared>>
    tpu.wait_indirect_dma semaphore(%arg34 : memref<!tpu.dma_semaphore, #tpu.memory_space<semaphore_mem>>) src(%arg23 : memref<80x16xf32, #tpu.memory_space<vmem>>) dst(%dma_wait3A_52 : memref<10000x16xf32, #tpu.memory_space<vmem_shared>>)
    %barrier3A_53 = arith.constant 0 : index
    tpu.barrier barrier_id(%barrier3A_53)
    "tpu.region"() ({
      %run_scoped3A = tpu.sem_alloc : memref<!tpu.dma_semaphore, #tpu.memory_space<semaphore_mem>>
      %dma_start3A_54 = arith.constant 0 : i32
      %dma_start3A_55 = tpu.memref_slice %arg9[%arg0, %multiple_of3A, %dma_start3A_54] : memref<2x10000x128xf32, #tpu.memory_space<hbm>> -> memref<1x625x128xf32, #tpu.memory_space<hbm>>
      %dma_start3A_56 = tpu.memref_squeeze %dma_start3A_55 : memref<1x625x128xf32, #tpu.memory_space<hbm>> -> memref<625x128xf32, #tpu.memory_space<hbm>>
      %dma_start3A_57 = arith.constant 0 : i32
      %dma_start3A_58 = tpu.memref_slice %arg24[%multiple_of3A, %dma_start3A_57] : memref<10000x128xf32, #tpu.memory_space<vmem_shared>> -> memref<625x128xf32, #tpu.memory_space<vmem_shared>>
      tpu.enqueue_dma source(%dma_start3A_58 : memref<625x128xf32, #tpu.memory_space<vmem_shared>>) target(%dma_start3A_56 : memref<625x128xf32, #tpu.memory_space<hbm>>) target_semaphore(%run_scoped3A : memref<!tpu.dma_semaphore, #tpu.memory_space<semaphore_mem>>)
      %dma_wait3A_59 = arith.constant 0 : i32
      %dma_wait3A_60 = tpu.memref_slice %arg9[%arg0, %multiple_of3A, %dma_wait3A_59] : memref<2x10000x128xf32, #tpu.memory_space<hbm>> -> memref<1x625x128xf32, #tpu.memory_space<hbm>>
      %dma_wait3A_61 = tpu.memref_squeeze %dma_wait3A_60 : memref<1x625x128xf32, #tpu.memory_space<hbm>> -> memref<625x128xf32, #tpu.memory_space<hbm>>
      %dma_wait3A_62 = arith.constant 0 : i32
      %dma_wait3A_63 = tpu.memref_slice %arg24[%multiple_of3A, %dma_wait3A_62] : memref<10000x128xf32, #tpu.memory_space<vmem_shared>> -> memref<625x128xf32, #tpu.memory_space<vmem_shared>>
      tpu.wait_dma2 semaphore(%run_scoped3A : memref<!tpu.dma_semaphore, #tpu.memory_space<semaphore_mem>>) src(%dma_wait3A_63 : memref<625x128xf32, #tpu.memory_space<vmem_shared>>) dst(%dma_wait3A_61 : memref<625x128xf32, #tpu.memory_space<hbm>>)
      tpu.yield
    }) : () -> ()
    "tpu.region"() ({
      %run_scoped3A = tpu.sem_alloc : memref<!tpu.dma_semaphore, #tpu.memory_space<semaphore_mem>>
      %dma_start3A_54 = arith.constant 0 : i32
      %dma_start3A_55 = tpu.memref_slice %arg10[%arg0, %multiple_of3A, %dma_start3A_54] : memref<2x10000x16xf32, #tpu.memory_space<hbm>> -> memref<1x625x16xf32, #tpu.memory_space<hbm>>
      %dma_start3A_56 = tpu.memref_squeeze %dma_start3A_55 : memref<1x625x16xf32, #tpu.memory_space<hbm>> -> memref<625x16xf32, #tpu.memory_space<hbm>>
      %dma_start3A_57 = arith.constant 0 : i32
      %dma_start3A_58 = tpu.memref_slice %arg25[%multiple_of3A, %dma_start3A_57] : memref<10000x16xf32, #tpu.memory_space<vmem_shared>> -> memref<625x16xf32, #tpu.memory_space<vmem_shared>>
      tpu.enqueue_dma source(%dma_start3A_58 : memref<625x16xf32, #tpu.memory_space<vmem_shared>>) target(%dma_start3A_56 : memref<625x16xf32, #tpu.memory_space<hbm>>) target_semaphore(%run_scoped3A : memref<!tpu.dma_semaphore, #tpu.memory_space<semaphore_mem>>)
      %dma_wait3A_59 = arith.constant 0 : i32
      %dma_wait3A_60 = tpu.memref_slice %arg10[%arg0, %multiple_of3A, %dma_wait3A_59] : memref<2x10000x16xf32, #tpu.memory_space<hbm>> -> memref<1x625x16xf32, #tpu.memory_space<hbm>>
      %dma_wait3A_61 = tpu.memref_squeeze %dma_wait3A_60 : memref<1x625x16xf32, #tpu.memory_space<hbm>> -> memref<625x16xf32, #tpu.memory_space<hbm>>
      %dma_wait3A_62 = arith.constant 0 : i32
      %dma_wait3A_63 = tpu.memref_slice %arg25[%multiple_of3A, %dma_wait3A_62] : memref<10000x16xf32, #tpu.memory_space<vmem_shared>> -> memref<625x16xf32, #tpu.memory_space<vmem_shared>>
      tpu.wait_dma2 semaphore(%run_scoped3A : memref<!tpu.dma_semaphore, #tpu.memory_space<semaphore_mem>>) src(%dma_wait3A_63 : memref<625x16xf32, #tpu.memory_space<vmem_shared>>) dst(%dma_wait3A_61 : memref<625x16xf32, #tpu.memory_space<hbm>>)
      tpu.yield
    }) : () -> ()
    return
  }
}

module attributes {stable_mosaic.version = 14 : i64} {
  func.func @_tc_body(%arg0: i32, %arg1: memref<2x1000x128xf32, #tpu.memory_space<vmem>>, %arg2: memref<2x1000x16xf32, #tpu.memory_space<vmem>>, %arg3: memref<1000x128xf32, #tpu.memory_space<vmem>>, %arg4: memref<128x128xf32, #tpu.memory_space<vmem>>, %arg5: memref<1x128xf32, #tpu.memory_space<vmem>>, %arg6: memref<128x128xf32, #tpu.memory_space<vmem>>, %arg7: memref<1000x128xf32, #tpu.memory_space<vmem>>, %arg8: memref<1000x128xf32, #tpu.memory_space<vmem>>) attributes {dimension_semantics = [#tpu.dimension_semantics<parallel>], iteration_bounds = array<i64: 10>, scalar_prefetch = 0 : i64, scratch_operands = 0 : i64, tpu.core_type = #tpu.core_type<tc>, window_params = [{transform_indices = @transform_0, window_bounds = array<i64: 2, 1000, 128>}, {transform_indices = @transform_1, window_bounds = array<i64: 2, 1000, 16>}, {transform_indices = @transform_2, window_bounds = array<i64: 1000, 128>}, {pipeline_mode = #tpu.pipeline_mode<synchronous>, transform_indices = @transform_3, window_bounds = array<i64: 128, 128>}, {pipeline_mode = #tpu.pipeline_mode<synchronous>, transform_indices = @transform_4, window_bounds = array<i64: 1, 128>}, {pipeline_mode = #tpu.pipeline_mode<synchronous>, transform_indices = @transform_5, window_bounds = array<i64: 128, 128>}, {transform_indices = @transform_6, window_bounds = array<i64: 1000, 128>}, {transform_indices = @transform_7, window_bounds = array<i64: 1000, 128>}]} {
    %get3A = arith.constant 0 : index
    %get3A_0 = arith.constant 0 : index
    %get3A_1 = arith.constant 0 : index
    %get3A_2 = vector.load %arg1[%get3A, %get3A_0, %get3A_1] : memref<2x1000x128xf32, #tpu.memory_space<vmem>>, vector<1x1000x128xf32>
    %get3A_3 = vector.shape_cast %get3A_2 : vector<1x1000x128xf32> to vector<1000x128xf32>
    %get3A_4 = arith.constant 1 : index
    %get3A_5 = arith.constant 0 : index
    %get3A_6 = arith.constant 0 : index
    %get3A_7 = vector.load %arg1[%get3A_4, %get3A_5, %get3A_6] : memref<2x1000x128xf32, #tpu.memory_space<vmem>>, vector<1x1000x128xf32>
    %get3A_8 = vector.shape_cast %get3A_7 : vector<1x1000x128xf32> to vector<1000x128xf32>
    %add3A = arith.addf %get3A_3, %get3A_8 : vector<1000x128xf32>
    %get3A_9 = arith.constant 0 : index
    %get3A_10 = arith.constant 0 : index
    %get3A_11 = arith.constant 0 : index
    %get3A_12 = vector.load %arg2[%get3A_9, %get3A_10, %get3A_11] : memref<2x1000x16xf32, #tpu.memory_space<vmem>>, vector<1x1000x1xf32>
    %get3A_13 = vector.shape_cast %get3A_12 : vector<1x1000x1xf32> to vector<1000x1xf32>
    %get3A_14 = arith.constant 1 : index
    %get3A_15 = arith.constant 0 : index
    %get3A_16 = arith.constant 0 : index
    %get3A_17 = vector.load %arg2[%get3A_14, %get3A_15, %get3A_16] : memref<2x1000x16xf32, #tpu.memory_space<vmem>>, vector<1x1000x1xf32>
    %get3A_18 = vector.shape_cast %get3A_17 : vector<1x1000x1xf32> to vector<1000x1xf32>
    %add3A_19 = arith.addf %get3A_13, %get3A_18 : vector<1000x1xf32>
    %max3A = arith.constant 1.000000e+00 : f32
    %max3A_20 = vector.broadcast %max3A : f32 to vector<1000x1xf32>
    %max3A_21 = arith.maximumf %add3A_19, %max3A_20 : vector<1000x1xf32>
    %div3A = vector.broadcast %max3A_21 : vector<1000x1xf32> to vector<1000x128xf32>
    %div3A_22 = arith.divf %add3A, %div3A : vector<1000x128xf32>
    %get3A_23 = arith.constant 0 : index
    %get3A_24 = arith.constant 0 : index
    %get3A_25 = vector.load %arg4[%get3A_23, %get3A_24] : memref<128x128xf32, #tpu.memory_space<vmem>>, vector<128x128xf32>
    %dot_general3A = arith.constant dense<0.000000e+00> : vector<1000x128xf32>
    %dot_general3A_26 = tpu.matmul %div3A_22, %get3A_25, %dot_general3A {dimension_numbers = #tpu.dot_dimension_numbers<[1], [1], [0], [0], [0, 0, 1, 0], [], []>, transpose_lhs_hint = false} : vector<1000x128xf32>, vector<128x128xf32>, vector<1000x128xf32> -> vector<1000x128xf32>
    %get3A_27 = arith.constant 0 : index
    %get3A_28 = arith.constant 0 : index
    %get3A_29 = vector.load %arg5[%get3A_27, %get3A_28] : memref<1x128xf32, #tpu.memory_space<vmem>>, vector<1x128xf32>
    %add3A_30 = vector.broadcast %get3A_29 : vector<1x128xf32> to vector<1000x128xf32>
    %add3A_31 = arith.addf %dot_general3A_26, %add3A_30 : vector<1000x128xf32>
    %get3A_32 = arith.constant 0 : index
    %get3A_33 = arith.constant 0 : index
    %get3A_34 = vector.load %arg3[%get3A_32, %get3A_33] : memref<1000x128xf32, #tpu.memory_space<vmem>>, vector<1000x128xf32>
    %get3A_35 = arith.constant 0 : index
    %get3A_36 = arith.constant 0 : index
    %get3A_37 = vector.load %arg6[%get3A_35, %get3A_36] : memref<128x128xf32, #tpu.memory_space<vmem>>, vector<128x128xf32>
    %dot_general3A_38 = arith.constant dense<0.000000e+00> : vector<1000x128xf32>
    %dot_general3A_39 = tpu.matmul %get3A_34, %get3A_37, %dot_general3A_38 {dimension_numbers = #tpu.dot_dimension_numbers<[1], [1], [0], [0], [0, 0, 1, 0], [], []>, transpose_lhs_hint = false} : vector<1000x128xf32>, vector<128x128xf32>, vector<1000x128xf32> -> vector<1000x128xf32>
    %add3A_40 = arith.addf %add3A_31, %dot_general3A_39 : vector<1000x128xf32>
    %swap3A = arith.constant 0 : index
    %swap3A_41 = arith.constant 0 : index
    %swap3A_42 = vector.load %arg7[%swap3A, %swap3A_41] : memref<1000x128xf32, #tpu.memory_space<vmem>>, vector<1000x128xf32>
    tpu.vector_store %arg7[%swap3A, %swap3A_41], %add3A_40 {strides = array<i32>} : memref<1000x128xf32, #tpu.memory_space<vmem>>, vector<1000x128xf32>,
    %reduce_max3A = arith.constant dense<0xFF800000> : vector<1000xf32>
    %reduce_max3A_43 = vector.multi_reduction <maximumf>, %add3A_40, %reduce_max3A [1] : vector<1000x128xf32> to vector<1000xf32>
    %broadcast_in_dim3A = vector.shape_cast %reduce_max3A_43 : vector<1000xf32> to vector<1000x1xf32>
    %sub3A = vector.broadcast %broadcast_in_dim3A : vector<1000x1xf32> to vector<1000x128xf32>
    %sub3A_44 = arith.subf %add3A_40, %sub3A : vector<1000x128xf32>
    %exp3A = math.exp %sub3A_44 : vector<1000x128xf32>
    %reduce_sum3A = arith.constant dense<0.000000e+00> : vector<1000xf32>
    %reduce_sum3A_45 = vector.multi_reduction <add>, %exp3A, %reduce_sum3A [1] : vector<1000x128xf32> to vector<1000xf32>
    %broadcast_in_dim3A_46 = vector.shape_cast %reduce_sum3A_45 : vector<1000xf32> to vector<1000x1xf32>
    %log3A = math.log %broadcast_in_dim3A_46 : vector<1000x1xf32>
    %sub3A_47 = vector.broadcast %log3A : vector<1000x1xf32> to vector<1000x128xf32>
    %sub3A_48 = arith.subf %sub3A_44, %sub3A_47 : vector<1000x128xf32>
    %swap3A_49 = arith.constant 0 : index
    %swap3A_50 = arith.constant 0 : index
    %swap3A_51 = vector.load %arg8[%swap3A_49, %swap3A_50] : memref<1000x128xf32, #tpu.memory_space<vmem>>, vector<1000x128xf32>
    tpu.vector_store %arg8[%swap3A_49, %swap3A_50], %sub3A_48 {strides = array<i32>} : memref<1000x128xf32, #tpu.memory_space<vmem>>, vector<1000x128xf32>,
    return
  }
  func.func @transform_0(%arg0: i32) -> (i32, i32, i32) {
    %c0_i32 = arith.constant 0 : i32
    %c0_i32_0 = arith.constant 0 : i32
    %c0_i32_1 = arith.constant 0 : i32
    return %c0_i32, %arg0, %c0_i32_0 : i32, i32, i32
  }
  func.func @transform_1(%arg0: i32) -> (i32, i32, i32) {
    %c0_i32 = arith.constant 0 : i32
    %c0_i32_0 = arith.constant 0 : i32
    %c0_i32_1 = arith.constant 0 : i32
    return %c0_i32, %arg0, %c0_i32_0 : i32, i32, i32
  }
  func.func @transform_2(%arg0: i32) -> (i32, i32) {
    %c0_i32 = arith.constant 0 : i32
    %c0_i32_0 = arith.constant 0 : i32
    return %arg0, %c0_i32 : i32, i32
  }
  func.func @transform_3(%arg0: i32) -> (i32, i32) {
    %c0_i32 = arith.constant 0 : i32
    %c0_i32_0 = arith.constant 0 : i32
    %c0_i32_1 = arith.constant 0 : i32
    return %c0_i32, %c0_i32_0 : i32, i32
  }
  func.func @transform_4(%arg0: i32) -> (i32, i32) {
    %c0_i32 = arith.constant 0 : i32
    %c0_i32_0 = arith.constant 0 : i32
    %c0_i32_1 = arith.constant 0 : i32
    return %c0_i32, %c0_i32_0 : i32, i32
  }
  func.func @transform_5(%arg0: i32) -> (i32, i32) {
    %c0_i32 = arith.constant 0 : i32
    %c0_i32_0 = arith.constant 0 : i32
    %c0_i32_1 = arith.constant 0 : i32
    return %c0_i32, %c0_i32_0 : i32, i32
  }
  func.func @transform_6(%arg0: i32) -> (i32, i32) {
    %c0_i32 = arith.constant 0 : i32
    %c0_i32_0 = arith.constant 0 : i32
    return %arg0, %c0_i32 : i32, i32
  }
  func.func @transform_7(%arg0: i32) -> (i32, i32) {
    %c0_i32 = arith.constant 0 : i32
    %c0_i32_0 = arith.constant 0 : i32
    return %arg0, %c0_i32 : i32, i32
  }
}

</mosaic_0001>

<sc_bundles>
// kernel: kernel.4.cloned.1.call-start
scs
__scs_entry_jumppad:
0x0: {  	(pc) =	sbr.rel $0x88, $3  }
0x1: {  	(tag) =	ssettag $0x0;
	lr =	simm.s32 $0x1  }
0x2: {  	[smem:$0x3F9A] =	sst lr;
	_ =	strace $0xD0000000  }
0x3: {  	_ = 	snop  }
0x4: {  	_ = 	snop  }
0x5: {  	_ = 	snop  }
0x6: {  	_ = 	snop  }
0x7: {  	_ = 	snop  }
__scs_overlays_trampoline_lowered:
0x8: {  	[smem:$0x3FA9] =	sst s0  }
0x9: {  	[smem:$0x3FAA] =	sst s1  }
0xa: {  	[smem:$0x3FAB] =	sst s2  }
0xb: {  	[smem:$0x3FAC] =	sst s3  }
0xc: {  	[smem:$0x3FAD] =	sst s4  }
0xd: {  	[smem:$0x3FAE] =	sst s5  }
0xe: {  	[smem:$0x3FAF] =	sst s6  }
0xf: {  	[smem:$0x3FB0] =	sst s7  }
0x10: {  	[smem:$0x3FB1] =	sst s8  }
0x11: {  	[smem:$0x3FB2] =	sst s9;
	s0 =	simm.s32 @!p0 $0x0  }
0x12: {  	s1 =	sld [smem:$0x3F98];
	s0 =	simm.s32 @p0 $0x1  }
0x13: {  	[smem:$0x3FB3] =	sst s0;
	s0 =	simm.s32 @!p1 $0x0  }
0x14: {  	s2 =	sld [smem:$0x3F97];
	s0 =	simm.s32 @p1 $0x1  }
0x15: {  	[smem:$0x3FB4] =	sst s0;
	s0 =	simm.s32 @!p2 $0x0  }
0x16: {  	s3 =	sld [smem:$0x3FDB];
	s0 =	simm.s32 @p2 $0x1  }
0x17: {  	s4 =	simm.s32 $0x1BF5;
	[smem:$0x3FB6] =	sst s0  }
0x18: {  	s0 =	sld [smem:$0x3F99];
	_ =	swait.ge [sflag:s4], $0x0  }
0x19: {  	s7 =	sld [smem:$0x3F9A]  }
0x1a: {  	s8 =	sadd.s32 $0xFFFFE003, lr  }
0x1b: {  	s9 =	sadd.s32 $0xFFFFFEF7, lr;
	s5 =	simm.s32 $0xFFFFFFFF;
	p2 =	slt.u32 s8, $0xFFFFF086  }
0x1c: {  	p1 =	slt.u32 s9, $0xF7A;
	s5 =	simm.s32 @!p2 $0x0  }
0x1d: {  	s5 =	simm.s32 @p1 $0x1;
	p0 =	seq.s32 s7, s2  }
0x1e: {  	s7 =	smul.u32 @!p0 $0xF7A, s2;
	p2 =	seq.s32 @!p0 s5, $0x0  }
0x1f: {  	s9 =	smul.u32 $0xF7A, s1;
	s8 =	simm.s32 @!p0 $0x1BF5;
	p2 =	por !p2, p0  }
0x20: {  	[sflag:s8] =	ssyncset.s32 @!p0 $0xFFFFF086;
	s6 =	sadd.s32 @!p0 s3, s7;
	s7 =	simm.s32 @!p0 $0x108  }
0x21: {  	s3 =	sadd.s32 s3, s9;
	s6 =	sadd.s32 @!p0 $0x88, s6;
	s7 =	simm.s32 @p2 $0x1082  }
0x22: {  	[simem:s7], [sflag:s8] =	dma.local @!p0 [hbm:s6], $0xF7A  }
0x23: {  	s9 =	sor.u32 $0xD0000000, s2;
	s6 =	simm.s32 $0x108;
	_ =	swait.ge @!p0 [sflag:s8], $0x0  }
0x24: {  	s3 =	sadd.s32 $0x88, s3;
	s6 =	simm.s32 @!p1 $0x1082;
	[sflag:s4] =	ssyncset.s32 $0xFFFFF086  }
0x25: {  	[simem:s6], [sflag:s4] =	dma.local [hbm:s3], $0xF7A  }
0x26: {  	[smem:$0x3F9A] =	sst s1;
	(tag) =	ssettag s2;
	_ =	strace s9  }
0x27: {  	s1 =	sld [smem:$0x3FAA]  }
0x28: {  	s2 =	sld [smem:$0x3FAB]  }
0x29: {  	s4 =	sld [smem:$0x3FAD]  }
0x2a: {  	p0 =	seq.s32 s5, $0x0;
	s5 =	sld [smem:$0x3FAE]  }
0x2b: {  	s6 =	sld [smem:$0x3FAF]  }
0x2c: {  	s7 =	sld [smem:$0x3FB0]  }
0x2d: {  	s3 =	simm.s32 $0x108;
	s8 =	sld [smem:$0x3FB1]  }
0x2e: {  	s3 =	simm.s32 @!p0 $0x1082;
	s9 =	sld [smem:$0x3FB2]  }
0x2f: {  	lr =	sadd.s32 s0, s3;
	s0 =	sld [smem:$0x3FA9]  }
0x30: {  	s3 =	sld [smem:$0x3FAC]  }
0x31: {  	[smem:$0x3FB5] =	sst s10  }
0x32: {  	s10 =	sld [smem:$0x3FB3];
	_ =	sdelay $0x3  }
0x33: {  	p0 =	seq.s32 s10, $0x1;
	s10 =	sld [smem:$0x3FB5];
	_ =	sdelay $0x3  }
0x34: {  	[smem:$0x3FB5] =	sst s10  }
0x35: {  	s10 =	sld [smem:$0x3FB4];
	_ =	sdelay $0x3  }
0x36: {  	p1 =	seq.s32 s10, $0x1;
	s10 =	sld [smem:$0x3FB5];
	_ =	sdelay $0x3  }
0x37: {  	[smem:$0x3FB5] =	sst s10  }
0x38: {  	s10 =	sld [smem:$0x3FB6]  }
0x39: {  	_ = 	snop;
	(pc) =	sbr.ind lr, $3  }
0x3a: {  	_ = 	snop  }
0x3b: {  	_ = 	snop  }
0x3c: {  	p2 =	seq.s32 s10, $0x1;
	s10 =	sld [smem:$0x3FB5]  }
0x3d: {  	_ =	shalt  }
0x3e: {  	_ =	shalt  }
0x3f: {  	_ =	shalt  }
0x40: {  	_ =	shalt  }
0x41: {  	_ =	shalt  }
0x42: {  	_ =	shalt  }
0x43: {  	_ =	shalt  }
0x44: {  	_ =	shalt  }
0x45: {  	_ =	shalt  }
0x46: {  	_ =	shalt  }
0x47: {  	_ =	shalt  }
0x48: {  	_ =	shalt  }
0x49: {  	_ =	shalt  }
0x4a: {  	_ =	shalt  }
0x4b: {  	_ =	shalt  }
0x4c: {  	_ =	shalt  }
0x4d: {  	_ =	shalt  }
0x4e: {  	_ =	shalt  }
0x4f: {  	_ =	shalt  }
0x50: {  	_ =	shalt  }
0x51: {  	_ =	shalt  }
0x52: {  	_ =	shalt  }
0x53: {  	_ =	shalt  }
0x54: {  	_ =	shalt  }
0x55: {  	_ =	shalt  }
0x56: {  	_ =	shalt  }
0x57: {  	_ =	shalt  }
0x58: {  	_ =	shalt  }
0x59: {  	_ =	shalt  }
0x5a: {  	_ =	shalt  }
0x5b: {  	_ =	shalt  }
0x5c: {  	_ =	shalt  }
0x5d: {  	_ =	shalt  }
0x5e: {  	_ =	shalt  }
0x5f: {  	_ =	shalt  }
0x60: {  	_ =	shalt  }
0x61: {  	_ =	shalt  }
0x62: {  	_ =	shalt  }
0x63: {  	_ =	shalt  }
0x64: {  	_ =	shalt  }
0x65: {  	_ =	shalt  }
0x66: {  	_ =	shalt  }
0x67: {  	_ =	shalt  }
0x68: {  	_ =	shalt  }
0x69: {  	_ =	shalt  }
0x6a: {  	_ =	shalt  }
0x6b: {  	_ =	shalt  }
0x6c: {  	_ =	shalt  }
0x6d: {  	_ =	shalt  }
0x6e: {  	_ =	shalt  }
0x6f: {  	_ =	shalt  }
0x70: {  	_ =	shalt  }
0x71: {  	_ =	shalt  }
0x72: {  	_ =	shalt  }
0x73: {  	_ =	shalt  }
0x74: {  	_ =	shalt  }
0x75: {  	_ =	shalt  }
0x76: {  	_ =	shalt  }
0x77: {  	_ =	shalt  }
0x78: {  	_ =	shalt  }
0x79: {  	_ =	shalt  }
0x7a: {  	_ =	shalt  }
0x7b: {  	_ =	shalt  }
0x7c: {  	_ =	shalt  }
0x7d: {  	_ =	shalt  }
0x7e: {  	_ =	shalt  }
0x7f: {  	_ =	shalt  }
0x80: {  	_ =	shalt  }
0x81: {  	_ =	shalt  }
0x82: {  	_ =	shalt  }
0x83: {  	_ =	shalt  }
0x84: {  	_ =	shalt  }
0x85: {  	_ =	shalt  }
0x86: {  	_ =	shalt  }
0x87: {  	_ =	shalt  }
.Lfunc_end0:
.L_simem_size_0:
called_computation_lowered:
.L_overlay_start_0:
0x88: {  	s2 =	sld [smem:$0x3FD9]  }
0x89: {  	s3 =	sld [smem:$0x3FFE];
	_ =	sdelay $0x1  }
0x8a: {  	s1 =	srdreg.scid  }
0x8b: {  	s0 =	sand.u32 $0x1, s1  }
0x8c: {  	s14 =	sshll.u32 s0, $0xA;
	s2 =	sadd.s32 s3, s2  }
0x8d: {  	s2 =	sadd.s32 s2, s14  }
0x8e: {  	[smem:$0x3FC1] =	sst s2  }
0x8f: {  	_ = 	snop  }
0x90: {  	s2 =	sld [smem:$0x3FD0]  }
0x91: {  	s15 =	sld [smem:$0x3FC9]  }
0x92: {  	s4 =	sld [smem:$0x3FC7]  }
0x93: {  	s6 =	simm.s32 $0xA;
	s7 =	simm.s32 $0x10;
	s5 =	sld [smem:$0x3FC6]  }
0x94: {  	[smem:s7], [sflag:s6] =	dma.local [hbm:s2], $0x1  }
0x95: {  	_ =	swait.eq [sflag:s6], $0x1  }
0x96: {  	[sflag:s6] =	ssyncset.done $0x0  }
0x97: {  	s16 =	sld [smem:$0x10];
	[sflag:s6] =	ssyncadd.s32 $0xFFFFFFFF  }
0x98: {  	s17 =	sld [smem:$0x11];
	(tm) =	ssettm $0x1  }
0x99: {  	s18 =	sld [smem:$0x3FFB];
	_ =	sdelay $0x3  }
0x9a: {  	_ =	strace s18  }
0x9b: {  	s7 =	sld [smem:$0x3FFC];
	_ =	sdelay $0x3  }
0x9c: {  	_ =	strace s7  }
0x9d: {  	s7 =	sld [smem:$0x3FFD];
	_ =	sdelay $0x3  }
0x9e: {  	_ =	strace s7  }
0x9f: {  	_ =	strace $0x8FFFFFFF  }
0xa0: {  	s19 =	sld [smem:$0x3FDB];
	_ =	sdelay $0x1  }
0xa1: {  	s8 =	simm.s32 $_scs_section_size  }
0xa2: {  	s9 =	simm.s32 $_size__tile_overlayer_lowered;
	s10 =	simm.s32 $_tile_overlayer_lowered  }
0xa3: {  	s22 =	simm.s32 $0x1BFF;
	s21 =	sshll.u32 s10, $0x1;
	s7 =	sadd.s32 s8, s19  }
0xa4: {  	s11 =	simm.s32 $0x0;
	s20 =	sshll.u32 s9, $0x1;
	s9 =	sadd.s32 s21, s7  }
0xa5: {  	[timem:s11], [sflag:s22] =	dma.local [hbm:s9], s20  }
0xa6: {  	_ =	swait.ge [sflag:s22], s20  }
0xa7: {  	s8 =	ssub.s32 $0x0, s20;
	[sflag:s22] =	ssyncset.done $0x0  }
0xa8: {  	[sflag:s22] =	ssyncadd.s32 s8;
	_ =	sdelay $0x1  }
0xa9: {  	s23 =	simm.s32 $0x1B8B  }
0xaa: {  	_ =	swait.ge [sflag:s23], $0x1  }
0xab: {  	[sflag:s23] =	ssyncset.done $0x0  }
0xac: {  	s25 =	simm.s32 $0x1B8E;
	s24 =	sld [smem:$0x3FFE];
	[sflag:s23] =	ssyncadd.s32 $0xFFFFFFFF  }
0xad: {  	s26 =	simm.s32 $execute0_lowered;
	[smem:$0x3FD2] =	sst s25  }
0xae: {  	s9 =	sshll.u32 s26, $0x1;
	_ =	strace $0x80000046;
	[dreg:$0x1] =	wrdreg $0xFFFFFFFF  }
0xaf: {  	s28 =	simm.s32 $_size_execute0_lowered;
	s7 =	sadd.s32 s7, s9;
	[dreg:$0x0] =	wrdreg $0x0  }
0xb0: {  	s9 =	sshll.u32 s28, $0x1;
	[dreg:$0x2] =	wrdreg s7  }
0xb1: {  	[dreg:$0x3] =	wrdreg s9  }
0xb2: {  	[dreg:$0x4] =	wrdreg $0xC0  }
0xb3: {  	_ =	task [dreg:s11], $0x5FFFF  }
0xb4: {  	[dreg:$0x1] =	wrdreg $0xFFFFFFFF  }
0xb5: {  	[dreg:$0x0] =	wrdreg $0x60  }
0xb6: {  	[dreg:$0x2] =	wrdreg s24  }
0xb7: {  	[dreg:$0x3] =	wrdreg s16  }
0xb8: {  	[dreg:$0x4] =	wrdreg s4  }
0xb9: {  	[dreg:$0x5] =	wrdreg s5  }
0xba: {  	[dreg:$0x6] =	wrdreg s15  }
0xbb: {  	[dreg:$0x7] =	wrdreg s17  }
0xbc: {  	[dreg:$0x8] =	wrdreg $0x58200  }
0xbd: {  	[dreg:$0x9] =	wrdreg $0x190A00  }
0xbe: {  	[dreg:$0xa] =	wrdreg $0x9  }
0xbf: {  	_ =	task.clear_ibuf [dreg:s11], $0xBFFFF;
	_ =	strace $0x90000046  }
0xc0: {  	s29 =	simm.s32 $0x9;
	_ =	strace $0x80000048  }
0xc1: {  	_ =	swait.ge [sflag:s29], $0x1  }
0xc2: {  	[sflag:s29] =	ssyncadd.s32 $0xFFFFFFFF  }
0xc3: {  	_ =	strace $0x90000048  }
0xc4: {  	_ =	sfence  }
0xc5: {  	s30 =	sld [smem:$0x0];
	_ =	sdelay $0x2  }
0xc6: {  	s31 =	sshll.u32 s1, $0xD;
	s1 =	sshrl.u32 s1, $0x2  }
0xc7: {  	s3 =	sand.u32 $0x4000, s31;
	s1 =	sadd.s32 s1, s30  }
0xc8: {  	s0 =	sor.u32 s3, s0;
	s1 =	sshll.u32 s1, $0x11  }
0xc9: {  	s0 =	sor.u32 s1, s0  }
0xca: {  	s0 =	sadd.s32 $0x8F2B, s0  }
0xcb: {  	[sflag:s0] =	ssyncadd.remote.s32 $0x1  }
0xcc: {  	_ =	sfence.sel $0xFFFF  }
0xcd: {  	[dreg:$0x0] =	wrdreg $0xFFFFFFFF;
	(pc) =	sbr.abs _section_cstart, $3  }
0xce: {  	[dreg:$0x1] =	wrdreg $0xFFFFFFFF  }
0xcf: {  	_ =	task.clear_ibuf [dreg:s11], $0x2FFFF;
	_ =	strace $0x9FFFFFFF  }
0xd0: {  	(tm) =	ssettm $0x7FFFFFFF  }
0xd1: {  	_ =	shalt  }
tec
execute0_lowered:
.L_overlay_start_1:
0x0: {  	(tag) =	ssettag $0x1  }
0x1: {  	s1 =	rddreg [dreg:$0x0]  }
0x2: {  	s0 =	rddreg [dreg:$0x1]  }
0x3: {  	s2 =	rddreg [dreg:$0x2]  }
0x4: {  	s3 =	rddreg [dreg:$0x3]  }
0x5: {  	s4 =	rddreg [dreg:$0x4]  }
0x6: {  	s5 =	rddreg [dreg:$0x5]  }
0x7: {  	s6 =	rddreg [dreg:$0x6]  }
0x8: {  	s7 =	rddreg [dreg:$0x7];
	s19 =	stileid.u32;
	s8 =	simm.s32 $0x0  }
0x9: {  	s9 =	srdreg.scid;
	s28 =	simm.s32 $0x140;
	s29 =	simm.s32 $0x50  }
0xa: {  	s30 =	simm.s32 $0xB;
	s10 =	smul.u32 $0x2710, s19;
	[smem:$0x7FF] =	sst s8  }
0xb: {  	s11 =	sand.u32 $0x1, s9;
	s12 =	smul.u32 $0x13880, s19;
	s9 =	sadd.s32 $0x1000, s1  }
0xc: {  	s15 =	sshll.u32 s19, $0x1;
	s22 =	sshll.u32 s19, $0x6;
	s13 =	smul.u32 $0x138800, s11  }
0xd: {  	s19 =	simm.s32 $0x4;
	_ =	strace $0x80000047;
	s16 =	smul.u32 $0x27100, s11  }
0xe: {  	s15 =	sor.u32 s11, s15;
	s11 =	ssub.s32 $0x2, s11;
	s22 =	sor.u32 $0x1C0B, s22  }
0xf: {  	s14 =	sshrl.u32 s10, $0x3;
	s15 =	smul.u32 $0x2710, s15;
	s17 =	sshrl.u32 s11, $0x1  }
0x10: {  	s21 =	sadd.s32 s12, s6;
	s23 =	sadd.s32 s10, s7;
	[dreg:$0x11] =	wrdreg s22  }
0x11: {  	s13 =	sadd.s32 s12, s13;
	s14 =	sadd.s32 s14, s1;
	s16 =	sadd.s32 s10, s16  }
0x12: {  	s11 =	ssub.s32 s11, s17;
	[dreg:$0xf] =	wrdreg s21;
	s12 =	sshrl.u32 s12, $0x3  }
0x13: {  	[dreg:$0x12] =	wrdreg s23;
	s10 =	simm.s32 $0x320;
	s17 =	simm.s32 $0x5320  }
0x14: {  	s23 =	simm.s32 $0x7;
	s18 =	sshrl.u32 s15, $0x3;
	s5 =	sadd.s32 s5, s12  }
0x15: {  	s13 =	sshrl.u32 s13, $0x3;
	s24 =	sadd.s32 s9, s18;
	[dreg:$0x10] =	wrdreg s5  }
0x16: {  	s16 =	sshrl.u32 s16, $0x3;
	s25 =	sadd.s32 s0, s18;
	[dreg:$0x9] =	wrdreg s24  }
0x17: {  	s26 =	sadd.s32 s2, s18;
	s31 =	sadd.s32 $0xA, s18;
	[dreg:$0xa] =	wrdreg s25  }
0x18: {  	s21 =	sadd.s32 $0xA0, s15;
	[dreg:$0xb] =	wrdreg s26;
	s18 =	sadd.s32 s9, s31  }
0x19: {  	s13 =	sadd.s32 s13, s1;
	s20 =	sadd.s32 s0, s31;
	[dreg:$0xc] =	wrdreg s18  }
0x1a: {  	s1 =	sadd.s32 s16, s1;
	s16 =	sadd.s32 s2, s31;
	[dreg:$0xd] =	wrdreg s20  }
0x1b: {  	s12 =	simm.s32 $0x5;
	s24 =	sadd.s32 $0xAE00, s14;
	[dreg:$0xe] =	wrdreg s16  }
0x1c: {  	s5 =	simm.s32 $0x1;
	s25 =	sadd.s32 $0xF0, s15;
	[dreg:$0x13] =	wrdreg s24  }
0x1d: {  	s26 =	sadd.s32 $0x19C00, s13;
	s1 =	sadd.s32 $0xFE00, s1;
	[dreg:$0x14] =	wrdreg s25  }
.Ltmp0:
0x1e: {  	s31 =	smax.u32 s11, $0x1;
	[dreg:$0x15] =	wrdreg s26;
	(pc) =	sbr.rel .LBB2_1-.Ltmp0, $4  }
0x1f: {  	s11 =	simm.s32 $0x3;
	s13 =	simm.s32 $0x2;
	[dreg:$0x16] =	wrdreg s1  }
0x20: {  	s15 =	simm.s32 $0x2B20;
	[dreg:$0x17] =	wrdreg s31;
	s16 =	simm.s32 $0x1E0  }
0x21: {  	s20 =	simm.s32 $0x6;
	s24 =	simm.s32 $0x9;
	s25 =	simm.s32 $0x230  }
0x22: {  	v0 =	vimm.f32 $1.000000000e+00;
	s18 =	simm.s32 $0x8;
	s1 =	simm.s32 $0xA;
	s26 =	simm.s32 $0x0  }
.LBB2_15:
0x23: {  	_ =	swait.ge [sflag:s23], $0x2800  }
0x24: {  	[sflag:s23] =	ssyncset.done $0x0  }
0x25: {  	[sflag:s23] =	ssyncadd.s32 $0xFFFFD800  }
0x26: {  	_ =	swait.ge [sflag:s24], $0x500  }
0x27: {  	[sflag:s24] =	ssyncset.done $0x0  }
0x28: {  	[sflag:s24] =	ssyncadd.s32 $0xFFFFFB00  }
0x29: {  	[bflag:$0x0] =	sbarrier.arrive $0xFFFF  }
0x2a: {  	s22 =	rddreg [dreg:$0x11]  }
0x2b: {  	s14 =	rddreg [dreg:$0x15]  }
0x2c: {  	s30 =	simm.s32 $0xB;
	s26 =	rddreg [dreg:$0x19]  }
0x2d: {  	[hbm:s14], [sflag:s22] =	dma.local [spmem:s26], $0x2710  }
0x2e: {  	_ =	swait.ge [sflag:s30], $0x2710  }
0x2f: {  	[sflag:s30] =	ssyncset.done $0x0;
	s26 =	rddreg [dreg:$0x16]  }
0x30: {  	s31 =	rddreg [dreg:$0x1a];
	[sflag:s30] =	ssyncadd.s32 $0xFFFFD8F0  }
0x31: {  	[hbm:s26], [sflag:s22] =	dma.local [spmem:s31], $0x4E2  }
0x32: {  	_ =	swait.ge [sflag:s30], $0x4E2  }
0x33: {  	s14 =	rddreg [dreg:$0x18]  }
0x34: {  	s31 =	rddreg [dreg:$0x17];
	s26 =	sadd.s32 $0x1, s14  }
0x35: {  	p0 =	sne.s32 s26, s31  }
.Ltmp1:
0x36: {  	_ = 	snop;
	(pc) =	sbr.rel @!p0 .LBB2_16-.Ltmp1, $3  }
0x37: {  	_ =	sdelay $0x1  }
0x38: {  	[sflag:s30] =	ssyncset.done $0x0  }
0x39: {  	[sflag:s30] =	ssyncadd.s32 $0xFFFFFB1E  }
.LBB2_1:
0x3a: {  	[dreg:$0x18] =	wrdreg s26  }
0x3b: {  	s14 =	rddreg [dreg:$0x9]  }
0x3c: {  	[tilespmem:s8], [sflag:$0x1] =	stream.linear.gather [hbm4b:s14+s8], $0x50, $0x38;
	[tilespmem:$0x1B7B0] =	vst v63  }
0x3d: {  	s26 =	rddreg [dreg:$0xa];
	s31 =	simm.s32 $0xA0  }
0x3e: {  	[tilespmem:s31], [sflag:$0x1] =	stream.linear.gather [hbm4b:s26+s8], $0x50, $0x38;
	[tilespmem:$0x1B7B0] =	vst v63  }
0x3f: {  	s26 =	rddreg [dreg:$0xb]  }
0x40: {  	[tilespmem:s28], [sflag:$0x1] =	stream.linear.gather [hbm4b:s26+s8], $0x50, $0x38;
	[tilespmem:$0x1B7B0] =	vst v63  }
0x41: {  	s31 =	rddreg [dreg:$0xc]  }
0x42: {  	[tilespmem:s29], [sflag:$0x2] =	stream.linear.gather [hbm4b:s31+s8], $0x50, $0x38;
	[tilespmem:$0x1B7B0] =	vst v63  }
0x43: {  	s26 =	rddreg [dreg:$0xd];
	s31 =	simm.s32 $0xF0  }
0x44: {  	[tilespmem:s31], [sflag:$0x2] =	stream.linear.gather [hbm4b:s26+s8], $0x50, $0x38;
	[tilespmem:$0x1B7B0] =	vst v63  }
0x45: {  	s26 =	rddreg [dreg:$0xe];
	s31 =	simm.s32 $0x190  }
0x46: {  	[tilespmem:s31], [sflag:$0x2] =	stream.linear.gather [hbm4b:s26+s8], $0x50, $0x38;
	[tilespmem:$0x1B7B0] =	vst v63  }
0x47: {  	s31 =	rddreg [dreg:$0xf]  }
0x48: {  	s14 =	sshrl.u32 s31, $0x3;
	s31 =	rddreg [dreg:$0x10]  }
0x49: {  	[dreg:$0x19] =	wrdreg s14  }
0x4a: {  	[spmem:s14], [sflag:s22] =	dma.local [hbm:s31], $0x2710  }
0x4b: {  	_ =	swait.ge [sflag:s30], $0x2710  }
0x4c: {  	s31 =	rddreg [dreg:$0x12]  }
0x4d: {  	[sflag:s30] =	ssyncset.done $0x0;
	s14 =	sshrl.u32 s31, $0x3;
	s31 =	rddreg [dreg:$0x13]  }
0x4e: {  	[sflag:s30] =	ssyncadd.s32 $0xFFFFD8F0;
	[dreg:$0x1a] =	wrdreg s14  }
0x4f: {  	[spmem:s14], [sflag:s22] =	dma.local [hbm:s31], $0x4E2  }
0x50: {  	_ =	swait.ge [sflag:s30], $0x4E2  }
0x51: {  	[sflag:s30] =	ssyncset.done $0x0  }
0x52: {  	s14 =	simm.s32 $0x40;
	[sflag:s30] =	ssyncadd.s32 $0xFFFFFB1E;
	s30 =	simm.s32 $0x0  }
.LBB2_2:
0x53: {  	p0 =	sne.s32 s14, $0x13C0;
	[tilespmem:s30+$0x5320] =	vst v0;
	s30 =	smov.u32 s14;
	s14 =	sadd.s32 $0x40, s14  }
.Ltmp2:
0x54: {  	(pc) =	sbr.rel @p0 .LBB2_2-.Ltmp2, $2  }
0x55: {  	_ =	sdelay $0x2  }
0x56: {  	s30 =	sshra.s32 s30, $0x2  }
0x57: {  	[tilespmem:s30+$0x5320] =	vst v0  }
0x58: {  	_ =	swait.ge [sflag:s5], $0x50  }
0x59: {  	[sflag:s5] =	ssyncset.done $0x0  }
0x5a: {  	[sflag:s5] =	ssyncadd.s32 $0xFFFFFFB0  }
0x5b: {  	_ =	swait.ge [sflag:s5], $0x50  }
0x5c: {  	[sflag:s5] =	ssyncset.done $0x0  }
0x5d: {  	[sflag:s5] =	ssyncadd.s32 $0xFFFFFFB0  }
0x5e: {  	_ =	swait.ge [sflag:s5], $0x50  }
0x5f: {  	[sflag:s5] =	ssyncset.done $0x0  }
0x60: {  	s14 =	simm.s32 $0x280;
	[sflag:s5] =	ssyncadd.s32 $0xFFFFFFB0  }
0x61: {  	[tilespmem:s14], [sflag:$0x3] =	stream.indirect.gather [hbm4b:s3+s29], $0x1, s28, s29, $0xb8;
	[tilespmem:$0x1B7B0] =	vst v63  }
.Ltmp3:
0x62: {  	_ = 	snop;
	(pc) =	sbr.rel .LBB2_4-.Ltmp3, $3  }
0x63: {  	s14 =	simm.s32 $0x0  }
0x64: {  	[tilespmem:s10], [sflag:$0x5] =	stream.indirect.gather [hbm4b:s4+s29], $0x80, s14, s29, $0xb8;
	[tilespmem:$0x1B7B0] =	vst v63  }
0x65: {  	[bflag:$0x0] =	sbarrier.arrive $0xFFFF;
	_ =	sdelay $0x1  }
.LBB2_14:
0x66: {  	s14 =	sadd.s32 $0x1, s14  }
0x67: {  	p0 =	sne.s32 s14, $0x3F  }
.Ltmp4:
0x68: {  	_ = 	snop;
	(pc) =	sbr.rel @!p0 .LBB2_15-.Ltmp4, $1  }
0x69: {  	_ =	sdelay $0x3  }
.LBB2_4:
0x6a: {  	_ =	swait.ge [sflag:s11], $0x50  }
0x6b: {  	[sflag:s11] =	ssyncset.done $0x0  }
0x6c: {  	[sflag:s11] =	ssyncadd.s32 $0xFFFFFFB0  }
0x6d: {  	_ =	swait.ge [sflag:s12], $0x2800  }
0x6e: {  	[sflag:s12] =	ssyncset.done $0x0  }
0x6f: {  	[sflag:s12] =	ssyncadd.s32 $0xFFFFD800  }
0x70: {  	v1 =	vld [tilespmem:$0xA0]  }
0x71: {  	v2 =	vld [tilespmem:$0xB0]  }
0x72: {  	v3 =	vld [tilespmem:$0xC0]  }
0x73: {  	v4 =	vld [tilespmem:$0xD0]  }
0x74: {  	p0 =	sgt.u32 s14, $0x3D;
	v5 =	vld [tilespmem:$0xE0]  }
.Ltmp5:
0x75: {  	[tilespmem:$0x1E0] =	vst v1;
	(pc) =	sbr.rel @p0 .LBB2_6-.Ltmp5, $4  }
0x76: {  	[tilespmem:$0x1F0] =	vst v2  }
0x77: {  	[tilespmem:$0x200] =	vst v3  }
0x78: {  	[tilespmem:$0x210] =	vst v4  }
0x79: {  	[tilespmem:$0x220] =	vst v5  }
0x7a: {  	_ =	swait.ge [sflag:s13], $0x50  }
0x7b: {  	[sflag:s13] =	ssyncset.done $0x0  }
0x7c: {  	[sflag:s13] =	ssyncadd.s32 $0xFFFFFFB0  }
0x7d: {  	_ =	swait.ge [sflag:s13], $0x50  }
0x7e: {  	[sflag:s13] =	ssyncset.done $0x0  }
0x7f: {  	[sflag:s13] =	ssyncadd.s32 $0xFFFFFFB0  }
0x80: {  	_ =	swait.ge [sflag:s13], $0x50  }
0x81: {  	p1 =	seq.s32 s14, $0x0;
	[sflag:s13] =	ssyncset.done $0x0  }
0x82: {  	s30 =	simm.s32 @!p1 $0x8;
	[sflag:s13] =	ssyncadd.s32 $0xFFFFFFB0  }
0x83: {  	_ =	swait.ge @!p1 [sflag:s30], $0x2800  }
0x84: {  	[sflag:s30] =	ssyncset.done @!p1 $0x0  }
0x85: {  	[sflag:s30] =	ssyncadd.s32 @!p1 $0xFFFFD800;
	s30 =	simm.s32 @!p1 $0xA  }
0x86: {  	_ =	swait.ge @!p1 [sflag:s30], $0x500  }
.Ltmp6:
0x87: {  	[sflag:s30] =	ssyncset.done @!p1 $0x0;
	(pc) =	sbr.rel .LBB2_7-.Ltmp6, $4  }
0x88: {  	s22 =	simm.s32 $0x190;
	s26 =	simm.s32 $0x2D0;
	[sflag:s30] =	ssyncadd.s32 @!p1 $0xFFFFFB00  }
0x89: {  	[tilespmem:s26], [sflag:$0x4] =	stream.indirect.gather [hbm4b:s3+s29], $0x1, s22, s29, $0xb8;
	[tilespmem:$0x1B7B0] =	vst v63  }
0x8a: {  	_ = 	snop  }
0x8b: {  	[tilespmem:s15], [sflag:$0x6] =	stream.indirect.gather [hbm4b:s4+s29], $0x80, s29, s29, $0xb8;
	[tilespmem:$0x1B7B0] =	vst v63  }
.LBB2_6:
0x8c: {  	_ =	swait.ge [sflag:s18], $0x2800;
	p1 =	seq.s32 s14, $0x3E  }
.Ltmp7:
0x8d: {  	[sflag:s18] =	ssyncset.done $0x0;
	(pc) =	sbr.rel @p1 .LBB2_8-.Ltmp7, $4  }
0x8e: {  	[sflag:s18] =	ssyncadd.s32 $0xFFFFD800  }
0x8f: {  	_ =	swait.ge [sflag:s1], $0x500  }
0x90: {  	[sflag:s1] =	ssyncset.done $0x0  }
0x91: {  	[sflag:s1] =	ssyncadd.s32 $0xFFFFFB00  }
.LBB2_7:
0x92: {  	s30 =	smul.u32 $0xA0, s14;
	_ =	sdelay $0x1  }
0x93: {  	s30 =	sadd.s32 s30, s21  }
0x94: {  	s30 =	sshrl.u32 s30, $0x3  }
0x95: {  	s31 =	sadd.s32 s9, s30  }
0x96: {  	[tilespmem:s8], [sflag:$0x1] =	stream.linear.gather [hbm4b:s31+s8], $0x50, $0x38;
	[tilespmem:$0x1B7B0] =	vst v63  }
0x97: {  	s22 =	simm.s32 $0xA0;
	s26 =	sadd.s32 s0, s30  }
0x98: {  	[tilespmem:s22], [sflag:$0x1] =	stream.linear.gather [hbm4b:s26+s8], $0x50, $0x38;
	[tilespmem:$0x1B7B0] =	vst v63  }
0x99: {  	s30 =	sadd.s32 s2, s30  }
0x9a: {  	[tilespmem:s28], [sflag:$0x1] =	stream.linear.gather [hbm4b:s30+s8], $0x50, $0x38;
	[tilespmem:$0x1B7B0] =	vst v63  }
.LBB2_8:
0x9b: {  	s30 =	simm.s32 $0x0  }
0x9c: {  	s30 =	sand.u32 $0x3FFFFFF0, s30  }
0x9d: {  	s31 =	simm.s32 $0x0;
	v1 =	vld [tilespmem:s30+$0x280]  }
0x9e: {  	s31 =	sand.u32 $0x3FFFF800, s31  }
0x9f: {  	v3 =	vld [tilespmem:s31+$0x340]  }
0xa0: {  	v4 =	vld [tilespmem:s31+$0x350]  }
0xa1: {  	v10 =	vld [tilespmem:s31+$0x380]  }
0xa2: {  	v11 =	vld [tilespmem:s31+$0x390];
	v2 =	vbroadcast v1, $0x0  }
0xa3: {  	v12 =	vld [tilespmem:s31+$0x3A0]  }
0xa4: {  	v13 =	vld [tilespmem:s31+$0x3B0];
	v3 =	vmul.f32 v3, v2  }
0xa5: {  	v14 =	vld [tilespmem:s31+$0x3C0];
	v4 =	vmul.f32 v4, v2  }
0xa6: {  	v9 =	vld [tilespmem:s31+$0x3D0];
	v23 =	vbroadcast v1, $0x1;
	v22 =	vmul.f32 v10, v2;
	[tilespmem:s31+$0x340] =	vst v3  }
0xa7: {  	v7 =	vld [tilespmem:s31+$0x3E0];
	v11 =	vmul.f32 v11, v2;
	[tilespmem:s31+$0x350] =	vst v4  }
0xa8: {  	v8 =	vld [tilespmem:s31+$0x3F0];
	v12 =	vmul.f32 v12, v23;
	[tilespmem:s31+$0x380] =	vst v22  }
0xa9: {  	v25 =	vld [tilespmem:s31+$0x410];
	v13 =	vmul.f32 v13, v23;
	[tilespmem:s31+$0x390] =	vst v11  }
0xaa: {  	v26 =	vld [tilespmem:s31+$0x420];
	v14 =	vmul.f32 v14, v23;
	[tilespmem:s31+$0x3A0] =	vst v12  }
0xab: {  	v27 =	vld [tilespmem:s31+$0x430];
	v9 =	vmul.f32 v9, v23;
	[tilespmem:s31+$0x3B0] =	vst v13  }
0xac: {  	v6 =	vld [tilespmem:s31+$0x890];
	v7 =	vmul.f32 v7, v23;
	[tilespmem:s31+$0x3C0] =	vst v14  }
0xad: {  	v24 =	vld [tilespmem:s31+$0x400];
	v15 =	vbroadcast v1, $0x2;
	v8 =	vmul.f32 v8, v23;
	[tilespmem:s31+$0x3D0] =	vst v9  }
0xae: {  	v28 =	vld [tilespmem:s31+$0x440];
	v10 =	vmul.f32 v25, v23;
	[tilespmem:s31+$0x3E0] =	vst v7  }
0xaf: {  	v29 =	vld [tilespmem:s31+$0x450];
	v5 =	vbroadcast v1, $0xA;
	v32 =	vmul.f32 v26, v15;
	[tilespmem:s31+$0x3F0] =	vst v8  }
0xb0: {  	v30 =	vld [tilespmem:s31+$0x460];
	v34 =	vmul.f32 v27, v15;
	[tilespmem:s31+$0x410] =	vst v10  }
0xb1: {  	v33 =	vld [tilespmem:s31+$0x480];
	v3 =	vmul.f32 v6, v5;
	[tilespmem:s31+$0x420] =	vst v32  }
0xb2: {  	v35 =	vld [tilespmem:s31+$0x490];
	v11 =	vmul.f32 v24, v23;
	[tilespmem:s31+$0x430] =	vst v34  }
0xb3: {  	v36 =	vld [tilespmem:s31+$0x4A0];
	v9 =	vmul.f32 v28, v15;
	[tilespmem:s31+$0x890] =	vst v3  }
0xb4: {  	v31 =	vld [tilespmem:s31+$0x470];
	v7 =	vmul.f32 v29, v15;
	[tilespmem:s31+$0x400] =	vst v11  }
0xb5: {  	v37 =	vld [tilespmem:s31+$0x4B0];
	v8 =	vmul.f32 v30, v15;
	[tilespmem:s31+$0x440] =	vst v9  }
0xb6: {  	v38 =	vld [tilespmem:s31+$0x4C0];
	v41 =	vbroadcast v1, $0x3;
	v10 =	vmul.f32 v33, v15;
	[tilespmem:s31+$0x450] =	vst v7  }
0xb7: {  	v39 =	vld [tilespmem:s31+$0x4D0];
	v12 =	vmul.f32 v35, v15;
	[tilespmem:s31+$0x460] =	vst v8  }
0xb8: {  	v42 =	vld [tilespmem:s31+$0x4F0];
	v13 =	vmul.f32 v36, v41;
	[tilespmem:s31+$0x480] =	vst v10  }
0xb9: {  	v43 =	vld [tilespmem:s31+$0x500];
	v11 =	vmul.f32 v31, v15;
	[tilespmem:s31+$0x490] =	vst v12  }
0xba: {  	v44 =	vld [tilespmem:s31+$0x510];
	v9 =	vmul.f32 v37, v41;
	[tilespmem:s31+$0x4A0] =	vst v13  }
0xbb: {  	v40 =	vld [tilespmem:s31+$0x4E0];
	v7 =	vmul.f32 v38, v41;
	[tilespmem:s31+$0x470] =	vst v11  }
0xbc: {  	v45 =	vld [tilespmem:s31+$0x520];
	v8 =	vmul.f32 v39, v41;
	[tilespmem:s31+$0x4B0] =	vst v9  }
0xbd: {  	v46 =	vld [tilespmem:s31+$0x530];
	v10 =	vmul.f32 v42, v41;
	[tilespmem:s31+$0x4C0] =	vst v7  }
0xbe: {  	v47 =	vld [tilespmem:s31+$0x540];
	v12 =	vmul.f32 v43, v41;
	[tilespmem:s31+$0x4D0] =	vst v8  }
0xbf: {  	v49 =	vld [tilespmem:s31+$0x560];
	v50 =	vbroadcast v1, $0x4;
	v13 =	vmul.f32 v44, v41;
	[tilespmem:s31+$0x4F0] =	vst v10  }
0xc0: {  	v51 =	vld [tilespmem:s31+$0x570];
	v11 =	vmul.f32 v40, v41;
	[tilespmem:s31+$0x500] =	vst v12  }
0xc1: {  	v52 =	vld [tilespmem:s31+$0x580];
	v9 =	vmul.f32 v45, v50;
	[tilespmem:s31+$0x510] =	vst v13  }
0xc2: {  	v48 =	vld [tilespmem:s31+$0x550];
	v7 =	vmul.f32 v46, v50;
	[tilespmem:s31+$0x4E0] =	vst v11  }
0xc3: {  	v53 =	vld [tilespmem:s31+$0x590];
	v8 =	vmul.f32 v47, v50;
	[tilespmem:s31+$0x520] =	vst v9  }
0xc4: {  	v54 =	vld [tilespmem:s31+$0x5A0];
	v10 =	vmul.f32 v49, v50;
	[tilespmem:s31+$0x530] =	vst v7  }
0xc5: {  	v55 =	vld [tilespmem:s31+$0x5B0];
	v12 =	vmul.f32 v51, v50;
	[tilespmem:s31+$0x540] =	vst v8  }
0xc6: {  	v57 =	vld [tilespmem:s31+$0x5D0];
	v13 =	vmul.f32 v52, v50;
	[tilespmem:s31+$0x560] =	vst v10  }
0xc7: {  	v58 =	vld [tilespmem:s31+$0x5E0];
	v59 =	vbroadcast v1, $0x5;
	v11 =	vmul.f32 v48, v50;
	[tilespmem:s31+$0x570] =	vst v12  }
0xc8: {  	v60 =	vld [tilespmem:s31+$0x5F0];
	v9 =	vmul.f32 v53, v50;
	[tilespmem:s31+$0x580] =	vst v13  }
0xc9: {  	v56 =	vld [tilespmem:s31+$0x5C0];
	v7 =	vmul.f32 v54, v59;
	[tilespmem:s31+$0x550] =	vst v11  }
0xca: {  	v61 =	vld [tilespmem:s31+$0x600];
	v8 =	vmul.f32 v55, v59;
	[tilespmem:s31+$0x590] =	vst v9  }
0xcb: {  	v62 =	vld [tilespmem:s31+$0x610];
	v10 =	vmul.f32 v57, v59;
	[tilespmem:s31+$0x5A0] =	vst v7  }
0xcc: {  	v63 =	vld [tilespmem:s31+$0x620];
	v12 =	vmul.f32 v58, v59;
	[tilespmem:s31+$0x5B0] =	vst v8  }
0xcd: {  	v19 =	vld [tilespmem:s31+$0x640];
	v13 =	vmul.f32 v60, v59;
	[tilespmem:s31+$0x5D0] =	vst v10  }
0xce: {  	v20 =	vld [tilespmem:s31+$0x650];
	v11 =	vmul.f32 v56, v59;
	[tilespmem:s31+$0x5E0] =	vst v12  }
0xcf: {  	v21 =	vld [tilespmem:s31+$0x660];
	v22 =	vbroadcast v1, $0x6;
	v9 =	vmul.f32 v61, v59;
	[tilespmem:s31+$0x5F0] =	vst v13  }
0xd0: {  	v18 =	vld [tilespmem:s31+$0x630];
	v7 =	vmul.f32 v62, v59;
	[tilespmem:s31+$0x5C0] =	vst v11  }
0xd1: {  	v23 =	vld [tilespmem:s31+$0x670];
	v8 =	vmul.f32 v63, v22;
	[tilespmem:s31+$0x600] =	vst v9  }
0xd2: {  	v24 =	vld [tilespmem:s31+$0x680];
	v10 =	vmul.f32 v19, v22;
	[tilespmem:s31+$0x610] =	vst v7  }
0xd3: {  	v25 =	vld [tilespmem:s31+$0x690];
	v12 =	vmul.f32 v20, v22;
	[tilespmem:s31+$0x620] =	vst v8  }
0xd4: {  	v27 =	vld [tilespmem:s31+$0x6B0];
	v13 =	vmul.f32 v21, v22;
	[tilespmem:s31+$0x640] =	vst v10  }
0xd5: {  	v28 =	vld [tilespmem:s31+$0x6C0];
	v11 =	vmul.f32 v18, v22;
	[tilespmem:s31+$0x650] =	vst v12  }
0xd6: {  	v29 =	vld [tilespmem:s31+$0x6D0];
	v9 =	vmul.f32 v23, v22;
	[tilespmem:s31+$0x660] =	vst v13  }
0xd7: {  	v31 =	vbroadcast v1, $0x7;
	v53 =	vld [tilespmem:s31+$0x820];
	v7 =	vmul.f32 v24, v22;
	[tilespmem:s31+$0x630] =	vst v11  }
0xd8: {  	v57 =	vld [tilespmem:s31+$0x860];
	v8 =	vmul.f32 v25, v22;
	[tilespmem:s31+$0x670] =	vst v9  }
0xd9: {  	v58 =	vld [tilespmem:s31+$0x870];
	v10 =	vmul.f32 v27, v31;
	[tilespmem:s31+$0x680] =	vst v7  }
0xda: {  	v26 =	vld [tilespmem:s31+$0x6A0];
	v12 =	vmul.f32 v28, v31;
	[tilespmem:s31+$0x690] =	vst v8  }
0xdb: {  	v30 =	vld [tilespmem:s31+$0x6E0];
	v13 =	vmul.f32 v29, v31;
	[tilespmem:s31+$0x6B0] =	vst v10  }
0xdc: {  	v32 =	vld [tilespmem:s31+$0x6F0];
	v59 =	vmul.f32 v53, v5;
	[tilespmem:s31+$0x6C0] =	vst v12  }
0xdd: {  	v33 =	vld [tilespmem:s31+$0x700];
	v18 =	vmul.f32 v57, v5;
	[tilespmem:s31+$0x6D0] =	vst v13  }
0xde: {  	v35 =	vld [tilespmem:s31+$0x720];
	v20 =	vmul.f32 v58, v5;
	[tilespmem:s31+$0x820] =	vst v59  }
0xdf: {  	v36 =	vld [tilespmem:s31+$0x730];
	v11 =	vmul.f32 v26, v31;
	[tilespmem:s31+$0x860] =	vst v18  }
0xe0: {  	v37 =	vld [tilespmem:s31+$0x740];
	v9 =	vmul.f32 v30, v31;
	[tilespmem:s31+$0x870] =	vst v20  }
0xe1: {  	v4 =	vld [tilespmem:s31+$0x8A0];
	v40 =	vbroadcast v1, $0x8;
	v7 =	vmul.f32 v32, v31;
	[tilespmem:s31+$0x6A0] =	vst v11  }
0xe2: {  	v6 =	vld [tilespmem:s31+$0x8B0];
	v8 =	vmul.f32 v33, v31;
	[tilespmem:s31+$0x6E0] =	vst v9  }
0xe3: {  	v3 =	vld [tilespmem:s31+$0xAF0];
	v10 =	vmul.f32 v35, v40;
	[tilespmem:s31+$0x6F0] =	vst v7  }
0xe4: {  	v61 =	vld [tilespmem:s31+$0x320];
	v23 =	vbroadcast v1, $0xB;
	v12 =	vmul.f32 v36, v40;
	[tilespmem:s31+$0x700] =	vst v8  }
0xe5: {  	v34 =	vld [tilespmem:s31+$0x710];
	v13 =	vmul.f32 v37, v40;
	[tilespmem:s31+$0x720] =	vst v10  }
0xe6: {  	v38 =	vld [tilespmem:s31+$0x750];
	v27 =	vbroadcast v1, $0xF;
	v4 =	vmul.f32 v4, v23;
	[tilespmem:s31+$0x730] =	vst v12  }
0xe7: {  	v39 =	vld [tilespmem:s31+$0x760];
	v6 =	vmul.f32 v6, v23;
	[tilespmem:s31+$0x740] =	vst v13  }
0xe8: {  	v41 =	vld [tilespmem:s31+$0x770];
	v3 =	vmul.f32 v3, v27;
	[tilespmem:s31+$0x8A0] =	vst v4  }
0xe9: {  	v43 =	vld [tilespmem:s31+$0x790];
	v24 =	vmul.f32 v2, v61;
	[tilespmem:s31+$0x8B0] =	vst v6  }
0xea: {  	v44 =	vld [tilespmem:s31+$0x7A0];
	v11 =	vmul.f32 v34, v31;
	[tilespmem:s31+$0xAF0] =	vst v3  }
0xeb: {  	v45 =	vld [tilespmem:s31+$0x7B0];
	v9 =	vmul.f32 v38, v40;
	[tilespmem:s31+$0x320] =	vst v24  }
0xec: {  	v63 =	vld [tilespmem:s31+$0x360];
	v7 =	vmul.f32 v39, v40;
	[tilespmem:s31+$0x710] =	vst v11  }
0xed: {  	v49 =	vbroadcast v1, $0x9;
	v29 =	vld [tilespmem:s31+$0x910];
	v8 =	vmul.f32 v41, v40;
	[tilespmem:s31+$0x750] =	vst v9  }
0xee: {  	v42 =	vld [tilespmem:s31+$0x780];
	v10 =	vmul.f32 v43, v40;
	[tilespmem:s31+$0x760] =	vst v7  }
0xef: {  	v46 =	vld [tilespmem:s31+$0x7C0];
	v12 =	vmul.f32 v44, v49;
	[tilespmem:s31+$0x770] =	vst v8  }
0xf0: {  	v47 =	vld [tilespmem:s31+$0x7D0];
	v13 =	vmul.f32 v45, v49;
	[tilespmem:s31+$0x790] =	vst v10  }
0xf1: {  	v48 =	vld [tilespmem:s31+$0x7E0];
	v3 =	vmul.f32 v63, v2;
	[tilespmem:s31+$0x7A0] =	vst v12  }
0xf2: {  	v51 =	vld [tilespmem:s31+$0x800];
	v6 =	vmul.f32 v29, v23;
	[tilespmem:s31+$0x7B0] =	vst v13  }
0xf3: {  	v52 =	vld [tilespmem:s31+$0x810];
	v11 =	vmul.f32 v42, v40;
	[tilespmem:s31+$0x360] =	vst v3  }
0xf4: {  	v28 =	vld [tilespmem:s31+$0x900];
	v9 =	vmul.f32 v46, v49;
	[tilespmem:s31+$0x910] =	vst v6  }
0xf5: {  	v26 =	vld [tilespmem:s31+$0x8F0];
	v7 =	vmul.f32 v47, v49;
	[tilespmem:s31+$0x780] =	vst v11  }
0xf6: {  	v30 =	vld [tilespmem:s31+$0x920];
	v8 =	vmul.f32 v48, v49;
	[tilespmem:s31+$0x7C0] =	vst v9  }
0xf7: {  	v50 =	vld [tilespmem:s31+$0x7F0];
	v10 =	vmul.f32 v51, v49;
	[tilespmem:s31+$0x7D0] =	vst v7  }
0xf8: {  	v54 =	vld [tilespmem:s31+$0x830];
	v12 =	vmul.f32 v52, v49;
	[tilespmem:s31+$0x7E0] =	vst v8  }
0xf9: {  	v55 =	vld [tilespmem:s31+$0x840];
	v35 =	vbroadcast v1, $0xC;
	v40 =	vmul.f32 v28, v23;
	[tilespmem:s31+$0x800] =	vst v10  }
0xfa: {  	v56 =	vld [tilespmem:s31+$0x850];
	v32 =	vmul.f32 v26, v23;
	[tilespmem:s31+$0x810] =	vst v12  }
0xfb: {  	v60 =	vld [tilespmem:s31+$0x880];
	v15 =	vmul.f32 v30, v35;
	[tilespmem:s31+$0x900] =	vst v40  }
0xfc: {  	v62 =	vld [tilespmem:s31+$0x330];
	v11 =	vmul.f32 v50, v49;
	[tilespmem:s31+$0x8F0] =	vst v32  }
0xfd: {  	v19 =	vld [tilespmem:s31+$0x370];
	v9 =	vmul.f32 v54, v5;
	[tilespmem:s31+$0x920] =	vst v15  }
0xfe: {  	v33 =	vld [tilespmem:s31+$0x950];
	v7 =	vmul.f32 v55, v5;
	[tilespmem:s31+$0x7F0] =	vst v11  }
0xff: {  	v61 =	vld [tilespmem:s31+$0xB10];
	v8 =	vmul.f32 v56, v5;
	[tilespmem:s31+$0x830] =	vst v9  }
0x100: {  	v38 =	vld [tilespmem:s31+$0x990];
	v5 =	vmul.f32 v60, v5;
	[tilespmem:s31+$0x840] =	vst v7  }
0x101: {  	v21 =	vld [tilespmem:s31+$0x8C0];
	v12 =	vmul.f32 v62, v2;
	[tilespmem:s31+$0x850] =	vst v8  }
0x102: {  	v22 =	vld [tilespmem:s31+$0x8D0];
	v2 =	vmul.f32 v19, v2;
	[tilespmem:s31+$0x880] =	vst v5  }
0x103: {  	v25 =	vld [tilespmem:s31+$0x8E0];
	v62 =	vmul.f32 v33, v35;
	[tilespmem:s31+$0x330] =	vst v12  }
0x104: {  	v31 =	vld [tilespmem:s31+$0x930];
	v63 =	vmul.f32 v61, v27;
	[tilespmem:s31+$0x370] =	vst v2  }
0x105: {  	v34 =	vld [tilespmem:s31+$0x960];
	v15 =	vmul.f32 v38, v35;
	[tilespmem:s31+$0x950] =	vst v62  }
0x106: {  	v41 =	vld [tilespmem:s31+$0x9C0];
	v7 =	vmul.f32 v21, v23;
	[tilespmem:s31+$0xB10] =	vst v63  }
0x107: {  	v46 =	vld [tilespmem:s31+$0xA00];
	v8 =	vmul.f32 v22, v23;
	[tilespmem:s31+$0x990] =	vst v15  }
0x108: {  	v36 =	vld [tilespmem:s31+$0x970];
	v5 =	vmul.f32 v25, v23;
	[tilespmem:s31+$0x8C0] =	vst v7  }
0x109: {  	v44 =	vbroadcast v1, $0xD;
	v9 =	vmul.f32 v31, v35;
	v2 =	vld [tilespmem:s31+$0x9B0];
	[tilespmem:s31+$0x8D0] =	vst v8  }
0x10a: {  	v37 =	vld [tilespmem:s31+$0x980];
	v12 =	vmul.f32 v34, v35;
	[tilespmem:s31+$0x8E0] =	vst v5  }
0x10b: {  	v39 =	vld [tilespmem:s31+$0x9A0];
	v11 =	vmul.f32 v41, v44;
	[tilespmem:s31+$0x930] =	vst v9  }
0x10c: {  	v42 =	vld [tilespmem:s31+$0x9D0];
	v51 =	vmul.f32 v46, v44;
	[tilespmem:s31+$0x960] =	vst v12  }
0x10d: {  	v48 =	vld [tilespmem:s31+$0xA30];
	v8 =	vmul.f32 v36, v35;
	[tilespmem:s31+$0x9C0] =	vst v11  }
0x10e: {  	v49 =	vld [tilespmem:s31+$0xA40];
	[tilespmem:s31+$0xA00] =	vst v51;
	v2 =	vmul.f32 v2, v44  }
0x10f: {  	v50 =	vld [tilespmem:s31+$0xA50];
	v5 =	vmul.f32 v37, v35;
	[tilespmem:s31+$0x970] =	vst v8  }
0x110: {  	v1 =	vbroadcast v1, $0xE;
	v9 =	vmul.f32 v39, v44;
	[tilespmem:s31+$0x9B0] =	vst v2;
	v2 =	vld [tilespmem:s31+$0xA20]  }
0x111: {  	v60 =	vld [tilespmem:s31+$0xB00];
	v12 =	vmul.f32 v42, v44;
	[tilespmem:s31+$0x980] =	vst v5  }
0x112: {  	v45 =	vld [tilespmem:s31+$0x9F0];
	v11 =	vmul.f32 v48, v1;
	[tilespmem:s31+$0x9A0] =	vst v9  }
0x113: {  	v47 =	vld [tilespmem:s31+$0xA10];
	v10 =	vmul.f32 v49, v1;
	[tilespmem:s31+$0x9D0] =	vst v12  }
0x114: {  	v43 =	vld [tilespmem:s31+$0x9E0];
	v6 =	vmul.f32 v50, v1;
	[tilespmem:s31+$0xA30] =	vst v11  }
0x115: {  	v55 =	vld [tilespmem:s31+$0xAA0];
	[tilespmem:s31+$0xA40] =	vst v10;
	v2 =	vmul.f32 v2, v1  }
0x116: {  	v57 =	vld [tilespmem:s31+$0xAC0];
	v4 =	vmul.f32 v60, v27;
	[tilespmem:s31+$0xA50] =	vst v6  }
0x117: {  	v5 =	vmul.f32 v45, v44;
	[tilespmem:s31+$0xA20] =	vst v2;
	v2 =	vld [tilespmem:s31+$0xA90]  }
0x118: {  	v52 =	vld [tilespmem:s31+$0xA60];
	v9 =	vmul.f32 v47, v44;
	[tilespmem:s31+$0xB00] =	vst v4  }
0x119: {  	v56 =	vld [tilespmem:s31+$0xAB0];
	v8 =	vmul.f32 v43, v44;
	[tilespmem:s31+$0x9F0] =	vst v5  }
0x11a: {  	v54 =	vld [tilespmem:s31+$0xA80];
	v11 =	vmul.f32 v55, v27;
	[tilespmem:s31+$0xA10] =	vst v9  }
0x11b: {  	v58 =	vld [tilespmem:s31+$0xAD0];
	v6 =	vmul.f32 v57, v27;
	[tilespmem:s31+$0x9E0] =	vst v8  }
0x11c: {  	v53 =	vld [tilespmem:s31+$0xA70];
	[tilespmem:s31+$0xAA0] =	vst v11;
	v2 =	vmul.f32 v2, v1  }
0x11d: {  	v59 =	vld [tilespmem:s31+$0xAE0];
	v5 =	vmul.f32 v52, v1;
	[tilespmem:s31+$0xAC0] =	vst v6  }
0x11e: {  	[tilespmem:s31+$0xA90] =	vst v2;
	v2 =	vmul.f32 v56, v27  }
0x11f: {  	v3 =	vld [tilespmem:s31+$0x940];
	v9 =	vmul.f32 v54, v1;
	[tilespmem:s31+$0xA60] =	vst v5  }
0x120: {  	[tilespmem:s31+$0xAB0] =	vst v2;
	v2 =	vmul.f32 v58, v27  }
0x121: {  	[tilespmem:s31+$0xA80] =	vst v9;
	v1 =	vmul.f32 v53, v1  }
0x122: {  	[tilespmem:s31+$0xAD0] =	vst v2;
	v2 =	vmul.f32 v59, v27  }
0x123: {  	[tilespmem:s31+$0xA70] =	vst v1  }
0x124: {  	s30 =	simm.s32 $0x1;
	[tilespmem:s31+$0xAE0] =	vst v2;
	v2 =	vmul.f32 v3, v35  }
.LBB2_9:
0x125: {  	s26 =	sshll.u32 s30, $0x4  }
0x126: {  	p1 =	sne.s32 s30, $0x4;
	[tilespmem:s31+$0x940] =	vst v2;
	s31 =	smov.u32 s30;
	s30 =	sadd.s32 $0x1, s30  }
0x127: {  	s26 =	sand.u32 $0x3FFFFFF0, s26  }
0x128: {  	v1 =	vld [tilespmem:s26+$0x280];
	s26 =	sshll.u32 s31, $0xB  }
0x129: {  	s31 =	sand.u32 $0x3FFFF800, s26  }
0x12a: {  	v8 =	vld [tilespmem:s31+$0x3E0]  }
0x12b: {  	v9 =	vld [tilespmem:s31+$0x3F0]  }
0x12c: {  	v10 =	vld [tilespmem:s31+$0x3D0]  }
0x12d: {  	v2 =	vbroadcast v1, $0x0;
	v3 =	vld [tilespmem:s31+$0x340];
	v7 =	vbroadcast v1, $0x4  }
0x12e: {  	v5 =	vld [tilespmem:s31+$0x350]  }
0x12f: {  	v6 =	vld [tilespmem:s31+$0x890]  }
0x130: {  	v11 =	vld [tilespmem:s31+$0x380]  }
0x131: {  	v12 =	vld [tilespmem:s31+$0x390]  }
0x132: {  	v4 =	vbroadcast v1, $0xA;
	v3 =	vmul.f32 v3, v2;
	v13 =	vld [tilespmem:s31+$0x3A0]  }
0x133: {  	v5 =	vmul.f32 v5, v2;
	v14 =	vld [tilespmem:s31+$0x3B0]  }
0x134: {  	[tilespmem:s31+$0x340] =	vst v3;
	v15 =	vld [tilespmem:s31+$0x3C0];
	v3 =	vmul.f32 v6, v4  }
0x135: {  	[tilespmem:s31+$0x350] =	vst v5;
	v6 =	vmul.f32 v11, v2;
	v11 =	vbroadcast v1, $0x1;
	v5 =	vld [tilespmem:s31+$0x8A0]  }
0x136: {  	v12 =	vmul.f32 v12, v2;
	[tilespmem:s31+$0x890] =	vst v3;
	v3 =	vld [tilespmem:s31+$0xAF0]  }
0x137: {  	[tilespmem:s31+$0x380] =	vst v6;
	v13 =	vmul.f32 v13, v11;
	v6 =	vld [tilespmem:s31+$0x8B0]  }
0x138: {  	[tilespmem:s31+$0x390] =	vst v12;
	v12 =	vmul.f32 v14, v11;
	v14 =	vld [tilespmem:s31+$0x400]  }
0x139: {  	[tilespmem:s31+$0x3A0] =	vst v13;
	v13 =	vmul.f32 v15, v11;
	v15 =	vld [tilespmem:s31+$0x410]  }
0x13a: {  	v10 =	vmul.f32 v10, v11;
	[tilespmem:s31+$0x3B0] =	vst v12;
	v12 =	vld [tilespmem:s31+$0x420]  }
0x13b: {  	v8 =	vmul.f32 v8, v11;
	[tilespmem:s31+$0x3C0] =	vst v13;
	v13 =	vld [tilespmem:s31+$0x430]  }
0x13c: {  	v9 =	vmul.f32 v9, v11;
	[tilespmem:s31+$0x3D0] =	vst v10;
	v10 =	vld [tilespmem:s31+$0x440]  }
0x13d: {  	[tilespmem:s31+$0x3E0] =	vst v8;
	v8 =	vmul.f32 v14, v11;
	v14 =	vbroadcast v1, $0x2;
	v16 =	vld [tilespmem:s31+$0x450]  }
0x13e: {  	[tilespmem:s31+$0x3F0] =	vst v9;
	v9 =	vmul.f32 v15, v11;
	v11 =	vld [tilespmem:s31+$0x460]  }
0x13f: {  	[tilespmem:s31+$0x400] =	vst v8;
	v8 =	vmul.f32 v12, v14;
	v12 =	vld [tilespmem:s31+$0x470]  }
0x140: {  	[tilespmem:s31+$0x410] =	vst v9;
	v9 =	vmul.f32 v13, v14;
	v13 =	vld [tilespmem:s31+$0x480]  }
0x141: {  	[tilespmem:s31+$0x420] =	vst v8;
	v8 =	vmul.f32 v10, v14;
	v10 =	vld [tilespmem:s31+$0x490]  }
0x142: {  	[tilespmem:s31+$0x430] =	vst v9;
	v9 =	vmul.f32 v16, v14;
	v15 =	vld [tilespmem:s31+$0x4A0]  }
0x143: {  	[tilespmem:s31+$0x440] =	vst v8;
	v8 =	vmul.f32 v11, v14;
	v11 =	vld [tilespmem:s31+$0x4B0]  }
0x144: {  	[tilespmem:s31+$0x450] =	vst v9;
	v9 =	vmul.f32 v12, v14;
	v12 =	vld [tilespmem:s31+$0x4C0]  }
0x145: {  	[tilespmem:s31+$0x460] =	vst v8;
	v8 =	vmul.f32 v13, v14;
	v13 =	vbroadcast v1, $0x3;
	v16 =	vld [tilespmem:s31+$0x4D0]  }
0x146: {  	[tilespmem:s31+$0x470] =	vst v9;
	v9 =	vmul.f32 v10, v14;
	v10 =	vld [tilespmem:s31+$0x4E0]  }
0x147: {  	[tilespmem:s31+$0x480] =	vst v8;
	v8 =	vmul.f32 v15, v13;
	v14 =	vld [tilespmem:s31+$0x4F0]  }
0x148: {  	[tilespmem:s31+$0x490] =	vst v9;
	v9 =	vmul.f32 v11, v13;
	v11 =	vld [tilespmem:s31+$0x500]  }
0x149: {  	[tilespmem:s31+$0x4A0] =	vst v8;
	v8 =	vmul.f32 v12, v13;
	v12 =	vld [tilespmem:s31+$0x510]  }
0x14a: {  	[tilespmem:s31+$0x4B0] =	vst v9;
	v9 =	vmul.f32 v16, v13;
	v15 =	vld [tilespmem:s31+$0x520]  }
0x14b: {  	[tilespmem:s31+$0x4C0] =	vst v8;
	v8 =	vmul.f32 v10, v13;
	v10 =	vld [tilespmem:s31+$0x530]  }
0x14c: {  	[tilespmem:s31+$0x4D0] =	vst v9;
	v9 =	vmul.f32 v14, v13;
	v14 =	vld [tilespmem:s31+$0x540]  }
0x14d: {  	[tilespmem:s31+$0x4E0] =	vst v8;
	v8 =	vmul.f32 v11, v13;
	v11 =	vld [tilespmem:s31+$0x550]  }
0x14e: {  	[tilespmem:s31+$0x4F0] =	vst v9;
	v9 =	vmul.f32 v12, v13;
	v12 =	vld [tilespmem:s31+$0x560]  }
0x14f: {  	[tilespmem:s31+$0x500] =	vst v8;
	v8 =	vmul.f32 v15, v7;
	v13 =	vld [tilespmem:s31+$0x570]  }
0x150: {  	[tilespmem:s31+$0x510] =	vst v9;
	v9 =	vmul.f32 v10, v7;
	v10 =	vld [tilespmem:s31+$0x580]  }
0x151: {  	[tilespmem:s31+$0x520] =	vst v8;
	v8 =	vmul.f32 v14, v7;
	v14 =	vld [tilespmem:s31+$0x590]  }
0x152: {  	[tilespmem:s31+$0x530] =	vst v9;
	v9 =	vmul.f32 v11, v7;
	v11 =	vld [tilespmem:s31+$0x5A0]  }
0x153: {  	[tilespmem:s31+$0x540] =	vst v8;
	v8 =	vmul.f32 v12, v7;
	v12 =	vld [tilespmem:s31+$0x5B0]  }
0x154: {  	[tilespmem:s31+$0x550] =	vst v9;
	v9 =	vmul.f32 v13, v7;
	v13 =	vld [tilespmem:s31+$0x5C0]  }
0x155: {  	[tilespmem:s31+$0x560] =	vst v8;
	v8 =	vmul.f32 v10, v7;
	v10 =	vbroadcast v1, $0x5;
	v15 =	vld [tilespmem:s31+$0x5D0]  }
0x156: {  	[tilespmem:s31+$0x570] =	vst v9;
	v7 =	vmul.f32 v14, v7;
	v9 =	vld [tilespmem:s31+$0x5E0]  }
0x157: {  	[tilespmem:s31+$0x580] =	vst v8;
	v8 =	vmul.f32 v11, v10;
	v11 =	vld [tilespmem:s31+$0x5F0]  }
0x158: {  	[tilespmem:s31+$0x590] =	vst v7;
	v7 =	vmul.f32 v12, v10;
	v12 =	vld [tilespmem:s31+$0x600]  }
0x159: {  	[tilespmem:s31+$0x5A0] =	vst v8;
	v8 =	vmul.f32 v13, v10;
	v13 =	vld [tilespmem:s31+$0x610]  }
0x15a: {  	[tilespmem:s31+$0x5B0] =	vst v7;
	v7 =	vmul.f32 v15, v10;
	v14 =	vld [tilespmem:s31+$0x620]  }
0x15b: {  	[tilespmem:s31+$0x5C0] =	vst v8;
	v8 =	vmul.f32 v9, v10;
	v9 =	vld [tilespmem:s31+$0x630]  }
0x15c: {  	[tilespmem:s31+$0x5D0] =	vst v7;
	v7 =	vmul.f32 v11, v10;
	v11 =	vld [tilespmem:s31+$0x640]  }
0x15d: {  	[tilespmem:s31+$0x5E0] =	vst v8;
	v8 =	vmul.f32 v12, v10;
	v12 =	vbroadcast v1, $0x6;
	v15 =	vld [tilespmem:s31+$0x650]  }
0x15e: {  	[tilespmem:s31+$0x5F0] =	vst v7;
	v7 =	vmul.f32 v13, v10;
	v10 =	vld [tilespmem:s31+$0x660]  }
0x15f: {  	[tilespmem:s31+$0x600] =	vst v8;
	v8 =	vmul.f32 v14, v12;
	v13 =	vld [tilespmem:s31+$0x670]  }
0x160: {  	[tilespmem:s31+$0x610] =	vst v7;
	v7 =	vmul.f32 v9, v12;
	v9 =	vld [tilespmem:s31+$0x680]  }
0x161: {  	[tilespmem:s31+$0x620] =	vst v8;
	v8 =	vmul.f32 v11, v12;
	v11 =	vld [tilespmem:s31+$0x690]  }
0x162: {  	[tilespmem:s31+$0x630] =	vst v7;
	v7 =	vmul.f32 v15, v12;
	v14 =	vld [tilespmem:s31+$0x6A0]  }
0x163: {  	[tilespmem:s31+$0x640] =	vst v8;
	v8 =	vmul.f32 v10, v12;
	v10 =	vld [tilespmem:s31+$0x6B0]  }
0x164: {  	[tilespmem:s31+$0x650] =	vst v7;
	v7 =	vmul.f32 v13, v12;
	v13 =	vld [tilespmem:s31+$0x6C0]  }
0x165: {  	[tilespmem:s31+$0x660] =	vst v8;
	v8 =	vmul.f32 v9, v12;
	v9 =	vbroadcast v1, $0x7;
	v15 =	vld [tilespmem:s31+$0x6D0]  }
0x166: {  	[tilespmem:s31+$0x670] =	vst v7;
	v7 =	vmul.f32 v11, v12;
	v11 =	vld [tilespmem:s31+$0x6E0]  }
0x167: {  	[tilespmem:s31+$0x680] =	vst v8;
	v8 =	vmul.f32 v14, v9;
	v12 =	vld [tilespmem:s31+$0x6F0]  }
0x168: {  	[tilespmem:s31+$0x690] =	vst v7;
	v7 =	vmul.f32 v10, v9;
	v10 =	vld [tilespmem:s31+$0x700]  }
0x169: {  	[tilespmem:s31+$0x6A0] =	vst v8;
	v8 =	vmul.f32 v13, v9;
	v13 =	vld [tilespmem:s31+$0x710]  }
0x16a: {  	[tilespmem:s31+$0x6B0] =	vst v7;
	v7 =	vmul.f32 v15, v9;
	v14 =	vld [tilespmem:s31+$0x720]  }
0x16b: {  	[tilespmem:s31+$0x6C0] =	vst v8;
	v8 =	vmul.f32 v11, v9;
	v11 =	vld [tilespmem:s31+$0x730]  }
0x16c: {  	[tilespmem:s31+$0x6D0] =	vst v7;
	v7 =	vmul.f32 v12, v9;
	v12 =	vld [tilespmem:s31+$0x740]  }
0x16d: {  	[tilespmem:s31+$0x6E0] =	vst v8;
	v8 =	vmul.f32 v10, v9;
	v10 =	vbroadcast v1, $0x8;
	v15 =	vld [tilespmem:s31+$0x750]  }
0x16e: {  	[tilespmem:s31+$0x6F0] =	vst v7;
	v7 =	vmul.f32 v13, v9;
	v9 =	vld [tilespmem:s31+$0x760]  }
0x16f: {  	[tilespmem:s31+$0x700] =	vst v8;
	v8 =	vmul.f32 v14, v10;
	v13 =	vld [tilespmem:s31+$0x770]  }
0x170: {  	[tilespmem:s31+$0x710] =	vst v7;
	v7 =	vmul.f32 v11, v10;
	v11 =	vld [tilespmem:s31+$0x780]  }
0x171: {  	[tilespmem:s31+$0x720] =	vst v8;
	v8 =	vmul.f32 v12, v10;
	v12 =	vld [tilespmem:s31+$0x790]  }
0x172: {  	[tilespmem:s31+$0x730] =	vst v7;
	v7 =	vmul.f32 v15, v10;
	v14 =	vld [tilespmem:s31+$0x7A0]  }
0x173: {  	[tilespmem:s31+$0x740] =	vst v8;
	v8 =	vmul.f32 v9, v10;
	v9 =	vld [tilespmem:s31+$0x7B0]  }
0x174: {  	[tilespmem:s31+$0x750] =	vst v7;
	v7 =	vmul.f32 v13, v10;
	v13 =	vld [tilespmem:s31+$0x7C0]  }
0x175: {  	[tilespmem:s31+$0x760] =	vst v8;
	v8 =	vmul.f32 v11, v10;
	v11 =	vbroadcast v1, $0x9;
	v15 =	vld [tilespmem:s31+$0x7D0]  }
0x176: {  	[tilespmem:s31+$0x770] =	vst v7;
	v7 =	vmul.f32 v12, v10;
	v10 =	vld [tilespmem:s31+$0x7E0]  }
0x177: {  	[tilespmem:s31+$0x780] =	vst v8;
	v8 =	vmul.f32 v14, v11;
	v12 =	vld [tilespmem:s31+$0x7F0]  }
0x178: {  	[tilespmem:s31+$0x790] =	vst v7;
	v7 =	vmul.f32 v9, v11;
	v9 =	vld [tilespmem:s31+$0x800]  }
0x179: {  	[tilespmem:s31+$0x7A0] =	vst v8;
	v8 =	vmul.f32 v13, v11;
	v13 =	vld [tilespmem:s31+$0x810]  }
0x17a: {  	[tilespmem:s31+$0x7B0] =	vst v7;
	v7 =	vmul.f32 v15, v11;
	v14 =	vld [tilespmem:s31+$0x820]  }
0x17b: {  	[tilespmem:s31+$0x7C0] =	vst v8;
	v8 =	vmul.f32 v10, v11;
	v10 =	vld [tilespmem:s31+$0x830]  }
0x17c: {  	[tilespmem:s31+$0x7D0] =	vst v7;
	v7 =	vmul.f32 v12, v11;
	v12 =	vld [tilespmem:s31+$0x840]  }
0x17d: {  	[tilespmem:s31+$0x7E0] =	vst v8;
	v8 =	vmul.f32 v9, v11;
	v9 =	vld [tilespmem:s31+$0x850]  }
0x17e: {  	[tilespmem:s31+$0x7F0] =	vst v7;
	v7 =	vmul.f32 v13, v11;
	v11 =	vld [tilespmem:s31+$0x860]  }
0x17f: {  	[tilespmem:s31+$0x800] =	vst v8;
	v8 =	vmul.f32 v14, v4;
	v13 =	vld [tilespmem:s31+$0x870]  }
0x180: {  	[tilespmem:s31+$0x810] =	vst v7;
	v7 =	vmul.f32 v10, v4;
	v10 =	vld [tilespmem:s31+$0x880]  }
0x181: {  	v14 =	vld [tilespmem:s31+$0x320];
	[tilespmem:s31+$0x820] =	vst v8;
	v8 =	vmul.f32 v12, v4  }
0x182: {  	v12 =	vld [tilespmem:s31+$0x330];
	[tilespmem:s31+$0x830] =	vst v7;
	v7 =	vmul.f32 v9, v4  }
0x183: {  	v9 =	vld [tilespmem:s31+$0x360];
	[tilespmem:s31+$0x840] =	vst v8;
	v8 =	vmul.f32 v11, v4  }
0x184: {  	v11 =	vld [tilespmem:s31+$0x370];
	[tilespmem:s31+$0x850] =	vst v7;
	v7 =	vmul.f32 v13, v4  }
0x185: {  	[tilespmem:s31+$0x860] =	vst v8;
	v8 =	vmul.f32 v10, v4;
	v10 =	vbroadcast v1, $0xB;
	v13 =	vld [tilespmem:s31+$0x8C0]  }
0x186: {  	v4 =	vbroadcast v1, $0xF;
	v14 =	vmul.f32 v2, v14;
	[tilespmem:s31+$0x870] =	vst v7;
	v7 =	vld [tilespmem:s31+$0x8D0]  }
0x187: {  	v12 =	vmul.f32 v12, v2;
	[tilespmem:s31+$0x880] =	vst v8;
	v5 =	vmul.f32 v5, v10;
	v8 =	vld [tilespmem:s31+$0x8E0]  }
0x188: {  	v6 =	vmul.f32 v6, v10;
	[tilespmem:s31+$0x320] =	vst v14;
	v9 =	vmul.f32 v9, v2;
	v14 =	vld [tilespmem:s31+$0x8F0]  }
0x189: {  	v3 =	vmul.f32 v3, v4;
	v11 =	vmul.f32 v11, v2;
	[tilespmem:s31+$0x8A0] =	vst v5;
	v2 =	vld [tilespmem:s31+$0x900]  }
0x18a: {  	[tilespmem:s31+$0x8B0] =	vst v6;
	v5 =	vmul.f32 v13, v10;
	v6 =	vld [tilespmem:s31+$0x910]  }
0x18b: {  	v7 =	vmul.f32 v7, v10;
	v13 =	vld [tilespmem:s31+$0x920];
	[tilespmem:s31+$0xAF0] =	vst v3  }
0x18c: {  	[tilespmem:s31+$0x330] =	vst v12;
	v3 =	vmul.f32 v8, v10;
	v8 =	vld [tilespmem:s31+$0x930]  }
0x18d: {  	[tilespmem:s31+$0x360] =	vst v9;
	v9 =	vmul.f32 v14, v10;
	v12 =	vld [tilespmem:s31+$0x940]  }
0x18e: {  	v14 =	vbroadcast v1, $0xC;
	[tilespmem:s31+$0x8C0] =	vst v5;
	v5 =	vmul.f32 v2, v10;
	v15 =	vld [tilespmem:s31+$0x950]  }
0x18f: {  	[tilespmem:s31+$0x8F0] =	vst v9;
	v6 =	vmul.f32 v6, v10;
	v9 =	vld [tilespmem:s31+$0x960]  }
0x190: {  	[tilespmem:s31+$0x8D0] =	vst v7;
	v2 =	vmul.f32 v13, v14;
	v7 =	vld [tilespmem:s31+$0x970]  }
0x191: {  	[tilespmem:s31+$0x8E0] =	vst v3;
	v3 =	vmul.f32 v8, v14;
	v8 =	vld [tilespmem:s31+$0x980]  }
0x192: {  	[tilespmem:s31+$0x920] =	vst v2;
	v2 =	vmul.f32 v12, v14;
	v10 =	vld [tilespmem:s31+$0x990]  }
0x193: {  	[tilespmem:s31+$0x930] =	vst v3;
	v3 =	vld [tilespmem:s31+$0x9A0]  }
0x194: {  	[tilespmem:s31+$0x370] =	vst v11;
	v9 =	vmul.f32 v9, v14;
	v11 =	vld [tilespmem:s31+$0x9B0]  }
0x195: {  	[tilespmem:s31+$0x900] =	vst v5;
	v5 =	vmul.f32 v7, v14;
	v7 =	vld [tilespmem:s31+$0x9C0]  }
0x196: {  	[tilespmem:s31+$0x960] =	vst v9;
	v8 =	vmul.f32 v8, v14;
	v9 =	vbroadcast v1, $0xD;
	v12 =	vld [tilespmem:s31+$0x9D0]  }
0x197: {  	[tilespmem:s31+$0x970] =	vst v5;
	v5 =	vmul.f32 v10, v14;
	v10 =	vld [tilespmem:s31+$0x9E0]  }
0x198: {  	[tilespmem:s31+$0x980] =	vst v8;
	v3 =	vmul.f32 v3, v9;
	v8 =	vld [tilespmem:s31+$0x9F0]  }
0x199: {  	[tilespmem:s31+$0x990] =	vst v5;
	v5 =	vmul.f32 v11, v9;
	v11 =	vld [tilespmem:s31+$0xA00]  }
0x19a: {  	[tilespmem:s31+$0x9A0] =	vst v3;
	v3 =	vmul.f32 v7, v9;
	v7 =	vld [tilespmem:s31+$0xA10]  }
0x19b: {  	[tilespmem:s31+$0x9B0] =	vst v5;
	v5 =	vmul.f32 v12, v9;
	v12 =	vld [tilespmem:s31+$0xA20]  }
0x19c: {  	[tilespmem:s31+$0x9C0] =	vst v3;
	v3 =	vmul.f32 v10, v9;
	v10 =	vld [tilespmem:s31+$0xA30]  }
0x19d: {  	[tilespmem:s31+$0x9D0] =	vst v5;
	v5 =	vmul.f32 v8, v9;
	v8 =	vld [tilespmem:s31+$0xA40]  }
0x19e: {  	v1 =	vbroadcast v1, $0xE;
	[tilespmem:s31+$0x910] =	vst v6;
	v6 =	vmul.f32 v11, v9;
	v11 =	vld [tilespmem:s31+$0xA50]  }
0x19f: {  	[tilespmem:s31+$0x9F0] =	vst v5;
	v5 =	vmul.f32 v7, v9;
	v7 =	vld [tilespmem:s31+$0xA60]  }
0x1a0: {  	[tilespmem:s31+$0xA00] =	vst v6;
	v6 =	vmul.f32 v12, v1;
	v9 =	vld [tilespmem:s31+$0xA70]  }
0x1a1: {  	[tilespmem:s31+$0xA10] =	vst v5;
	v5 =	vmul.f32 v10, v1;
	v10 =	vld [tilespmem:s31+$0xA80]  }
0x1a2: {  	[tilespmem:s31+$0xA20] =	vst v6;
	v6 =	vmul.f32 v8, v1;
	v8 =	vld [tilespmem:s31+$0xA90]  }
0x1a3: {  	[tilespmem:s31+$0xA30] =	vst v5;
	v5 =	vmul.f32 v11, v1;
	v11 =	vld [tilespmem:s31+$0xAA0]  }
0x1a4: {  	[tilespmem:s31+$0xA40] =	vst v6;
	v6 =	vmul.f32 v7, v1;
	v7 =	vld [tilespmem:s31+$0xAB0]  }
0x1a5: {  	[tilespmem:s31+$0xA50] =	vst v5;
	v5 =	vmul.f32 v9, v1;
	v9 =	vld [tilespmem:s31+$0xAC0]  }
0x1a6: {  	[tilespmem:s31+$0xA60] =	vst v6;
	v6 =	vmul.f32 v10, v1;
	v10 =	vld [tilespmem:s31+$0xAD0]  }
0x1a7: {  	[tilespmem:s31+$0x9E0] =	vst v3;
	v1 =	vmul.f32 v8, v1;
	v3 =	vld [tilespmem:s31+$0xAE0]  }
0x1a8: {  	[tilespmem:s31+$0xA80] =	vst v6;
	v6 =	vmul.f32 v11, v4;
	v8 =	vld [tilespmem:s31+$0xB00]  }
0x1a9: {  	[tilespmem:s31+$0xA90] =	vst v1;
	v1 =	vmul.f32 v7, v4;
	v7 =	vld [tilespmem:s31+$0xB10]  }
0x1aa: {  	[tilespmem:s31+$0xAA0] =	vst v6;
	v6 =	vmul.f32 v9, v4  }
0x1ab: {  	[tilespmem:s31+$0xAB0] =	vst v1;
	v1 =	vmul.f32 v10, v4  }
0x1ac: {  	v9 =	vmul.f32 v15, v14;
	[tilespmem:s31+$0xAC0] =	vst v6  }
0x1ad: {  	[tilespmem:s31+$0xAD0] =	vst v1;
	v1 =	vmul.f32 v3, v4  }
.Ltmp8:
0x1ae: {  	[tilespmem:s31+$0x950] =	vst v9;
	v3 =	vmul.f32 v7, v4;
	(pc) =	sbr.rel @p1 .LBB2_9-.Ltmp8, $4  }
0x1af: {  	[tilespmem:s31+$0xAE0] =	vst v1  }
0x1b0: {  	v1 =	vmul.f32 v8, v4;
	[tilespmem:s31+$0xB10] =	vst v3  }
0x1b1: {  	[tilespmem:s31+$0xA70] =	vst v5  }
0x1b2: {  	[tilespmem:s31+$0xB00] =	vst v1  }
.Ltmp9:
0x1b3: {  	(pc) =	sbr.rel @p0 .LBB2_14-.Ltmp9, $4  }
0x1b4: {  	[tilespmem:s31+$0x940] =	vst v2  }
0x1b5: {  	[spmem:s6] =	stream.indirect.scatter.add.f32 [tilespmem:s10], [sflag:$0x7], $0x80, s16, s29, $0xb8;
	[tilespmem:$0x1B7B0] =	vst v63  }
0x1b6: {  	_ = 	snop  }
0x1b7: {  	[spmem:s7] =	stream.indirect.scatter.add.f32 [tilespmem:s17], [sflag:$0x9], $0x10, s16, s29, $0xb8;
	[tilespmem:$0x1B7B0] =	vst v63  }
0x1b8: {  	_ =	swait.ge [sflag:s19], $0x50  }
0x1b9: {  	[sflag:s19] =	ssyncset.done $0x0  }
0x1ba: {  	[sflag:s19] =	ssyncadd.s32 $0xFFFFFFB0  }
0x1bb: {  	_ =	swait.ge [sflag:s20], $0x2800  }
0x1bc: {  	[sflag:s20] =	ssyncset.done $0x0  }
0x1bd: {  	[sflag:s20] =	ssyncadd.s32 $0xFFFFD800  }
0x1be: {  	v1 =	vld [tilespmem:$0xF0]  }
0x1bf: {  	v2 =	vld [tilespmem:$0x100]  }
0x1c0: {  	v3 =	vld [tilespmem:$0x110]  }
0x1c1: {  	v4 =	vld [tilespmem:$0x120]  }
0x1c2: {  	v5 =	vld [tilespmem:$0x130]  }
0x1c3: {  	[tilespmem:$0x230] =	vst v1  }
0x1c4: {  	[tilespmem:$0x240] =	vst v2  }
0x1c5: {  	[tilespmem:$0x250] =	vst v3  }
0x1c6: {  	[tilespmem:$0x260] =	vst v4  }
0x1c7: {  	[tilespmem:$0x270] =	vst v5  }
0x1c8: {  	_ =	swait.ge [sflag:s5], $0x50  }
0x1c9: {  	[sflag:s5] =	ssyncset.done $0x0  }
0x1ca: {  	[sflag:s5] =	ssyncadd.s32 $0xFFFFFFB0  }
0x1cb: {  	_ =	swait.ge [sflag:s5], $0x50  }
0x1cc: {  	[sflag:s5] =	ssyncset.done $0x0  }
0x1cd: {  	[sflag:s5] =	ssyncadd.s32 $0xFFFFFFB0  }
0x1ce: {  	_ =	swait.ge [sflag:s5], $0x50  }
0x1cf: {  	[sflag:s5] =	ssyncset.done $0x0  }
0x1d0: {  	[sflag:s5] =	ssyncadd.s32 $0xFFFFFFB0  }
0x1d1: {  	_ =	swait.ge [sflag:s23], $0x2800  }
0x1d2: {  	[sflag:s23] =	ssyncset.done $0x0  }
0x1d3: {  	[sflag:s23] =	ssyncadd.s32 $0xFFFFD800  }
0x1d4: {  	_ =	swait.ge [sflag:s24], $0x500  }
0x1d5: {  	p0 =	seq.s32 s14, $0x3D;
	[sflag:s24] =	ssyncset.done $0x0  }
0x1d6: {  	s22 =	simm.s32 $0x280;
	s26 =	smul.u32 @!p0 $0xA0, s14;
	[sflag:s24] =	ssyncadd.s32 $0xFFFFFB00  }
0x1d7: {  	[tilespmem:s22], [sflag:$0x3] =	stream.indirect.gather [hbm4b:s3+s29], $0x1, s28, s29, $0xb8;
	[tilespmem:$0x1B7B0] =	vst v63  }
0x1d8: {  	s22 =	rddreg [dreg:$0x14]  }
0x1d9: {  	s26 =	sadd.s32 @!p0 s26, s22  }
0x1da: {  	[tilespmem:s10], [sflag:$0x5] =	stream.indirect.gather [hbm4b:s4+s29], $0x80, s8, s29, $0xb8;
	[tilespmem:$0x1B7B0] =	vst v63  }
0x1db: {  	s26 =	sshrl.u32 @!p0 s26, $0x3  }
0x1dc: {  	s31 =	simm.s32 @!p0 $0x0;
	s22 =	simm.s32 @!p0 $0x50;
	s30 =	sadd.s32 @!p0 s9, s26  }
0x1dd: {  	[tilespmem:s22], [sflag:$0x2] =	stream.linear.gather @!p0 [hbm4b:s30+s31], $0x50, $0x38;
	[tilespmem:$0x1B7B0] =	vst v63  }
0x1de: {  	s22 =	sadd.s32 @!p0 s0, s26;
	s30 =	simm.s32 @!p0 $0xF0  }
0x1df: {  	[tilespmem:s30], [sflag:$0x2] =	stream.linear.gather @!p0 [hbm4b:s22+s31], $0x50, $0x38;
	[tilespmem:$0x1B7B0] =	vst v63  }
0x1e0: {  	s22 =	sadd.s32 @!p0 s2, s26;
	s26 =	simm.s32 @!p0 $0x190  }
0x1e1: {  	[tilespmem:s26], [sflag:$0x2] =	stream.linear.gather @!p0 [hbm4b:s22+s31], $0x50, $0x38;
	[tilespmem:$0x1B7B0] =	vst v63  }
0x1e2: {  	s26 =	simm.s32 $0x0  }
0x1e3: {  	s22 =	sand.u32 $0x3FFFFFF0, s26  }
0x1e4: {  	s26 =	simm.s32 $0x0;
	v1 =	vld [tilespmem:s22+$0x2D0]  }
0x1e5: {  	s31 =	sand.u32 $0x3FFFF800, s26  }
0x1e6: {  	v3 =	vld [tilespmem:s31+$0x2B40]  }
0x1e7: {  	v21 =	vld [tilespmem:s31+$0x2B50]  }
0x1e8: {  	v10 =	vld [tilespmem:s31+$0x2B80]  }
0x1e9: {  	v11 =	vld [tilespmem:s31+$0x2B90];
	v2 =	vbroadcast v1, $0x0  }
0x1ea: {  	v12 =	vld [tilespmem:s31+$0x2BA0]  }
0x1eb: {  	v13 =	vld [tilespmem:s31+$0x2BB0];
	v3 =	vmul.f32 v3, v2  }
0x1ec: {  	v14 =	vld [tilespmem:s31+$0x2BC0];
	v4 =	vmul.f32 v21, v2  }
0x1ed: {  	v9 =	vld [tilespmem:s31+$0x2BD0];
	v23 =	vbroadcast v1, $0x1;
	v22 =	vmul.f32 v10, v2;
	[tilespmem:s31+$0x2B40] =	vst v3  }
0x1ee: {  	v7 =	vld [tilespmem:s31+$0x2BE0];
	v11 =	vmul.f32 v11, v2;
	[tilespmem:s31+$0x2B50] =	vst v4  }
0x1ef: {  	v8 =	vld [tilespmem:s31+$0x2BF0];
	v12 =	vmul.f32 v12, v23;
	[tilespmem:s31+$0x2B80] =	vst v22  }
0x1f0: {  	v25 =	vld [tilespmem:s31+$0x2C10];
	v13 =	vmul.f32 v13, v23;
	[tilespmem:s31+$0x2B90] =	vst v11  }
0x1f1: {  	v26 =	vld [tilespmem:s31+$0x2C20];
	v14 =	vmul.f32 v14, v23;
	[tilespmem:s31+$0x2BA0] =	vst v12  }
0x1f2: {  	v27 =	vld [tilespmem:s31+$0x2C30];
	v9 =	vmul.f32 v9, v23;
	[tilespmem:s31+$0x2BB0] =	vst v13  }
0x1f3: {  	v6 =	vld [tilespmem:s31+$0x3090];
	v7 =	vmul.f32 v7, v23;
	[tilespmem:s31+$0x2BC0] =	vst v14  }
0x1f4: {  	v24 =	vld [tilespmem:s31+$0x2C00];
	v15 =	vbroadcast v1, $0x2;
	v8 =	vmul.f32 v8, v23;
	[tilespmem:s31+$0x2BD0] =	vst v9  }
0x1f5: {  	v28 =	vld [tilespmem:s31+$0x2C40];
	v10 =	vmul.f32 v25, v23;
	[tilespmem:s31+$0x2BE0] =	vst v7  }
0x1f6: {  	v29 =	vld [tilespmem:s31+$0x2C50];
	v5 =	vbroadcast v1, $0xA;
	v32 =	vmul.f32 v26, v15;
	[tilespmem:s31+$0x2BF0] =	vst v8  }
0x1f7: {  	v30 =	vld [tilespmem:s31+$0x2C60];
	v34 =	vmul.f32 v27, v15;
	[tilespmem:s31+$0x2C10] =	vst v10  }
0x1f8: {  	v33 =	vld [tilespmem:s31+$0x2C80];
	v3 =	vmul.f32 v6, v5;
	[tilespmem:s31+$0x2C20] =	vst v32  }
0x1f9: {  	v35 =	vld [tilespmem:s31+$0x2C90];
	v11 =	vmul.f32 v24, v23;
	[tilespmem:s31+$0x2C30] =	vst v34  }
0x1fa: {  	v36 =	vld [tilespmem:s31+$0x2CA0];
	v9 =	vmul.f32 v28, v15;
	[tilespmem:s31+$0x3090] =	vst v3  }
0x1fb: {  	v31 =	vld [tilespmem:s31+$0x2C70];
	v7 =	vmul.f32 v29, v15;
	[tilespmem:s31+$0x2C00] =	vst v11  }
0x1fc: {  	v37 =	vld [tilespmem:s31+$0x2CB0];
	v8 =	vmul.f32 v30, v15;
	[tilespmem:s31+$0x2C40] =	vst v9  }
0x1fd: {  	v38 =	vld [tilespmem:s31+$0x2CC0];
	v41 =	vbroadcast v1, $0x3;
	v10 =	vmul.f32 v33, v15;
	[tilespmem:s31+$0x2C50] =	vst v7  }
0x1fe: {  	v39 =	vld [tilespmem:s31+$0x2CD0];
	v12 =	vmul.f32 v35, v15;
	[tilespmem:s31+$0x2C60] =	vst v8  }
0x1ff: {  	v42 =	vld [tilespmem:s31+$0x2CF0];
	v13 =	vmul.f32 v36, v41;
	[tilespmem:s31+$0x2C80] =	vst v10  }
0x200: {  	v43 =	vld [tilespmem:s31+$0x2D00];
	v11 =	vmul.f32 v31, v15;
	[tilespmem:s31+$0x2C90] =	vst v12  }
0x201: {  	v44 =	vld [tilespmem:s31+$0x2D10];
	v9 =	vmul.f32 v37, v41;
	[tilespmem:s31+$0x2CA0] =	vst v13  }
0x202: {  	v40 =	vld [tilespmem:s31+$0x2CE0];
	v7 =	vmul.f32 v38, v41;
	[tilespmem:s31+$0x2C70] =	vst v11  }
0x203: {  	v45 =	vld [tilespmem:s31+$0x2D20];
	v8 =	vmul.f32 v39, v41;
	[tilespmem:s31+$0x2CB0] =	vst v9  }
0x204: {  	v46 =	vld [tilespmem:s31+$0x2D30];
	v10 =	vmul.f32 v42, v41;
	[tilespmem:s31+$0x2CC0] =	vst v7  }
0x205: {  	v47 =	vld [tilespmem:s31+$0x2D40];
	v12 =	vmul.f32 v43, v41;
	[tilespmem:s31+$0x2CD0] =	vst v8  }
0x206: {  	v49 =	vld [tilespmem:s31+$0x2D60];
	v50 =	vbroadcast v1, $0x4;
	v13 =	vmul.f32 v44, v41;
	[tilespmem:s31+$0x2CF0] =	vst v10  }
0x207: {  	v51 =	vld [tilespmem:s31+$0x2D70];
	v11 =	vmul.f32 v40, v41;
	[tilespmem:s31+$0x2D00] =	vst v12  }
0x208: {  	v52 =	vld [tilespmem:s31+$0x2D80];
	v9 =	vmul.f32 v45, v50;
	[tilespmem:s31+$0x2D10] =	vst v13  }
0x209: {  	v48 =	vld [tilespmem:s31+$0x2D50];
	v7 =	vmul.f32 v46, v50;
	[tilespmem:s31+$0x2CE0] =	vst v11  }
0x20a: {  	v53 =	vld [tilespmem:s31+$0x2D90];
	v8 =	vmul.f32 v47, v50;
	[tilespmem:s31+$0x2D20] =	vst v9  }
0x20b: {  	v54 =	vld [tilespmem:s31+$0x2DA0];
	v10 =	vmul.f32 v49, v50;
	[tilespmem:s31+$0x2D30] =	vst v7  }
0x20c: {  	v55 =	vld [tilespmem:s31+$0x2DB0];
	v12 =	vmul.f32 v51, v50;
	[tilespmem:s31+$0x2D40] =	vst v8  }
0x20d: {  	v57 =	vld [tilespmem:s31+$0x2DD0];
	v13 =	vmul.f32 v52, v50;
	[tilespmem:s31+$0x2D60] =	vst v10  }
0x20e: {  	v58 =	vld [tilespmem:s31+$0x2DE0];
	v59 =	vbroadcast v1, $0x5;
	v11 =	vmul.f32 v48, v50;
	[tilespmem:s31+$0x2D70] =	vst v12  }
0x20f: {  	v60 =	vld [tilespmem:s31+$0x2DF0];
	v9 =	vmul.f32 v53, v50;
	[tilespmem:s31+$0x2D80] =	vst v13  }
0x210: {  	v56 =	vld [tilespmem:s31+$0x2DC0];
	v7 =	vmul.f32 v54, v59;
	[tilespmem:s31+$0x2D50] =	vst v11  }
0x211: {  	v61 =	vld [tilespmem:s31+$0x2E00];
	v8 =	vmul.f32 v55, v59;
	[tilespmem:s31+$0x2D90] =	vst v9  }
0x212: {  	v62 =	vld [tilespmem:s31+$0x2E10];
	v10 =	vmul.f32 v57, v59;
	[tilespmem:s31+$0x2DA0] =	vst v7  }
0x213: {  	v63 =	vld [tilespmem:s31+$0x2E20];
	v12 =	vmul.f32 v58, v59;
	[tilespmem:s31+$0x2DB0] =	vst v8  }
0x214: {  	v19 =	vld [tilespmem:s31+$0x2E40];
	v13 =	vmul.f32 v60, v59;
	[tilespmem:s31+$0x2DD0] =	vst v10  }
0x215: {  	v20 =	vld [tilespmem:s31+$0x2E50];
	v11 =	vmul.f32 v56, v59;
	[tilespmem:s31+$0x2DE0] =	vst v12  }
0x216: {  	v21 =	vld [tilespmem:s31+$0x2E60];
	v22 =	vbroadcast v1, $0x6;
	v9 =	vmul.f32 v61, v59;
	[tilespmem:s31+$0x2DF0] =	vst v13  }
0x217: {  	v18 =	vld [tilespmem:s31+$0x2E30];
	v7 =	vmul.f32 v62, v59;
	[tilespmem:s31+$0x2DC0] =	vst v11  }
0x218: {  	v23 =	vld [tilespmem:s31+$0x2E70];
	v8 =	vmul.f32 v63, v22;
	[tilespmem:s31+$0x2E00] =	vst v9  }
0x219: {  	v24 =	vld [tilespmem:s31+$0x2E80];
	v10 =	vmul.f32 v19, v22;
	[tilespmem:s31+$0x2E10] =	vst v7  }
0x21a: {  	v25 =	vld [tilespmem:s31+$0x2E90];
	v12 =	vmul.f32 v20, v22;
	[tilespmem:s31+$0x2E20] =	vst v8  }
0x21b: {  	v27 =	vld [tilespmem:s31+$0x2EB0];
	v13 =	vmul.f32 v21, v22;
	[tilespmem:s31+$0x2E40] =	vst v10  }
0x21c: {  	v28 =	vld [tilespmem:s31+$0x2EC0];
	v11 =	vmul.f32 v18, v22;
	[tilespmem:s31+$0x2E50] =	vst v12  }
0x21d: {  	v29 =	vld [tilespmem:s31+$0x2ED0];
	v9 =	vmul.f32 v23, v22;
	[tilespmem:s31+$0x2E60] =	vst v13  }
0x21e: {  	v31 =	vbroadcast v1, $0x7;
	v53 =	vld [tilespmem:s31+$0x3020];
	v7 =	vmul.f32 v24, v22;
	[tilespmem:s31+$0x2E30] =	vst v11  }
0x21f: {  	v57 =	vld [tilespmem:s31+$0x3060];
	v8 =	vmul.f32 v25, v22;
	[tilespmem:s31+$0x2E70] =	vst v9  }
0x220: {  	v58 =	vld [tilespmem:s31+$0x3070];
	v10 =	vmul.f32 v27, v31;
	[tilespmem:s31+$0x2E80] =	vst v7  }
0x221: {  	v26 =	vld [tilespmem:s31+$0x2EA0];
	v12 =	vmul.f32 v28, v31;
	[tilespmem:s31+$0x2E90] =	vst v8  }
0x222: {  	v30 =	vld [tilespmem:s31+$0x2EE0];
	v13 =	vmul.f32 v29, v31;
	[tilespmem:s31+$0x2EB0] =	vst v10  }
0x223: {  	v32 =	vld [tilespmem:s31+$0x2EF0];
	v59 =	vmul.f32 v53, v5;
	[tilespmem:s31+$0x2EC0] =	vst v12  }
0x224: {  	v33 =	vld [tilespmem:s31+$0x2F00];
	v18 =	vmul.f32 v57, v5;
	[tilespmem:s31+$0x2ED0] =	vst v13  }
0x225: {  	v35 =	vld [tilespmem:s31+$0x2F20];
	v20 =	vmul.f32 v58, v5;
	[tilespmem:s31+$0x3020] =	vst v59  }
0x226: {  	v36 =	vld [tilespmem:s31+$0x2F30];
	v11 =	vmul.f32 v26, v31;
	[tilespmem:s31+$0x3060] =	vst v18  }
0x227: {  	v37 =	vld [tilespmem:s31+$0x2F40];
	v9 =	vmul.f32 v30, v31;
	[tilespmem:s31+$0x3070] =	vst v20  }
0x228: {  	v4 =	vld [tilespmem:s31+$0x30A0];
	v40 =	vbroadcast v1, $0x8;
	v7 =	vmul.f32 v32, v31;
	[tilespmem:s31+$0x2EA0] =	vst v11  }
0x229: {  	v6 =	vld [tilespmem:s31+$0x30B0];
	v8 =	vmul.f32 v33, v31;
	[tilespmem:s31+$0x2EE0] =	vst v9  }
0x22a: {  	v3 =	vld [tilespmem:s31+$0x32F0];
	v10 =	vmul.f32 v35, v40;
	[tilespmem:s31+$0x2EF0] =	vst v7  }
0x22b: {  	v61 =	vld [tilespmem:s31+$0x2B20];
	v23 =	vbroadcast v1, $0xB;
	v12 =	vmul.f32 v36, v40;
	[tilespmem:s31+$0x2F00] =	vst v8  }
0x22c: {  	v34 =	vld [tilespmem:s31+$0x2F10];
	v13 =	vmul.f32 v37, v40;
	[tilespmem:s31+$0x2F20] =	vst v10  }
0x22d: {  	v38 =	vld [tilespmem:s31+$0x2F50];
	v27 =	vbroadcast v1, $0xF;
	v4 =	vmul.f32 v4, v23;
	[tilespmem:s31+$0x2F30] =	vst v12  }
0x22e: {  	v39 =	vld [tilespmem:s31+$0x2F60];
	v6 =	vmul.f32 v6, v23;
	[tilespmem:s31+$0x2F40] =	vst v13  }
0x22f: {  	v41 =	vld [tilespmem:s31+$0x2F70];
	v3 =	vmul.f32 v3, v27;
	[tilespmem:s31+$0x30A0] =	vst v4  }
0x230: {  	v43 =	vld [tilespmem:s31+$0x2F90];
	v24 =	vmul.f32 v2, v61;
	[tilespmem:s31+$0x30B0] =	vst v6  }
0x231: {  	v44 =	vld [tilespmem:s31+$0x2FA0];
	v11 =	vmul.f32 v34, v31;
	[tilespmem:s31+$0x32F0] =	vst v3  }
0x232: {  	v45 =	vld [tilespmem:s31+$0x2FB0];
	v9 =	vmul.f32 v38, v40;
	[tilespmem:s31+$0x2B20] =	vst v24  }
0x233: {  	v63 =	vld [tilespmem:s31+$0x2B60];
	v7 =	vmul.f32 v39, v40;
	[tilespmem:s31+$0x2F10] =	vst v11  }
0x234: {  	v49 =	vbroadcast v1, $0x9;
	v29 =	vld [tilespmem:s31+$0x3110];
	v8 =	vmul.f32 v41, v40;
	[tilespmem:s31+$0x2F50] =	vst v9  }
0x235: {  	v42 =	vld [tilespmem:s31+$0x2F80];
	v10 =	vmul.f32 v43, v40;
	[tilespmem:s31+$0x2F60] =	vst v7  }
0x236: {  	v46 =	vld [tilespmem:s31+$0x2FC0];
	v12 =	vmul.f32 v44, v49;
	[tilespmem:s31+$0x2F70] =	vst v8  }
0x237: {  	v47 =	vld [tilespmem:s31+$0x2FD0];
	v13 =	vmul.f32 v45, v49;
	[tilespmem:s31+$0x2F90] =	vst v10  }
0x238: {  	v48 =	vld [tilespmem:s31+$0x2FE0];
	v3 =	vmul.f32 v63, v2;
	[tilespmem:s31+$0x2FA0] =	vst v12  }
0x239: {  	v51 =	vld [tilespmem:s31+$0x3000];
	v6 =	vmul.f32 v29, v23;
	[tilespmem:s31+$0x2FB0] =	vst v13  }
0x23a: {  	v52 =	vld [tilespmem:s31+$0x3010];
	v11 =	vmul.f32 v42, v40;
	[tilespmem:s31+$0x2B60] =	vst v3  }
0x23b: {  	v28 =	vld [tilespmem:s31+$0x3100];
	v9 =	vmul.f32 v46, v49;
	[tilespmem:s31+$0x3110] =	vst v6  }
0x23c: {  	v26 =	vld [tilespmem:s31+$0x30F0];
	v7 =	vmul.f32 v47, v49;
	[tilespmem:s31+$0x2F80] =	vst v11  }
0x23d: {  	v30 =	vld [tilespmem:s31+$0x3120];
	v8 =	vmul.f32 v48, v49;
	[tilespmem:s31+$0x2FC0] =	vst v9  }
0x23e: {  	v50 =	vld [tilespmem:s31+$0x2FF0];
	v10 =	vmul.f32 v51, v49;
	[tilespmem:s31+$0x2FD0] =	vst v7  }
0x23f: {  	v54 =	vld [tilespmem:s31+$0x3030];
	v12 =	vmul.f32 v52, v49;
	[tilespmem:s31+$0x2FE0] =	vst v8  }
0x240: {  	v55 =	vld [tilespmem:s31+$0x3040];
	v35 =	vbroadcast v1, $0xC;
	v40 =	vmul.f32 v28, v23;
	[tilespmem:s31+$0x3000] =	vst v10  }
0x241: {  	v56 =	vld [tilespmem:s31+$0x3050];
	v32 =	vmul.f32 v26, v23;
	[tilespmem:s31+$0x3010] =	vst v12  }
0x242: {  	v60 =	vld [tilespmem:s31+$0x3080];
	v15 =	vmul.f32 v30, v35;
	[tilespmem:s31+$0x3100] =	vst v40  }
0x243: {  	v62 =	vld [tilespmem:s31+$0x2B30];
	v11 =	vmul.f32 v50, v49;
	[tilespmem:s31+$0x30F0] =	vst v32  }
0x244: {  	v19 =	vld [tilespmem:s31+$0x2B70];
	v9 =	vmul.f32 v54, v5;
	[tilespmem:s31+$0x3120] =	vst v15  }
0x245: {  	v33 =	vld [tilespmem:s31+$0x3150];
	v7 =	vmul.f32 v55, v5;
	[tilespmem:s31+$0x2FF0] =	vst v11  }
0x246: {  	v61 =	vld [tilespmem:s31+$0x3310];
	v8 =	vmul.f32 v56, v5;
	[tilespmem:s31+$0x3030] =	vst v9  }
0x247: {  	v38 =	vld [tilespmem:s31+$0x3190];
	v5 =	vmul.f32 v60, v5;
	[tilespmem:s31+$0x3040] =	vst v7  }
0x248: {  	v21 =	vld [tilespmem:s31+$0x30C0];
	v12 =	vmul.f32 v62, v2;
	[tilespmem:s31+$0x3050] =	vst v8  }
0x249: {  	v22 =	vld [tilespmem:s31+$0x30D0];
	v2 =	vmul.f32 v19, v2;
	[tilespmem:s31+$0x3080] =	vst v5  }
0x24a: {  	v25 =	vld [tilespmem:s31+$0x30E0];
	v62 =	vmul.f32 v33, v35;
	[tilespmem:s31+$0x2B30] =	vst v12  }
0x24b: {  	v31 =	vld [tilespmem:s31+$0x3130];
	v63 =	vmul.f32 v61, v27;
	[tilespmem:s31+$0x2B70] =	vst v2  }
0x24c: {  	v34 =	vld [tilespmem:s31+$0x3160];
	v15 =	vmul.f32 v38, v35;
	[tilespmem:s31+$0x3150] =	vst v62  }
0x24d: {  	v41 =	vld [tilespmem:s31+$0x31C0];
	v7 =	vmul.f32 v21, v23;
	[tilespmem:s31+$0x3310] =	vst v63  }
0x24e: {  	v46 =	vld [tilespmem:s31+$0x3200];
	v8 =	vmul.f32 v22, v23;
	[tilespmem:s31+$0x3190] =	vst v15  }
0x24f: {  	v36 =	vld [tilespmem:s31+$0x3170];
	v5 =	vmul.f32 v25, v23;
	[tilespmem:s31+$0x30C0] =	vst v7  }
0x250: {  	v44 =	vbroadcast v1, $0xD;
	v9 =	vmul.f32 v31, v35;
	v2 =	vld [tilespmem:s31+$0x31B0];
	[tilespmem:s31+$0x30D0] =	vst v8  }
0x251: {  	v37 =	vld [tilespmem:s31+$0x3180];
	v12 =	vmul.f32 v34, v35;
	[tilespmem:s31+$0x30E0] =	vst v5  }
0x252: {  	v39 =	vld [tilespmem:s31+$0x31A0];
	v11 =	vmul.f32 v41, v44;
	[tilespmem:s31+$0x3130] =	vst v9  }
0x253: {  	v42 =	vld [tilespmem:s31+$0x31D0];
	v51 =	vmul.f32 v46, v44;
	[tilespmem:s31+$0x3160] =	vst v12  }
0x254: {  	v48 =	vld [tilespmem:s31+$0x3230];
	v8 =	vmul.f32 v36, v35;
	[tilespmem:s31+$0x31C0] =	vst v11  }
0x255: {  	v49 =	vld [tilespmem:s31+$0x3240];
	[tilespmem:s31+$0x3200] =	vst v51;
	v2 =	vmul.f32 v2, v44  }
0x256: {  	v50 =	vld [tilespmem:s31+$0x3250];
	v5 =	vmul.f32 v37, v35;
	[tilespmem:s31+$0x3170] =	vst v8  }
0x257: {  	v1 =	vbroadcast v1, $0xE;
	v9 =	vmul.f32 v39, v44;
	[tilespmem:s31+$0x31B0] =	vst v2;
	v2 =	vld [tilespmem:s31+$0x3220]  }
0x258: {  	v60 =	vld [tilespmem:s31+$0x3300];
	v12 =	vmul.f32 v42, v44;
	[tilespmem:s31+$0x3180] =	vst v5  }
0x259: {  	v45 =	vld [tilespmem:s31+$0x31F0];
	v11 =	vmul.f32 v48, v1;
	[tilespmem:s31+$0x31A0] =	vst v9  }
0x25a: {  	v47 =	vld [tilespmem:s31+$0x3210];
	v10 =	vmul.f32 v49, v1;
	[tilespmem:s31+$0x31D0] =	vst v12  }
0x25b: {  	v43 =	vld [tilespmem:s31+$0x31E0];
	v6 =	vmul.f32 v50, v1;
	[tilespmem:s31+$0x3230] =	vst v11  }
0x25c: {  	v55 =	vld [tilespmem:s31+$0x32A0];
	[tilespmem:s31+$0x3240] =	vst v10;
	v2 =	vmul.f32 v2, v1  }
0x25d: {  	v57 =	vld [tilespmem:s31+$0x32C0];
	v4 =	vmul.f32 v60, v27;
	[tilespmem:s31+$0x3250] =	vst v6  }
0x25e: {  	v5 =	vmul.f32 v45, v44;
	[tilespmem:s31+$0x3220] =	vst v2;
	v2 =	vld [tilespmem:s31+$0x3290]  }
0x25f: {  	v52 =	vld [tilespmem:s31+$0x3260];
	v9 =	vmul.f32 v47, v44;
	[tilespmem:s31+$0x3300] =	vst v4  }
0x260: {  	v56 =	vld [tilespmem:s31+$0x32B0];
	v8 =	vmul.f32 v43, v44;
	[tilespmem:s31+$0x31F0] =	vst v5  }
0x261: {  	v54 =	vld [tilespmem:s31+$0x3280];
	v11 =	vmul.f32 v55, v27;
	[tilespmem:s31+$0x3210] =	vst v9  }
0x262: {  	v58 =	vld [tilespmem:s31+$0x32D0];
	v6 =	vmul.f32 v57, v27;
	[tilespmem:s31+$0x31E0] =	vst v8  }
0x263: {  	v53 =	vld [tilespmem:s31+$0x3270];
	[tilespmem:s31+$0x32A0] =	vst v11;
	v2 =	vmul.f32 v2, v1  }
0x264: {  	v59 =	vld [tilespmem:s31+$0x32E0];
	v5 =	vmul.f32 v52, v1;
	[tilespmem:s31+$0x32C0] =	vst v6  }
0x265: {  	[tilespmem:s31+$0x3290] =	vst v2;
	v2 =	vmul.f32 v56, v27  }
0x266: {  	v3 =	vld [tilespmem:s31+$0x3140];
	v9 =	vmul.f32 v54, v1;
	[tilespmem:s31+$0x3260] =	vst v5  }
0x267: {  	[tilespmem:s31+$0x32B0] =	vst v2;
	v2 =	vmul.f32 v58, v27  }
0x268: {  	[tilespmem:s31+$0x3280] =	vst v9;
	v1 =	vmul.f32 v53, v1  }
0x269: {  	[tilespmem:s31+$0x32D0] =	vst v2;
	v2 =	vmul.f32 v59, v27  }
0x26a: {  	[tilespmem:s31+$0x3270] =	vst v1  }
0x26b: {  	s30 =	simm.s32 $0x1;
	[tilespmem:s31+$0x32E0] =	vst v2;
	v2 =	vmul.f32 v3, v35  }
.LBB2_12:
0x26c: {  	s22 =	sshll.u32 s30, $0x4  }
0x26d: {  	p0 =	sne.s32 s30, $0x4;
	[tilespmem:s31+$0x3140] =	vst v2;
	s26 =	smov.u32 s30;
	s30 =	sadd.s32 $0x1, s30  }
0x26e: {  	s22 =	sand.u32 $0x3FFFFFF0, s22  }
0x26f: {  	v1 =	vld [tilespmem:s22+$0x2D0];
	s22 =	sshll.u32 s26, $0xB  }
0x270: {  	s31 =	sand.u32 $0x3FFFF800, s22  }
0x271: {  	v8 =	vld [tilespmem:s31+$0x2BE0]  }
0x272: {  	v9 =	vld [tilespmem:s31+$0x2BF0]  }
0x273: {  	v10 =	vld [tilespmem:s31+$0x2BD0]  }
0x274: {  	v2 =	vbroadcast v1, $0x0;
	v3 =	vld [tilespmem:s31+$0x2B40];
	v7 =	vbroadcast v1, $0x4  }
0x275: {  	v5 =	vld [tilespmem:s31+$0x2B50]  }
0x276: {  	v6 =	vld [tilespmem:s31+$0x3090]  }
0x277: {  	v11 =	vld [tilespmem:s31+$0x2B80]  }
0x278: {  	v12 =	vld [tilespmem:s31+$0x2B90]  }
0x279: {  	v4 =	vbroadcast v1, $0xA;
	v3 =	vmul.f32 v3, v2;
	v13 =	vld [tilespmem:s31+$0x2BA0]  }
0x27a: {  	v5 =	vmul.f32 v5, v2;
	v14 =	vld [tilespmem:s31+$0x2BB0]  }
0x27b: {  	[tilespmem:s31+$0x2B40] =	vst v3;
	v15 =	vld [tilespmem:s31+$0x2BC0];
	v3 =	vmul.f32 v6, v4  }
0x27c: {  	[tilespmem:s31+$0x2B50] =	vst v5;
	v6 =	vmul.f32 v11, v2;
	v11 =	vbroadcast v1, $0x1;
	v5 =	vld [tilespmem:s31+$0x30A0]  }
0x27d: {  	v12 =	vmul.f32 v12, v2;
	[tilespmem:s31+$0x3090] =	vst v3;
	v3 =	vld [tilespmem:s31+$0x32F0]  }
0x27e: {  	[tilespmem:s31+$0x2B80] =	vst v6;
	v13 =	vmul.f32 v13, v11;
	v6 =	vld [tilespmem:s31+$0x30B0]  }
0x27f: {  	[tilespmem:s31+$0x2B90] =	vst v12;
	v12 =	vmul.f32 v14, v11;
	v14 =	vld [tilespmem:s31+$0x2C00]  }
0x280: {  	[tilespmem:s31+$0x2BA0] =	vst v13;
	v13 =	vmul.f32 v15, v11;
	v15 =	vld [tilespmem:s31+$0x2C10]  }
0x281: {  	v10 =	vmul.f32 v10, v11;
	[tilespmem:s31+$0x2BB0] =	vst v12;
	v12 =	vld [tilespmem:s31+$0x2C20]  }
0x282: {  	v8 =	vmul.f32 v8, v11;
	[tilespmem:s31+$0x2BC0] =	vst v13;
	v13 =	vld [tilespmem:s31+$0x2C30]  }
0x283: {  	v9 =	vmul.f32 v9, v11;
	[tilespmem:s31+$0x2BD0] =	vst v10;
	v10 =	vld [tilespmem:s31+$0x2C40]  }
0x284: {  	[tilespmem:s31+$0x2BE0] =	vst v8;
	v8 =	vmul.f32 v14, v11;
	v14 =	vbroadcast v1, $0x2;
	v16 =	vld [tilespmem:s31+$0x2C50]  }
0x285: {  	[tilespmem:s31+$0x2BF0] =	vst v9;
	v9 =	vmul.f32 v15, v11;
	v11 =	vld [tilespmem:s31+$0x2C60]  }
0x286: {  	[tilespmem:s31+$0x2C00] =	vst v8;
	v8 =	vmul.f32 v12, v14;
	v12 =	vld [tilespmem:s31+$0x2C70]  }
0x287: {  	[tilespmem:s31+$0x2C10] =	vst v9;
	v9 =	vmul.f32 v13, v14;
	v13 =	vld [tilespmem:s31+$0x2C80]  }
0x288: {  	[tilespmem:s31+$0x2C20] =	vst v8;
	v8 =	vmul.f32 v10, v14;
	v10 =	vld [tilespmem:s31+$0x2C90]  }
0x289: {  	[tilespmem:s31+$0x2C30] =	vst v9;
	v9 =	vmul.f32 v16, v14;
	v15 =	vld [tilespmem:s31+$0x2CA0]  }
0x28a: {  	[tilespmem:s31+$0x2C40] =	vst v8;
	v8 =	vmul.f32 v11, v14;
	v11 =	vld [tilespmem:s31+$0x2CB0]  }
0x28b: {  	[tilespmem:s31+$0x2C50] =	vst v9;
	v9 =	vmul.f32 v12, v14;
	v12 =	vld [tilespmem:s31+$0x2CC0]  }
0x28c: {  	[tilespmem:s31+$0x2C60] =	vst v8;
	v8 =	vmul.f32 v13, v14;
	v13 =	vbroadcast v1, $0x3;
	v16 =	vld [tilespmem:s31+$0x2CD0]  }
0x28d: {  	[tilespmem:s31+$0x2C70] =	vst v9;
	v9 =	vmul.f32 v10, v14;
	v10 =	vld [tilespmem:s31+$0x2CE0]  }
0x28e: {  	[tilespmem:s31+$0x2C80] =	vst v8;
	v8 =	vmul.f32 v15, v13;
	v14 =	vld [tilespmem:s31+$0x2CF0]  }
0x28f: {  	[tilespmem:s31+$0x2C90] =	vst v9;
	v9 =	vmul.f32 v11, v13;
	v11 =	vld [tilespmem:s31+$0x2D00]  }
0x290: {  	[tilespmem:s31+$0x2CA0] =	vst v8;
	v8 =	vmul.f32 v12, v13;
	v12 =	vld [tilespmem:s31+$0x2D10]  }
0x291: {  	[tilespmem:s31+$0x2CB0] =	vst v9;
	v9 =	vmul.f32 v16, v13;
	v15 =	vld [tilespmem:s31+$0x2D20]  }
0x292: {  	[tilespmem:s31+$0x2CC0] =	vst v8;
	v8 =	vmul.f32 v10, v13;
	v10 =	vld [tilespmem:s31+$0x2D30]  }
0x293: {  	[tilespmem:s31+$0x2CD0] =	vst v9;
	v9 =	vmul.f32 v14, v13;
	v14 =	vld [tilespmem:s31+$0x2D40]  }
0x294: {  	[tilespmem:s31+$0x2CE0] =	vst v8;
	v8 =	vmul.f32 v11, v13;
	v11 =	vld [tilespmem:s31+$0x2D50]  }
0x295: {  	[tilespmem:s31+$0x2CF0] =	vst v9;
	v9 =	vmul.f32 v12, v13;
	v12 =	vld [tilespmem:s31+$0x2D60]  }
0x296: {  	[tilespmem:s31+$0x2D00] =	vst v8;
	v8 =	vmul.f32 v15, v7;
	v13 =	vld [tilespmem:s31+$0x2D70]  }
0x297: {  	[tilespmem:s31+$0x2D10] =	vst v9;
	v9 =	vmul.f32 v10, v7;
	v10 =	vld [tilespmem:s31+$0x2D80]  }
0x298: {  	[tilespmem:s31+$0x2D20] =	vst v8;
	v8 =	vmul.f32 v14, v7;
	v14 =	vld [tilespmem:s31+$0x2D90]  }
0x299: {  	[tilespmem:s31+$0x2D30] =	vst v9;
	v9 =	vmul.f32 v11, v7;
	v11 =	vld [tilespmem:s31+$0x2DA0]  }
0x29a: {  	[tilespmem:s31+$0x2D40] =	vst v8;
	v8 =	vmul.f32 v12, v7;
	v12 =	vld [tilespmem:s31+$0x2DB0]  }
0x29b: {  	[tilespmem:s31+$0x2D50] =	vst v9;
	v9 =	vmul.f32 v13, v7;
	v13 =	vld [tilespmem:s31+$0x2DC0]  }
0x29c: {  	[tilespmem:s31+$0x2D60] =	vst v8;
	v8 =	vmul.f32 v10, v7;
	v10 =	vbroadcast v1, $0x5;
	v15 =	vld [tilespmem:s31+$0x2DD0]  }
0x29d: {  	[tilespmem:s31+$0x2D70] =	vst v9;
	v7 =	vmul.f32 v14, v7;
	v9 =	vld [tilespmem:s31+$0x2DE0]  }
0x29e: {  	[tilespmem:s31+$0x2D80] =	vst v8;
	v8 =	vmul.f32 v11, v10;
	v11 =	vld [tilespmem:s31+$0x2DF0]  }
0x29f: {  	[tilespmem:s31+$0x2D90] =	vst v7;
	v7 =	vmul.f32 v12, v10;
	v12 =	vld [tilespmem:s31+$0x2E00]  }
0x2a0: {  	[tilespmem:s31+$0x2DA0] =	vst v8;
	v8 =	vmul.f32 v13, v10;
	v13 =	vld [tilespmem:s31+$0x2E10]  }
0x2a1: {  	[tilespmem:s31+$0x2DB0] =	vst v7;
	v7 =	vmul.f32 v15, v10;
	v14 =	vld [tilespmem:s31+$0x2E20]  }
0x2a2: {  	[tilespmem:s31+$0x2DC0] =	vst v8;
	v8 =	vmul.f32 v9, v10;
	v9 =	vld [tilespmem:s31+$0x2E30]  }
0x2a3: {  	[tilespmem:s31+$0x2DD0] =	vst v7;
	v7 =	vmul.f32 v11, v10;
	v11 =	vld [tilespmem:s31+$0x2E40]  }
0x2a4: {  	[tilespmem:s31+$0x2DE0] =	vst v8;
	v8 =	vmul.f32 v12, v10;
	v12 =	vbroadcast v1, $0x6;
	v15 =	vld [tilespmem:s31+$0x2E50]  }
0x2a5: {  	[tilespmem:s31+$0x2DF0] =	vst v7;
	v7 =	vmul.f32 v13, v10;
	v10 =	vld [tilespmem:s31+$0x2E60]  }
0x2a6: {  	[tilespmem:s31+$0x2E00] =	vst v8;
	v8 =	vmul.f32 v14, v12;
	v13 =	vld [tilespmem:s31+$0x2E70]  }
0x2a7: {  	[tilespmem:s31+$0x2E10] =	vst v7;
	v7 =	vmul.f32 v9, v12;
	v9 =	vld [tilespmem:s31+$0x2E80]  }
0x2a8: {  	[tilespmem:s31+$0x2E20] =	vst v8;
	v8 =	vmul.f32 v11, v12;
	v11 =	vld [tilespmem:s31+$0x2E90]  }
0x2a9: {  	[tilespmem:s31+$0x2E30] =	vst v7;
	v7 =	vmul.f32 v15, v12;
	v14 =	vld [tilespmem:s31+$0x2EA0]  }
0x2aa: {  	[tilespmem:s31+$0x2E40] =	vst v8;
	v8 =	vmul.f32 v10, v12;
	v10 =	vld [tilespmem:s31+$0x2EB0]  }
0x2ab: {  	[tilespmem:s31+$0x2E50] =	vst v7;
	v7 =	vmul.f32 v13, v12;
	v13 =	vld [tilespmem:s31+$0x2EC0]  }
0x2ac: {  	[tilespmem:s31+$0x2E60] =	vst v8;
	v8 =	vmul.f32 v9, v12;
	v9 =	vbroadcast v1, $0x7;
	v15 =	vld [tilespmem:s31+$0x2ED0]  }
0x2ad: {  	[tilespmem:s31+$0x2E70] =	vst v7;
	v7 =	vmul.f32 v11, v12;
	v11 =	vld [tilespmem:s31+$0x2EE0]  }
0x2ae: {  	[tilespmem:s31+$0x2E80] =	vst v8;
	v8 =	vmul.f32 v14, v9;
	v12 =	vld [tilespmem:s31+$0x2EF0]  }
0x2af: {  	[tilespmem:s31+$0x2E90] =	vst v7;
	v7 =	vmul.f32 v10, v9;
	v10 =	vld [tilespmem:s31+$0x2F00]  }
0x2b0: {  	[tilespmem:s31+$0x2EA0] =	vst v8;
	v8 =	vmul.f32 v13, v9;
	v13 =	vld [tilespmem:s31+$0x2F10]  }
0x2b1: {  	[tilespmem:s31+$0x2EB0] =	vst v7;
	v7 =	vmul.f32 v15, v9;
	v14 =	vld [tilespmem:s31+$0x2F20]  }
0x2b2: {  	[tilespmem:s31+$0x2EC0] =	vst v8;
	v8 =	vmul.f32 v11, v9;
	v11 =	vld [tilespmem:s31+$0x2F30]  }
0x2b3: {  	[tilespmem:s31+$0x2ED0] =	vst v7;
	v7 =	vmul.f32 v12, v9;
	v12 =	vld [tilespmem:s31+$0x2F40]  }
0x2b4: {  	[tilespmem:s31+$0x2EE0] =	vst v8;
	v8 =	vmul.f32 v10, v9;
	v10 =	vbroadcast v1, $0x8;
	v15 =	vld [tilespmem:s31+$0x2F50]  }
0x2b5: {  	[tilespmem:s31+$0x2EF0] =	vst v7;
	v7 =	vmul.f32 v13, v9;
	v9 =	vld [tilespmem:s31+$0x2F60]  }
0x2b6: {  	[tilespmem:s31+$0x2F00] =	vst v8;
	v8 =	vmul.f32 v14, v10;
	v13 =	vld [tilespmem:s31+$0x2F70]  }
0x2b7: {  	[tilespmem:s31+$0x2F10] =	vst v7;
	v7 =	vmul.f32 v11, v10;
	v11 =	vld [tilespmem:s31+$0x2F80]  }
0x2b8: {  	[tilespmem:s31+$0x2F20] =	vst v8;
	v8 =	vmul.f32 v12, v10;
	v12 =	vld [tilespmem:s31+$0x2F90]  }
0x2b9: {  	[tilespmem:s31+$0x2F30] =	vst v7;
	v7 =	vmul.f32 v15, v10;
	v14 =	vld [tilespmem:s31+$0x2FA0]  }
0x2ba: {  	[tilespmem:s31+$0x2F40] =	vst v8;
	v8 =	vmul.f32 v9, v10;
	v9 =	vld [tilespmem:s31+$0x2FB0]  }
0x2bb: {  	[tilespmem:s31+$0x2F50] =	vst v7;
	v7 =	vmul.f32 v13, v10;
	v13 =	vld [tilespmem:s31+$0x2FC0]  }
0x2bc: {  	[tilespmem:s31+$0x2F60] =	vst v8;
	v8 =	vmul.f32 v11, v10;
	v11 =	vbroadcast v1, $0x9;
	v15 =	vld [tilespmem:s31+$0x2FD0]  }
0x2bd: {  	[tilespmem:s31+$0x2F70] =	vst v7;
	v7 =	vmul.f32 v12, v10;
	v10 =	vld [tilespmem:s31+$0x2FE0]  }
0x2be: {  	[tilespmem:s31+$0x2F80] =	vst v8;
	v8 =	vmul.f32 v14, v11;
	v12 =	vld [tilespmem:s31+$0x2FF0]  }
0x2bf: {  	[tilespmem:s31+$0x2F90] =	vst v7;
	v7 =	vmul.f32 v9, v11;
	v9 =	vld [tilespmem:s31+$0x3000]  }
0x2c0: {  	[tilespmem:s31+$0x2FA0] =	vst v8;
	v8 =	vmul.f32 v13, v11;
	v13 =	vld [tilespmem:s31+$0x3010]  }
0x2c1: {  	[tilespmem:s31+$0x2FB0] =	vst v7;
	v7 =	vmul.f32 v15, v11;
	v14 =	vld [tilespmem:s31+$0x3020]  }
0x2c2: {  	[tilespmem:s31+$0x2FC0] =	vst v8;
	v8 =	vmul.f32 v10, v11;
	v10 =	vld [tilespmem:s31+$0x3030]  }
0x2c3: {  	[tilespmem:s31+$0x2FD0] =	vst v7;
	v7 =	vmul.f32 v12, v11;
	v12 =	vld [tilespmem:s31+$0x3040]  }
0x2c4: {  	[tilespmem:s31+$0x2FE0] =	vst v8;
	v8 =	vmul.f32 v9, v11;
	v9 =	vld [tilespmem:s31+$0x3050]  }
0x2c5: {  	[tilespmem:s31+$0x2FF0] =	vst v7;
	v7 =	vmul.f32 v13, v11;
	v11 =	vld [tilespmem:s31+$0x3060]  }
0x2c6: {  	[tilespmem:s31+$0x3000] =	vst v8;
	v8 =	vmul.f32 v14, v4;
	v13 =	vld [tilespmem:s31+$0x3070]  }
0x2c7: {  	[tilespmem:s31+$0x3010] =	vst v7;
	v7 =	vmul.f32 v10, v4;
	v10 =	vld [tilespmem:s31+$0x3080]  }
0x2c8: {  	v14 =	vld [tilespmem:s31+$0x2B20];
	[tilespmem:s31+$0x3020] =	vst v8;
	v8 =	vmul.f32 v12, v4  }
0x2c9: {  	v12 =	vld [tilespmem:s31+$0x2B30];
	[tilespmem:s31+$0x3030] =	vst v7;
	v7 =	vmul.f32 v9, v4  }
0x2ca: {  	v9 =	vld [tilespmem:s31+$0x2B60];
	[tilespmem:s31+$0x3040] =	vst v8;
	v8 =	vmul.f32 v11, v4  }
0x2cb: {  	v11 =	vld [tilespmem:s31+$0x2B70];
	[tilespmem:s31+$0x3050] =	vst v7;
	v7 =	vmul.f32 v13, v4  }
0x2cc: {  	[tilespmem:s31+$0x3060] =	vst v8;
	v8 =	vmul.f32 v10, v4;
	v10 =	vbroadcast v1, $0xB;
	v13 =	vld [tilespmem:s31+$0x30C0]  }
0x2cd: {  	v4 =	vbroadcast v1, $0xF;
	v14 =	vmul.f32 v2, v14;
	[tilespmem:s31+$0x3070] =	vst v7;
	v7 =	vld [tilespmem:s31+$0x30D0]  }
0x2ce: {  	v12 =	vmul.f32 v12, v2;
	[tilespmem:s31+$0x3080] =	vst v8;
	v5 =	vmul.f32 v5, v10;
	v8 =	vld [tilespmem:s31+$0x30E0]  }
0x2cf: {  	v6 =	vmul.f32 v6, v10;
	[tilespmem:s31+$0x2B20] =	vst v14;
	v9 =	vmul.f32 v9, v2;
	v14 =	vld [tilespmem:s31+$0x30F0]  }
0x2d0: {  	v3 =	vmul.f32 v3, v4;
	v11 =	vmul.f32 v11, v2;
	[tilespmem:s31+$0x30A0] =	vst v5;
	v2 =	vld [tilespmem:s31+$0x3100]  }
0x2d1: {  	[tilespmem:s31+$0x30B0] =	vst v6;
	v5 =	vmul.f32 v13, v10;
	v6 =	vld [tilespmem:s31+$0x3110]  }
0x2d2: {  	v7 =	vmul.f32 v7, v10;
	v13 =	vld [tilespmem:s31+$0x3120];
	[tilespmem:s31+$0x32F0] =	vst v3  }
0x2d3: {  	[tilespmem:s31+$0x2B30] =	vst v12;
	v3 =	vmul.f32 v8, v10;
	v8 =	vld [tilespmem:s31+$0x3130]  }
0x2d4: {  	[tilespmem:s31+$0x2B60] =	vst v9;
	v9 =	vmul.f32 v14, v10;
	v12 =	vld [tilespmem:s31+$0x3140]  }
0x2d5: {  	v14 =	vbroadcast v1, $0xC;
	[tilespmem:s31+$0x30C0] =	vst v5;
	v5 =	vmul.f32 v2, v10;
	v15 =	vld [tilespmem:s31+$0x3150]  }
0x2d6: {  	[tilespmem:s31+$0x30F0] =	vst v9;
	v6 =	vmul.f32 v6, v10;
	v9 =	vld [tilespmem:s31+$0x3160]  }
0x2d7: {  	[tilespmem:s31+$0x30D0] =	vst v7;
	v2 =	vmul.f32 v13, v14;
	v7 =	vld [tilespmem:s31+$0x3170]  }
0x2d8: {  	[tilespmem:s31+$0x30E0] =	vst v3;
	v3 =	vmul.f32 v8, v14;
	v8 =	vld [tilespmem:s31+$0x3180]  }
0x2d9: {  	[tilespmem:s31+$0x3120] =	vst v2;
	v2 =	vmul.f32 v12, v14;
	v10 =	vld [tilespmem:s31+$0x3190]  }
0x2da: {  	[tilespmem:s31+$0x3130] =	vst v3;
	v3 =	vld [tilespmem:s31+$0x31A0]  }
0x2db: {  	[tilespmem:s31+$0x2B70] =	vst v11;
	v9 =	vmul.f32 v9, v14;
	v11 =	vld [tilespmem:s31+$0x31B0]  }
0x2dc: {  	[tilespmem:s31+$0x3100] =	vst v5;
	v5 =	vmul.f32 v7, v14;
	v7 =	vld [tilespmem:s31+$0x31C0]  }
0x2dd: {  	[tilespmem:s31+$0x3160] =	vst v9;
	v8 =	vmul.f32 v8, v14;
	v9 =	vbroadcast v1, $0xD;
	v12 =	vld [tilespmem:s31+$0x31D0]  }
0x2de: {  	[tilespmem:s31+$0x3170] =	vst v5;
	v5 =	vmul.f32 v10, v14;
	v10 =	vld [tilespmem:s31+$0x31E0]  }
0x2df: {  	[tilespmem:s31+$0x3180] =	vst v8;
	v3 =	vmul.f32 v3, v9;
	v8 =	vld [tilespmem:s31+$0x31F0]  }
0x2e0: {  	[tilespmem:s31+$0x3190] =	vst v5;
	v5 =	vmul.f32 v11, v9;
	v11 =	vld [tilespmem:s31+$0x3200]  }
0x2e1: {  	[tilespmem:s31+$0x31A0] =	vst v3;
	v3 =	vmul.f32 v7, v9;
	v7 =	vld [tilespmem:s31+$0x3210]  }
0x2e2: {  	[tilespmem:s31+$0x31B0] =	vst v5;
	v5 =	vmul.f32 v12, v9;
	v12 =	vld [tilespmem:s31+$0x3220]  }
0x2e3: {  	[tilespmem:s31+$0x31C0] =	vst v3;
	v3 =	vmul.f32 v10, v9;
	v10 =	vld [tilespmem:s31+$0x3230]  }
0x2e4: {  	[tilespmem:s31+$0x31D0] =	vst v5;
	v5 =	vmul.f32 v8, v9;
	v8 =	vld [tilespmem:s31+$0x3240]  }
0x2e5: {  	v1 =	vbroadcast v1, $0xE;
	[tilespmem:s31+$0x3110] =	vst v6;
	v6 =	vmul.f32 v11, v9;
	v11 =	vld [tilespmem:s31+$0x3250]  }
0x2e6: {  	[tilespmem:s31+$0x31F0] =	vst v5;
	v5 =	vmul.f32 v7, v9;
	v7 =	vld [tilespmem:s31+$0x3260]  }
0x2e7: {  	[tilespmem:s31+$0x3200] =	vst v6;
	v6 =	vmul.f32 v12, v1;
	v9 =	vld [tilespmem:s31+$0x3270]  }
0x2e8: {  	[tilespmem:s31+$0x3210] =	vst v5;
	v5 =	vmul.f32 v10, v1;
	v10 =	vld [tilespmem:s31+$0x3280]  }
0x2e9: {  	[tilespmem:s31+$0x3220] =	vst v6;
	v6 =	vmul.f32 v8, v1;
	v8 =	vld [tilespmem:s31+$0x3290]  }
0x2ea: {  	[tilespmem:s31+$0x3230] =	vst v5;
	v5 =	vmul.f32 v11, v1;
	v11 =	vld [tilespmem:s31+$0x32A0]  }
0x2eb: {  	[tilespmem:s31+$0x3240] =	vst v6;
	v6 =	vmul.f32 v7, v1;
	v7 =	vld [tilespmem:s31+$0x32B0]  }
0x2ec: {  	[tilespmem:s31+$0x3250] =	vst v5;
	v5 =	vmul.f32 v9, v1;
	v9 =	vld [tilespmem:s31+$0x32C0]  }
0x2ed: {  	[tilespmem:s31+$0x3260] =	vst v6;
	v6 =	vmul.f32 v10, v1;
	v10 =	vld [tilespmem:s31+$0x32D0]  }
0x2ee: {  	[tilespmem:s31+$0x31E0] =	vst v3;
	v1 =	vmul.f32 v8, v1;
	v3 =	vld [tilespmem:s31+$0x32E0]  }
0x2ef: {  	[tilespmem:s31+$0x3280] =	vst v6;
	v6 =	vmul.f32 v11, v4;
	v8 =	vld [tilespmem:s31+$0x3300]  }
0x2f0: {  	[tilespmem:s31+$0x3290] =	vst v1;
	v1 =	vmul.f32 v7, v4;
	v7 =	vld [tilespmem:s31+$0x3310]  }
0x2f1: {  	[tilespmem:s31+$0x32A0] =	vst v6;
	v6 =	vmul.f32 v9, v4  }
0x2f2: {  	[tilespmem:s31+$0x32B0] =	vst v1;
	v1 =	vmul.f32 v10, v4  }
0x2f3: {  	v9 =	vmul.f32 v15, v14;
	[tilespmem:s31+$0x32C0] =	vst v6  }
0x2f4: {  	[tilespmem:s31+$0x32D0] =	vst v1;
	v1 =	vmul.f32 v3, v4  }
.Ltmp10:
0x2f5: {  	[tilespmem:s31+$0x3150] =	vst v9;
	v3 =	vmul.f32 v7, v4;
	(pc) =	sbr.rel @p0 .LBB2_12-.Ltmp10, $4  }
0x2f6: {  	[tilespmem:s31+$0x32E0] =	vst v1  }
0x2f7: {  	v1 =	vmul.f32 v8, v4;
	[tilespmem:s31+$0x3310] =	vst v3  }
0x2f8: {  	[tilespmem:s31+$0x3270] =	vst v5  }
0x2f9: {  	[tilespmem:s31+$0x3300] =	vst v1  }
.Ltmp11:
0x2fa: {  	(pc) =	sbr.rel .LBB2_14-.Ltmp11, $4  }
0x2fb: {  	[tilespmem:s31+$0x3140] =	vst v2  }
0x2fc: {  	[spmem:s6] =	stream.indirect.scatter.add.f32 [tilespmem:s15], [sflag:$0x8], $0x80, s25, s29, $0xb8;
	[tilespmem:$0x1B7B0] =	vst v63  }
0x2fd: {  	_ = 	snop  }
0x2fe: {  	[spmem:s7] =	stream.indirect.scatter.add.f32 [tilespmem:s17], [sflag:$0xA], $0x10, s25, s29, $0xb8;
	[tilespmem:$0x1B7B0] =	vst v63  }
.LBB2_16:
0x2ff: {  	_ =	sfence.sel $0x180000  }
0x300: {  	[bflag:$0x0] =	sbarrier.arrive $0xFFFF  }
0x301: {  	_ =	strace $0x90000047  }
0x302: {  	s0 =	stileid.u32;
	[bflag:$0x2] =	sbarrier.arrive $0xFFFF  }
0x303: {  	p0 =	sne.s32 s0, $0x0;
	s0 =	rddreg [dreg:$0x8]  }
0x304: {  	s0 =	sadd.s32 @!p0 $0x100000, s0  }
0x305: {  	[sflag:s0] =	ssyncadd.tile.s32 @!p0 $0x1;
	_ =	shalt  }
.Lfunc_end2:
_tile_overlayer_lowered:
.L_overlay_start_2:
0x306: {  	(tag) =	ssettag $0x2  }
0x307: {  	s0 =	rddreg [dreg:$0x0];
	s2 =	stileid.u32  }
0x308: {  	s1 =	rddreg [dreg:$0x1];
	p0 =	sne.s32 s2, $0x0  }
0x309: {  	s3 =	rddreg [dreg:$0x2];
	[bflag:$0x3] =	sbarrier.arrive $0xFFFF;
	s2 =	simm.s32 @!p0 $0x1C0B  }
0x30a: {  	[timem:s3], [sflag:s2] =	dma.local @!p0 [hbm:s0], s1  }
0x30b: {  	s0 =	simm.s32 @!p0 $0xB  }
0x30c: {  	_ =	swait.ge @!p0 [sflag:s0], s1  }
0x30d: {  	s1 =	ssub.s32 @!p0 $0x0, s1;
	[sflag:s0] =	ssyncset.done @!p0 $0x0  }
0x30e: {  	[sflag:s0] =	ssyncadd.s32 @!p0 s1  }
0x30f: {  	[bflag:$0x3] =	sbarrier.arrive $0xFFFF  }
0x310: {  	_ =	shalt  }

</sc_bundles>
